<compile_context>
chip_gen: v7x
topology: tpu7x:2x2x1
jax: 0.10.2.dev20260603
libtpu: 0.0.44.dev20260713+nightly
codegen_flags: <defaults>
</compile_context>

<pallas_src>
import functools

import jax
import jax.numpy as jnp
from jax import lax
from jax.experimental import pallas as pl
from jax.experimental.pallas import tpu as pltpu
from jax.experimental.pallas import tpu_sc as plsc

ALPHA = 0.7
TAU_WORD = 0.1

NC = 2
NS = 16
L = 16
NW = NC * NS
UNROLL = 8
LANE_TILE = 128
TC_TOKENS = 1152
TC_BLK = 16


@functools.lru_cache(maxsize=None)
def _make_sc_call(B, T, V, K):
    N = B * T
    n_sc = N - K
    v_main = (V // LANE_TILE) * LANE_TILE
    v_tail = V - v_main
    assert n_sc % (8 * NW) == 0 and v_main % (L * UNROLL) == 0
    assert v_tail == L and B % 2 == 0 and K % 8 == 0
    tok_per_w = n_sc // NW
    n_pairs = tok_per_w // 2
    n_chunk = v_main // (L * UNROLL)
    mesh = plsc.VectorSubcoreMesh(core_axis_name="c", subcore_axis_name="s")

    @functools.partial(
        pl.kernel,
        out_type=jax.ShapeDtypeStruct((NW, 4 * L), jnp.float32),
        mesh=mesh,
        compiler_params=pltpu.CompilerParams(needs_layout_passes=False),
        scratch_types=[
            pltpu.VMEM((8 * tok_per_w,), jnp.int32),
            pltpu.VMEM((tok_per_w,), jnp.float32),
            pltpu.VMEM((2, V), jnp.float32),
            pltpu.VMEM((2, V), jnp.float32),
            pltpu.VMEM((2, v_main), jnp.float32),
            pltpu.VMEM((2, v_main), jnp.float32),
            pltpu.VMEM((2, LANE_TILE), jnp.float32),
            pltpu.VMEM((2, LANE_TILE), jnp.float32),
            pltpu.VMEM((4 * L,), jnp.float32),
            pltpu.SemaphoreType.DMA,
            pltpu.SemaphoreType.DMA,
        ],
    )
    def sc_call(in_hbm, tgt_hbm, msk_hbm, sim_hbm, tail_hbm, out_hbm,
                tgt_v, msk_v, in_v0, in_v1, sim_v0, sim_v1, tl_v0, tl_v1,
                res_v, sem0, sem1):
        wid = lax.axis_index("s") * NC + lax.axis_index("c")
        base = K + wid * tok_per_w
        pltpu.sync_copy(
            tgt_hbm.at[pl.ds(8 * base, 8 * tok_per_w)], tgt_v)
        pltpu.sync_copy(
            msk_hbm.at[pl.ds(base, tok_per_w)], msk_v)
        lane = lax.iota(jnp.int32, L)

        def fire_pair(p, in_buf, sim_buf, tl_buf, sem):
            t0 = base + 2 * p
            ti = t0 // B
            pltpu.async_copy(
                in_hbm.at[ti, pl.ds(t0 - ti * B, 2)], in_buf, sem)
            idx = tgt_v.at[pl.ds(16 * p, 2)]
            pltpu.async_copy(sim_hbm.at[idx, pl.ds(0, v_main)], sim_buf, sem)
            pltpu.async_copy(tail_hbm.at[idx], tl_buf, sem)

        def wait_pair(p, in_buf, sim_buf, tl_buf, sem):
            t0 = base + 2 * p
            ti = t0 // B
            idx = tgt_v.at[pl.ds(16 * p, 2)]
            pltpu.make_async_copy(
                in_hbm.at[ti, pl.ds(t0 - ti * B, 2)], in_buf, sem).wait()
            pltpu.make_async_copy(
                sim_hbm.at[idx, pl.ds(0, v_main)], sim_buf, sem).wait()
            pltpu.make_async_copy(tail_hbm.at[idx], tl_buf, sem).wait()

        def compute(p, row, in_buf, sim_buf, tl_buf, accs):
            acc_n, acc_d, acc_ml, acc_m = accs
            j = 2 * p + row

            def inner(k, c):
                ns, ds = c
                off = k * (L * UNROLL)
                ns_out, ds_out = [], []
                for u in range(UNROLL):
                    vs = sim_buf[row, pl.ds(off + u * L, L)]
                    vi = in_buf[row, pl.ds(off + u * L, L)]
                    e = jnp.exp(vs * (1.0 / TAU_WORD))
                    ns_out.append(ns[u] + vi * e)
                    ds_out.append(ds[u] + e)
                return (tuple(ns_out), tuple(ds_out))

            zf = jnp.zeros((L,), jnp.float32)
            zs = (zf,) * UNROLL
            ns, ds = lax.fori_loop(0, n_chunk, inner, (zs, zs))
            tn = functools.reduce(lambda a, b: a + b, ns)
            td = functools.reduce(lambda a, b: a + b, ds)
            vs = tl_buf[row, pl.ds(LANE_TILE - L, L)]
            vi = in_buf[row, pl.ds(v_main, L)]
            e = jnp.exp(vs * (1.0 / TAU_WORD))
            tn = tn + vi * e
            td = td + e
            mv = plsc.load_gather(msk_v, [jnp.full((L,), j, jnp.int32)])
            tgt_vec = plsc.load_gather(
                tgt_v, [jnp.full((L,), 16 * p + row, jnp.int32)])
            g = plsc.load_gather(
                in_buf, [jnp.full((L,), row, jnp.int32), tgt_vec])
            lane0 = lane == 0
            mvs = mv * 4.5399929762484854e-05
            return (acc_n + tn * mvs,
                    acc_d + td * mvs,
                    acc_ml + jnp.where(lane0, g * mv, 0.0),
                    acc_m + jnp.where(lane0, mv, 0.0))

        def compute_pair(p, in_buf, sim_buf, tl_buf, accs):
            accs = compute(p, 0, in_buf, sim_buf, tl_buf, accs)
            return compute(p, 1, in_buf, sim_buf, tl_buf, accs)

        zf = jnp.zeros((L,), jnp.float32)
        fire_pair(0, in_v0, sim_v0, tl_v0, sem0)

        def quad(q, accs):
            p0 = 2 * q
            p1 = p0 + 1
            fire_pair(p1, in_v1, sim_v1, tl_v1, sem1)
            wait_pair(p0, in_v0, sim_v0, tl_v0, sem0)
            accs = compute_pair(p0, in_v0, sim_v0, tl_v0, accs)

            @pl.when(p0 + 2 < n_pairs)
            def _():
                fire_pair(p0 + 2, in_v0, sim_v0, tl_v0, sem0)

            wait_pair(p1, in_v1, sim_v1, tl_v1, sem1)
            accs = compute_pair(p1, in_v1, sim_v1, tl_v1, accs)
            return accs

        acc_n, acc_d, acc_ml, acc_m = lax.fori_loop(
            0, n_pairs // 2, quad, (zf, zf, zf, zf))
        res_v[pl.ds(0, L)] = acc_n
        res_v[pl.ds(L, L)] = acc_d
        res_v[pl.ds(2 * L, L)] = acc_ml
        res_v[pl.ds(3 * L, L)] = acc_m
        pltpu.sync_copy(res_v, out_hbm.at[wid])

    return sc_call


@functools.lru_cache(maxsize=None)
def _make_tc_call(B, T, V, K):
    assert K % TC_BLK == 0 and B % TC_BLK == 0
    steps = K // TC_BLK
    bb = B // TC_BLK

    def body(tgt_s, msk_s, in_ref, sim_any, out_num, out_den, out_ml, out_m,
             sim_buf, sems):
        j = pl.program_id(0)

        def fire(step, slot):
            t0 = step * TC_BLK
            for u in range(TC_BLK):
                pltpu.make_async_copy(
                    sim_any.at[pl.ds(tgt_s[t0 + u], 1)],
                    sim_buf.at[slot, pl.ds(u, 1)],
                    sems.at[slot],
                ).start()

        def drain(step, slot):
            t0 = step * TC_BLK
            for u in range(TC_BLK):
                pltpu.make_async_copy(
                    sim_any.at[pl.ds(tgt_s[t0 + u], 1)],
                    sim_buf.at[slot, pl.ds(u, 1)],
                    sems.at[slot],
                ).wait()

        @pl.when(j == 0)
        def _():
            out_num[0, 0] = 0.0
            out_den[0, 0] = 0.0
            out_ml[0, 0] = 0.0
            out_m[0, 0] = 0.0
            fire(0, 0)
            if steps > 1:
                fire(1, 1)
            if steps > 2:
                fire(2, 2)

        @pl.when(j + 3 < steps)
        def _():
            fire(j + 3, (j + 3) % 4)

        slot = j % 4
        drain(j, slot)
        sim8 = sim_buf[slot]
        c2 = 1.4426950408889634 / TAU_WORD
        e = jnp.exp2(sim8 * c2 - c2)
        in8 = in_ref[0]
        t0 = j * TC_BLK
        mcol = jnp.stack(
            [msk_s[t0 + u] for u in range(TC_BLK)]).reshape(TC_BLK, 1)
        tcol = jnp.stack(
            [tgt_s[t0 + u] for u in range(TC_BLK)]).reshape(TC_BLK, 1)
        s_num = jnp.sum(in8 * e, axis=1, keepdims=True)
        s_den = jnp.sum(e, axis=1, keepdims=True)
        lane = lax.broadcasted_iota(jnp.int32, (TC_BLK, V), 1)
        g = jnp.sum(jnp.where(lane == tcol, in8, 0.0), axis=1, keepdims=True)
        out_num[0, 0] += jnp.sum(s_num * mcol)
        out_den[0, 0] += jnp.sum(s_den * mcol)
        out_ml[0, 0] += jnp.sum(g * mcol)
        out_m[0, 0] += jnp.sum(mcol)

    in_spec = pl.BlockSpec(
        (1, TC_BLK, V), lambda j, tgt, msk: (j // bb, j % bb, 0))
    sim_spec = pl.BlockSpec(memory_space=pl.ANY)
    scalar_spec = pl.BlockSpec(memory_space=pltpu.SMEM)
    grid_spec = pltpu.PrefetchScalarGridSpec(
        num_scalar_prefetch=2,
        grid=(steps,),
        in_specs=[in_spec, sim_spec],
        out_specs=[scalar_spec] * 4,
        scratch_shapes=[
            pltpu.VMEM((4, TC_BLK, V), jnp.float32),
            pltpu.SemaphoreType.DMA((4,)),
        ],
    )
    return pl.pallas_call(
        body,
        grid_spec=grid_spec,
        out_shape=[jax.ShapeDtypeStruct((1, 1), jnp.float32)] * 4,
        compiler_params=pltpu.CompilerParams(
            dimension_semantics=("arbitrary",)),
    )




def _epilogue_body(p_ref, tn_ref, td_ref, tml_ref, tm_ref, oml_ref, otot_ref):
    p = p_ref[...]
    num = jnp.sum(p[:, 0:L]) + tn_ref[0, 0]
    den = jnp.sum(p[:, L:2 * L]) + td_ref[0, 0]
    ml_sum = jnp.sum(p[:, 2 * L:3 * L]) + tml_ref[0, 0]
    m_sum = jnp.sum(p[:, 3 * L:4 * L]) + tm_ref[0, 0]
    ml_output = -ml_sum / m_sum
    total = ALPHA * (-num / den) + (1.0 - ALPHA) * ml_output
    oml_ref[0, 0] = ml_output
    otot_ref[0, 0] = total


_epilogue = pl.pallas_call(
    _epilogue_body,
    out_shape=[jax.ShapeDtypeStruct((1, 1), jnp.float32)] * 2,
    out_specs=[pl.BlockSpec(memory_space=pltpu.SMEM)] * 2,
)

def kernel(input, target, mask, Sim_Matrix):
    b, t, v = input.shape
    input_t = jnp.swapaxes(input, 0, 1)
    flat_t = jnp.swapaxes(target[:, :t], 0, 1).reshape(-1).astype(jnp.int32)
    n = flat_t.shape[0]
    tgt8 = jnp.pad(flat_t.reshape(n // 2, 2),
                   ((0, 0), (0, 14))).reshape(-1)
    flat_m = jnp.swapaxes(mask[:, :t], 0, 1).reshape(-1).astype(jnp.float32)
    sim_tail = Sim_Matrix[:, v - LANE_TILE:]
    k = TC_TOKENS if (n - TC_TOKENS) % (8 * NW) == 0 and b % TC_BLK == 0 else 0
    partials = _make_sc_call(b, t, v, k)(
        input_t, tgt8, flat_m, Sim_Matrix, sim_tail)
    if k:
        tc_num, tc_den, tc_ml, tc_m = _make_tc_call(b, t, v, k)(
            flat_t, flat_m, input_t, Sim_Matrix)
    else:
        z = jnp.zeros((1, 1), jnp.float32)
        tc_num = tc_den = tc_ml = tc_m = z
    oml, otot = _epilogue(partials, tc_num, tc_den, tc_ml, tc_m)
    return (oml.reshape(()), otot.reshape(()))

# --- scband reference (transcript-rebuilt; emitter-appended) ---
"""Pipeline reference for scband-word-smooth-criterion-5755256177164 (READ-ONLY COPY).

The authoritative reference and input builder live on the scoring server;
editing this copy changes nothing except your own understanding.
"""

import jax, jax.numpy as jnp
import numpy as np

ALPHA = 0.7
TAU_WORD = 0.1
B, T, V = 64, 50, 10000

def setup_inputs(seed: int = 0) -> dict:
    key = jax.random.key(seed)
    k1, k2, k3 = jax.random.split(key, 3)
    inp = jax.random.normal(k1, (B, T, V), dtype=jnp.float32)
    target = jax.random.randint(k2, (B, T), 0, V, dtype=jnp.int32)
    mask = jnp.ones((B, T), dtype=jnp.float32)
    Sim_Matrix = jax.random.uniform(k3, (V, V), dtype=jnp.float32)
    return {"input": inp, "target": target, "mask": mask, "Sim_Matrix": Sim_Matrix}

def reference(input, target, mask, Sim_Matrix):
    b, t, v = input.shape
    target = target[:, :t]
    mask = mask[:, :t]
    flat_in = input.reshape(-1, v)
    flat_t = target.reshape(-1)
    flat_m = mask.reshape(-1, 1)
    # ML loss: -log p(target) gathered per token
    ml = -jnp.take_along_axis(flat_in, flat_t[:, None], axis=1) * flat_m
    ml_output = jnp.sum(ml) / jnp.sum(flat_m)
    # word-level smoothing: gather similarity rows for each target token
    sim = jnp.take(Sim_Matrix, flat_t, axis=0)  # [B*T, V]
    smooth_target = jnp.exp((sim - 1.0) / TAU_WORD)
    mask_rep = jnp.broadcast_to(flat_m, sim.shape)
    output = -flat_in * mask_rep * smooth_target
    denom = jnp.sum(smooth_target * mask_rep)
    smooth_loss = jnp.sum(output) / denom
    total = ALPHA * smooth_loss + (1.0 - ALPHA) * ml_output
    return (ml_output, total)

if __name__ == "__main__":
    import jax
    _d = setup_inputs()
    print(jax.jit(kernel)(*tuple(_d.values())))

</pallas_src>

<mosaic_0001>
#map = affine_map<(d0, d1) -> (0, 0, 0)>
#map1 = affine_map<(d0, d1) -> (0)>
#map2 = affine_map<(d0, d1) -> (0, 0)>
module attributes {stable_mosaic.version = 14 : i64} {
  func.func @sc_call(%arg0: i32, %arg1: i32, %arg2: memref<50x64x10000xf32, #tpu.memory_space<hbm>>, %arg3: memref<25600xi32, #tpu.memory_space<hbm>>, %arg4: memref<3200xf32, #tpu.memory_space<hbm>>, %arg5: memref<10000x10000xf32, #tpu.memory_space<hbm>>, %arg6: memref<10000x128xf32, #tpu.memory_space<hbm>>, %arg7: memref<32x64xf32, #tpu.memory_space<hbm>>, %arg8: memref<512xi32, #tpu.memory_space<vmem>>, %arg9: memref<64xf32, #tpu.memory_space<vmem>>, %arg10: memref<2x10000xf32, #tpu.memory_space<vmem>>, %arg11: memref<2x10000xf32, #tpu.memory_space<vmem>>, %arg12: memref<2x9984xf32, #tpu.memory_space<vmem>>, %arg13: memref<2x9984xf32, #tpu.memory_space<vmem>>, %arg14: memref<2x128xf32, #tpu.memory_space<vmem>>, %arg15: memref<2x128xf32, #tpu.memory_space<vmem>>, %arg16: memref<64xf32, #tpu.memory_space<vmem>>, %arg17: memref<!tpu.dma_semaphore, #tpu.memory_space<semaphore_mem>>, %arg18: memref<!tpu.dma_semaphore, #tpu.memory_space<semaphore_mem>>) attributes {dimension_semantics = [#tpu.dimension_semantics<core_parallel>, #tpu.dimension_semantics<subcore_parallel>], iteration_bounds = array<i64: 2, 16>, scalar_prefetch = 0 : i64, scratch_operands = 11 : i64, tpu.core_type = #tpu.core_type<sc_vector_subcore>, window_params = [{transform_indices = #map}, {transform_indices = #map1}, {transform_indices = #map1}, {transform_indices = #map2}, {transform_indices = #map2}, {transform_indices = #map2}]} {
    %mul3A = arith.constant 2 : i32
    %mul3A_0 = arith.muli %arg1, %mul3A : i32
    %add3A = arith.addi %mul3A_0, %arg0 : i32
    %mul3A_1 = arith.constant 64 : i32
    %mul3A_2 = arith.muli %add3A, %mul3A_1 : i32
    %add3A_3 = arith.constant 1152 : i32
    %add3A_4 = arith.addi %add3A_3, %mul3A_2 : i32
    %mul3A_5 = arith.constant 8 : i32
    %mul3A_6 = arith.muli %mul3A_5, %add3A_4 : i32
    "tpu.region"() ({
      %run_scoped3A = tpu.sem_alloc : memref<!tpu.dma_semaphore, #tpu.memory_space<semaphore_mem>>
      %dma_start3A_56 = tpu.memref_slice %arg3[%mul3A_6] : memref<25600xi32, #tpu.memory_space<hbm>> -> memref<512xi32, #tpu.memory_space<hbm>>
      %dma_start3A_57 = tpu.memref_slice %arg3[%mul3A_6] : memref<25600xi32, #tpu.memory_space<hbm>> -> memref<512xi32, #tpu.memory_space<hbm>>
      tpu.enqueue_dma source(%dma_start3A_57 : memref<512xi32, #tpu.memory_space<hbm>>) target(%arg8 : memref<512xi32, #tpu.memory_space<vmem>>) target_semaphore(%run_scoped3A : memref<!tpu.dma_semaphore, #tpu.memory_space<semaphore_mem>>)
      %dma_wait3A = tpu.memref_slice %arg3[%mul3A_6] : memref<25600xi32, #tpu.memory_space<hbm>> -> memref<512xi32, #tpu.memory_space<hbm>>
      %dma_wait3A_58 = tpu.memref_slice %arg3[%mul3A_6] : memref<25600xi32, #tpu.memory_space<hbm>> -> memref<512xi32, #tpu.memory_space<hbm>>
      tpu.wait_dma2 semaphore(%run_scoped3A : memref<!tpu.dma_semaphore, #tpu.memory_space<semaphore_mem>>) src(%dma_wait3A_58 : memref<512xi32, #tpu.memory_space<hbm>>) dst(%arg8 : memref<512xi32, #tpu.memory_space<vmem>>)
      tpu.yield
    }) : () -> ()
    "tpu.region"() ({
      %run_scoped3A = tpu.sem_alloc : memref<!tpu.dma_semaphore, #tpu.memory_space<semaphore_mem>>
      %dma_start3A_56 = tpu.memref_slice %arg4[%add3A_4] : memref<3200xf32, #tpu.memory_space<hbm>> -> memref<64xf32, #tpu.memory_space<hbm>>
      %dma_start3A_57 = tpu.memref_slice %arg4[%add3A_4] : memref<3200xf32, #tpu.memory_space<hbm>> -> memref<64xf32, #tpu.memory_space<hbm>>
      tpu.enqueue_dma source(%dma_start3A_57 : memref<64xf32, #tpu.memory_space<hbm>>) target(%arg9 : memref<64xf32, #tpu.memory_space<vmem>>) target_semaphore(%run_scoped3A : memref<!tpu.dma_semaphore, #tpu.memory_space<semaphore_mem>>)
      %dma_wait3A = tpu.memref_slice %arg4[%add3A_4] : memref<3200xf32, #tpu.memory_space<hbm>> -> memref<64xf32, #tpu.memory_space<hbm>>
      %dma_wait3A_58 = tpu.memref_slice %arg4[%add3A_4] : memref<3200xf32, #tpu.memory_space<hbm>> -> memref<64xf32, #tpu.memory_space<hbm>>
      tpu.wait_dma2 semaphore(%run_scoped3A : memref<!tpu.dma_semaphore, #tpu.memory_space<semaphore_mem>>) src(%dma_wait3A_58 : memref<64xf32, #tpu.memory_space<hbm>>) dst(%arg9 : memref<64xf32, #tpu.memory_space<vmem>>)
      tpu.yield
    }) : () -> ()
    %iota3A = tpu.iota {dimensions = array<i32: 0>} : vector<16xi32>
    %broadcast_in_dim3A = arith.constant 0.000000e+00 : f32
    %broadcast_in_dim3A_7 = vector.broadcast %broadcast_in_dim3A : f32 to vector<16xf32>
    %add3A_8 = arith.constant 0 : i32
    %add3A_9 = arith.addi %add3A_4, %add3A_8 : i32
    %jit3A = arith.constant 64 : i32
    %div3A = arith.divsi %add3A_9, %jit3A : i32
    %sign3A = arith.constant 0 : i32
    %sign3A_10 = arith.cmpi sgt, %add3A_9, %sign3A : i32
    %sign3A_11 = arith.extui %sign3A_10 : i1 to i32
    %sign3A_12 = arith.constant 0 : i32
    %sign3A_13 = arith.cmpi slt, %add3A_9, %sign3A_12 : i32
    %sign3A_14 = arith.extui %sign3A_13 : i1 to i32
    %sign3A_15 = arith.subi %sign3A_11, %sign3A_14 : i32
    %sign3A_16 = arith.constant 0 : i32
    %sign3A_17 = arith.cmpi sgt, %jit3A, %sign3A_16 : i32
    %sign3A_18 = arith.extui %sign3A_17 : i1 to i32
    %sign3A_19 = arith.constant 0 : i32
    %sign3A_20 = arith.cmpi slt, %jit3A, %sign3A_19 : i32
    %sign3A_21 = arith.extui %sign3A_20 : i1 to i32
    %sign3A_22 = arith.subi %sign3A_18, %sign3A_21 : i32
    %ne3A = arith.cmpi ne, %sign3A_15, %sign3A_22 : i32
    %rem3A = arith.remsi %add3A_9, %jit3A : i32
    %ne3A_23 = arith.constant 0 : i32
    %ne3A_24 = arith.cmpi ne, %rem3A, %ne3A_23 : i32
    %and3A = arith.andi %ne3A, %ne3A_24 : i1
    %sub3A = arith.constant 1 : i32
    %sub3A_25 = arith.subi %div3A, %sub3A : i32
    %select_n3A = arith.select %and3A, %sub3A_25, %div3A : i32
    %mul3A_26 = arith.constant 64 : i32
    %mul3A_27 = arith.muli %select_n3A, %mul3A_26 : i32
    %sub3A_28 = arith.subi %add3A_9, %mul3A_27 : i32
    %dma_start3A = arith.constant 0 : i32
    %dma_start3A_29 = tpu.memref_slice %arg2[%select_n3A, %sub3A_28, %dma_start3A] : memref<50x64x10000xf32, #tpu.memory_space<hbm>> -> memref<1x2x10000xf32, #tpu.memory_space<hbm>>
    %dma_start3A_30 = tpu.memref_squeeze %dma_start3A_29 : memref<1x2x10000xf32, #tpu.memory_space<hbm>> -> memref<2x10000xf32, #tpu.memory_space<hbm>>
    %dma_start3A_31 = arith.constant 0 : i32
    %dma_start3A_32 = tpu.memref_slice %arg2[%select_n3A, %sub3A_28, %dma_start3A_31] : memref<50x64x10000xf32, #tpu.memory_space<hbm>> -> memref<1x2x10000xf32, #tpu.memory_space<hbm>>
    %dma_start3A_33 = tpu.memref_squeeze %dma_start3A_32 : memref<1x2x10000xf32, #tpu.memory_space<hbm>> -> memref<2x10000xf32, #tpu.memory_space<hbm>>
    tpu.enqueue_dma source(%dma_start3A_33 : memref<2x10000xf32, #tpu.memory_space<hbm>>) target(%arg10 : memref<2x10000xf32, #tpu.memory_space<vmem>>) target_semaphore(%arg17 : memref<!tpu.dma_semaphore, #tpu.memory_space<semaphore_mem>>)
    %dma_start3A_34 = arith.constant 0 : i32
    %dma_start3A_35 = tpu.memref_slice %arg8[%dma_start3A_34] : memref<512xi32, #tpu.memory_space<vmem>> -> memref<2xi32, #tpu.memory_space<vmem>>
    %dma_start3A_36 = arith.constant 0 : i32
    %dma_start3A_37 = arith.constant 0 : i32
    %dma_start3A_38 = tpu.memref_slice %arg5[%dma_start3A_36, %dma_start3A_37] : memref<10000x10000xf32, #tpu.memory_space<hbm>> -> memref<10000x9984xf32, #tpu.memory_space<hbm>>
    tpu.enqueue_indirect_dma source(%dma_start3A_38 : memref<10000x9984xf32, #tpu.memory_space<hbm>>) target(%arg12 : memref<2x9984xf32, #tpu.memory_space<vmem>>) offsets(%dma_start3A_35 : memref<2xi32, #tpu.memory_space<vmem>>) semaphore(%arg17 : memref<!tpu.dma_semaphore, #tpu.memory_space<semaphore_mem>>)
    %dma_start3A_39 = arith.constant 0 : i32
    %dma_start3A_40 = tpu.memref_slice %arg8[%dma_start3A_39] : memref<512xi32, #tpu.memory_space<vmem>> -> memref<2xi32, #tpu.memory_space<vmem>>
    %dma_start3A_41 = arith.constant 0 : i32
    %dma_start3A_42 = arith.constant 0 : i32
    %dma_start3A_43 = tpu.memref_slice %arg6[%dma_start3A_41, %dma_start3A_42] : memref<10000x128xf32, #tpu.memory_space<hbm>> -> memref<10000x128xf32, #tpu.memory_space<hbm>>
    tpu.enqueue_indirect_dma source(%dma_start3A_43 : memref<10000x128xf32, #tpu.memory_space<hbm>>) target(%arg14 : memref<2x128xf32, #tpu.memory_space<vmem>>) offsets(%dma_start3A_40 : memref<2xi32, #tpu.memory_space<vmem>>) semaphore(%arg17 : memref<!tpu.dma_semaphore, #tpu.memory_space<semaphore_mem>>)
    %scan3A = arith.constant 0 : i32
    %scan3A_44 = arith.constant 16 : i32
    %scan3A_45 = arith.addi %scan3A, %scan3A_44 : i32
    %scan3A_46 = arith.constant 1 : i32
    %scan3A_47:4 = scf.for %scan3A_56 = %scan3A to %scan3A_45 step %scan3A_46 iter_args(%scan3A_57 = %broadcast_in_dim3A_7, %scan3A_58 = %broadcast_in_dim3A_7, %scan3A_59 = %broadcast_in_dim3A_7, %scan3A_60 = %broadcast_in_dim3A_7) -> (vector<16xf32>, vector<16xf32>, vector<16xf32>, vector<16xf32>)  : i32 {
      %mul3A_61 = arith.constant 2 : i32
      %mul3A_62 = arith.muli %mul3A_61, %scan3A_56 : i32
      %add3A_63 = arith.constant 1 : i32
      %add3A_64 = arith.addi %mul3A_62, %add3A_63 : i32
      %mul3A_65 = arith.constant 2 : i32
      %mul3A_66 = arith.muli %mul3A_65, %add3A_64 : i32
      %add3A_67 = arith.addi %add3A_4, %mul3A_66 : i32
      %jit3A_68 = arith.constant 64 : i32
      %div3A_69 = arith.divsi %add3A_67, %jit3A_68 : i32
      %sign3A_70 = arith.constant 0 : i32
      %sign3A_71 = arith.cmpi sgt, %add3A_67, %sign3A_70 : i32
      %sign3A_72 = arith.extui %sign3A_71 : i1 to i32
      %sign3A_73 = arith.constant 0 : i32
      %sign3A_74 = arith.cmpi slt, %add3A_67, %sign3A_73 : i32
      %sign3A_75 = arith.extui %sign3A_74 : i1 to i32
      %sign3A_76 = arith.subi %sign3A_72, %sign3A_75 : i32
      %sign3A_77 = arith.constant 0 : i32
      %sign3A_78 = arith.cmpi sgt, %jit3A_68, %sign3A_77 : i32
      %sign3A_79 = arith.extui %sign3A_78 : i1 to i32
      %sign3A_80 = arith.constant 0 : i32
      %sign3A_81 = arith.cmpi slt, %jit3A_68, %sign3A_80 : i32
      %sign3A_82 = arith.extui %sign3A_81 : i1 to i32
      %sign3A_83 = arith.subi %sign3A_79, %sign3A_82 : i32
      %ne3A_84 = arith.cmpi ne, %sign3A_76, %sign3A_83 : i32
      %rem3A_85 = arith.remsi %add3A_67, %jit3A_68 : i32
      %ne3A_86 = arith.constant 0 : i32
      %ne3A_87 = arith.cmpi ne, %rem3A_85, %ne3A_86 : i32
      %and3A_88 = arith.andi %ne3A_84, %ne3A_87 : i1
      %sub3A_89 = arith.constant 1 : i32
      %sub3A_90 = arith.subi %div3A_69, %sub3A_89 : i32
      %select_n3A_91 = arith.select %and3A_88, %sub3A_90, %div3A_69 : i32
      %mul3A_92 = arith.constant 64 : i32
      %mul3A_93 = arith.muli %select_n3A_91, %mul3A_92 : i32
      %sub3A_94 = arith.subi %add3A_67, %mul3A_93 : i32
      %dma_start3A_95 = arith.constant 0 : i32
      %dma_start3A_96 = tpu.memref_slice %arg2[%select_n3A_91, %sub3A_94, %dma_start3A_95] : memref<50x64x10000xf32, #tpu.memory_space<hbm>> -> memref<1x2x10000xf32, #tpu.memory_space<hbm>>
      %dma_start3A_97 = tpu.memref_squeeze %dma_start3A_96 : memref<1x2x10000xf32, #tpu.memory_space<hbm>> -> memref<2x10000xf32, #tpu.memory_space<hbm>>
      %dma_start3A_98 = arith.constant 0 : i32
      %dma_start3A_99 = tpu.memref_slice %arg2[%select_n3A_91, %sub3A_94, %dma_start3A_98] : memref<50x64x10000xf32, #tpu.memory_space<hbm>> -> memref<1x2x10000xf32, #tpu.memory_space<hbm>>
      %dma_start3A_100 = tpu.memref_squeeze %dma_start3A_99 : memref<1x2x10000xf32, #tpu.memory_space<hbm>> -> memref<2x10000xf32, #tpu.memory_space<hbm>>
      tpu.enqueue_dma source(%dma_start3A_100 : memref<2x10000xf32, #tpu.memory_space<hbm>>) target(%arg11 : memref<2x10000xf32, #tpu.memory_space<vmem>>) target_semaphore(%arg18 : memref<!tpu.dma_semaphore, #tpu.memory_space<semaphore_mem>>)
      %mul3A_101 = arith.constant 16 : i32
      %mul3A_102 = arith.muli %mul3A_101, %add3A_64 : i32
      %dma_start3A_103 = tpu.memref_slice %arg8[%mul3A_102] : memref<512xi32, #tpu.memory_space<vmem>> -> memref<2xi32, #tpu.memory_space<vmem>>
      %dma_start3A_104 = arith.constant 0 : i32
      %dma_start3A_105 = arith.constant 0 : i32
      %dma_start3A_106 = tpu.memref_slice %arg5[%dma_start3A_104, %dma_start3A_105] : memref<10000x10000xf32, #tpu.memory_space<hbm>> -> memref<10000x9984xf32, #tpu.memory_space<hbm>>
      tpu.enqueue_indirect_dma source(%dma_start3A_106 : memref<10000x9984xf32, #tpu.memory_space<hbm>>) target(%arg13 : memref<2x9984xf32, #tpu.memory_space<vmem>>) offsets(%dma_start3A_103 : memref<2xi32, #tpu.memory_space<vmem>>) semaphore(%arg18 : memref<!tpu.dma_semaphore, #tpu.memory_space<semaphore_mem>>)
      %dma_start3A_107 = tpu.memref_slice %arg8[%mul3A_102] : memref<512xi32, #tpu.memory_space<vmem>> -> memref<2xi32, #tpu.memory_space<vmem>>
      %dma_start3A_108 = arith.constant 0 : i32
      %dma_start3A_109 = arith.constant 0 : i32
      %dma_start3A_110 = tpu.memref_slice %arg6[%dma_start3A_108, %dma_start3A_109] : memref<10000x128xf32, #tpu.memory_space<hbm>> -> memref<10000x128xf32, #tpu.memory_space<hbm>>
      tpu.enqueue_indirect_dma source(%dma_start3A_110 : memref<10000x128xf32, #tpu.memory_space<hbm>>) target(%arg15 : memref<2x128xf32, #tpu.memory_space<vmem>>) offsets(%dma_start3A_107 : memref<2xi32, #tpu.memory_space<vmem>>) semaphore(%arg18 : memref<!tpu.dma_semaphore, #tpu.memory_space<semaphore_mem>>)
      %mul3A_111 = arith.constant 2 : i32
      %mul3A_112 = arith.muli %mul3A_111, %mul3A_62 : i32
      %add3A_113 = arith.addi %add3A_4, %mul3A_112 : i32
      %jit3A_114 = arith.constant 64 : i32
      %div3A_115 = arith.divsi %add3A_113, %jit3A_114 : i32
      %sign3A_116 = arith.constant 0 : i32
      %sign3A_117 = arith.cmpi sgt, %add3A_113, %sign3A_116 : i32
      %sign3A_118 = arith.extui %sign3A_117 : i1 to i32
      %sign3A_119 = arith.constant 0 : i32
      %sign3A_120 = arith.cmpi slt, %add3A_113, %sign3A_119 : i32
      %sign3A_121 = arith.extui %sign3A_120 : i1 to i32
      %sign3A_122 = arith.subi %sign3A_118, %sign3A_121 : i32
      %sign3A_123 = arith.constant 0 : i32
      %sign3A_124 = arith.cmpi sgt, %jit3A_114, %sign3A_123 : i32
      %sign3A_125 = arith.extui %sign3A_124 : i1 to i32
      %sign3A_126 = arith.constant 0 : i32
      %sign3A_127 = arith.cmpi slt, %jit3A_114, %sign3A_126 : i32
      %sign3A_128 = arith.extui %sign3A_127 : i1 to i32
      %sign3A_129 = arith.subi %sign3A_125, %sign3A_128 : i32
      %ne3A_130 = arith.cmpi ne, %sign3A_122, %sign3A_129 : i32
      %rem3A_131 = arith.remsi %add3A_113, %jit3A_114 : i32
      %ne3A_132 = arith.constant 0 : i32
      %ne3A_133 = arith.cmpi ne, %rem3A_131, %ne3A_132 : i32
      %and3A_134 = arith.andi %ne3A_130, %ne3A_133 : i1
      %sub3A_135 = arith.constant 1 : i32
      %sub3A_136 = arith.subi %div3A_115, %sub3A_135 : i32
      %select_n3A_137 = arith.select %and3A_134, %sub3A_136, %div3A_115 : i32
      %mul3A_138 = arith.constant 16 : i32
      %mul3A_139 = arith.muli %mul3A_138, %mul3A_62 : i32
      %mul3A_140 = arith.constant 64 : i32
      %mul3A_141 = arith.muli %select_n3A_137, %mul3A_140 : i32
      %sub3A_142 = arith.subi %add3A_113, %mul3A_141 : i32
      %dma_wait3A = arith.constant 0 : i32
      %dma_wait3A_143 = tpu.memref_slice %arg2[%select_n3A_137, %sub3A_142, %dma_wait3A] : memref<50x64x10000xf32, #tpu.memory_space<hbm>> -> memref<1x2x10000xf32, #tpu.memory_space<hbm>>
      %dma_wait3A_144 = tpu.memref_squeeze %dma_wait3A_143 : memref<1x2x10000xf32, #tpu.memory_space<hbm>> -> memref<2x10000xf32, #tpu.memory_space<hbm>>
      %dma_wait3A_145 = arith.constant 0 : i32
      %dma_wait3A_146 = tpu.memref_slice %arg2[%select_n3A_137, %sub3A_142, %dma_wait3A_145] : memref<50x64x10000xf32, #tpu.memory_space<hbm>> -> memref<1x2x10000xf32, #tpu.memory_space<hbm>>
      %dma_wait3A_147 = tpu.memref_squeeze %dma_wait3A_146 : memref<1x2x10000xf32, #tpu.memory_space<hbm>> -> memref<2x10000xf32, #tpu.memory_space<hbm>>
      tpu.wait_dma2 semaphore(%arg17 : memref<!tpu.dma_semaphore, #tpu.memory_space<semaphore_mem>>) src(%dma_wait3A_147 : memref<2x10000xf32, #tpu.memory_space<hbm>>) dst(%arg10 : memref<2x10000xf32, #tpu.memory_space<vmem>>)
      %dma_wait3A_148 = tpu.memref_slice %arg8[%mul3A_139] : memref<512xi32, #tpu.memory_space<vmem>> -> memref<2xi32, #tpu.memory_space<vmem>>
      %dma_wait3A_149 = arith.constant 0 : i32
      %dma_wait3A_150 = arith.constant 0 : i32
      %dma_wait3A_151 = tpu.memref_slice %arg5[%dma_wait3A_149, %dma_wait3A_150] : memref<10000x10000xf32, #tpu.memory_space<hbm>> -> memref<10000x9984xf32, #tpu.memory_space<hbm>>
      tpu.wait_indirect_dma semaphore(%arg17 : memref<!tpu.dma_semaphore, #tpu.memory_space<semaphore_mem>>) src(%dma_wait3A_151 : memref<10000x9984xf32, #tpu.memory_space<hbm>>) dst(%arg12 : memref<2x9984xf32, #tpu.memory_space<vmem>>)
      %dma_wait3A_152 = tpu.memref_slice %arg8[%mul3A_139] : memref<512xi32, #tpu.memory_space<vmem>> -> memref<2xi32, #tpu.memory_space<vmem>>
      %dma_wait3A_153 = arith.constant 0 : i32
      %dma_wait3A_154 = arith.constant 0 : i32
      %dma_wait3A_155 = tpu.memref_slice %arg6[%dma_wait3A_153, %dma_wait3A_154] : memref<10000x128xf32, #tpu.memory_space<hbm>> -> memref<10000x128xf32, #tpu.memory_space<hbm>>
      tpu.wait_indirect_dma semaphore(%arg17 : memref<!tpu.dma_semaphore, #tpu.memory_space<semaphore_mem>>) src(%dma_wait3A_155 : memref<10000x128xf32, #tpu.memory_space<hbm>>) dst(%arg14 : memref<2x128xf32, #tpu.memory_space<vmem>>)
      %mul3A_156 = arith.constant 2 : i32
      %mul3A_157 = arith.muli %mul3A_156, %mul3A_62 : i32
      %add3A_158 = arith.constant 0 : i32
      %add3A_159 = arith.addi %mul3A_157, %add3A_158 : i32
      %broadcast_in_dim3A_160 = arith.constant 0.000000e+00 : f32
      %broadcast_in_dim3A_161 = vector.broadcast %broadcast_in_dim3A_160 : f32 to vector<16xf32>
      %scan3A_162 = arith.constant 0 : i32
      %scan3A_163 = arith.constant 78 : i32
      %scan3A_164 = arith.addi %scan3A_162, %scan3A_163 : i32
      %scan3A_165 = arith.constant 1 : i32
      %scan3A_166:16 = scf.for %scan3A_486 = %scan3A_162 to %scan3A_164 step %scan3A_165 iter_args(%scan3A_487 = %broadcast_in_dim3A_161, %scan3A_488 = %broadcast_in_dim3A_161, %scan3A_489 = %broadcast_in_dim3A_161, %scan3A_490 = %broadcast_in_dim3A_161, %scan3A_491 = %broadcast_in_dim3A_161, %scan3A_492 = %broadcast_in_dim3A_161, %scan3A_493 = %broadcast_in_dim3A_161, %scan3A_494 = %broadcast_in_dim3A_161, %scan3A_495 = %broadcast_in_dim3A_161, %scan3A_496 = %broadcast_in_dim3A_161, %scan3A_497 = %broadcast_in_dim3A_161, %scan3A_498 = %broadcast_in_dim3A_161, %scan3A_499 = %broadcast_in_dim3A_161, %scan3A_500 = %broadcast_in_dim3A_161, %scan3A_501 = %broadcast_in_dim3A_161, %scan3A_502 = %broadcast_in_dim3A_161) -> (vector<16xf32>, vector<16xf32>, vector<16xf32>, vector<16xf32>, vector<16xf32>, vector<16xf32>, vector<16xf32>, vector<16xf32>, vector<16xf32>, vector<16xf32>, vector<16xf32>, vector<16xf32>, vector<16xf32>, vector<16xf32>, vector<16xf32>, vector<16xf32>)  : i32 {
        %mul3A_503 = arith.constant 128 : i32
        %mul3A_504 = arith.muli %scan3A_486, %mul3A_503 : i32
        %add3A_505 = arith.constant 0 : i32
        %add3A_506 = arith.addi %mul3A_504, %add3A_505 : i32
        %get3A_507 = arith.constant 0 : i32
        %get3A_508 = arith.index_cast %get3A_507 : i32 to index
        %get3A_509 = arith.index_cast %add3A_506 : i32 to index
        %get3A_510 = tpu.vector_load %arg12[%get3A_508, %get3A_509] {strides = array<i32>} : memref<2x9984xf32, #tpu.memory_space<vmem>>, vector<16xf32>,
        %add3A_511 = arith.constant 0 : i32
        %add3A_512 = arith.addi %mul3A_504, %add3A_511 : i32
        %get3A_513 = arith.constant 0 : i32
        %get3A_514 = arith.index_cast %get3A_513 : i32 to index
        %get3A_515 = arith.index_cast %add3A_512 : i32 to index
        %get3A_516 = tpu.vector_load %arg10[%get3A_514, %get3A_515] {strides = array<i32>} : memref<2x10000xf32, #tpu.memory_space<vmem>>, vector<16xf32>,
        %mul3A_517 = arith.constant 1.000000e+01 : f32
        %mul3A_518 = vector.broadcast %mul3A_517 : f32 to vector<16xf32>
        %mul3A_519 = arith.mulf %get3A_510, %mul3A_518 : vector<16xf32>
        %exp3A_520 = math.exp %mul3A_519 : vector<16xf32>
        %mul3A_521 = arith.mulf %get3A_516, %exp3A_520 : vector<16xf32>
        %add3A_522 = arith.addf %scan3A_487, %mul3A_521 : vector<16xf32>
        %add3A_523 = arith.addf %scan3A_495, %exp3A_520 : vector<16xf32>
        %add3A_524 = arith.constant 16 : i32
        %add3A_525 = arith.addi %mul3A_504, %add3A_524 : i32
        %get3A_526 = arith.constant 0 : i32
        %get3A_527 = arith.index_cast %get3A_526 : i32 to index
        %get3A_528 = arith.index_cast %add3A_525 : i32 to index
        %get3A_529 = tpu.vector_load %arg12[%get3A_527, %get3A_528] {strides = array<i32>} : memref<2x9984xf32, #tpu.memory_space<vmem>>, vector<16xf32>,
        %add3A_530 = arith.constant 16 : i32
        %add3A_531 = arith.addi %mul3A_504, %add3A_530 : i32
        %get3A_532 = arith.constant 0 : i32
        %get3A_533 = arith.index_cast %get3A_532 : i32 to index
        %get3A_534 = arith.index_cast %add3A_531 : i32 to index
        %get3A_535 = tpu.vector_load %arg10[%get3A_533, %get3A_534] {strides = array<i32>} : memref<2x10000xf32, #tpu.memory_space<vmem>>, vector<16xf32>,
        %mul3A_536 = arith.constant 1.000000e+01 : f32
        %mul3A_537 = vector.broadcast %mul3A_536 : f32 to vector<16xf32>
        %mul3A_538 = arith.mulf %get3A_529, %mul3A_537 : vector<16xf32>
        %exp3A_539 = math.exp %mul3A_538 : vector<16xf32>
        %mul3A_540 = arith.mulf %get3A_535, %exp3A_539 : vector<16xf32>
        %add3A_541 = arith.addf %scan3A_488, %mul3A_540 : vector<16xf32>
        %add3A_542 = arith.addf %scan3A_496, %exp3A_539 : vector<16xf32>
        %add3A_543 = arith.constant 32 : i32
        %add3A_544 = arith.addi %mul3A_504, %add3A_543 : i32
        %get3A_545 = arith.constant 0 : i32
        %get3A_546 = arith.index_cast %get3A_545 : i32 to index
        %get3A_547 = arith.index_cast %add3A_544 : i32 to index
        %get3A_548 = tpu.vector_load %arg12[%get3A_546, %get3A_547] {strides = array<i32>} : memref<2x9984xf32, #tpu.memory_space<vmem>>, vector<16xf32>,
        %add3A_549 = arith.constant 32 : i32
        %add3A_550 = arith.addi %mul3A_504, %add3A_549 : i32
        %get3A_551 = arith.constant 0 : i32
        %get3A_552 = arith.index_cast %get3A_551 : i32 to index
        %get3A_553 = arith.index_cast %add3A_550 : i32 to index
        %get3A_554 = tpu.vector_load %arg10[%get3A_552, %get3A_553] {strides = array<i32>} : memref<2x10000xf32, #tpu.memory_space<vmem>>, vector<16xf32>,
        %mul3A_555 = arith.constant 1.000000e+01 : f32
        %mul3A_556 = vector.broadcast %mul3A_555 : f32 to vector<16xf32>
        %mul3A_557 = arith.mulf %get3A_548, %mul3A_556 : vector<16xf32>
        %exp3A_558 = math.exp %mul3A_557 : vector<16xf32>
        %mul3A_559 = arith.mulf %get3A_554, %exp3A_558 : vector<16xf32>
        %add3A_560 = arith.addf %scan3A_489, %mul3A_559 : vector<16xf32>
        %add3A_561 = arith.addf %scan3A_497, %exp3A_558 : vector<16xf32>
        %add3A_562 = arith.constant 48 : i32
        %add3A_563 = arith.addi %mul3A_504, %add3A_562 : i32
        %get3A_564 = arith.constant 0 : i32
        %get3A_565 = arith.index_cast %get3A_564 : i32 to index
        %get3A_566 = arith.index_cast %add3A_563 : i32 to index
        %get3A_567 = tpu.vector_load %arg12[%get3A_565, %get3A_566] {strides = array<i32>} : memref<2x9984xf32, #tpu.memory_space<vmem>>, vector<16xf32>,
        %add3A_568 = arith.constant 48 : i32
        %add3A_569 = arith.addi %mul3A_504, %add3A_568 : i32
        %get3A_570 = arith.constant 0 : i32
        %get3A_571 = arith.index_cast %get3A_570 : i32 to index
        %get3A_572 = arith.index_cast %add3A_569 : i32 to index
        %get3A_573 = tpu.vector_load %arg10[%get3A_571, %get3A_572] {strides = array<i32>} : memref<2x10000xf32, #tpu.memory_space<vmem>>, vector<16xf32>,
        %mul3A_574 = arith.constant 1.000000e+01 : f32
        %mul3A_575 = vector.broadcast %mul3A_574 : f32 to vector<16xf32>
        %mul3A_576 = arith.mulf %get3A_567, %mul3A_575 : vector<16xf32>
        %exp3A_577 = math.exp %mul3A_576 : vector<16xf32>
        %mul3A_578 = arith.mulf %get3A_573, %exp3A_577 : vector<16xf32>
        %add3A_579 = arith.addf %scan3A_490, %mul3A_578 : vector<16xf32>
        %add3A_580 = arith.addf %scan3A_498, %exp3A_577 : vector<16xf32>
        %add3A_581 = arith.constant 64 : i32
        %add3A_582 = arith.addi %mul3A_504, %add3A_581 : i32
        %get3A_583 = arith.constant 0 : i32
        %get3A_584 = arith.index_cast %get3A_583 : i32 to index
        %get3A_585 = arith.index_cast %add3A_582 : i32 to index
        %get3A_586 = tpu.vector_load %arg12[%get3A_584, %get3A_585] {strides = array<i32>} : memref<2x9984xf32, #tpu.memory_space<vmem>>, vector<16xf32>,
        %add3A_587 = arith.constant 64 : i32
        %add3A_588 = arith.addi %mul3A_504, %add3A_587 : i32
        %get3A_589 = arith.constant 0 : i32
        %get3A_590 = arith.index_cast %get3A_589 : i32 to index
        %get3A_591 = arith.index_cast %add3A_588 : i32 to index
        %get3A_592 = tpu.vector_load %arg10[%get3A_590, %get3A_591] {strides = array<i32>} : memref<2x10000xf32, #tpu.memory_space<vmem>>, vector<16xf32>,
        %mul3A_593 = arith.constant 1.000000e+01 : f32
        %mul3A_594 = vector.broadcast %mul3A_593 : f32 to vector<16xf32>
        %mul3A_595 = arith.mulf %get3A_586, %mul3A_594 : vector<16xf32>
        %exp3A_596 = math.exp %mul3A_595 : vector<16xf32>
        %mul3A_597 = arith.mulf %get3A_592, %exp3A_596 : vector<16xf32>
        %add3A_598 = arith.addf %scan3A_491, %mul3A_597 : vector<16xf32>
        %add3A_599 = arith.addf %scan3A_499, %exp3A_596 : vector<16xf32>
        %add3A_600 = arith.constant 80 : i32
        %add3A_601 = arith.addi %mul3A_504, %add3A_600 : i32
        %get3A_602 = arith.constant 0 : i32
        %get3A_603 = arith.index_cast %get3A_602 : i32 to index
        %get3A_604 = arith.index_cast %add3A_601 : i32 to index
        %get3A_605 = tpu.vector_load %arg12[%get3A_603, %get3A_604] {strides = array<i32>} : memref<2x9984xf32, #tpu.memory_space<vmem>>, vector<16xf32>,
        %add3A_606 = arith.constant 80 : i32
        %add3A_607 = arith.addi %mul3A_504, %add3A_606 : i32
        %get3A_608 = arith.constant 0 : i32
        %get3A_609 = arith.index_cast %get3A_608 : i32 to index
        %get3A_610 = arith.index_cast %add3A_607 : i32 to index
        %get3A_611 = tpu.vector_load %arg10[%get3A_609, %get3A_610] {strides = array<i32>} : memref<2x10000xf32, #tpu.memory_space<vmem>>, vector<16xf32>,
        %mul3A_612 = arith.constant 1.000000e+01 : f32
        %mul3A_613 = vector.broadcast %mul3A_612 : f32 to vector<16xf32>
        %mul3A_614 = arith.mulf %get3A_605, %mul3A_613 : vector<16xf32>
        %exp3A_615 = math.exp %mul3A_614 : vector<16xf32>
        %mul3A_616 = arith.mulf %get3A_611, %exp3A_615 : vector<16xf32>
        %add3A_617 = arith.addf %scan3A_492, %mul3A_616 : vector<16xf32>
        %add3A_618 = arith.addf %scan3A_500, %exp3A_615 : vector<16xf32>
        %add3A_619 = arith.constant 96 : i32
        %add3A_620 = arith.addi %mul3A_504, %add3A_619 : i32
        %get3A_621 = arith.constant 0 : i32
        %get3A_622 = arith.index_cast %get3A_621 : i32 to index
        %get3A_623 = arith.index_cast %add3A_620 : i32 to index
        %get3A_624 = tpu.vector_load %arg12[%get3A_622, %get3A_623] {strides = array<i32>} : memref<2x9984xf32, #tpu.memory_space<vmem>>, vector<16xf32>,
        %add3A_625 = arith.constant 96 : i32
        %add3A_626 = arith.addi %mul3A_504, %add3A_625 : i32
        %get3A_627 = arith.constant 0 : i32
        %get3A_628 = arith.index_cast %get3A_627 : i32 to index
        %get3A_629 = arith.index_cast %add3A_626 : i32 to index
        %get3A_630 = tpu.vector_load %arg10[%get3A_628, %get3A_629] {strides = array<i32>} : memref<2x10000xf32, #tpu.memory_space<vmem>>, vector<16xf32>,
        %mul3A_631 = arith.constant 1.000000e+01 : f32
        %mul3A_632 = vector.broadcast %mul3A_631 : f32 to vector<16xf32>
        %mul3A_633 = arith.mulf %get3A_624, %mul3A_632 : vector<16xf32>
        %exp3A_634 = math.exp %mul3A_633 : vector<16xf32>
        %mul3A_635 = arith.mulf %get3A_630, %exp3A_634 : vector<16xf32>
        %add3A_636 = arith.addf %scan3A_493, %mul3A_635 : vector<16xf32>
        %add3A_637 = arith.addf %scan3A_501, %exp3A_634 : vector<16xf32>
        %add3A_638 = arith.constant 112 : i32
        %add3A_639 = arith.addi %mul3A_504, %add3A_638 : i32
        %get3A_640 = arith.constant 0 : i32
        %get3A_641 = arith.index_cast %get3A_640 : i32 to index
        %get3A_642 = arith.index_cast %add3A_639 : i32 to index
        %get3A_643 = tpu.vector_load %arg12[%get3A_641, %get3A_642] {strides = array<i32>} : memref<2x9984xf32, #tpu.memory_space<vmem>>, vector<16xf32>,
        %add3A_644 = arith.constant 112 : i32
        %add3A_645 = arith.addi %mul3A_504, %add3A_644 : i32
        %get3A_646 = arith.constant 0 : i32
        %get3A_647 = arith.index_cast %get3A_646 : i32 to index
        %get3A_648 = arith.index_cast %add3A_645 : i32 to index
        %get3A_649 = tpu.vector_load %arg10[%get3A_647, %get3A_648] {strides = array<i32>} : memref<2x10000xf32, #tpu.memory_space<vmem>>, vector<16xf32>,
        %mul3A_650 = arith.constant 1.000000e+01 : f32
        %mul3A_651 = vector.broadcast %mul3A_650 : f32 to vector<16xf32>
        %mul3A_652 = arith.mulf %get3A_643, %mul3A_651 : vector<16xf32>
        %exp3A_653 = math.exp %mul3A_652 : vector<16xf32>
        %mul3A_654 = arith.mulf %get3A_649, %exp3A_653 : vector<16xf32>
        %add3A_655 = arith.addf %scan3A_494, %mul3A_654 : vector<16xf32>
        %add3A_656 = arith.addf %scan3A_502, %exp3A_653 : vector<16xf32>
        scf.yield %add3A_522, %add3A_541, %add3A_560, %add3A_579, %add3A_598, %add3A_617, %add3A_636, %add3A_655, %add3A_523, %add3A_542, %add3A_561, %add3A_580, %add3A_599, %add3A_618, %add3A_637, %add3A_656 : vector<16xf32>, vector<16xf32>, vector<16xf32>, vector<16xf32>, vector<16xf32>, vector<16xf32>, vector<16xf32>, vector<16xf32>, vector<16xf32>, vector<16xf32>, vector<16xf32>, vector<16xf32>, vector<16xf32>, vector<16xf32>, vector<16xf32>, vector<16xf32>
      }
      %scan3A_167 = arith.constant 78 : i32
      %add3A_168 = arith.addf %scan3A_166#0, %scan3A_166#1 : vector<16xf32>
      %add3A_169 = arith.addf %add3A_168, %scan3A_166#2 : vector<16xf32>
      %add3A_170 = arith.addf %add3A_169, %scan3A_166#3 : vector<16xf32>
      %add3A_171 = arith.addf %add3A_170, %scan3A_166#4 : vector<16xf32>
      %add3A_172 = arith.addf %add3A_171, %scan3A_166#5 : vector<16xf32>
      %add3A_173 = arith.addf %add3A_172, %scan3A_166#6 : vector<16xf32>
      %add3A_174 = arith.addf %add3A_173, %scan3A_166#7 : vector<16xf32>
      %add3A_175 = arith.addf %scan3A_166#8, %scan3A_166#9 : vector<16xf32>
      %add3A_176 = arith.addf %add3A_175, %scan3A_166#10 : vector<16xf32>
      %add3A_177 = arith.addf %add3A_176, %scan3A_166#11 : vector<16xf32>
      %add3A_178 = arith.addf %add3A_177, %scan3A_166#12 : vector<16xf32>
      %add3A_179 = arith.addf %add3A_178, %scan3A_166#13 : vector<16xf32>
      %add3A_180 = arith.addf %add3A_179, %scan3A_166#14 : vector<16xf32>
      %add3A_181 = arith.addf %add3A_180, %scan3A_166#15 : vector<16xf32>
      %get3A = arith.constant 0 : i32
      %get3A_182 = arith.index_cast %get3A : i32 to index
      %get3A_183 = arith.constant 112 : index
      %get3A_184 = tpu.vector_load %arg14[%get3A_182, %get3A_183] {strides = array<i32>} : memref<2x128xf32, #tpu.memory_space<vmem>>, vector<16xf32>,
      %get3A_185 = arith.constant 0 : i32
      %get3A_186 = arith.index_cast %get3A_185 : i32 to index
      %get3A_187 = arith.constant 9984 : index
      %get3A_188 = tpu.vector_load %arg10[%get3A_186, %get3A_187] {strides = array<i32>} : memref<2x10000xf32, #tpu.memory_space<vmem>>, vector<16xf32>,
      %mul3A_189 = arith.constant 1.000000e+01 : f32
      %mul3A_190 = vector.broadcast %mul3A_189 : f32 to vector<16xf32>
      %mul3A_191 = arith.mulf %get3A_184, %mul3A_190 : vector<16xf32>
      %exp3A = math.exp %mul3A_191 : vector<16xf32>
      %mul3A_192 = arith.mulf %get3A_188, %exp3A : vector<16xf32>
      %add3A_193 = arith.addf %add3A_174, %mul3A_192 : vector<16xf32>
      %add3A_194 = arith.addf %add3A_181, %exp3A : vector<16xf32>
      %broadcast_in_dim3A_195 = vector.broadcast %add3A_159 : i32 to vector<16xi32>
      %gather3A = tpu.vector_load_idx %arg9[%broadcast_in_dim3A_195] : memref<64xf32, #tpu.memory_space<vmem>>[vector<16xi32>], vector<16xf32>,
      %mul3A_196 = arith.constant 16 : i32
      %mul3A_197 = arith.muli %mul3A_196, %mul3A_62 : i32
      %add3A_198 = arith.constant 0 : i32
      %add3A_199 = arith.addi %mul3A_197, %add3A_198 : i32
      %broadcast_in_dim3A_200 = vector.broadcast %add3A_199 : i32 to vector<16xi32>
      %gather3A_201 = tpu.vector_load_idx %arg8[%broadcast_in_dim3A_200] : memref<512xi32, #tpu.memory_space<vmem>>[vector<16xi32>], vector<16xi32>,
      %broadcast_in_dim3A_202 = arith.constant 0 : i32
      %broadcast_in_dim3A_203 = vector.broadcast %broadcast_in_dim3A_202 : i32 to vector<16xi32>
      %gather3A_204 = tpu.vector_load_idx %arg10[%broadcast_in_dim3A_203, %gather3A_201] : memref<2x10000xf32, #tpu.memory_space<vmem>>[vector<16xi32>, vector<16xi32>], vector<16xf32>,
      %eq3A = arith.constant 0 : i32
      %eq3A_205 = vector.broadcast %eq3A : i32 to vector<16xi32>
      %eq3A_206 = arith.cmpi eq, %iota3A, %eq3A_205 : vector<16xi32>
      %mul3A_207 = arith.constant 4.5399931E-5 : f32
      %mul3A_208 = vector.broadcast %mul3A_207 : f32 to vector<16xf32>
      %mul3A_209 = arith.mulf %gather3A, %mul3A_208 : vector<16xf32>
      %mul3A_210 = arith.mulf %add3A_193, %mul3A_209 : vector<16xf32>
      %add3A_211 = arith.addf %scan3A_57, %mul3A_210 : vector<16xf32>
      %mul3A_212 = arith.mulf %add3A_194, %mul3A_209 : vector<16xf32>
      %add3A_213 = arith.addf %scan3A_58, %mul3A_212 : vector<16xf32>
      %mul3A_214 = arith.mulf %gather3A_204, %gather3A : vector<16xf32>
      %jit3A_215 = arith.constant 0.000000e+00 : f32
      %broadcast_in_dim3A_216 = vector.broadcast %jit3A_215 : f32 to vector<16xf32>
      %select_n3A_217 = arith.select %eq3A_206, %mul3A_214, %broadcast_in_dim3A_216 : vector<16xi1>, vector<16xf32>
      %add3A_218 = arith.addf %scan3A_59, %select_n3A_217 : vector<16xf32>
      %jit3A_219 = arith.constant 0.000000e+00 : f32
      %broadcast_in_dim3A_220 = vector.broadcast %jit3A_219 : f32 to vector<16xf32>
      %select_n3A_221 = arith.select %eq3A_206, %gather3A, %broadcast_in_dim3A_220 : vector<16xi1>, vector<16xf32>
      %add3A_222 = arith.addf %scan3A_60, %select_n3A_221 : vector<16xf32>
      %mul3A_223 = arith.constant 2 : i32
      %mul3A_224 = arith.muli %mul3A_223, %mul3A_62 : i32
      %add3A_225 = arith.constant 1 : i32
      %add3A_226 = arith.addi %mul3A_224, %add3A_225 : i32
      %broadcast_in_dim3A_227 = arith.constant 0.000000e+00 : f32
      %broadcast_in_dim3A_228 = vector.broadcast %broadcast_in_dim3A_227 : f32 to vector<16xf32>
      %scan3A_229 = arith.constant 0 : i32
      %scan3A_230 = arith.constant 78 : i32
      %scan3A_231 = arith.addi %scan3A_229, %scan3A_230 : i32
      %scan3A_232 = arith.constant 1 : i32
      %scan3A_233:16 = scf.for %scan3A_486 = %scan3A_229 to %scan3A_231 step %scan3A_232 iter_args(%scan3A_487 = %broadcast_in_dim3A_228, %scan3A_488 = %broadcast_in_dim3A_228, %scan3A_489 = %broadcast_in_dim3A_228, %scan3A_490 = %broadcast_in_dim3A_228, %scan3A_491 = %broadcast_in_dim3A_228, %scan3A_492 = %broadcast_in_dim3A_228, %scan3A_493 = %broadcast_in_dim3A_228, %scan3A_494 = %broadcast_in_dim3A_228, %scan3A_495 = %broadcast_in_dim3A_228, %scan3A_496 = %broadcast_in_dim3A_228, %scan3A_497 = %broadcast_in_dim3A_228, %scan3A_498 = %broadcast_in_dim3A_228, %scan3A_499 = %broadcast_in_dim3A_228, %scan3A_500 = %broadcast_in_dim3A_228, %scan3A_501 = %broadcast_in_dim3A_228, %scan3A_502 = %broadcast_in_dim3A_228) -> (vector<16xf32>, vector<16xf32>, vector<16xf32>, vector<16xf32>, vector<16xf32>, vector<16xf32>, vector<16xf32>, vector<16xf32>, vector<16xf32>, vector<16xf32>, vector<16xf32>, vector<16xf32>, vector<16xf32>, vector<16xf32>, vector<16xf32>, vector<16xf32>)  : i32 {
        %mul3A_503 = arith.constant 128 : i32
        %mul3A_504 = arith.muli %scan3A_486, %mul3A_503 : i32
        %add3A_505 = arith.constant 0 : i32
        %add3A_506 = arith.addi %mul3A_504, %add3A_505 : i32
        %get3A_507 = arith.constant 1 : i32
        %get3A_508 = arith.index_cast %get3A_507 : i32 to index
        %get3A_509 = arith.index_cast %add3A_506 : i32 to index
        %get3A_510 = tpu.vector_load %arg12[%get3A_508, %get3A_509] {strides = array<i32>} : memref<2x9984xf32, #tpu.memory_space<vmem>>, vector<16xf32>,
        %add3A_511 = arith.constant 0 : i32
        %add3A_512 = arith.addi %mul3A_504, %add3A_511 : i32
        %get3A_513 = arith.constant 1 : i32
        %get3A_514 = arith.index_cast %get3A_513 : i32 to index
        %get3A_515 = arith.index_cast %add3A_512 : i32 to index
        %get3A_516 = tpu.vector_load %arg10[%get3A_514, %get3A_515] {strides = array<i32>} : memref<2x10000xf32, #tpu.memory_space<vmem>>, vector<16xf32>,
        %mul3A_517 = arith.constant 1.000000e+01 : f32
        %mul3A_518 = vector.broadcast %mul3A_517 : f32 to vector<16xf32>
        %mul3A_519 = arith.mulf %get3A_510, %mul3A_518 : vector<16xf32>
        %exp3A_520 = math.exp %mul3A_519 : vector<16xf32>
        %mul3A_521 = arith.mulf %get3A_516, %exp3A_520 : vector<16xf32>
        %add3A_522 = arith.addf %scan3A_487, %mul3A_521 : vector<16xf32>
        %add3A_523 = arith.addf %scan3A_495, %exp3A_520 : vector<16xf32>
        %add3A_524 = arith.constant 16 : i32
        %add3A_525 = arith.addi %mul3A_504, %add3A_524 : i32
        %get3A_526 = arith.constant 1 : i32
        %get3A_527 = arith.index_cast %get3A_526 : i32 to index
        %get3A_528 = arith.index_cast %add3A_525 : i32 to index
        %get3A_529 = tpu.vector_load %arg12[%get3A_527, %get3A_528] {strides = array<i32>} : memref<2x9984xf32, #tpu.memory_space<vmem>>, vector<16xf32>,
        %add3A_530 = arith.constant 16 : i32
        %add3A_531 = arith.addi %mul3A_504, %add3A_530 : i32
        %get3A_532 = arith.constant 1 : i32
        %get3A_533 = arith.index_cast %get3A_532 : i32 to index
        %get3A_534 = arith.index_cast %add3A_531 : i32 to index
        %get3A_535 = tpu.vector_load %arg10[%get3A_533, %get3A_534] {strides = array<i32>} : memref<2x10000xf32, #tpu.memory_space<vmem>>, vector<16xf32>,
        %mul3A_536 = arith.constant 1.000000e+01 : f32
        %mul3A_537 = vector.broadcast %mul3A_536 : f32 to vector<16xf32>
        %mul3A_538 = arith.mulf %get3A_529, %mul3A_537 : vector<16xf32>
        %exp3A_539 = math.exp %mul3A_538 : vector<16xf32>
        %mul3A_540 = arith.mulf %get3A_535, %exp3A_539 : vector<16xf32>
        %add3A_541 = arith.addf %scan3A_488, %mul3A_540 : vector<16xf32>
        %add3A_542 = arith.addf %scan3A_496, %exp3A_539 : vector<16xf32>
        %add3A_543 = arith.constant 32 : i32
        %add3A_544 = arith.addi %mul3A_504, %add3A_543 : i32
        %get3A_545 = arith.constant 1 : i32
        %get3A_546 = arith.index_cast %get3A_545 : i32 to index
        %get3A_547 = arith.index_cast %add3A_544 : i32 to index
        %get3A_548 = tpu.vector_load %arg12[%get3A_546, %get3A_547] {strides = array<i32>} : memref<2x9984xf32, #tpu.memory_space<vmem>>, vector<16xf32>,
        %add3A_549 = arith.constant 32 : i32
        %add3A_550 = arith.addi %mul3A_504, %add3A_549 : i32
        %get3A_551 = arith.constant 1 : i32
        %get3A_552 = arith.index_cast %get3A_551 : i32 to index
        %get3A_553 = arith.index_cast %add3A_550 : i32 to index
        %get3A_554 = tpu.vector_load %arg10[%get3A_552, %get3A_553] {strides = array<i32>} : memref<2x10000xf32, #tpu.memory_space<vmem>>, vector<16xf32>,
        %mul3A_555 = arith.constant 1.000000e+01 : f32
        %mul3A_556 = vector.broadcast %mul3A_555 : f32 to vector<16xf32>
        %mul3A_557 = arith.mulf %get3A_548, %mul3A_556 : vector<16xf32>
        %exp3A_558 = math.exp %mul3A_557 : vector<16xf32>
        %mul3A_559 = arith.mulf %get3A_554, %exp3A_558 : vector<16xf32>
        %add3A_560 = arith.addf %scan3A_489, %mul3A_559 : vector<16xf32>
        %add3A_561 = arith.addf %scan3A_497, %exp3A_558 : vector<16xf32>
        %add3A_562 = arith.constant 48 : i32
        %add3A_563 = arith.addi %mul3A_504, %add3A_562 : i32
        %get3A_564 = arith.constant 1 : i32
        %get3A_565 = arith.index_cast %get3A_564 : i32 to index
        %get3A_566 = arith.index_cast %add3A_563 : i32 to index
        %get3A_567 = tpu.vector_load %arg12[%get3A_565, %get3A_566] {strides = array<i32>} : memref<2x9984xf32, #tpu.memory_space<vmem>>, vector<16xf32>,
        %add3A_568 = arith.constant 48 : i32
        %add3A_569 = arith.addi %mul3A_504, %add3A_568 : i32
        %get3A_570 = arith.constant 1 : i32
        %get3A_571 = arith.index_cast %get3A_570 : i32 to index
        %get3A_572 = arith.index_cast %add3A_569 : i32 to index
        %get3A_573 = tpu.vector_load %arg10[%get3A_571, %get3A_572] {strides = array<i32>} : memref<2x10000xf32, #tpu.memory_space<vmem>>, vector<16xf32>,
        %mul3A_574 = arith.constant 1.000000e+01 : f32
        %mul3A_575 = vector.broadcast %mul3A_574 : f32 to vector<16xf32>
        %mul3A_576 = arith.mulf %get3A_567, %mul3A_575 : vector<16xf32>
        %exp3A_577 = math.exp %mul3A_576 : vector<16xf32>
        %mul3A_578 = arith.mulf %get3A_573, %exp3A_577 : vector<16xf32>
        %add3A_579 = arith.addf %scan3A_490, %mul3A_578 : vector<16xf32>
        %add3A_580 = arith.addf %scan3A_498, %exp3A_577 : vector<16xf32>
        %add3A_581 = arith.constant 64 : i32
        %add3A_582 = arith.addi %mul3A_504, %add3A_581 : i32
        %get3A_583 = arith.constant 1 : i32
        %get3A_584 = arith.index_cast %get3A_583 : i32 to index
        %get3A_585 = arith.index_cast %add3A_582 : i32 to index
        %get3A_586 = tpu.vector_load %arg12[%get3A_584, %get3A_585] {strides = array<i32>} : memref<2x9984xf32, #tpu.memory_space<vmem>>, vector<16xf32>,
        %add3A_587 = arith.constant 64 : i32
        %add3A_588 = arith.addi %mul3A_504, %add3A_587 : i32
        %get3A_589 = arith.constant 1 : i32
        %get3A_590 = arith.index_cast %get3A_589 : i32 to index
        %get3A_591 = arith.index_cast %add3A_588 : i32 to index
        %get3A_592 = tpu.vector_load %arg10[%get3A_590, %get3A_591] {strides = array<i32>} : memref<2x10000xf32, #tpu.memory_space<vmem>>, vector<16xf32>,
        %mul3A_593 = arith.constant 1.000000e+01 : f32
        %mul3A_594 = vector.broadcast %mul3A_593 : f32 to vector<16xf32>
        %mul3A_595 = arith.mulf %get3A_586, %mul3A_594 : vector<16xf32>
        %exp3A_596 = math.exp %mul3A_595 : vector<16xf32>
        %mul3A_597 = arith.mulf %get3A_592, %exp3A_596 : vector<16xf32>
        %add3A_598 = arith.addf %scan3A_491, %mul3A_597 : vector<16xf32>
        %add3A_599 = arith.addf %scan3A_499, %exp3A_596 : vector<16xf32>
        %add3A_600 = arith.constant 80 : i32
        %add3A_601 = arith.addi %mul3A_504, %add3A_600 : i32
        %get3A_602 = arith.constant 1 : i32
        %get3A_603 = arith.index_cast %get3A_602 : i32 to index
        %get3A_604 = arith.index_cast %add3A_601 : i32 to index
        %get3A_605 = tpu.vector_load %arg12[%get3A_603, %get3A_604] {strides = array<i32>} : memref<2x9984xf32, #tpu.memory_space<vmem>>, vector<16xf32>,
        %add3A_606 = arith.constant 80 : i32
        %add3A_607 = arith.addi %mul3A_504, %add3A_606 : i32
        %get3A_608 = arith.constant 1 : i32
        %get3A_609 = arith.index_cast %get3A_608 : i32 to index
        %get3A_610 = arith.index_cast %add3A_607 : i32 to index
        %get3A_611 = tpu.vector_load %arg10[%get3A_609, %get3A_610] {strides = array<i32>} : memref<2x10000xf32, #tpu.memory_space<vmem>>, vector<16xf32>,
        %mul3A_612 = arith.constant 1.000000e+01 : f32
        %mul3A_613 = vector.broadcast %mul3A_612 : f32 to vector<16xf32>
        %mul3A_614 = arith.mulf %get3A_605, %mul3A_613 : vector<16xf32>
        %exp3A_615 = math.exp %mul3A_614 : vector<16xf32>
        %mul3A_616 = arith.mulf %get3A_611, %exp3A_615 : vector<16xf32>
        %add3A_617 = arith.addf %scan3A_492, %mul3A_616 : vector<16xf32>
        %add3A_618 = arith.addf %scan3A_500, %exp3A_615 : vector<16xf32>
        %add3A_619 = arith.constant 96 : i32
        %add3A_620 = arith.addi %mul3A_504, %add3A_619 : i32
        %get3A_621 = arith.constant 1 : i32
        %get3A_622 = arith.index_cast %get3A_621 : i32 to index
        %get3A_623 = arith.index_cast %add3A_620 : i32 to index
        %get3A_624 = tpu.vector_load %arg12[%get3A_622, %get3A_623] {strides = array<i32>} : memref<2x9984xf32, #tpu.memory_space<vmem>>, vector<16xf32>,
        %add3A_625 = arith.constant 96 : i32
        %add3A_626 = arith.addi %mul3A_504, %add3A_625 : i32
        %get3A_627 = arith.constant 1 : i32
        %get3A_628 = arith.index_cast %get3A_627 : i32 to index
        %get3A_629 = arith.index_cast %add3A_626 : i32 to index
        %get3A_630 = tpu.vector_load %arg10[%get3A_628, %get3A_629] {strides = array<i32>} : memref<2x10000xf32, #tpu.memory_space<vmem>>, vector<16xf32>,
        %mul3A_631 = arith.constant 1.000000e+01 : f32
        %mul3A_632 = vector.broadcast %mul3A_631 : f32 to vector<16xf32>
        %mul3A_633 = arith.mulf %get3A_624, %mul3A_632 : vector<16xf32>
        %exp3A_634 = math.exp %mul3A_633 : vector<16xf32>
        %mul3A_635 = arith.mulf %get3A_630, %exp3A_634 : vector<16xf32>
        %add3A_636 = arith.addf %scan3A_493, %mul3A_635 : vector<16xf32>
        %add3A_637 = arith.addf %scan3A_501, %exp3A_634 : vector<16xf32>
        %add3A_638 = arith.constant 112 : i32
        %add3A_639 = arith.addi %mul3A_504, %add3A_638 : i32
        %get3A_640 = arith.constant 1 : i32
        %get3A_641 = arith.index_cast %get3A_640 : i32 to index
        %get3A_642 = arith.index_cast %add3A_639 : i32 to index
        %get3A_643 = tpu.vector_load %arg12[%get3A_641, %get3A_642] {strides = array<i32>} : memref<2x9984xf32, #tpu.memory_space<vmem>>, vector<16xf32>,
        %add3A_644 = arith.constant 112 : i32
        %add3A_645 = arith.addi %mul3A_504, %add3A_644 : i32
        %get3A_646 = arith.constant 1 : i32
        %get3A_647 = arith.index_cast %get3A_646 : i32 to index
        %get3A_648 = arith.index_cast %add3A_645 : i32 to index
        %get3A_649 = tpu.vector_load %arg10[%get3A_647, %get3A_648] {strides = array<i32>} : memref<2x10000xf32, #tpu.memory_space<vmem>>, vector<16xf32>,
        %mul3A_650 = arith.constant 1.000000e+01 : f32
        %mul3A_651 = vector.broadcast %mul3A_650 : f32 to vector<16xf32>
        %mul3A_652 = arith.mulf %get3A_643, %mul3A_651 : vector<16xf32>
        %exp3A_653 = math.exp %mul3A_652 : vector<16xf32>
        %mul3A_654 = arith.mulf %get3A_649, %exp3A_653 : vector<16xf32>
        %add3A_655 = arith.addf %scan3A_494, %mul3A_654 : vector<16xf32>
        %add3A_656 = arith.addf %scan3A_502, %exp3A_653 : vector<16xf32>
        scf.yield %add3A_522, %add3A_541, %add3A_560, %add3A_579, %add3A_598, %add3A_617, %add3A_636, %add3A_655, %add3A_523, %add3A_542, %add3A_561, %add3A_580, %add3A_599, %add3A_618, %add3A_637, %add3A_656 : vector<16xf32>, vector<16xf32>, vector<16xf32>, vector<16xf32>, vector<16xf32>, vector<16xf32>, vector<16xf32>, vector<16xf32>, vector<16xf32>, vector<16xf32>, vector<16xf32>, vector<16xf32>, vector<16xf32>, vector<16xf32>, vector<16xf32>, vector<16xf32>
      }
      %scan3A_234 = arith.constant 78 : i32
      %add3A_235 = arith.addf %scan3A_233#0, %scan3A_233#1 : vector<16xf32>
      %add3A_236 = arith.addf %add3A_235, %scan3A_233#2 : vector<16xf32>
      %add3A_237 = arith.addf %add3A_236, %scan3A_233#3 : vector<16xf32>
      %add3A_238 = arith.addf %add3A_237, %scan3A_233#4 : vector<16xf32>
      %add3A_239 = arith.addf %add3A_238, %scan3A_233#5 : vector<16xf32>
      %add3A_240 = arith.addf %add3A_239, %scan3A_233#6 : vector<16xf32>
      %add3A_241 = arith.addf %add3A_240, %scan3A_233#7 : vector<16xf32>
      %add3A_242 = arith.addf %scan3A_233#8, %scan3A_233#9 : vector<16xf32>
      %add3A_243 = arith.addf %add3A_242, %scan3A_233#10 : vector<16xf32>
      %add3A_244 = arith.addf %add3A_243, %scan3A_233#11 : vector<16xf32>
      %add3A_245 = arith.addf %add3A_244, %scan3A_233#12 : vector<16xf32>
      %add3A_246 = arith.addf %add3A_245, %scan3A_233#13 : vector<16xf32>
      %add3A_247 = arith.addf %add3A_246, %scan3A_233#14 : vector<16xf32>
      %add3A_248 = arith.addf %add3A_247, %scan3A_233#15 : vector<16xf32>
      %get3A_249 = arith.constant 1 : i32
      %get3A_250 = arith.index_cast %get3A_249 : i32 to index
      %get3A_251 = arith.constant 112 : index
      %get3A_252 = tpu.vector_load %arg14[%get3A_250, %get3A_251] {strides = array<i32>} : memref<2x128xf32, #tpu.memory_space<vmem>>, vector<16xf32>,
      %get3A_253 = arith.constant 1 : i32
      %get3A_254 = arith.index_cast %get3A_253 : i32 to index
      %get3A_255 = arith.constant 9984 : index
      %get3A_256 = tpu.vector_load %arg10[%get3A_254, %get3A_255] {strides = array<i32>} : memref<2x10000xf32, #tpu.memory_space<vmem>>, vector<16xf32>,
      %mul3A_257 = arith.constant 1.000000e+01 : f32
      %mul3A_258 = vector.broadcast %mul3A_257 : f32 to vector<16xf32>
      %mul3A_259 = arith.mulf %get3A_252, %mul3A_258 : vector<16xf32>
      %exp3A_260 = math.exp %mul3A_259 : vector<16xf32>
      %mul3A_261 = arith.mulf %get3A_256, %exp3A_260 : vector<16xf32>
      %add3A_262 = arith.addf %add3A_241, %mul3A_261 : vector<16xf32>
      %add3A_263 = arith.addf %add3A_248, %exp3A_260 : vector<16xf32>
      %broadcast_in_dim3A_264 = vector.broadcast %add3A_226 : i32 to vector<16xi32>
      %gather3A_265 = tpu.vector_load_idx %arg9[%broadcast_in_dim3A_264] : memref<64xf32, #tpu.memory_space<vmem>>[vector<16xi32>], vector<16xf32>,
      %mul3A_266 = arith.constant 16 : i32
      %mul3A_267 = arith.muli %mul3A_266, %mul3A_62 : i32
      %add3A_268 = arith.constant 1 : i32
      %add3A_269 = arith.addi %mul3A_267, %add3A_268 : i32
      %broadcast_in_dim3A_270 = vector.broadcast %add3A_269 : i32 to vector<16xi32>
      %gather3A_271 = tpu.vector_load_idx %arg8[%broadcast_in_dim3A_270] : memref<512xi32, #tpu.memory_space<vmem>>[vector<16xi32>], vector<16xi32>,
      %broadcast_in_dim3A_272 = arith.constant 1 : i32
      %broadcast_in_dim3A_273 = vector.broadcast %broadcast_in_dim3A_272 : i32 to vector<16xi32>
      %gather3A_274 = tpu.vector_load_idx %arg10[%broadcast_in_dim3A_273, %gather3A_271] : memref<2x10000xf32, #tpu.memory_space<vmem>>[vector<16xi32>, vector<16xi32>], vector<16xf32>,
      %eq3A_275 = arith.constant 0 : i32
      %eq3A_276 = vector.broadcast %eq3A_275 : i32 to vector<16xi32>
      %eq3A_277 = arith.cmpi eq, %iota3A, %eq3A_276 : vector<16xi32>
      %mul3A_278 = arith.constant 4.5399931E-5 : f32
      %mul3A_279 = vector.broadcast %mul3A_278 : f32 to vector<16xf32>
      %mul3A_280 = arith.mulf %gather3A_265, %mul3A_279 : vector<16xf32>
      %mul3A_281 = arith.mulf %add3A_262, %mul3A_280 : vector<16xf32>
      %add3A_282 = arith.addf %add3A_211, %mul3A_281 : vector<16xf32>
      %mul3A_283 = arith.mulf %add3A_263, %mul3A_280 : vector<16xf32>
      %add3A_284 = arith.addf %add3A_213, %mul3A_283 : vector<16xf32>
      %mul3A_285 = arith.mulf %gather3A_274, %gather3A_265 : vector<16xf32>
      %jit3A_286 = arith.constant 0.000000e+00 : f32
      %broadcast_in_dim3A_287 = vector.broadcast %jit3A_286 : f32 to vector<16xf32>
      %select_n3A_288 = arith.select %eq3A_277, %mul3A_285, %broadcast_in_dim3A_287 : vector<16xi1>, vector<16xf32>
      %add3A_289 = arith.addf %add3A_218, %select_n3A_288 : vector<16xf32>
      %jit3A_290 = arith.constant 0.000000e+00 : f32
      %broadcast_in_dim3A_291 = vector.broadcast %jit3A_290 : f32 to vector<16xf32>
      %select_n3A_292 = arith.select %eq3A_277, %gather3A_265, %broadcast_in_dim3A_291 : vector<16xi1>, vector<16xf32>
      %add3A_293 = arith.addf %add3A_222, %select_n3A_292 : vector<16xf32>
      %add3A_294 = arith.constant 2 : i32
      %add3A_295 = arith.addi %mul3A_62, %add3A_294 : i32
      %lt3A = arith.constant 32 : i32
      %lt3A_296 = arith.cmpi slt, %add3A_295, %lt3A : i32
      %convert_element_type3A = arith.extui %lt3A_296 : i1 to i32
      %cond3A = arith.constant 0 : i32
      %cond3A_297 = arith.cmpi ne, %convert_element_type3A, %cond3A : i32
      scf.if %cond3A_297 {
        %add3A_486 = arith.constant 2 : i32
        %add3A_487 = arith.addi %mul3A_62, %add3A_486 : i32
        %mul3A_488 = arith.constant 2 : i32
        %mul3A_489 = arith.muli %mul3A_488, %add3A_487 : i32
        %add3A_490 = arith.addi %add3A_4, %mul3A_489 : i32
        %jit3A_491 = arith.constant 64 : i32
        %div3A_492 = arith.divsi %add3A_490, %jit3A_491 : i32
        %sign3A_493 = arith.constant 0 : i32
        %sign3A_494 = arith.cmpi sgt, %add3A_490, %sign3A_493 : i32
        %sign3A_495 = arith.extui %sign3A_494 : i1 to i32
        %sign3A_496 = arith.constant 0 : i32
        %sign3A_497 = arith.cmpi slt, %add3A_490, %sign3A_496 : i32
        %sign3A_498 = arith.extui %sign3A_497 : i1 to i32
        %sign3A_499 = arith.subi %sign3A_495, %sign3A_498 : i32
        %sign3A_500 = arith.constant 0 : i32
        %sign3A_501 = arith.cmpi sgt, %jit3A_491, %sign3A_500 : i32
        %sign3A_502 = arith.extui %sign3A_501 : i1 to i32
        %sign3A_503 = arith.constant 0 : i32
        %sign3A_504 = arith.cmpi slt, %jit3A_491, %sign3A_503 : i32
        %sign3A_505 = arith.extui %sign3A_504 : i1 to i32
        %sign3A_506 = arith.subi %sign3A_502, %sign3A_505 : i32
        %ne3A_507 = arith.cmpi ne, %sign3A_499, %sign3A_506 : i32
        %rem3A_508 = arith.remsi %add3A_490, %jit3A_491 : i32
        %ne3A_509 = arith.constant 0 : i32
        %ne3A_510 = arith.cmpi ne, %rem3A_508, %ne3A_509 : i32
        %and3A_511 = arith.andi %ne3A_507, %ne3A_510 : i1
        %sub3A_512 = arith.constant 1 : i32
        %sub3A_513 = arith.subi %div3A_492, %sub3A_512 : i32
        %select_n3A_514 = arith.select %and3A_511, %sub3A_513, %div3A_492 : i32
        %mul3A_515 = arith.constant 64 : i32
        %mul3A_516 = arith.muli %select_n3A_514, %mul3A_515 : i32
        %sub3A_517 = arith.subi %add3A_490, %mul3A_516 : i32
        %dma_start3A_518 = arith.constant 0 : i32
        %dma_start3A_519 = tpu.memref_slice %arg2[%select_n3A_514, %sub3A_517, %dma_start3A_518] : memref<50x64x10000xf32, #tpu.memory_space<hbm>> -> memref<1x2x10000xf32, #tpu.memory_space<hbm>>
        %dma_start3A_520 = tpu.memref_squeeze %dma_start3A_519 : memref<1x2x10000xf32, #tpu.memory_space<hbm>> -> memref<2x10000xf32, #tpu.memory_space<hbm>>
        %dma_start3A_521 = arith.constant 0 : i32
        %dma_start3A_522 = tpu.memref_slice %arg2[%select_n3A_514, %sub3A_517, %dma_start3A_521] : memref<50x64x10000xf32, #tpu.memory_space<hbm>> -> memref<1x2x10000xf32, #tpu.memory_space<hbm>>
        %dma_start3A_523 = tpu.memref_squeeze %dma_start3A_522 : memref<1x2x10000xf32, #tpu.memory_space<hbm>> -> memref<2x10000xf32, #tpu.memory_space<hbm>>
        tpu.enqueue_dma source(%dma_start3A_523 : memref<2x10000xf32, #tpu.memory_space<hbm>>) target(%arg10 : memref<2x10000xf32, #tpu.memory_space<vmem>>) target_semaphore(%arg17 : memref<!tpu.dma_semaphore, #tpu.memory_space<semaphore_mem>>)
        %mul3A_524 = arith.constant 16 : i32
        %mul3A_525 = arith.muli %mul3A_524, %add3A_487 : i32
        %dma_start3A_526 = tpu.memref_slice %arg8[%mul3A_525] : memref<512xi32, #tpu.memory_space<vmem>> -> memref<2xi32, #tpu.memory_space<vmem>>
        %dma_start3A_527 = arith.constant 0 : i32
        %dma_start3A_528 = arith.constant 0 : i32
        %dma_start3A_529 = tpu.memref_slice %arg5[%dma_start3A_527, %dma_start3A_528] : memref<10000x10000xf32, #tpu.memory_space<hbm>> -> memref<10000x9984xf32, #tpu.memory_space<hbm>>
        tpu.enqueue_indirect_dma source(%dma_start3A_529 : memref<10000x9984xf32, #tpu.memory_space<hbm>>) target(%arg12 : memref<2x9984xf32, #tpu.memory_space<vmem>>) offsets(%dma_start3A_526 : memref<2xi32, #tpu.memory_space<vmem>>) semaphore(%arg17 : memref<!tpu.dma_semaphore, #tpu.memory_space<semaphore_mem>>)
        %dma_start3A_530 = tpu.memref_slice %arg8[%mul3A_525] : memref<512xi32, #tpu.memory_space<vmem>> -> memref<2xi32, #tpu.memory_space<vmem>>
        %dma_start3A_531 = arith.constant 0 : i32
        %dma_start3A_532 = arith.constant 0 : i32
        %dma_start3A_533 = tpu.memref_slice %arg6[%dma_start3A_531, %dma_start3A_532] : memref<10000x128xf32, #tpu.memory_space<hbm>> -> memref<10000x128xf32, #tpu.memory_space<hbm>>
        tpu.enqueue_indirect_dma source(%dma_start3A_533 : memref<10000x128xf32, #tpu.memory_space<hbm>>) target(%arg14 : memref<2x128xf32, #tpu.memory_space<vmem>>) offsets(%dma_start3A_530 : memref<2xi32, #tpu.memory_space<vmem>>) semaphore(%arg17 : memref<!tpu.dma_semaphore, #tpu.memory_space<semaphore_mem>>)
      } else {
      }
      %mul3A_298 = arith.constant 2 : i32
      %mul3A_299 = arith.muli %mul3A_298, %add3A_64 : i32
      %add3A_300 = arith.addi %add3A_4, %mul3A_299 : i32
      %jit3A_301 = arith.constant 64 : i32
      %div3A_302 = arith.divsi %add3A_300, %jit3A_301 : i32
      %sign3A_303 = arith.constant 0 : i32
      %sign3A_304 = arith.cmpi sgt, %add3A_300, %sign3A_303 : i32
      %sign3A_305 = arith.extui %sign3A_304 : i1 to i32
      %sign3A_306 = arith.constant 0 : i32
      %sign3A_307 = arith.cmpi slt, %add3A_300, %sign3A_306 : i32
      %sign3A_308 = arith.extui %sign3A_307 : i1 to i32
      %sign3A_309 = arith.subi %sign3A_305, %sign3A_308 : i32
      %sign3A_310 = arith.constant 0 : i32
      %sign3A_311 = arith.cmpi sgt, %jit3A_301, %sign3A_310 : i32
      %sign3A_312 = arith.extui %sign3A_311 : i1 to i32
      %sign3A_313 = arith.constant 0 : i32
      %sign3A_314 = arith.cmpi slt, %jit3A_301, %sign3A_313 : i32
      %sign3A_315 = arith.extui %sign3A_314 : i1 to i32
      %sign3A_316 = arith.subi %sign3A_312, %sign3A_315 : i32
      %ne3A_317 = arith.cmpi ne, %sign3A_309, %sign3A_316 : i32
      %rem3A_318 = arith.remsi %add3A_300, %jit3A_301 : i32
      %ne3A_319 = arith.constant 0 : i32
      %ne3A_320 = arith.cmpi ne, %rem3A_318, %ne3A_319 : i32
      %and3A_321 = arith.andi %ne3A_317, %ne3A_320 : i1
      %sub3A_322 = arith.constant 1 : i32
      %sub3A_323 = arith.subi %div3A_302, %sub3A_322 : i32
      %select_n3A_324 = arith.select %and3A_321, %sub3A_323, %div3A_302 : i32
      %mul3A_325 = arith.constant 16 : i32
      %mul3A_326 = arith.muli %mul3A_325, %add3A_64 : i32
      %mul3A_327 = arith.constant 64 : i32
      %mul3A_328 = arith.muli %select_n3A_324, %mul3A_327 : i32
      %sub3A_329 = arith.subi %add3A_300, %mul3A_328 : i32
      %dma_wait3A_330 = arith.constant 0 : i32
      %dma_wait3A_331 = tpu.memref_slice %arg2[%select_n3A_324, %sub3A_329, %dma_wait3A_330] : memref<50x64x10000xf32, #tpu.memory_space<hbm>> -> memref<1x2x10000xf32, #tpu.memory_space<hbm>>
      %dma_wait3A_332 = tpu.memref_squeeze %dma_wait3A_331 : memref<1x2x10000xf32, #tpu.memory_space<hbm>> -> memref<2x10000xf32, #tpu.memory_space<hbm>>
      %dma_wait3A_333 = arith.constant 0 : i32
      %dma_wait3A_334 = tpu.memref_slice %arg2[%select_n3A_324, %sub3A_329, %dma_wait3A_333] : memref<50x64x10000xf32, #tpu.memory_space<hbm>> -> memref<1x2x10000xf32, #tpu.memory_space<hbm>>
      %dma_wait3A_335 = tpu.memref_squeeze %dma_wait3A_334 : memref<1x2x10000xf32, #tpu.memory_space<hbm>> -> memref<2x10000xf32, #tpu.memory_space<hbm>>
      tpu.wait_dma2 semaphore(%arg18 : memref<!tpu.dma_semaphore, #tpu.memory_space<semaphore_mem>>) src(%dma_wait3A_335 : memref<2x10000xf32, #tpu.memory_space<hbm>>) dst(%arg11 : memref<2x10000xf32, #tpu.memory_space<vmem>>)
      %dma_wait3A_336 = tpu.memref_slice %arg8[%mul3A_326] : memref<512xi32, #tpu.memory_space<vmem>> -> memref<2xi32, #tpu.memory_space<vmem>>
      %dma_wait3A_337 = arith.constant 0 : i32
      %dma_wait3A_338 = arith.constant 0 : i32
      %dma_wait3A_339 = tpu.memref_slice %arg5[%dma_wait3A_337, %dma_wait3A_338] : memref<10000x10000xf32, #tpu.memory_space<hbm>> -> memref<10000x9984xf32, #tpu.memory_space<hbm>>
      tpu.wait_indirect_dma semaphore(%arg18 : memref<!tpu.dma_semaphore, #tpu.memory_space<semaphore_mem>>) src(%dma_wait3A_339 : memref<10000x9984xf32, #tpu.memory_space<hbm>>) dst(%arg13 : memref<2x9984xf32, #tpu.memory_space<vmem>>)
      %dma_wait3A_340 = tpu.memref_slice %arg8[%mul3A_326] : memref<512xi32, #tpu.memory_space<vmem>> -> memref<2xi32, #tpu.memory_space<vmem>>
      %dma_wait3A_341 = arith.constant 0 : i32
      %dma_wait3A_342 = arith.constant 0 : i32
      %dma_wait3A_343 = tpu.memref_slice %arg6[%dma_wait3A_341, %dma_wait3A_342] : memref<10000x128xf32, #tpu.memory_space<hbm>> -> memref<10000x128xf32, #tpu.memory_space<hbm>>
      tpu.wait_indirect_dma semaphore(%arg18 : memref<!tpu.dma_semaphore, #tpu.memory_space<semaphore_mem>>) src(%dma_wait3A_343 : memref<10000x128xf32, #tpu.memory_space<hbm>>) dst(%arg15 : memref<2x128xf32, #tpu.memory_space<vmem>>)
      %mul3A_344 = arith.constant 2 : i32
      %mul3A_345 = arith.muli %mul3A_344, %add3A_64 : i32
      %add3A_346 = arith.constant 0 : i32
      %add3A_347 = arith.addi %mul3A_345, %add3A_346 : i32
      %broadcast_in_dim3A_348 = arith.constant 0.000000e+00 : f32
      %broadcast_in_dim3A_349 = vector.broadcast %broadcast_in_dim3A_348 : f32 to vector<16xf32>
      %scan3A_350 = arith.constant 0 : i32
      %scan3A_351 = arith.constant 78 : i32
      %scan3A_352 = arith.addi %scan3A_350, %scan3A_351 : i32
      %scan3A_353 = arith.constant 1 : i32
      %scan3A_354:16 = scf.for %scan3A_486 = %scan3A_350 to %scan3A_352 step %scan3A_353 iter_args(%scan3A_487 = %broadcast_in_dim3A_349, %scan3A_488 = %broadcast_in_dim3A_349, %scan3A_489 = %broadcast_in_dim3A_349, %scan3A_490 = %broadcast_in_dim3A_349, %scan3A_491 = %broadcast_in_dim3A_349, %scan3A_492 = %broadcast_in_dim3A_349, %scan3A_493 = %broadcast_in_dim3A_349, %scan3A_494 = %broadcast_in_dim3A_349, %scan3A_495 = %broadcast_in_dim3A_349, %scan3A_496 = %broadcast_in_dim3A_349, %scan3A_497 = %broadcast_in_dim3A_349, %scan3A_498 = %broadcast_in_dim3A_349, %scan3A_499 = %broadcast_in_dim3A_349, %scan3A_500 = %broadcast_in_dim3A_349, %scan3A_501 = %broadcast_in_dim3A_349, %scan3A_502 = %broadcast_in_dim3A_349) -> (vector<16xf32>, vector<16xf32>, vector<16xf32>, vector<16xf32>, vector<16xf32>, vector<16xf32>, vector<16xf32>, vector<16xf32>, vector<16xf32>, vector<16xf32>, vector<16xf32>, vector<16xf32>, vector<16xf32>, vector<16xf32>, vector<16xf32>, vector<16xf32>)  : i32 {
        %mul3A_503 = arith.constant 128 : i32
        %mul3A_504 = arith.muli %scan3A_486, %mul3A_503 : i32
        %add3A_505 = arith.constant 0 : i32
        %add3A_506 = arith.addi %mul3A_504, %add3A_505 : i32
        %get3A_507 = arith.constant 0 : i32
        %get3A_508 = arith.index_cast %get3A_507 : i32 to index
        %get3A_509 = arith.index_cast %add3A_506 : i32 to index
        %get3A_510 = tpu.vector_load %arg13[%get3A_508, %get3A_509] {strides = array<i32>} : memref<2x9984xf32, #tpu.memory_space<vmem>>, vector<16xf32>,
        %add3A_511 = arith.constant 0 : i32
        %add3A_512 = arith.addi %mul3A_504, %add3A_511 : i32
        %get3A_513 = arith.constant 0 : i32
        %get3A_514 = arith.index_cast %get3A_513 : i32 to index
        %get3A_515 = arith.index_cast %add3A_512 : i32 to index
        %get3A_516 = tpu.vector_load %arg11[%get3A_514, %get3A_515] {strides = array<i32>} : memref<2x10000xf32, #tpu.memory_space<vmem>>, vector<16xf32>,
        %mul3A_517 = arith.constant 1.000000e+01 : f32
        %mul3A_518 = vector.broadcast %mul3A_517 : f32 to vector<16xf32>
        %mul3A_519 = arith.mulf %get3A_510, %mul3A_518 : vector<16xf32>
        %exp3A_520 = math.exp %mul3A_519 : vector<16xf32>
        %mul3A_521 = arith.mulf %get3A_516, %exp3A_520 : vector<16xf32>
        %add3A_522 = arith.addf %scan3A_487, %mul3A_521 : vector<16xf32>
        %add3A_523 = arith.addf %scan3A_495, %exp3A_520 : vector<16xf32>
        %add3A_524 = arith.constant 16 : i32
        %add3A_525 = arith.addi %mul3A_504, %add3A_524 : i32
        %get3A_526 = arith.constant 0 : i32
        %get3A_527 = arith.index_cast %get3A_526 : i32 to index
        %get3A_528 = arith.index_cast %add3A_525 : i32 to index
        %get3A_529 = tpu.vector_load %arg13[%get3A_527, %get3A_528] {strides = array<i32>} : memref<2x9984xf32, #tpu.memory_space<vmem>>, vector<16xf32>,
        %add3A_530 = arith.constant 16 : i32
        %add3A_531 = arith.addi %mul3A_504, %add3A_530 : i32
        %get3A_532 = arith.constant 0 : i32
        %get3A_533 = arith.index_cast %get3A_532 : i32 to index
        %get3A_534 = arith.index_cast %add3A_531 : i32 to index
        %get3A_535 = tpu.vector_load %arg11[%get3A_533, %get3A_534] {strides = array<i32>} : memref<2x10000xf32, #tpu.memory_space<vmem>>, vector<16xf32>,
        %mul3A_536 = arith.constant 1.000000e+01 : f32
        %mul3A_537 = vector.broadcast %mul3A_536 : f32 to vector<16xf32>
        %mul3A_538 = arith.mulf %get3A_529, %mul3A_537 : vector<16xf32>
        %exp3A_539 = math.exp %mul3A_538 : vector<16xf32>
        %mul3A_540 = arith.mulf %get3A_535, %exp3A_539 : vector<16xf32>
        %add3A_541 = arith.addf %scan3A_488, %mul3A_540 : vector<16xf32>
        %add3A_542 = arith.addf %scan3A_496, %exp3A_539 : vector<16xf32>
        %add3A_543 = arith.constant 32 : i32
        %add3A_544 = arith.addi %mul3A_504, %add3A_543 : i32
        %get3A_545 = arith.constant 0 : i32
        %get3A_546 = arith.index_cast %get3A_545 : i32 to index
        %get3A_547 = arith.index_cast %add3A_544 : i32 to index
        %get3A_548 = tpu.vector_load %arg13[%get3A_546, %get3A_547] {strides = array<i32>} : memref<2x9984xf32, #tpu.memory_space<vmem>>, vector<16xf32>,
        %add3A_549 = arith.constant 32 : i32
        %add3A_550 = arith.addi %mul3A_504, %add3A_549 : i32
        %get3A_551 = arith.constant 0 : i32
        %get3A_552 = arith.index_cast %get3A_551 : i32 to index
        %get3A_553 = arith.index_cast %add3A_550 : i32 to index
        %get3A_554 = tpu.vector_load %arg11[%get3A_552, %get3A_553] {strides = array<i32>} : memref<2x10000xf32, #tpu.memory_space<vmem>>, vector<16xf32>,
        %mul3A_555 = arith.constant 1.000000e+01 : f32
        %mul3A_556 = vector.broadcast %mul3A_555 : f32 to vector<16xf32>
        %mul3A_557 = arith.mulf %get3A_548, %mul3A_556 : vector<16xf32>
        %exp3A_558 = math.exp %mul3A_557 : vector<16xf32>
        %mul3A_559 = arith.mulf %get3A_554, %exp3A_558 : vector<16xf32>
        %add3A_560 = arith.addf %scan3A_489, %mul3A_559 : vector<16xf32>
        %add3A_561 = arith.addf %scan3A_497, %exp3A_558 : vector<16xf32>
        %add3A_562 = arith.constant 48 : i32
        %add3A_563 = arith.addi %mul3A_504, %add3A_562 : i32
        %get3A_564 = arith.constant 0 : i32
        %get3A_565 = arith.index_cast %get3A_564 : i32 to index
        %get3A_566 = arith.index_cast %add3A_563 : i32 to index
        %get3A_567 = tpu.vector_load %arg13[%get3A_565, %get3A_566] {strides = array<i32>} : memref<2x9984xf32, #tpu.memory_space<vmem>>, vector<16xf32>,
        %add3A_568 = arith.constant 48 : i32
        %add3A_569 = arith.addi %mul3A_504, %add3A_568 : i32
        %get3A_570 = arith.constant 0 : i32
        %get3A_571 = arith.index_cast %get3A_570 : i32 to index
        %get3A_572 = arith.index_cast %add3A_569 : i32 to index
        %get3A_573 = tpu.vector_load %arg11[%get3A_571, %get3A_572] {strides = array<i32>} : memref<2x10000xf32, #tpu.memory_space<vmem>>, vector<16xf32>,
        %mul3A_574 = arith.constant 1.000000e+01 : f32
        %mul3A_575 = vector.broadcast %mul3A_574 : f32 to vector<16xf32>
        %mul3A_576 = arith.mulf %get3A_567, %mul3A_575 : vector<16xf32>
        %exp3A_577 = math.exp %mul3A_576 : vector<16xf32>
        %mul3A_578 = arith.mulf %get3A_573, %exp3A_577 : vector<16xf32>
        %add3A_579 = arith.addf %scan3A_490, %mul3A_578 : vector<16xf32>
        %add3A_580 = arith.addf %scan3A_498, %exp3A_577 : vector<16xf32>
        %add3A_581 = arith.constant 64 : i32
        %add3A_582 = arith.addi %mul3A_504, %add3A_581 : i32
        %get3A_583 = arith.constant 0 : i32
        %get3A_584 = arith.index_cast %get3A_583 : i32 to index
        %get3A_585 = arith.index_cast %add3A_582 : i32 to index
        %get3A_586 = tpu.vector_load %arg13[%get3A_584, %get3A_585] {strides = array<i32>} : memref<2x9984xf32, #tpu.memory_space<vmem>>, vector<16xf32>,
        %add3A_587 = arith.constant 64 : i32
        %add3A_588 = arith.addi %mul3A_504, %add3A_587 : i32
        %get3A_589 = arith.constant 0 : i32
        %get3A_590 = arith.index_cast %get3A_589 : i32 to index
        %get3A_591 = arith.index_cast %add3A_588 : i32 to index
        %get3A_592 = tpu.vector_load %arg11[%get3A_590, %get3A_591] {strides = array<i32>} : memref<2x10000xf32, #tpu.memory_space<vmem>>, vector<16xf32>,
        %mul3A_593 = arith.constant 1.000000e+01 : f32
        %mul3A_594 = vector.broadcast %mul3A_593 : f32 to vector<16xf32>
        %mul3A_595 = arith.mulf %get3A_586, %mul3A_594 : vector<16xf32>
        %exp3A_596 = math.exp %mul3A_595 : vector<16xf32>
        %mul3A_597 = arith.mulf %get3A_592, %exp3A_596 : vector<16xf32>
        %add3A_598 = arith.addf %scan3A_491, %mul3A_597 : vector<16xf32>
        %add3A_599 = arith.addf %scan3A_499, %exp3A_596 : vector<16xf32>
        %add3A_600 = arith.constant 80 : i32
        %add3A_601 = arith.addi %mul3A_504, %add3A_600 : i32
        %get3A_602 = arith.constant 0 : i32
        %get3A_603 = arith.index_cast %get3A_602 : i32 to index
        %get3A_604 = arith.index_cast %add3A_601 : i32 to index
        %get3A_605 = tpu.vector_load %arg13[%get3A_603, %get3A_604] {strides = array<i32>} : memref<2x9984xf32, #tpu.memory_space<vmem>>, vector<16xf32>,
        %add3A_606 = arith.constant 80 : i32
        %add3A_607 = arith.addi %mul3A_504, %add3A_606 : i32
        %get3A_608 = arith.constant 0 : i32
        %get3A_609 = arith.index_cast %get3A_608 : i32 to index
        %get3A_610 = arith.index_cast %add3A_607 : i32 to index
        %get3A_611 = tpu.vector_load %arg11[%get3A_609, %get3A_610] {strides = array<i32>} : memref<2x10000xf32, #tpu.memory_space<vmem>>, vector<16xf32>,
        %mul3A_612 = arith.constant 1.000000e+01 : f32
        %mul3A_613 = vector.broadcast %mul3A_612 : f32 to vector<16xf32>
        %mul3A_614 = arith.mulf %get3A_605, %mul3A_613 : vector<16xf32>
        %exp3A_615 = math.exp %mul3A_614 : vector<16xf32>
        %mul3A_616 = arith.mulf %get3A_611, %exp3A_615 : vector<16xf32>
        %add3A_617 = arith.addf %scan3A_492, %mul3A_616 : vector<16xf32>
        %add3A_618 = arith.addf %scan3A_500, %exp3A_615 : vector<16xf32>
        %add3A_619 = arith.constant 96 : i32
        %add3A_620 = arith.addi %mul3A_504, %add3A_619 : i32
        %get3A_621 = arith.constant 0 : i32
        %get3A_622 = arith.index_cast %get3A_621 : i32 to index
        %get3A_623 = arith.index_cast %add3A_620 : i32 to index
        %get3A_624 = tpu.vector_load %arg13[%get3A_622, %get3A_623] {strides = array<i32>} : memref<2x9984xf32, #tpu.memory_space<vmem>>, vector<16xf32>,
        %add3A_625 = arith.constant 96 : i32
        %add3A_626 = arith.addi %mul3A_504, %add3A_625 : i32
        %get3A_627 = arith.constant 0 : i32
        %get3A_628 = arith.index_cast %get3A_627 : i32 to index
        %get3A_629 = arith.index_cast %add3A_626 : i32 to index
        %get3A_630 = tpu.vector_load %arg11[%get3A_628, %get3A_629] {strides = array<i32>} : memref<2x10000xf32, #tpu.memory_space<vmem>>, vector<16xf32>,
        %mul3A_631 = arith.constant 1.000000e+01 : f32
        %mul3A_632 = vector.broadcast %mul3A_631 : f32 to vector<16xf32>
        %mul3A_633 = arith.mulf %get3A_624, %mul3A_632 : vector<16xf32>
        %exp3A_634 = math.exp %mul3A_633 : vector<16xf32>
        %mul3A_635 = arith.mulf %get3A_630, %exp3A_634 : vector<16xf32>
        %add3A_636 = arith.addf %scan3A_493, %mul3A_635 : vector<16xf32>
        %add3A_637 = arith.addf %scan3A_501, %exp3A_634 : vector<16xf32>
        %add3A_638 = arith.constant 112 : i32
        %add3A_639 = arith.addi %mul3A_504, %add3A_638 : i32
        %get3A_640 = arith.constant 0 : i32
        %get3A_641 = arith.index_cast %get3A_640 : i32 to index
        %get3A_642 = arith.index_cast %add3A_639 : i32 to index
        %get3A_643 = tpu.vector_load %arg13[%get3A_641, %get3A_642] {strides = array<i32>} : memref<2x9984xf32, #tpu.memory_space<vmem>>, vector<16xf32>,
        %add3A_644 = arith.constant 112 : i32
        %add3A_645 = arith.addi %mul3A_504, %add3A_644 : i32
        %get3A_646 = arith.constant 0 : i32
        %get3A_647 = arith.index_cast %get3A_646 : i32 to index
        %get3A_648 = arith.index_cast %add3A_645 : i32 to index
        %get3A_649 = tpu.vector_load %arg11[%get3A_647, %get3A_648] {strides = array<i32>} : memref<2x10000xf32, #tpu.memory_space<vmem>>, vector<16xf32>,
        %mul3A_650 = arith.constant 1.000000e+01 : f32
        %mul3A_651 = vector.broadcast %mul3A_650 : f32 to vector<16xf32>
        %mul3A_652 = arith.mulf %get3A_643, %mul3A_651 : vector<16xf32>
        %exp3A_653 = math.exp %mul3A_652 : vector<16xf32>
        %mul3A_654 = arith.mulf %get3A_649, %exp3A_653 : vector<16xf32>
        %add3A_655 = arith.addf %scan3A_494, %mul3A_654 : vector<16xf32>
        %add3A_656 = arith.addf %scan3A_502, %exp3A_653 : vector<16xf32>
        scf.yield %add3A_522, %add3A_541, %add3A_560, %add3A_579, %add3A_598, %add3A_617, %add3A_636, %add3A_655, %add3A_523, %add3A_542, %add3A_561, %add3A_580, %add3A_599, %add3A_618, %add3A_637, %add3A_656 : vector<16xf32>, vector<16xf32>, vector<16xf32>, vector<16xf32>, vector<16xf32>, vector<16xf32>, vector<16xf32>, vector<16xf32>, vector<16xf32>, vector<16xf32>, vector<16xf32>, vector<16xf32>, vector<16xf32>, vector<16xf32>, vector<16xf32>, vector<16xf32>
      }
      %scan3A_355 = arith.constant 78 : i32
      %add3A_356 = arith.addf %scan3A_354#0, %scan3A_354#1 : vector<16xf32>
      %add3A_357 = arith.addf %add3A_356, %scan3A_354#2 : vector<16xf32>
      %add3A_358 = arith.addf %add3A_357, %scan3A_354#3 : vector<16xf32>
      %add3A_359 = arith.addf %add3A_358, %scan3A_354#4 : vector<16xf32>
      %add3A_360 = arith.addf %add3A_359, %scan3A_354#5 : vector<16xf32>
      %add3A_361 = arith.addf %add3A_360, %scan3A_354#6 : vector<16xf32>
      %add3A_362 = arith.addf %add3A_361, %scan3A_354#7 : vector<16xf32>
      %add3A_363 = arith.addf %scan3A_354#8, %scan3A_354#9 : vector<16xf32>
      %add3A_364 = arith.addf %add3A_363, %scan3A_354#10 : vector<16xf32>
      %add3A_365 = arith.addf %add3A_364, %scan3A_354#11 : vector<16xf32>
      %add3A_366 = arith.addf %add3A_365, %scan3A_354#12 : vector<16xf32>
      %add3A_367 = arith.addf %add3A_366, %scan3A_354#13 : vector<16xf32>
      %add3A_368 = arith.addf %add3A_367, %scan3A_354#14 : vector<16xf32>
      %add3A_369 = arith.addf %add3A_368, %scan3A_354#15 : vector<16xf32>
      %get3A_370 = arith.constant 0 : i32
      %get3A_371 = arith.index_cast %get3A_370 : i32 to index
      %get3A_372 = arith.constant 112 : index
      %get3A_373 = tpu.vector_load %arg15[%get3A_371, %get3A_372] {strides = array<i32>} : memref<2x128xf32, #tpu.memory_space<vmem>>, vector<16xf32>,
      %get3A_374 = arith.constant 0 : i32
      %get3A_375 = arith.index_cast %get3A_374 : i32 to index
      %get3A_376 = arith.constant 9984 : index
      %get3A_377 = tpu.vector_load %arg11[%get3A_375, %get3A_376] {strides = array<i32>} : memref<2x10000xf32, #tpu.memory_space<vmem>>, vector<16xf32>,
      %mul3A_378 = arith.constant 1.000000e+01 : f32
      %mul3A_379 = vector.broadcast %mul3A_378 : f32 to vector<16xf32>
      %mul3A_380 = arith.mulf %get3A_373, %mul3A_379 : vector<16xf32>
      %exp3A_381 = math.exp %mul3A_380 : vector<16xf32>
      %mul3A_382 = arith.mulf %get3A_377, %exp3A_381 : vector<16xf32>
      %add3A_383 = arith.addf %add3A_362, %mul3A_382 : vector<16xf32>
      %add3A_384 = arith.addf %add3A_369, %exp3A_381 : vector<16xf32>
      %broadcast_in_dim3A_385 = vector.broadcast %add3A_347 : i32 to vector<16xi32>
      %gather3A_386 = tpu.vector_load_idx %arg9[%broadcast_in_dim3A_385] : memref<64xf32, #tpu.memory_space<vmem>>[vector<16xi32>], vector<16xf32>,
      %mul3A_387 = arith.constant 16 : i32
      %mul3A_388 = arith.muli %mul3A_387, %add3A_64 : i32
      %add3A_389 = arith.constant 0 : i32
      %add3A_390 = arith.addi %mul3A_388, %add3A_389 : i32
      %broadcast_in_dim3A_391 = vector.broadcast %add3A_390 : i32 to vector<16xi32>
      %gather3A_392 = tpu.vector_load_idx %arg8[%broadcast_in_dim3A_391] : memref<512xi32, #tpu.memory_space<vmem>>[vector<16xi32>], vector<16xi32>,
      %broadcast_in_dim3A_393 = arith.constant 0 : i32
      %broadcast_in_dim3A_394 = vector.broadcast %broadcast_in_dim3A_393 : i32 to vector<16xi32>
      %gather3A_395 = tpu.vector_load_idx %arg11[%broadcast_in_dim3A_394, %gather3A_392] : memref<2x10000xf32, #tpu.memory_space<vmem>>[vector<16xi32>, vector<16xi32>], vector<16xf32>,
      %eq3A_396 = arith.constant 0 : i32
      %eq3A_397 = vector.broadcast %eq3A_396 : i32 to vector<16xi32>
      %eq3A_398 = arith.cmpi eq, %iota3A, %eq3A_397 : vector<16xi32>
      %mul3A_399 = arith.constant 4.5399931E-5 : f32
      %mul3A_400 = vector.broadcast %mul3A_399 : f32 to vector<16xf32>
      %mul3A_401 = arith.mulf %gather3A_386, %mul3A_400 : vector<16xf32>
      %mul3A_402 = arith.mulf %add3A_383, %mul3A_401 : vector<16xf32>
      %add3A_403 = arith.addf %add3A_282, %mul3A_402 : vector<16xf32>
      %mul3A_404 = arith.mulf %add3A_384, %mul3A_401 : vector<16xf32>
      %add3A_405 = arith.addf %add3A_284, %mul3A_404 : vector<16xf32>
      %mul3A_406 = arith.mulf %gather3A_395, %gather3A_386 : vector<16xf32>
      %jit3A_407 = arith.constant 0.000000e+00 : f32
      %broadcast_in_dim3A_408 = vector.broadcast %jit3A_407 : f32 to vector<16xf32>
      %select_n3A_409 = arith.select %eq3A_398, %mul3A_406, %broadcast_in_dim3A_408 : vector<16xi1>, vector<16xf32>
      %add3A_410 = arith.addf %add3A_289, %select_n3A_409 : vector<16xf32>
      %jit3A_411 = arith.constant 0.000000e+00 : f32
      %broadcast_in_dim3A_412 = vector.broadcast %jit3A_411 : f32 to vector<16xf32>
      %select_n3A_413 = arith.select %eq3A_398, %gather3A_386, %broadcast_in_dim3A_412 : vector<16xi1>, vector<16xf32>
      %add3A_414 = arith.addf %add3A_293, %select_n3A_413 : vector<16xf32>
      %mul3A_415 = arith.constant 2 : i32
      %mul3A_416 = arith.muli %mul3A_415, %add3A_64 : i32
      %add3A_417 = arith.constant 1 : i32
      %add3A_418 = arith.addi %mul3A_416, %add3A_417 : i32
      %broadcast_in_dim3A_419 = arith.constant 0.000000e+00 : f32
      %broadcast_in_dim3A_420 = vector.broadcast %broadcast_in_dim3A_419 : f32 to vector<16xf32>
      %scan3A_421 = arith.constant 0 : i32
      %scan3A_422 = arith.constant 78 : i32
      %scan3A_423 = arith.addi %scan3A_421, %scan3A_422 : i32
      %scan3A_424 = arith.constant 1 : i32
      %scan3A_425:16 = scf.for %scan3A_486 = %scan3A_421 to %scan3A_423 step %scan3A_424 iter_args(%scan3A_487 = %broadcast_in_dim3A_420, %scan3A_488 = %broadcast_in_dim3A_420, %scan3A_489 = %broadcast_in_dim3A_420, %scan3A_490 = %broadcast_in_dim3A_420, %scan3A_491 = %broadcast_in_dim3A_420, %scan3A_492 = %broadcast_in_dim3A_420, %scan3A_493 = %broadcast_in_dim3A_420, %scan3A_494 = %broadcast_in_dim3A_420, %scan3A_495 = %broadcast_in_dim3A_420, %scan3A_496 = %broadcast_in_dim3A_420, %scan3A_497 = %broadcast_in_dim3A_420, %scan3A_498 = %broadcast_in_dim3A_420, %scan3A_499 = %broadcast_in_dim3A_420, %scan3A_500 = %broadcast_in_dim3A_420, %scan3A_501 = %broadcast_in_dim3A_420, %scan3A_502 = %broadcast_in_dim3A_420) -> (vector<16xf32>, vector<16xf32>, vector<16xf32>, vector<16xf32>, vector<16xf32>, vector<16xf32>, vector<16xf32>, vector<16xf32>, vector<16xf32>, vector<16xf32>, vector<16xf32>, vector<16xf32>, vector<16xf32>, vector<16xf32>, vector<16xf32>, vector<16xf32>)  : i32 {
        %mul3A_503 = arith.constant 128 : i32
        %mul3A_504 = arith.muli %scan3A_486, %mul3A_503 : i32
        %add3A_505 = arith.constant 0 : i32
        %add3A_506 = arith.addi %mul3A_504, %add3A_505 : i32
        %get3A_507 = arith.constant 1 : i32
        %get3A_508 = arith.index_cast %get3A_507 : i32 to index
        %get3A_509 = arith.index_cast %add3A_506 : i32 to index
        %get3A_510 = tpu.vector_load %arg13[%get3A_508, %get3A_509] {strides = array<i32>} : memref<2x9984xf32, #tpu.memory_space<vmem>>, vector<16xf32>,
        %add3A_511 = arith.constant 0 : i32
        %add3A_512 = arith.addi %mul3A_504, %add3A_511 : i32
        %get3A_513 = arith.constant 1 : i32
        %get3A_514 = arith.index_cast %get3A_513 : i32 to index
        %get3A_515 = arith.index_cast %add3A_512 : i32 to index
        %get3A_516 = tpu.vector_load %arg11[%get3A_514, %get3A_515] {strides = array<i32>} : memref<2x10000xf32, #tpu.memory_space<vmem>>, vector<16xf32>,
        %mul3A_517 = arith.constant 1.000000e+01 : f32
        %mul3A_518 = vector.broadcast %mul3A_517 : f32 to vector<16xf32>
        %mul3A_519 = arith.mulf %get3A_510, %mul3A_518 : vector<16xf32>
        %exp3A_520 = math.exp %mul3A_519 : vector<16xf32>
        %mul3A_521 = arith.mulf %get3A_516, %exp3A_520 : vector<16xf32>
        %add3A_522 = arith.addf %scan3A_487, %mul3A_521 : vector<16xf32>
        %add3A_523 = arith.addf %scan3A_495, %exp3A_520 : vector<16xf32>
        %add3A_524 = arith.constant 16 : i32
        %add3A_525 = arith.addi %mul3A_504, %add3A_524 : i32
        %get3A_526 = arith.constant 1 : i32
        %get3A_527 = arith.index_cast %get3A_526 : i32 to index
        %get3A_528 = arith.index_cast %add3A_525 : i32 to index
        %get3A_529 = tpu.vector_load %arg13[%get3A_527, %get3A_528] {strides = array<i32>} : memref<2x9984xf32, #tpu.memory_space<vmem>>, vector<16xf32>,
        %add3A_530 = arith.constant 16 : i32
        %add3A_531 = arith.addi %mul3A_504, %add3A_530 : i32
        %get3A_532 = arith.constant 1 : i32
        %get3A_533 = arith.index_cast %get3A_532 : i32 to index
        %get3A_534 = arith.index_cast %add3A_531 : i32 to index
        %get3A_535 = tpu.vector_load %arg11[%get3A_533, %get3A_534] {strides = array<i32>} : memref<2x10000xf32, #tpu.memory_space<vmem>>, vector<16xf32>,
        %mul3A_536 = arith.constant 1.000000e+01 : f32
        %mul3A_537 = vector.broadcast %mul3A_536 : f32 to vector<16xf32>
        %mul3A_538 = arith.mulf %get3A_529, %mul3A_537 : vector<16xf32>
        %exp3A_539 = math.exp %mul3A_538 : vector<16xf32>
        %mul3A_540 = arith.mulf %get3A_535, %exp3A_539 : vector<16xf32>
        %add3A_541 = arith.addf %scan3A_488, %mul3A_540 : vector<16xf32>
        %add3A_542 = arith.addf %scan3A_496, %exp3A_539 : vector<16xf32>
        %add3A_543 = arith.constant 32 : i32
        %add3A_544 = arith.addi %mul3A_504, %add3A_543 : i32
        %get3A_545 = arith.constant 1 : i32
        %get3A_546 = arith.index_cast %get3A_545 : i32 to index
        %get3A_547 = arith.index_cast %add3A_544 : i32 to index
        %get3A_548 = tpu.vector_load %arg13[%get3A_546, %get3A_547] {strides = array<i32>} : memref<2x9984xf32, #tpu.memory_space<vmem>>, vector<16xf32>,
        %add3A_549 = arith.constant 32 : i32
        %add3A_550 = arith.addi %mul3A_504, %add3A_549 : i32
        %get3A_551 = arith.constant 1 : i32
        %get3A_552 = arith.index_cast %get3A_551 : i32 to index
        %get3A_553 = arith.index_cast %add3A_550 : i32 to index
        %get3A_554 = tpu.vector_load %arg11[%get3A_552, %get3A_553] {strides = array<i32>} : memref<2x10000xf32, #tpu.memory_space<vmem>>, vector<16xf32>,
        %mul3A_555 = arith.constant 1.000000e+01 : f32
        %mul3A_556 = vector.broadcast %mul3A_555 : f32 to vector<16xf32>
        %mul3A_557 = arith.mulf %get3A_548, %mul3A_556 : vector<16xf32>
        %exp3A_558 = math.exp %mul3A_557 : vector<16xf32>
        %mul3A_559 = arith.mulf %get3A_554, %exp3A_558 : vector<16xf32>
        %add3A_560 = arith.addf %scan3A_489, %mul3A_559 : vector<16xf32>
        %add3A_561 = arith.addf %scan3A_497, %exp3A_558 : vector<16xf32>
        %add3A_562 = arith.constant 48 : i32
        %add3A_563 = arith.addi %mul3A_504, %add3A_562 : i32
        %get3A_564 = arith.constant 1 : i32
        %get3A_565 = arith.index_cast %get3A_564 : i32 to index
        %get3A_566 = arith.index_cast %add3A_563 : i32 to index
        %get3A_567 = tpu.vector_load %arg13[%get3A_565, %get3A_566] {strides = array<i32>} : memref<2x9984xf32, #tpu.memory_space<vmem>>, vector<16xf32>,
        %add3A_568 = arith.constant 48 : i32
        %add3A_569 = arith.addi %mul3A_504, %add3A_568 : i32
        %get3A_570 = arith.constant 1 : i32
        %get3A_571 = arith.index_cast %get3A_570 : i32 to index
        %get3A_572 = arith.index_cast %add3A_569 : i32 to index
        %get3A_573 = tpu.vector_load %arg11[%get3A_571, %get3A_572] {strides = array<i32>} : memref<2x10000xf32, #tpu.memory_space<vmem>>, vector<16xf32>,
        %mul3A_574 = arith.constant 1.000000e+01 : f32
        %mul3A_575 = vector.broadcast %mul3A_574 : f32 to vector<16xf32>
        %mul3A_576 = arith.mulf %get3A_567, %mul3A_575 : vector<16xf32>
        %exp3A_577 = math.exp %mul3A_576 : vector<16xf32>
        %mul3A_578 = arith.mulf %get3A_573, %exp3A_577 : vector<16xf32>
        %add3A_579 = arith.addf %scan3A_490, %mul3A_578 : vector<16xf32>
        %add3A_580 = arith.addf %scan3A_498, %exp3A_577 : vector<16xf32>
        %add3A_581 = arith.constant 64 : i32
        %add3A_582 = arith.addi %mul3A_504, %add3A_581 : i32
        %get3A_583 = arith.constant 1 : i32
        %get3A_584 = arith.index_cast %get3A_583 : i32 to index
        %get3A_585 = arith.index_cast %add3A_582 : i32 to index
        %get3A_586 = tpu.vector_load %arg13[%get3A_584, %get3A_585] {strides = array<i32>} : memref<2x9984xf32, #tpu.memory_space<vmem>>, vector<16xf32>,
        %add3A_587 = arith.constant 64 : i32
        %add3A_588 = arith.addi %mul3A_504, %add3A_587 : i32
        %get3A_589 = arith.constant 1 : i32
        %get3A_590 = arith.index_cast %get3A_589 : i32 to index
        %get3A_591 = arith.index_cast %add3A_588 : i32 to index
        %get3A_592 = tpu.vector_load %arg11[%get3A_590, %get3A_591] {strides = array<i32>} : memref<2x10000xf32, #tpu.memory_space<vmem>>, vector<16xf32>,
        %mul3A_593 = arith.constant 1.000000e+01 : f32
        %mul3A_594 = vector.broadcast %mul3A_593 : f32 to vector<16xf32>
        %mul3A_595 = arith.mulf %get3A_586, %mul3A_594 : vector<16xf32>
        %exp3A_596 = math.exp %mul3A_595 : vector<16xf32>
        %mul3A_597 = arith.mulf %get3A_592, %exp3A_596 : vector<16xf32>
        %add3A_598 = arith.addf %scan3A_491, %mul3A_597 : vector<16xf32>
        %add3A_599 = arith.addf %scan3A_499, %exp3A_596 : vector<16xf32>
        %add3A_600 = arith.constant 80 : i32
        %add3A_601 = arith.addi %mul3A_504, %add3A_600 : i32
        %get3A_602 = arith.constant 1 : i32
        %get3A_603 = arith.index_cast %get3A_602 : i32 to index
        %get3A_604 = arith.index_cast %add3A_601 : i32 to index
        %get3A_605 = tpu.vector_load %arg13[%get3A_603, %get3A_604] {strides = array<i32>} : memref<2x9984xf32, #tpu.memory_space<vmem>>, vector<16xf32>,
        %add3A_606 = arith.constant 80 : i32
        %add3A_607 = arith.addi %mul3A_504, %add3A_606 : i32
        %get3A_608 = arith.constant 1 : i32
        %get3A_609 = arith.index_cast %get3A_608 : i32 to index
        %get3A_610 = arith.index_cast %add3A_607 : i32 to index
        %get3A_611 = tpu.vector_load %arg11[%get3A_609, %get3A_610] {strides = array<i32>} : memref<2x10000xf32, #tpu.memory_space<vmem>>, vector<16xf32>,
        %mul3A_612 = arith.constant 1.000000e+01 : f32
        %mul3A_613 = vector.broadcast %mul3A_612 : f32 to vector<16xf32>
        %mul3A_614 = arith.mulf %get3A_605, %mul3A_613 : vector<16xf32>
        %exp3A_615 = math.exp %mul3A_614 : vector<16xf32>
        %mul3A_616 = arith.mulf %get3A_611, %exp3A_615 : vector<16xf32>
        %add3A_617 = arith.addf %scan3A_492, %mul3A_616 : vector<16xf32>
        %add3A_618 = arith.addf %scan3A_500, %exp3A_615 : vector<16xf32>
        %add3A_619 = arith.constant 96 : i32
        %add3A_620 = arith.addi %mul3A_504, %add3A_619 : i32
        %get3A_621 = arith.constant 1 : i32
        %get3A_622 = arith.index_cast %get3A_621 : i32 to index
        %get3A_623 = arith.index_cast %add3A_620 : i32 to index
        %get3A_624 = tpu.vector_load %arg13[%get3A_622, %get3A_623] {strides = array<i32>} : memref<2x9984xf32, #tpu.memory_space<vmem>>, vector<16xf32>,
        %add3A_625 = arith.constant 96 : i32
        %add3A_626 = arith.addi %mul3A_504, %add3A_625 : i32
        %get3A_627 = arith.constant 1 : i32
        %get3A_628 = arith.index_cast %get3A_627 : i32 to index
        %get3A_629 = arith.index_cast %add3A_626 : i32 to index
        %get3A_630 = tpu.vector_load %arg11[%get3A_628, %get3A_629] {strides = array<i32>} : memref<2x10000xf32, #tpu.memory_space<vmem>>, vector<16xf32>,
        %mul3A_631 = arith.constant 1.000000e+01 : f32
        %mul3A_632 = vector.broadcast %mul3A_631 : f32 to vector<16xf32>
        %mul3A_633 = arith.mulf %get3A_624, %mul3A_632 : vector<16xf32>
        %exp3A_634 = math.exp %mul3A_633 : vector<16xf32>
        %mul3A_635 = arith.mulf %get3A_630, %exp3A_634 : vector<16xf32>
        %add3A_636 = arith.addf %scan3A_493, %mul3A_635 : vector<16xf32>
        %add3A_637 = arith.addf %scan3A_501, %exp3A_634 : vector<16xf32>
        %add3A_638 = arith.constant 112 : i32
        %add3A_639 = arith.addi %mul3A_504, %add3A_638 : i32
        %get3A_640 = arith.constant 1 : i32
        %get3A_641 = arith.index_cast %get3A_640 : i32 to index
        %get3A_642 = arith.index_cast %add3A_639 : i32 to index
        %get3A_643 = tpu.vector_load %arg13[%get3A_641, %get3A_642] {strides = array<i32>} : memref<2x9984xf32, #tpu.memory_space<vmem>>, vector<16xf32>,
        %add3A_644 = arith.constant 112 : i32
        %add3A_645 = arith.addi %mul3A_504, %add3A_644 : i32
        %get3A_646 = arith.constant 1 : i32
        %get3A_647 = arith.index_cast %get3A_646 : i32 to index
        %get3A_648 = arith.index_cast %add3A_645 : i32 to index
        %get3A_649 = tpu.vector_load %arg11[%get3A_647, %get3A_648] {strides = array<i32>} : memref<2x10000xf32, #tpu.memory_space<vmem>>, vector<16xf32>,
        %mul3A_650 = arith.constant 1.000000e+01 : f32
        %mul3A_651 = vector.broadcast %mul3A_650 : f32 to vector<16xf32>
        %mul3A_652 = arith.mulf %get3A_643, %mul3A_651 : vector<16xf32>
        %exp3A_653 = math.exp %mul3A_652 : vector<16xf32>
        %mul3A_654 = arith.mulf %get3A_649, %exp3A_653 : vector<16xf32>
        %add3A_655 = arith.addf %scan3A_494, %mul3A_654 : vector<16xf32>
        %add3A_656 = arith.addf %scan3A_502, %exp3A_653 : vector<16xf32>
        scf.yield %add3A_522, %add3A_541, %add3A_560, %add3A_579, %add3A_598, %add3A_617, %add3A_636, %add3A_655, %add3A_523, %add3A_542, %add3A_561, %add3A_580, %add3A_599, %add3A_618, %add3A_637, %add3A_656 : vector<16xf32>, vector<16xf32>, vector<16xf32>, vector<16xf32>, vector<16xf32>, vector<16xf32>, vector<16xf32>, vector<16xf32>, vector<16xf32>, vector<16xf32>, vector<16xf32>, vector<16xf32>, vector<16xf32>, vector<16xf32>, vector<16xf32>, vector<16xf32>
      }
      %scan3A_426 = arith.constant 78 : i32
      %add3A_427 = arith.addf %scan3A_425#0, %scan3A_425#1 : vector<16xf32>
      %add3A_428 = arith.addf %add3A_427, %scan3A_425#2 : vector<16xf32>
      %add3A_429 = arith.addf %add3A_428, %scan3A_425#3 : vector<16xf32>
      %add3A_430 = arith.addf %add3A_429, %scan3A_425#4 : vector<16xf32>
      %add3A_431 = arith.addf %add3A_430, %scan3A_425#5 : vector<16xf32>
      %add3A_432 = arith.addf %add3A_431, %scan3A_425#6 : vector<16xf32>
      %add3A_433 = arith.addf %add3A_432, %scan3A_425#7 : vector<16xf32>
      %add3A_434 = arith.addf %scan3A_425#8, %scan3A_425#9 : vector<16xf32>
      %add3A_435 = arith.addf %add3A_434, %scan3A_425#10 : vector<16xf32>
      %add3A_436 = arith.addf %add3A_435, %scan3A_425#11 : vector<16xf32>
      %add3A_437 = arith.addf %add3A_436, %scan3A_425#12 : vector<16xf32>
      %add3A_438 = arith.addf %add3A_437, %scan3A_425#13 : vector<16xf32>
      %add3A_439 = arith.addf %add3A_438, %scan3A_425#14 : vector<16xf32>
      %add3A_440 = arith.addf %add3A_439, %scan3A_425#15 : vector<16xf32>
      %get3A_441 = arith.constant 1 : i32
      %get3A_442 = arith.index_cast %get3A_441 : i32 to index
      %get3A_443 = arith.constant 112 : index
      %get3A_444 = tpu.vector_load %arg15[%get3A_442, %get3A_443] {strides = array<i32>} : memref<2x128xf32, #tpu.memory_space<vmem>>, vector<16xf32>,
      %get3A_445 = arith.constant 1 : i32
      %get3A_446 = arith.index_cast %get3A_445 : i32 to index
      %get3A_447 = arith.constant 9984 : index
      %get3A_448 = tpu.vector_load %arg11[%get3A_446, %get3A_447] {strides = array<i32>} : memref<2x10000xf32, #tpu.memory_space<vmem>>, vector<16xf32>,
      %mul3A_449 = arith.constant 1.000000e+01 : f32
      %mul3A_450 = vector.broadcast %mul3A_449 : f32 to vector<16xf32>
      %mul3A_451 = arith.mulf %get3A_444, %mul3A_450 : vector<16xf32>
      %exp3A_452 = math.exp %mul3A_451 : vector<16xf32>
      %mul3A_453 = arith.mulf %get3A_448, %exp3A_452 : vector<16xf32>
      %add3A_454 = arith.addf %add3A_433, %mul3A_453 : vector<16xf32>
      %add3A_455 = arith.addf %add3A_440, %exp3A_452 : vector<16xf32>
      %broadcast_in_dim3A_456 = vector.broadcast %add3A_418 : i32 to vector<16xi32>
      %gather3A_457 = tpu.vector_load_idx %arg9[%broadcast_in_dim3A_456] : memref<64xf32, #tpu.memory_space<vmem>>[vector<16xi32>], vector<16xf32>,
      %mul3A_458 = arith.constant 16 : i32
      %mul3A_459 = arith.muli %mul3A_458, %add3A_64 : i32
      %add3A_460 = arith.constant 1 : i32
      %add3A_461 = arith.addi %mul3A_459, %add3A_460 : i32
      %broadcast_in_dim3A_462 = vector.broadcast %add3A_461 : i32 to vector<16xi32>
      %gather3A_463 = tpu.vector_load_idx %arg8[%broadcast_in_dim3A_462] : memref<512xi32, #tpu.memory_space<vmem>>[vector<16xi32>], vector<16xi32>,
      %broadcast_in_dim3A_464 = arith.constant 1 : i32
      %broadcast_in_dim3A_465 = vector.broadcast %broadcast_in_dim3A_464 : i32 to vector<16xi32>
      %gather3A_466 = tpu.vector_load_idx %arg11[%broadcast_in_dim3A_465, %gather3A_463] : memref<2x10000xf32, #tpu.memory_space<vmem>>[vector<16xi32>, vector<16xi32>], vector<16xf32>,
      %eq3A_467 = arith.constant 0 : i32
      %eq3A_468 = vector.broadcast %eq3A_467 : i32 to vector<16xi32>
      %eq3A_469 = arith.cmpi eq, %iota3A, %eq3A_468 : vector<16xi32>
      %mul3A_470 = arith.constant 4.5399931E-5 : f32
      %mul3A_471 = vector.broadcast %mul3A_470 : f32 to vector<16xf32>
      %mul3A_472 = arith.mulf %gather3A_457, %mul3A_471 : vector<16xf32>
      %mul3A_473 = arith.mulf %add3A_454, %mul3A_472 : vector<16xf32>
      %add3A_474 = arith.addf %add3A_403, %mul3A_473 : vector<16xf32>
      %mul3A_475 = arith.mulf %add3A_455, %mul3A_472 : vector<16xf32>
      %add3A_476 = arith.addf %add3A_405, %mul3A_475 : vector<16xf32>
      %mul3A_477 = arith.mulf %gather3A_466, %gather3A_457 : vector<16xf32>
      %jit3A_478 = arith.constant 0.000000e+00 : f32
      %broadcast_in_dim3A_479 = vector.broadcast %jit3A_478 : f32 to vector<16xf32>
      %select_n3A_480 = arith.select %eq3A_469, %mul3A_477, %broadcast_in_dim3A_479 : vector<16xi1>, vector<16xf32>
      %add3A_481 = arith.addf %add3A_410, %select_n3A_480 : vector<16xf32>
      %jit3A_482 = arith.constant 0.000000e+00 : f32
      %broadcast_in_dim3A_483 = vector.broadcast %jit3A_482 : f32 to vector<16xf32>
      %select_n3A_484 = arith.select %eq3A_469, %gather3A_457, %broadcast_in_dim3A_483 : vector<16xi1>, vector<16xf32>
      %add3A_485 = arith.addf %add3A_414, %select_n3A_484 : vector<16xf32>
      scf.yield %add3A_474, %add3A_476, %add3A_481, %add3A_485 : vector<16xf32>, vector<16xf32>, vector<16xf32>, vector<16xf32>
    }
    %scan3A_48 = arith.constant 16 : i32
    %swap3A = arith.constant 0 : index
    %swap3A_49 = tpu.vector_load %arg16[%swap3A] {strides = array<i32>} : memref<64xf32, #tpu.memory_space<vmem>>, vector<16xf32>,
    tpu.vector_store %arg16[%swap3A], %scan3A_47#0 {strides = array<i32>} : memref<64xf32, #tpu.memory_space<vmem>>, vector<16xf32>,
    %swap3A_50 = arith.constant 16 : index
    %swap3A_51 = tpu.vector_load %arg16[%swap3A_50] {strides = array<i32>} : memref<64xf32, #tpu.memory_space<vmem>>, vector<16xf32>,
    tpu.vector_store %arg16[%swap3A_50], %scan3A_47#1 {strides = array<i32>} : memref<64xf32, #tpu.memory_space<vmem>>, vector<16xf32>,
    %swap3A_52 = arith.constant 32 : index
    %swap3A_53 = tpu.vector_load %arg16[%swap3A_52] {strides = array<i32>} : memref<64xf32, #tpu.memory_space<vmem>>, vector<16xf32>,
    tpu.vector_store %arg16[%swap3A_52], %scan3A_47#2 {strides = array<i32>} : memref<64xf32, #tpu.memory_space<vmem>>, vector<16xf32>,
    %swap3A_54 = arith.constant 48 : index
    %swap3A_55 = tpu.vector_load %arg16[%swap3A_54] {strides = array<i32>} : memref<64xf32, #tpu.memory_space<vmem>>, vector<16xf32>,
    tpu.vector_store %arg16[%swap3A_54], %scan3A_47#3 {strides = array<i32>} : memref<64xf32, #tpu.memory_space<vmem>>, vector<16xf32>,
    "tpu.region"() ({
      %run_scoped3A = tpu.sem_alloc : memref<!tpu.dma_semaphore, #tpu.memory_space<semaphore_mem>>
      %dma_start3A_56 = arith.constant 0 : i32
      %dma_start3A_57 = tpu.memref_slice %arg7[%add3A, %dma_start3A_56] : memref<32x64xf32, #tpu.memory_space<hbm>> -> memref<1x64xf32, #tpu.memory_space<hbm>>
      %dma_start3A_58 = tpu.memref_squeeze %dma_start3A_57 : memref<1x64xf32, #tpu.memory_space<hbm>> -> memref<64xf32, #tpu.memory_space<hbm>>
      %dma_start3A_59 = arith.constant 0 : i32
      %dma_start3A_60 = tpu.memref_slice %arg7[%add3A, %dma_start3A_59] : memref<32x64xf32, #tpu.memory_space<hbm>> -> memref<1x64xf32, #tpu.memory_space<hbm>>
      %dma_start3A_61 = tpu.memref_squeeze %dma_start3A_60 : memref<1x64xf32, #tpu.memory_space<hbm>> -> memref<64xf32, #tpu.memory_space<hbm>>
      tpu.enqueue_dma source(%arg16 : memref<64xf32, #tpu.memory_space<vmem>>) target(%dma_start3A_61 : memref<64xf32, #tpu.memory_space<hbm>>) target_semaphore(%run_scoped3A : memref<!tpu.dma_semaphore, #tpu.memory_space<semaphore_mem>>)
      %dma_wait3A = arith.constant 0 : i32
      %dma_wait3A_62 = tpu.memref_slice %arg7[%add3A, %dma_wait3A] : memref<32x64xf32, #tpu.memory_space<hbm>> -> memref<1x64xf32, #tpu.memory_space<hbm>>
      %dma_wait3A_63 = tpu.memref_squeeze %dma_wait3A_62 : memref<1x64xf32, #tpu.memory_space<hbm>> -> memref<64xf32, #tpu.memory_space<hbm>>
      %dma_wait3A_64 = arith.constant 0 : i32
      %dma_wait3A_65 = tpu.memref_slice %arg7[%add3A, %dma_wait3A_64] : memref<32x64xf32, #tpu.memory_space<hbm>> -> memref<1x64xf32, #tpu.memory_space<hbm>>
      %dma_wait3A_66 = tpu.memref_squeeze %dma_wait3A_65 : memref<1x64xf32, #tpu.memory_space<hbm>> -> memref<64xf32, #tpu.memory_space<hbm>>
      tpu.wait_dma2 semaphore(%run_scoped3A : memref<!tpu.dma_semaphore, #tpu.memory_space<semaphore_mem>>) src(%arg16 : memref<64xf32, #tpu.memory_space<vmem>>) dst(%dma_wait3A_66 : memref<64xf32, #tpu.memory_space<hbm>>)
      tpu.yield
    }) : () -> ()
    return
  }
}

module attributes {stable_mosaic.version = 14 : i64} {
  func.func @_epilogue_body(%arg0: memref<32x64xf32, #tpu.memory_space<vmem>>, %arg1: memref<1x1xf32, #tpu.memory_space<vmem>>, %arg2: memref<1x1xf32, #tpu.memory_space<vmem>>, %arg3: memref<1x1xf32, #tpu.memory_space<vmem>>, %arg4: memref<1x1xf32, #tpu.memory_space<vmem>>, %arg5: memref<1x1xf32, #tpu.memory_space<smem>>, %arg6: memref<1x1xf32, #tpu.memory_space<smem>>) attributes {dimension_semantics = [], scalar_prefetch = 0 : i64, scratch_operands = 0 : i64, tpu.core_type = #tpu.core_type<tc>} {
    %get3A = arith.constant 0 : index
    %get3A_0 = arith.constant 0 : index
    %get3A_1 = vector.load %arg0[%get3A, %get3A_0] : memref<32x64xf32, #tpu.memory_space<vmem>>, vector<32x64xf32>
    %slice3A = vector.extract_strided_slice %get3A_1 {offsets = [0, 0], sizes = [32, 16], strides = [1, 1]} : vector<32x64xf32> to vector<32x16xf32>
    %reduce_sum3A = vector.shape_cast %slice3A : vector<32x16xf32> to vector<1x32x16xf32>
    %reduce_sum3A_2 = arith.constant dense<0.000000e+00> : vector<1xf32>
    %reduce_sum3A_3 = vector.multi_reduction <add>, %reduce_sum3A, %reduce_sum3A_2 [1, 2] : vector<1x32x16xf32> to vector<1xf32>
    %reduce_sum3A_4 = vector.shape_cast %reduce_sum3A_3 : vector<1xf32> to vector<1x1x1xf32>
    %reduce_sum3A_5 = vector.extract %reduce_sum3A_4[0, 0, 0] : f32 from vector<1x1x1xf32>
    %get3A_6 = arith.constant 0 : index
    %get3A_7 = arith.constant 0 : index
    %get3A_8 = vector.load %arg1[%get3A_6, %get3A_7] : memref<1x1xf32, #tpu.memory_space<vmem>>, vector<1x1xf32>
    %get3A_9 = vector.extract %get3A_8[0, 0] : f32 from vector<1x1xf32>
    %add3A = arith.addf %reduce_sum3A_5, %get3A_9 : f32
    %slice3A_10 = vector.extract_strided_slice %get3A_1 {offsets = [0, 16], sizes = [32, 16], strides = [1, 1]} : vector<32x64xf32> to vector<32x16xf32>
    %reduce_sum3A_11 = vector.shape_cast %slice3A_10 : vector<32x16xf32> to vector<1x32x16xf32>
    %reduce_sum3A_12 = arith.constant dense<0.000000e+00> : vector<1xf32>
    %reduce_sum3A_13 = vector.multi_reduction <add>, %reduce_sum3A_11, %reduce_sum3A_12 [1, 2] : vector<1x32x16xf32> to vector<1xf32>
    %reduce_sum3A_14 = vector.shape_cast %reduce_sum3A_13 : vector<1xf32> to vector<1x1x1xf32>
    %reduce_sum3A_15 = vector.extract %reduce_sum3A_14[0, 0, 0] : f32 from vector<1x1x1xf32>
    %get3A_16 = arith.constant 0 : index
    %get3A_17 = arith.constant 0 : index
    %get3A_18 = vector.load %arg2[%get3A_16, %get3A_17] : memref<1x1xf32, #tpu.memory_space<vmem>>, vector<1x1xf32>
    %get3A_19 = vector.extract %get3A_18[0, 0] : f32 from vector<1x1xf32>
    %add3A_20 = arith.addf %reduce_sum3A_15, %get3A_19 : f32
    %slice3A_21 = vector.extract_strided_slice %get3A_1 {offsets = [0, 32], sizes = [32, 16], strides = [1, 1]} : vector<32x64xf32> to vector<32x16xf32>
    %reduce_sum3A_22 = vector.shape_cast %slice3A_21 : vector<32x16xf32> to vector<1x32x16xf32>
    %reduce_sum3A_23 = arith.constant dense<0.000000e+00> : vector<1xf32>
    %reduce_sum3A_24 = vector.multi_reduction <add>, %reduce_sum3A_22, %reduce_sum3A_23 [1, 2] : vector<1x32x16xf32> to vector<1xf32>
    %reduce_sum3A_25 = vector.shape_cast %reduce_sum3A_24 : vector<1xf32> to vector<1x1x1xf32>
    %reduce_sum3A_26 = vector.extract %reduce_sum3A_25[0, 0, 0] : f32 from vector<1x1x1xf32>
    %get3A_27 = arith.constant 0 : index
    %get3A_28 = arith.constant 0 : index
    %get3A_29 = vector.load %arg3[%get3A_27, %get3A_28] : memref<1x1xf32, #tpu.memory_space<vmem>>, vector<1x1xf32>
    %get3A_30 = vector.extract %get3A_29[0, 0] : f32 from vector<1x1xf32>
    %add3A_31 = arith.addf %reduce_sum3A_26, %get3A_30 : f32
    %slice3A_32 = vector.extract_strided_slice %get3A_1 {offsets = [0, 48], sizes = [32, 16], strides = [1, 1]} : vector<32x64xf32> to vector<32x16xf32>
    %reduce_sum3A_33 = vector.shape_cast %slice3A_32 : vector<32x16xf32> to vector<1x32x16xf32>
    %reduce_sum3A_34 = arith.constant dense<0.000000e+00> : vector<1xf32>
    %reduce_sum3A_35 = vector.multi_reduction <add>, %reduce_sum3A_33, %reduce_sum3A_34 [1, 2] : vector<1x32x16xf32> to vector<1xf32>
    %reduce_sum3A_36 = vector.shape_cast %reduce_sum3A_35 : vector<1xf32> to vector<1x1x1xf32>
    %reduce_sum3A_37 = vector.extract %reduce_sum3A_36[0, 0, 0] : f32 from vector<1x1x1xf32>
    %get3A_38 = arith.constant 0 : index
    %get3A_39 = arith.constant 0 : index
    %get3A_40 = vector.load %arg4[%get3A_38, %get3A_39] : memref<1x1xf32, #tpu.memory_space<vmem>>, vector<1x1xf32>
    %get3A_41 = vector.extract %get3A_40[0, 0] : f32 from vector<1x1xf32>
    %add3A_42 = arith.addf %reduce_sum3A_37, %get3A_41 : f32
    %neg3A = arith.constant 0.000000e+00 : f32
    %neg3A_43 = arith.subf %neg3A, %add3A_31 : f32
    %div3A = arith.divf %neg3A_43, %add3A_42 : f32
    %neg3A_44 = arith.constant 0.000000e+00 : f32
    %neg3A_45 = arith.subf %neg3A_44, %add3A : f32
    %div3A_46 = arith.divf %neg3A_45, %add3A_20 : f32
    %mul3A = arith.constant 0.699999988 : f32
    %mul3A_47 = arith.mulf %mul3A, %div3A_46 : f32
    %mul3A_48 = arith.constant 3.000000e-01 : f32
    %mul3A_49 = arith.mulf %mul3A_48, %div3A : f32
    %add3A_50 = arith.addf %mul3A_47, %mul3A_49 : f32
    %swap3A = arith.constant 0 : index
    %swap3A_51 = arith.constant 0 : index
    %swap3A_52 = memref.load %arg5[%swap3A, %swap3A_51] : memref<1x1xf32, #tpu.memory_space<smem>>
    memref.store %div3A, %arg5[%swap3A, %swap3A_51] : memref<1x1xf32, #tpu.memory_space<smem>>
    %swap3A_53 = arith.constant 0 : index
    %swap3A_54 = arith.constant 0 : index
    %swap3A_55 = memref.load %arg6[%swap3A_53, %swap3A_54] : memref<1x1xf32, #tpu.memory_space<smem>>
    memref.store %add3A_50, %arg6[%swap3A_53, %swap3A_54] : memref<1x1xf32, #tpu.memory_space<smem>>
    return
  }
}

module attributes {stable_mosaic.version = 14 : i64} {
  func.func @body(%arg0: i32, %arg1: memref<3200xi32, #tpu.memory_space<smem>>, %arg2: memref<3200xf32, #tpu.memory_space<smem>>, %arg3: memref<1x16x10000xf32, #tpu.memory_space<vmem>>, %arg4: memref<10000x10000xf32, #tpu.memory_space<any>>, %arg5: memref<1x1xf32, #tpu.memory_space<smem>>, %arg6: memref<1x1xf32, #tpu.memory_space<smem>>, %arg7: memref<1x1xf32, #tpu.memory_space<smem>>, %arg8: memref<1x1xf32, #tpu.memory_space<smem>>, %arg9: memref<4x16x10000xf32, #tpu.memory_space<vmem>>, %arg10: memref<4x!tpu.dma_semaphore, #tpu.memory_space<semaphore_mem>>) attributes {dimension_semantics = [#tpu.dimension_semantics<arbitrary>], iteration_bounds = array<i64: 72>, scalar_prefetch = 2 : i64, scratch_operands = 2 : i64, tpu.core_type = #tpu.core_type<tc>, window_params = [{transform_indices = @transform_0, window_bounds = array<i64: 1, 16, 10000>}, {}, {transform_indices = @transform_2, window_bounds = array<i64: 1, 1>}, {transform_indices = @transform_3, window_bounds = array<i64: 1, 1>}, {transform_indices = @transform_4, window_bounds = array<i64: 1, 1>}, {transform_indices = @transform_5, window_bounds = array<i64: 1, 1>}]} {
    %eq3A = arith.constant 0 : i32
    %eq3A_0 = arith.cmpi eq, %arg0, %eq3A : i32
    %convert_element_type3A = arith.extui %eq3A_0 : i1 to i32
    %cond3A = arith.constant 0 : i32
    %cond3A_1 = arith.cmpi ne, %convert_element_type3A, %cond3A : i32
    scf.if %cond3A_1 {
      %swap3A_451 = arith.constant 0.000000e+00 : f32
      %swap3A_452 = arith.constant 0 : index
      %swap3A_453 = arith.constant 0 : index
      %swap3A_454 = memref.load %arg5[%swap3A_452, %swap3A_453] : memref<1x1xf32, #tpu.memory_space<smem>>
      memref.store %swap3A_451, %arg5[%swap3A_452, %swap3A_453] : memref<1x1xf32, #tpu.memory_space<smem>>
      %swap3A_455 = arith.constant 0.000000e+00 : f32
      %swap3A_456 = arith.constant 0 : index
      %swap3A_457 = arith.constant 0 : index
      %swap3A_458 = memref.load %arg6[%swap3A_456, %swap3A_457] : memref<1x1xf32, #tpu.memory_space<smem>>
      memref.store %swap3A_455, %arg6[%swap3A_456, %swap3A_457] : memref<1x1xf32, #tpu.memory_space<smem>>
      %swap3A_459 = arith.constant 0.000000e+00 : f32
      %swap3A_460 = arith.constant 0 : index
      %swap3A_461 = arith.constant 0 : index
      %swap3A_462 = memref.load %arg7[%swap3A_460, %swap3A_461] : memref<1x1xf32, #tpu.memory_space<smem>>
      memref.store %swap3A_459, %arg7[%swap3A_460, %swap3A_461] : memref<1x1xf32, #tpu.memory_space<smem>>
      %swap3A_463 = arith.constant 0.000000e+00 : f32
      %swap3A_464 = arith.constant 0 : index
      %swap3A_465 = arith.constant 0 : index
      %swap3A_466 = memref.load %arg8[%swap3A_464, %swap3A_465] : memref<1x1xf32, #tpu.memory_space<smem>>
      memref.store %swap3A_463, %arg8[%swap3A_464, %swap3A_465] : memref<1x1xf32, #tpu.memory_space<smem>>
      %get3A_467 = arith.constant 0 : index
      %get3A_468 = memref.load %arg1[%get3A_467] : memref<3200xi32, #tpu.memory_space<smem>>
      %dma_start3A = arith.constant 0 : i32
      %dma_start3A_469 = arith.constant 0 : i32
      %dma_start3A_470 = tpu.memref_slice %arg10[%dma_start3A_469] : memref<4x!tpu.dma_semaphore, #tpu.memory_space<semaphore_mem>> -> memref<1x!tpu.dma_semaphore, #tpu.memory_space<semaphore_mem>>
      %dma_start3A_471 = tpu.memref_squeeze %dma_start3A_470 : memref<1x!tpu.dma_semaphore, #tpu.memory_space<semaphore_mem>> -> memref<!tpu.dma_semaphore, #tpu.memory_space<semaphore_mem>>
      %dma_start3A_472 = arith.constant 0 : i32
      %dma_start3A_473 = arith.constant 0 : i32
      %dma_start3A_474 = tpu.memref_slice %arg9[%dma_start3A, %dma_start3A_472, %dma_start3A_473] : memref<4x16x10000xf32, #tpu.memory_space<vmem>> -> memref<1x1x10000xf32, #tpu.memory_space<vmem>>
      %dma_start3A_475 = tpu.memref_squeeze %dma_start3A_474 : memref<1x1x10000xf32, #tpu.memory_space<vmem>> -> memref<1x10000xf32, #tpu.memory_space<vmem>>
      %dma_start3A_476 = arith.constant 0 : i32
      %dma_start3A_477 = tpu.memref_slice %arg4[%get3A_468, %dma_start3A_476] : memref<10000x10000xf32, #tpu.memory_space<any>> -> memref<1x10000xf32, #tpu.memory_space<any>>
      tpu.enqueue_dma source(%dma_start3A_477 : memref<1x10000xf32, #tpu.memory_space<any>>) target(%dma_start3A_475 : memref<1x10000xf32, #tpu.memory_space<vmem>>) target_semaphore(%dma_start3A_471 : memref<!tpu.dma_semaphore, #tpu.memory_space<semaphore_mem>>)
      %get3A_478 = arith.constant 1 : index
      %get3A_479 = memref.load %arg1[%get3A_478] : memref<3200xi32, #tpu.memory_space<smem>>
      %dma_start3A_480 = arith.constant 0 : i32
      %dma_start3A_481 = arith.constant 0 : i32
      %dma_start3A_482 = tpu.memref_slice %arg10[%dma_start3A_481] : memref<4x!tpu.dma_semaphore, #tpu.memory_space<semaphore_mem>> -> memref<1x!tpu.dma_semaphore, #tpu.memory_space<semaphore_mem>>
      %dma_start3A_483 = tpu.memref_squeeze %dma_start3A_482 : memref<1x!tpu.dma_semaphore, #tpu.memory_space<semaphore_mem>> -> memref<!tpu.dma_semaphore, #tpu.memory_space<semaphore_mem>>
      %dma_start3A_484 = arith.constant 1 : i32
      %dma_start3A_485 = arith.constant 0 : i32
      %dma_start3A_486 = tpu.memref_slice %arg9[%dma_start3A_480, %dma_start3A_484, %dma_start3A_485] : memref<4x16x10000xf32, #tpu.memory_space<vmem>> -> memref<1x1x10000xf32, #tpu.memory_space<vmem>>
      %dma_start3A_487 = tpu.memref_squeeze %dma_start3A_486 : memref<1x1x10000xf32, #tpu.memory_space<vmem>> -> memref<1x10000xf32, #tpu.memory_space<vmem>>
      %dma_start3A_488 = arith.constant 0 : i32
      %dma_start3A_489 = tpu.memref_slice %arg4[%get3A_479, %dma_start3A_488] : memref<10000x10000xf32, #tpu.memory_space<any>> -> memref<1x10000xf32, #tpu.memory_space<any>>
      tpu.enqueue_dma source(%dma_start3A_489 : memref<1x10000xf32, #tpu.memory_space<any>>) target(%dma_start3A_487 : memref<1x10000xf32, #tpu.memory_space<vmem>>) target_semaphore(%dma_start3A_483 : memref<!tpu.dma_semaphore, #tpu.memory_space<semaphore_mem>>)
      %get3A_490 = arith.constant 2 : index
      %get3A_491 = memref.load %arg1[%get3A_490] : memref<3200xi32, #tpu.memory_space<smem>>
      %dma_start3A_492 = arith.constant 0 : i32
      %dma_start3A_493 = arith.constant 0 : i32
      %dma_start3A_494 = tpu.memref_slice %arg10[%dma_start3A_493] : memref<4x!tpu.dma_semaphore, #tpu.memory_space<semaphore_mem>> -> memref<1x!tpu.dma_semaphore, #tpu.memory_space<semaphore_mem>>
      %dma_start3A_495 = tpu.memref_squeeze %dma_start3A_494 : memref<1x!tpu.dma_semaphore, #tpu.memory_space<semaphore_mem>> -> memref<!tpu.dma_semaphore, #tpu.memory_space<semaphore_mem>>
      %dma_start3A_496 = arith.constant 2 : i32
      %dma_start3A_497 = arith.constant 0 : i32
      %dma_start3A_498 = tpu.memref_slice %arg9[%dma_start3A_492, %dma_start3A_496, %dma_start3A_497] : memref<4x16x10000xf32, #tpu.memory_space<vmem>> -> memref<1x1x10000xf32, #tpu.memory_space<vmem>>
      %dma_start3A_499 = tpu.memref_squeeze %dma_start3A_498 : memref<1x1x10000xf32, #tpu.memory_space<vmem>> -> memref<1x10000xf32, #tpu.memory_space<vmem>>
      %dma_start3A_500 = arith.constant 0 : i32
      %dma_start3A_501 = tpu.memref_slice %arg4[%get3A_491, %dma_start3A_500] : memref<10000x10000xf32, #tpu.memory_space<any>> -> memref<1x10000xf32, #tpu.memory_space<any>>
      tpu.enqueue_dma source(%dma_start3A_501 : memref<1x10000xf32, #tpu.memory_space<any>>) target(%dma_start3A_499 : memref<1x10000xf32, #tpu.memory_space<vmem>>) target_semaphore(%dma_start3A_495 : memref<!tpu.dma_semaphore, #tpu.memory_space<semaphore_mem>>)
      %get3A_502 = arith.constant 3 : index
      %get3A_503 = memref.load %arg1[%get3A_502] : memref<3200xi32, #tpu.memory_space<smem>>
      %dma_start3A_504 = arith.constant 0 : i32
      %dma_start3A_505 = arith.constant 0 : i32
      %dma_start3A_506 = tpu.memref_slice %arg10[%dma_start3A_505] : memref<4x!tpu.dma_semaphore, #tpu.memory_space<semaphore_mem>> -> memref<1x!tpu.dma_semaphore, #tpu.memory_space<semaphore_mem>>
      %dma_start3A_507 = tpu.memref_squeeze %dma_start3A_506 : memref<1x!tpu.dma_semaphore, #tpu.memory_space<semaphore_mem>> -> memref<!tpu.dma_semaphore, #tpu.memory_space<semaphore_mem>>
      %dma_start3A_508 = arith.constant 3 : i32
      %dma_start3A_509 = arith.constant 0 : i32
      %dma_start3A_510 = tpu.memref_slice %arg9[%dma_start3A_504, %dma_start3A_508, %dma_start3A_509] : memref<4x16x10000xf32, #tpu.memory_space<vmem>> -> memref<1x1x10000xf32, #tpu.memory_space<vmem>>
      %dma_start3A_511 = tpu.memref_squeeze %dma_start3A_510 : memref<1x1x10000xf32, #tpu.memory_space<vmem>> -> memref<1x10000xf32, #tpu.memory_space<vmem>>
      %dma_start3A_512 = arith.constant 0 : i32
      %dma_start3A_513 = tpu.memref_slice %arg4[%get3A_503, %dma_start3A_512] : memref<10000x10000xf32, #tpu.memory_space<any>> -> memref<1x10000xf32, #tpu.memory_space<any>>
      tpu.enqueue_dma source(%dma_start3A_513 : memref<1x10000xf32, #tpu.memory_space<any>>) target(%dma_start3A_511 : memref<1x10000xf32, #tpu.memory_space<vmem>>) target_semaphore(%dma_start3A_507 : memref<!tpu.dma_semaphore, #tpu.memory_space<semaphore_mem>>)
      %get3A_514 = arith.constant 4 : index
      %get3A_515 = memref.load %arg1[%get3A_514] : memref<3200xi32, #tpu.memory_space<smem>>
      %dma_start3A_516 = arith.constant 0 : i32
      %dma_start3A_517 = arith.constant 0 : i32
      %dma_start3A_518 = tpu.memref_slice %arg10[%dma_start3A_517] : memref<4x!tpu.dma_semaphore, #tpu.memory_space<semaphore_mem>> -> memref<1x!tpu.dma_semaphore, #tpu.memory_space<semaphore_mem>>
      %dma_start3A_519 = tpu.memref_squeeze %dma_start3A_518 : memref<1x!tpu.dma_semaphore, #tpu.memory_space<semaphore_mem>> -> memref<!tpu.dma_semaphore, #tpu.memory_space<semaphore_mem>>
      %dma_start3A_520 = arith.constant 4 : i32
      %dma_start3A_521 = arith.constant 0 : i32
      %dma_start3A_522 = tpu.memref_slice %arg9[%dma_start3A_516, %dma_start3A_520, %dma_start3A_521] : memref<4x16x10000xf32, #tpu.memory_space<vmem>> -> memref<1x1x10000xf32, #tpu.memory_space<vmem>>
      %dma_start3A_523 = tpu.memref_squeeze %dma_start3A_522 : memref<1x1x10000xf32, #tpu.memory_space<vmem>> -> memref<1x10000xf32, #tpu.memory_space<vmem>>
      %dma_start3A_524 = arith.constant 0 : i32
      %dma_start3A_525 = tpu.memref_slice %arg4[%get3A_515, %dma_start3A_524] : memref<10000x10000xf32, #tpu.memory_space<any>> -> memref<1x10000xf32, #tpu.memory_space<any>>
      tpu.enqueue_dma source(%dma_start3A_525 : memref<1x10000xf32, #tpu.memory_space<any>>) target(%dma_start3A_523 : memref<1x10000xf32, #tpu.memory_space<vmem>>) target_semaphore(%dma_start3A_519 : memref<!tpu.dma_semaphore, #tpu.memory_space<semaphore_mem>>)
      %get3A_526 = arith.constant 5 : index
      %get3A_527 = memref.load %arg1[%get3A_526] : memref<3200xi32, #tpu.memory_space<smem>>
      %dma_start3A_528 = arith.constant 0 : i32
      %dma_start3A_529 = arith.constant 0 : i32
      %dma_start3A_530 = tpu.memref_slice %arg10[%dma_start3A_529] : memref<4x!tpu.dma_semaphore, #tpu.memory_space<semaphore_mem>> -> memref<1x!tpu.dma_semaphore, #tpu.memory_space<semaphore_mem>>
      %dma_start3A_531 = tpu.memref_squeeze %dma_start3A_530 : memref<1x!tpu.dma_semaphore, #tpu.memory_space<semaphore_mem>> -> memref<!tpu.dma_semaphore, #tpu.memory_space<semaphore_mem>>
      %dma_start3A_532 = arith.constant 5 : i32
      %dma_start3A_533 = arith.constant 0 : i32
      %dma_start3A_534 = tpu.memref_slice %arg9[%dma_start3A_528, %dma_start3A_532, %dma_start3A_533] : memref<4x16x10000xf32, #tpu.memory_space<vmem>> -> memref<1x1x10000xf32, #tpu.memory_space<vmem>>
      %dma_start3A_535 = tpu.memref_squeeze %dma_start3A_534 : memref<1x1x10000xf32, #tpu.memory_space<vmem>> -> memref<1x10000xf32, #tpu.memory_space<vmem>>
      %dma_start3A_536 = arith.constant 0 : i32
      %dma_start3A_537 = tpu.memref_slice %arg4[%get3A_527, %dma_start3A_536] : memref<10000x10000xf32, #tpu.memory_space<any>> -> memref<1x10000xf32, #tpu.memory_space<any>>
      tpu.enqueue_dma source(%dma_start3A_537 : memref<1x10000xf32, #tpu.memory_space<any>>) target(%dma_start3A_535 : memref<1x10000xf32, #tpu.memory_space<vmem>>) target_semaphore(%dma_start3A_531 : memref<!tpu.dma_semaphore, #tpu.memory_space<semaphore_mem>>)
      %get3A_538 = arith.constant 6 : index
      %get3A_539 = memref.load %arg1[%get3A_538] : memref<3200xi32, #tpu.memory_space<smem>>
      %dma_start3A_540 = arith.constant 0 : i32
      %dma_start3A_541 = arith.constant 0 : i32
      %dma_start3A_542 = tpu.memref_slice %arg10[%dma_start3A_541] : memref<4x!tpu.dma_semaphore, #tpu.memory_space<semaphore_mem>> -> memref<1x!tpu.dma_semaphore, #tpu.memory_space<semaphore_mem>>
      %dma_start3A_543 = tpu.memref_squeeze %dma_start3A_542 : memref<1x!tpu.dma_semaphore, #tpu.memory_space<semaphore_mem>> -> memref<!tpu.dma_semaphore, #tpu.memory_space<semaphore_mem>>
      %dma_start3A_544 = arith.constant 6 : i32
      %dma_start3A_545 = arith.constant 0 : i32
      %dma_start3A_546 = tpu.memref_slice %arg9[%dma_start3A_540, %dma_start3A_544, %dma_start3A_545] : memref<4x16x10000xf32, #tpu.memory_space<vmem>> -> memref<1x1x10000xf32, #tpu.memory_space<vmem>>
      %dma_start3A_547 = tpu.memref_squeeze %dma_start3A_546 : memref<1x1x10000xf32, #tpu.memory_space<vmem>> -> memref<1x10000xf32, #tpu.memory_space<vmem>>
      %dma_start3A_548 = arith.constant 0 : i32
      %dma_start3A_549 = tpu.memref_slice %arg4[%get3A_539, %dma_start3A_548] : memref<10000x10000xf32, #tpu.memory_space<any>> -> memref<1x10000xf32, #tpu.memory_space<any>>
      tpu.enqueue_dma source(%dma_start3A_549 : memref<1x10000xf32, #tpu.memory_space<any>>) target(%dma_start3A_547 : memref<1x10000xf32, #tpu.memory_space<vmem>>) target_semaphore(%dma_start3A_543 : memref<!tpu.dma_semaphore, #tpu.memory_space<semaphore_mem>>)
      %get3A_550 = arith.constant 7 : index
      %get3A_551 = memref.load %arg1[%get3A_550] : memref<3200xi32, #tpu.memory_space<smem>>
      %dma_start3A_552 = arith.constant 0 : i32
      %dma_start3A_553 = arith.constant 0 : i32
      %dma_start3A_554 = tpu.memref_slice %arg10[%dma_start3A_553] : memref<4x!tpu.dma_semaphore, #tpu.memory_space<semaphore_mem>> -> memref<1x!tpu.dma_semaphore, #tpu.memory_space<semaphore_mem>>
      %dma_start3A_555 = tpu.memref_squeeze %dma_start3A_554 : memref<1x!tpu.dma_semaphore, #tpu.memory_space<semaphore_mem>> -> memref<!tpu.dma_semaphore, #tpu.memory_space<semaphore_mem>>
      %dma_start3A_556 = arith.constant 7 : i32
      %dma_start3A_557 = arith.constant 0 : i32
      %dma_start3A_558 = tpu.memref_slice %arg9[%dma_start3A_552, %dma_start3A_556, %dma_start3A_557] : memref<4x16x10000xf32, #tpu.memory_space<vmem>> -> memref<1x1x10000xf32, #tpu.memory_space<vmem>>
      %dma_start3A_559 = tpu.memref_squeeze %dma_start3A_558 : memref<1x1x10000xf32, #tpu.memory_space<vmem>> -> memref<1x10000xf32, #tpu.memory_space<vmem>>
      %dma_start3A_560 = arith.constant 0 : i32
      %dma_start3A_561 = tpu.memref_slice %arg4[%get3A_551, %dma_start3A_560] : memref<10000x10000xf32, #tpu.memory_space<any>> -> memref<1x10000xf32, #tpu.memory_space<any>>
      tpu.enqueue_dma source(%dma_start3A_561 : memref<1x10000xf32, #tpu.memory_space<any>>) target(%dma_start3A_559 : memref<1x10000xf32, #tpu.memory_space<vmem>>) target_semaphore(%dma_start3A_555 : memref<!tpu.dma_semaphore, #tpu.memory_space<semaphore_mem>>)
      %get3A_562 = arith.constant 8 : index
      %get3A_563 = memref.load %arg1[%get3A_562] : memref<3200xi32, #tpu.memory_space<smem>>
      %dma_start3A_564 = arith.constant 0 : i32
      %dma_start3A_565 = arith.constant 0 : i32
      %dma_start3A_566 = tpu.memref_slice %arg10[%dma_start3A_565] : memref<4x!tpu.dma_semaphore, #tpu.memory_space<semaphore_mem>> -> memref<1x!tpu.dma_semaphore, #tpu.memory_space<semaphore_mem>>
      %dma_start3A_567 = tpu.memref_squeeze %dma_start3A_566 : memref<1x!tpu.dma_semaphore, #tpu.memory_space<semaphore_mem>> -> memref<!tpu.dma_semaphore, #tpu.memory_space<semaphore_mem>>
      %dma_start3A_568 = arith.constant 8 : i32
      %dma_start3A_569 = arith.constant 0 : i32
      %dma_start3A_570 = tpu.memref_slice %arg9[%dma_start3A_564, %dma_start3A_568, %dma_start3A_569] : memref<4x16x10000xf32, #tpu.memory_space<vmem>> -> memref<1x1x10000xf32, #tpu.memory_space<vmem>>
      %dma_start3A_571 = tpu.memref_squeeze %dma_start3A_570 : memref<1x1x10000xf32, #tpu.memory_space<vmem>> -> memref<1x10000xf32, #tpu.memory_space<vmem>>
      %dma_start3A_572 = arith.constant 0 : i32
      %dma_start3A_573 = tpu.memref_slice %arg4[%get3A_563, %dma_start3A_572] : memref<10000x10000xf32, #tpu.memory_space<any>> -> memref<1x10000xf32, #tpu.memory_space<any>>
      tpu.enqueue_dma source(%dma_start3A_573 : memref<1x10000xf32, #tpu.memory_space<any>>) target(%dma_start3A_571 : memref<1x10000xf32, #tpu.memory_space<vmem>>) target_semaphore(%dma_start3A_567 : memref<!tpu.dma_semaphore, #tpu.memory_space<semaphore_mem>>)
      %get3A_574 = arith.constant 9 : index
      %get3A_575 = memref.load %arg1[%get3A_574] : memref<3200xi32, #tpu.memory_space<smem>>
      %dma_start3A_576 = arith.constant 0 : i32
      %dma_start3A_577 = arith.constant 0 : i32
      %dma_start3A_578 = tpu.memref_slice %arg10[%dma_start3A_577] : memref<4x!tpu.dma_semaphore, #tpu.memory_space<semaphore_mem>> -> memref<1x!tpu.dma_semaphore, #tpu.memory_space<semaphore_mem>>
      %dma_start3A_579 = tpu.memref_squeeze %dma_start3A_578 : memref<1x!tpu.dma_semaphore, #tpu.memory_space<semaphore_mem>> -> memref<!tpu.dma_semaphore, #tpu.memory_space<semaphore_mem>>
      %dma_start3A_580 = arith.constant 9 : i32
      %dma_start3A_581 = arith.constant 0 : i32
      %dma_start3A_582 = tpu.memref_slice %arg9[%dma_start3A_576, %dma_start3A_580, %dma_start3A_581] : memref<4x16x10000xf32, #tpu.memory_space<vmem>> -> memref<1x1x10000xf32, #tpu.memory_space<vmem>>
      %dma_start3A_583 = tpu.memref_squeeze %dma_start3A_582 : memref<1x1x10000xf32, #tpu.memory_space<vmem>> -> memref<1x10000xf32, #tpu.memory_space<vmem>>
      %dma_start3A_584 = arith.constant 0 : i32
      %dma_start3A_585 = tpu.memref_slice %arg4[%get3A_575, %dma_start3A_584] : memref<10000x10000xf32, #tpu.memory_space<any>> -> memref<1x10000xf32, #tpu.memory_space<any>>
      tpu.enqueue_dma source(%dma_start3A_585 : memref<1x10000xf32, #tpu.memory_space<any>>) target(%dma_start3A_583 : memref<1x10000xf32, #tpu.memory_space<vmem>>) target_semaphore(%dma_start3A_579 : memref<!tpu.dma_semaphore, #tpu.memory_space<semaphore_mem>>)
      %get3A_586 = arith.constant 10 : index
      %get3A_587 = memref.load %arg1[%get3A_586] : memref<3200xi32, #tpu.memory_space<smem>>
      %dma_start3A_588 = arith.constant 0 : i32
      %dma_start3A_589 = arith.constant 0 : i32
      %dma_start3A_590 = tpu.memref_slice %arg10[%dma_start3A_589] : memref<4x!tpu.dma_semaphore, #tpu.memory_space<semaphore_mem>> -> memref<1x!tpu.dma_semaphore, #tpu.memory_space<semaphore_mem>>
      %dma_start3A_591 = tpu.memref_squeeze %dma_start3A_590 : memref<1x!tpu.dma_semaphore, #tpu.memory_space<semaphore_mem>> -> memref<!tpu.dma_semaphore, #tpu.memory_space<semaphore_mem>>
      %dma_start3A_592 = arith.constant 10 : i32
      %dma_start3A_593 = arith.constant 0 : i32
      %dma_start3A_594 = tpu.memref_slice %arg9[%dma_start3A_588, %dma_start3A_592, %dma_start3A_593] : memref<4x16x10000xf32, #tpu.memory_space<vmem>> -> memref<1x1x10000xf32, #tpu.memory_space<vmem>>
      %dma_start3A_595 = tpu.memref_squeeze %dma_start3A_594 : memref<1x1x10000xf32, #tpu.memory_space<vmem>> -> memref<1x10000xf32, #tpu.memory_space<vmem>>
      %dma_start3A_596 = arith.constant 0 : i32
      %dma_start3A_597 = tpu.memref_slice %arg4[%get3A_587, %dma_start3A_596] : memref<10000x10000xf32, #tpu.memory_space<any>> -> memref<1x10000xf32, #tpu.memory_space<any>>
      tpu.enqueue_dma source(%dma_start3A_597 : memref<1x10000xf32, #tpu.memory_space<any>>) target(%dma_start3A_595 : memref<1x10000xf32, #tpu.memory_space<vmem>>) target_semaphore(%dma_start3A_591 : memref<!tpu.dma_semaphore, #tpu.memory_space<semaphore_mem>>)
      %get3A_598 = arith.constant 11 : index
      %get3A_599 = memref.load %arg1[%get3A_598] : memref<3200xi32, #tpu.memory_space<smem>>
      %dma_start3A_600 = arith.constant 0 : i32
      %dma_start3A_601 = arith.constant 0 : i32
      %dma_start3A_602 = tpu.memref_slice %arg10[%dma_start3A_601] : memref<4x!tpu.dma_semaphore, #tpu.memory_space<semaphore_mem>> -> memref<1x!tpu.dma_semaphore, #tpu.memory_space<semaphore_mem>>
      %dma_start3A_603 = tpu.memref_squeeze %dma_start3A_602 : memref<1x!tpu.dma_semaphore, #tpu.memory_space<semaphore_mem>> -> memref<!tpu.dma_semaphore, #tpu.memory_space<semaphore_mem>>
      %dma_start3A_604 = arith.constant 11 : i32
      %dma_start3A_605 = arith.constant 0 : i32
      %dma_start3A_606 = tpu.memref_slice %arg9[%dma_start3A_600, %dma_start3A_604, %dma_start3A_605] : memref<4x16x10000xf32, #tpu.memory_space<vmem>> -> memref<1x1x10000xf32, #tpu.memory_space<vmem>>
      %dma_start3A_607 = tpu.memref_squeeze %dma_start3A_606 : memref<1x1x10000xf32, #tpu.memory_space<vmem>> -> memref<1x10000xf32, #tpu.memory_space<vmem>>
      %dma_start3A_608 = arith.constant 0 : i32
      %dma_start3A_609 = tpu.memref_slice %arg4[%get3A_599, %dma_start3A_608] : memref<10000x10000xf32, #tpu.memory_space<any>> -> memref<1x10000xf32, #tpu.memory_space<any>>
      tpu.enqueue_dma source(%dma_start3A_609 : memref<1x10000xf32, #tpu.memory_space<any>>) target(%dma_start3A_607 : memref<1x10000xf32, #tpu.memory_space<vmem>>) target_semaphore(%dma_start3A_603 : memref<!tpu.dma_semaphore, #tpu.memory_space<semaphore_mem>>)
      %get3A_610 = arith.constant 12 : index
      %get3A_611 = memref.load %arg1[%get3A_610] : memref<3200xi32, #tpu.memory_space<smem>>
      %dma_start3A_612 = arith.constant 0 : i32
      %dma_start3A_613 = arith.constant 0 : i32
      %dma_start3A_614 = tpu.memref_slice %arg10[%dma_start3A_613] : memref<4x!tpu.dma_semaphore, #tpu.memory_space<semaphore_mem>> -> memref<1x!tpu.dma_semaphore, #tpu.memory_space<semaphore_mem>>
      %dma_start3A_615 = tpu.memref_squeeze %dma_start3A_614 : memref<1x!tpu.dma_semaphore, #tpu.memory_space<semaphore_mem>> -> memref<!tpu.dma_semaphore, #tpu.memory_space<semaphore_mem>>
      %dma_start3A_616 = arith.constant 12 : i32
      %dma_start3A_617 = arith.constant 0 : i32
      %dma_start3A_618 = tpu.memref_slice %arg9[%dma_start3A_612, %dma_start3A_616, %dma_start3A_617] : memref<4x16x10000xf32, #tpu.memory_space<vmem>> -> memref<1x1x10000xf32, #tpu.memory_space<vmem>>
      %dma_start3A_619 = tpu.memref_squeeze %dma_start3A_618 : memref<1x1x10000xf32, #tpu.memory_space<vmem>> -> memref<1x10000xf32, #tpu.memory_space<vmem>>
      %dma_start3A_620 = arith.constant 0 : i32
      %dma_start3A_621 = tpu.memref_slice %arg4[%get3A_611, %dma_start3A_620] : memref<10000x10000xf32, #tpu.memory_space<any>> -> memref<1x10000xf32, #tpu.memory_space<any>>
      tpu.enqueue_dma source(%dma_start3A_621 : memref<1x10000xf32, #tpu.memory_space<any>>) target(%dma_start3A_619 : memref<1x10000xf32, #tpu.memory_space<vmem>>) target_semaphore(%dma_start3A_615 : memref<!tpu.dma_semaphore, #tpu.memory_space<semaphore_mem>>)
      %get3A_622 = arith.constant 13 : index
      %get3A_623 = memref.load %arg1[%get3A_622] : memref<3200xi32, #tpu.memory_space<smem>>
      %dma_start3A_624 = arith.constant 0 : i32
      %dma_start3A_625 = arith.constant 0 : i32
      %dma_start3A_626 = tpu.memref_slice %arg10[%dma_start3A_625] : memref<4x!tpu.dma_semaphore, #tpu.memory_space<semaphore_mem>> -> memref<1x!tpu.dma_semaphore, #tpu.memory_space<semaphore_mem>>
      %dma_start3A_627 = tpu.memref_squeeze %dma_start3A_626 : memref<1x!tpu.dma_semaphore, #tpu.memory_space<semaphore_mem>> -> memref<!tpu.dma_semaphore, #tpu.memory_space<semaphore_mem>>
      %dma_start3A_628 = arith.constant 13 : i32
      %dma_start3A_629 = arith.constant 0 : i32
      %dma_start3A_630 = tpu.memref_slice %arg9[%dma_start3A_624, %dma_start3A_628, %dma_start3A_629] : memref<4x16x10000xf32, #tpu.memory_space<vmem>> -> memref<1x1x10000xf32, #tpu.memory_space<vmem>>
      %dma_start3A_631 = tpu.memref_squeeze %dma_start3A_630 : memref<1x1x10000xf32, #tpu.memory_space<vmem>> -> memref<1x10000xf32, #tpu.memory_space<vmem>>
      %dma_start3A_632 = arith.constant 0 : i32
      %dma_start3A_633 = tpu.memref_slice %arg4[%get3A_623, %dma_start3A_632] : memref<10000x10000xf32, #tpu.memory_space<any>> -> memref<1x10000xf32, #tpu.memory_space<any>>
      tpu.enqueue_dma source(%dma_start3A_633 : memref<1x10000xf32, #tpu.memory_space<any>>) target(%dma_start3A_631 : memref<1x10000xf32, #tpu.memory_space<vmem>>) target_semaphore(%dma_start3A_627 : memref<!tpu.dma_semaphore, #tpu.memory_space<semaphore_mem>>)
      %get3A_634 = arith.constant 14 : index
      %get3A_635 = memref.load %arg1[%get3A_634] : memref<3200xi32, #tpu.memory_space<smem>>
      %dma_start3A_636 = arith.constant 0 : i32
      %dma_start3A_637 = arith.constant 0 : i32
      %dma_start3A_638 = tpu.memref_slice %arg10[%dma_start3A_637] : memref<4x!tpu.dma_semaphore, #tpu.memory_space<semaphore_mem>> -> memref<1x!tpu.dma_semaphore, #tpu.memory_space<semaphore_mem>>
      %dma_start3A_639 = tpu.memref_squeeze %dma_start3A_638 : memref<1x!tpu.dma_semaphore, #tpu.memory_space<semaphore_mem>> -> memref<!tpu.dma_semaphore, #tpu.memory_space<semaphore_mem>>
      %dma_start3A_640 = arith.constant 14 : i32
      %dma_start3A_641 = arith.constant 0 : i32
      %dma_start3A_642 = tpu.memref_slice %arg9[%dma_start3A_636, %dma_start3A_640, %dma_start3A_641] : memref<4x16x10000xf32, #tpu.memory_space<vmem>> -> memref<1x1x10000xf32, #tpu.memory_space<vmem>>
      %dma_start3A_643 = tpu.memref_squeeze %dma_start3A_642 : memref<1x1x10000xf32, #tpu.memory_space<vmem>> -> memref<1x10000xf32, #tpu.memory_space<vmem>>
      %dma_start3A_644 = arith.constant 0 : i32
      %dma_start3A_645 = tpu.memref_slice %arg4[%get3A_635, %dma_start3A_644] : memref<10000x10000xf32, #tpu.memory_space<any>> -> memref<1x10000xf32, #tpu.memory_space<any>>
      tpu.enqueue_dma source(%dma_start3A_645 : memref<1x10000xf32, #tpu.memory_space<any>>) target(%dma_start3A_643 : memref<1x10000xf32, #tpu.memory_space<vmem>>) target_semaphore(%dma_start3A_639 : memref<!tpu.dma_semaphore, #tpu.memory_space<semaphore_mem>>)
      %get3A_646 = arith.constant 15 : index
      %get3A_647 = memref.load %arg1[%get3A_646] : memref<3200xi32, #tpu.memory_space<smem>>
      %dma_start3A_648 = arith.constant 0 : i32
      %dma_start3A_649 = arith.constant 0 : i32
      %dma_start3A_650 = tpu.memref_slice %arg10[%dma_start3A_649] : memref<4x!tpu.dma_semaphore, #tpu.memory_space<semaphore_mem>> -> memref<1x!tpu.dma_semaphore, #tpu.memory_space<semaphore_mem>>
      %dma_start3A_651 = tpu.memref_squeeze %dma_start3A_650 : memref<1x!tpu.dma_semaphore, #tpu.memory_space<semaphore_mem>> -> memref<!tpu.dma_semaphore, #tpu.memory_space<semaphore_mem>>
      %dma_start3A_652 = arith.constant 15 : i32
      %dma_start3A_653 = arith.constant 0 : i32
      %dma_start3A_654 = tpu.memref_slice %arg9[%dma_start3A_648, %dma_start3A_652, %dma_start3A_653] : memref<4x16x10000xf32, #tpu.memory_space<vmem>> -> memref<1x1x10000xf32, #tpu.memory_space<vmem>>
      %dma_start3A_655 = tpu.memref_squeeze %dma_start3A_654 : memref<1x1x10000xf32, #tpu.memory_space<vmem>> -> memref<1x10000xf32, #tpu.memory_space<vmem>>
      %dma_start3A_656 = arith.constant 0 : i32
      %dma_start3A_657 = tpu.memref_slice %arg4[%get3A_647, %dma_start3A_656] : memref<10000x10000xf32, #tpu.memory_space<any>> -> memref<1x10000xf32, #tpu.memory_space<any>>
      tpu.enqueue_dma source(%dma_start3A_657 : memref<1x10000xf32, #tpu.memory_space<any>>) target(%dma_start3A_655 : memref<1x10000xf32, #tpu.memory_space<vmem>>) target_semaphore(%dma_start3A_651 : memref<!tpu.dma_semaphore, #tpu.memory_space<semaphore_mem>>)
      %get3A_658 = arith.constant 16 : index
      %get3A_659 = memref.load %arg1[%get3A_658] : memref<3200xi32, #tpu.memory_space<smem>>
      %dma_start3A_660 = arith.constant 1 : i32
      %dma_start3A_661 = arith.constant 1 : i32
      %dma_start3A_662 = tpu.memref_slice %arg10[%dma_start3A_661] : memref<4x!tpu.dma_semaphore, #tpu.memory_space<semaphore_mem>> -> memref<1x!tpu.dma_semaphore, #tpu.memory_space<semaphore_mem>>
      %dma_start3A_663 = tpu.memref_squeeze %dma_start3A_662 : memref<1x!tpu.dma_semaphore, #tpu.memory_space<semaphore_mem>> -> memref<!tpu.dma_semaphore, #tpu.memory_space<semaphore_mem>>
      %dma_start3A_664 = arith.constant 0 : i32
      %dma_start3A_665 = arith.constant 0 : i32
      %dma_start3A_666 = tpu.memref_slice %arg9[%dma_start3A_660, %dma_start3A_664, %dma_start3A_665] : memref<4x16x10000xf32, #tpu.memory_space<vmem>> -> memref<1x1x10000xf32, #tpu.memory_space<vmem>>
      %dma_start3A_667 = tpu.memref_squeeze %dma_start3A_666 : memref<1x1x10000xf32, #tpu.memory_space<vmem>> -> memref<1x10000xf32, #tpu.memory_space<vmem>>
      %dma_start3A_668 = arith.constant 0 : i32
      %dma_start3A_669 = tpu.memref_slice %arg4[%get3A_659, %dma_start3A_668] : memref<10000x10000xf32, #tpu.memory_space<any>> -> memref<1x10000xf32, #tpu.memory_space<any>>
      tpu.enqueue_dma source(%dma_start3A_669 : memref<1x10000xf32, #tpu.memory_space<any>>) target(%dma_start3A_667 : memref<1x10000xf32, #tpu.memory_space<vmem>>) target_semaphore(%dma_start3A_663 : memref<!tpu.dma_semaphore, #tpu.memory_space<semaphore_mem>>)
      %get3A_670 = arith.constant 17 : index
      %get3A_671 = memref.load %arg1[%get3A_670] : memref<3200xi32, #tpu.memory_space<smem>>
      %dma_start3A_672 = arith.constant 1 : i32
      %dma_start3A_673 = arith.constant 1 : i32
      %dma_start3A_674 = tpu.memref_slice %arg10[%dma_start3A_673] : memref<4x!tpu.dma_semaphore, #tpu.memory_space<semaphore_mem>> -> memref<1x!tpu.dma_semaphore, #tpu.memory_space<semaphore_mem>>
      %dma_start3A_675 = tpu.memref_squeeze %dma_start3A_674 : memref<1x!tpu.dma_semaphore, #tpu.memory_space<semaphore_mem>> -> memref<!tpu.dma_semaphore, #tpu.memory_space<semaphore_mem>>
      %dma_start3A_676 = arith.constant 1 : i32
      %dma_start3A_677 = arith.constant 0 : i32
      %dma_start3A_678 = tpu.memref_slice %arg9[%dma_start3A_672, %dma_start3A_676, %dma_start3A_677] : memref<4x16x10000xf32, #tpu.memory_space<vmem>> -> memref<1x1x10000xf32, #tpu.memory_space<vmem>>
      %dma_start3A_679 = tpu.memref_squeeze %dma_start3A_678 : memref<1x1x10000xf32, #tpu.memory_space<vmem>> -> memref<1x10000xf32, #tpu.memory_space<vmem>>
      %dma_start3A_680 = arith.constant 0 : i32
      %dma_start3A_681 = tpu.memref_slice %arg4[%get3A_671, %dma_start3A_680] : memref<10000x10000xf32, #tpu.memory_space<any>> -> memref<1x10000xf32, #tpu.memory_space<any>>
      tpu.enqueue_dma source(%dma_start3A_681 : memref<1x10000xf32, #tpu.memory_space<any>>) target(%dma_start3A_679 : memref<1x10000xf32, #tpu.memory_space<vmem>>) target_semaphore(%dma_start3A_675 : memref<!tpu.dma_semaphore, #tpu.memory_space<semaphore_mem>>)
      %get3A_682 = arith.constant 18 : index
      %get3A_683 = memref.load %arg1[%get3A_682] : memref<3200xi32, #tpu.memory_space<smem>>
      %dma_start3A_684 = arith.constant 1 : i32
      %dma_start3A_685 = arith.constant 1 : i32
      %dma_start3A_686 = tpu.memref_slice %arg10[%dma_start3A_685] : memref<4x!tpu.dma_semaphore, #tpu.memory_space<semaphore_mem>> -> memref<1x!tpu.dma_semaphore, #tpu.memory_space<semaphore_mem>>
      %dma_start3A_687 = tpu.memref_squeeze %dma_start3A_686 : memref<1x!tpu.dma_semaphore, #tpu.memory_space<semaphore_mem>> -> memref<!tpu.dma_semaphore, #tpu.memory_space<semaphore_mem>>
      %dma_start3A_688 = arith.constant 2 : i32
      %dma_start3A_689 = arith.constant 0 : i32
      %dma_start3A_690 = tpu.memref_slice %arg9[%dma_start3A_684, %dma_start3A_688, %dma_start3A_689] : memref<4x16x10000xf32, #tpu.memory_space<vmem>> -> memref<1x1x10000xf32, #tpu.memory_space<vmem>>
      %dma_start3A_691 = tpu.memref_squeeze %dma_start3A_690 : memref<1x1x10000xf32, #tpu.memory_space<vmem>> -> memref<1x10000xf32, #tpu.memory_space<vmem>>
      %dma_start3A_692 = arith.constant 0 : i32
      %dma_start3A_693 = tpu.memref_slice %arg4[%get3A_683, %dma_start3A_692] : memref<10000x10000xf32, #tpu.memory_space<any>> -> memref<1x10000xf32, #tpu.memory_space<any>>
      tpu.enqueue_dma source(%dma_start3A_693 : memref<1x10000xf32, #tpu.memory_space<any>>) target(%dma_start3A_691 : memref<1x10000xf32, #tpu.memory_space<vmem>>) target_semaphore(%dma_start3A_687 : memref<!tpu.dma_semaphore, #tpu.memory_space<semaphore_mem>>)
      %get3A_694 = arith.constant 19 : index
      %get3A_695 = memref.load %arg1[%get3A_694] : memref<3200xi32, #tpu.memory_space<smem>>
      %dma_start3A_696 = arith.constant 1 : i32
      %dma_start3A_697 = arith.constant 1 : i32
      %dma_start3A_698 = tpu.memref_slice %arg10[%dma_start3A_697] : memref<4x!tpu.dma_semaphore, #tpu.memory_space<semaphore_mem>> -> memref<1x!tpu.dma_semaphore, #tpu.memory_space<semaphore_mem>>
      %dma_start3A_699 = tpu.memref_squeeze %dma_start3A_698 : memref<1x!tpu.dma_semaphore, #tpu.memory_space<semaphore_mem>> -> memref<!tpu.dma_semaphore, #tpu.memory_space<semaphore_mem>>
      %dma_start3A_700 = arith.constant 3 : i32
      %dma_start3A_701 = arith.constant 0 : i32
      %dma_start3A_702 = tpu.memref_slice %arg9[%dma_start3A_696, %dma_start3A_700, %dma_start3A_701] : memref<4x16x10000xf32, #tpu.memory_space<vmem>> -> memref<1x1x10000xf32, #tpu.memory_space<vmem>>
      %dma_start3A_703 = tpu.memref_squeeze %dma_start3A_702 : memref<1x1x10000xf32, #tpu.memory_space<vmem>> -> memref<1x10000xf32, #tpu.memory_space<vmem>>
      %dma_start3A_704 = arith.constant 0 : i32
      %dma_start3A_705 = tpu.memref_slice %arg4[%get3A_695, %dma_start3A_704] : memref<10000x10000xf32, #tpu.memory_space<any>> -> memref<1x10000xf32, #tpu.memory_space<any>>
      tpu.enqueue_dma source(%dma_start3A_705 : memref<1x10000xf32, #tpu.memory_space<any>>) target(%dma_start3A_703 : memref<1x10000xf32, #tpu.memory_space<vmem>>) target_semaphore(%dma_start3A_699 : memref<!tpu.dma_semaphore, #tpu.memory_space<semaphore_mem>>)
      %get3A_706 = arith.constant 20 : index
      %get3A_707 = memref.load %arg1[%get3A_706] : memref<3200xi32, #tpu.memory_space<smem>>
      %dma_start3A_708 = arith.constant 1 : i32
      %dma_start3A_709 = arith.constant 1 : i32
      %dma_start3A_710 = tpu.memref_slice %arg10[%dma_start3A_709] : memref<4x!tpu.dma_semaphore, #tpu.memory_space<semaphore_mem>> -> memref<1x!tpu.dma_semaphore, #tpu.memory_space<semaphore_mem>>
      %dma_start3A_711 = tpu.memref_squeeze %dma_start3A_710 : memref<1x!tpu.dma_semaphore, #tpu.memory_space<semaphore_mem>> -> memref<!tpu.dma_semaphore, #tpu.memory_space<semaphore_mem>>
      %dma_start3A_712 = arith.constant 4 : i32
      %dma_start3A_713 = arith.constant 0 : i32
      %dma_start3A_714 = tpu.memref_slice %arg9[%dma_start3A_708, %dma_start3A_712, %dma_start3A_713] : memref<4x16x10000xf32, #tpu.memory_space<vmem>> -> memref<1x1x10000xf32, #tpu.memory_space<vmem>>
      %dma_start3A_715 = tpu.memref_squeeze %dma_start3A_714 : memref<1x1x10000xf32, #tpu.memory_space<vmem>> -> memref<1x10000xf32, #tpu.memory_space<vmem>>
      %dma_start3A_716 = arith.constant 0 : i32
      %dma_start3A_717 = tpu.memref_slice %arg4[%get3A_707, %dma_start3A_716] : memref<10000x10000xf32, #tpu.memory_space<any>> -> memref<1x10000xf32, #tpu.memory_space<any>>
      tpu.enqueue_dma source(%dma_start3A_717 : memref<1x10000xf32, #tpu.memory_space<any>>) target(%dma_start3A_715 : memref<1x10000xf32, #tpu.memory_space<vmem>>) target_semaphore(%dma_start3A_711 : memref<!tpu.dma_semaphore, #tpu.memory_space<semaphore_mem>>)
      %get3A_718 = arith.constant 21 : index
      %get3A_719 = memref.load %arg1[%get3A_718] : memref<3200xi32, #tpu.memory_space<smem>>
      %dma_start3A_720 = arith.constant 1 : i32
      %dma_start3A_721 = arith.constant 1 : i32
      %dma_start3A_722 = tpu.memref_slice %arg10[%dma_start3A_721] : memref<4x!tpu.dma_semaphore, #tpu.memory_space<semaphore_mem>> -> memref<1x!tpu.dma_semaphore, #tpu.memory_space<semaphore_mem>>
      %dma_start3A_723 = tpu.memref_squeeze %dma_start3A_722 : memref<1x!tpu.dma_semaphore, #tpu.memory_space<semaphore_mem>> -> memref<!tpu.dma_semaphore, #tpu.memory_space<semaphore_mem>>
      %dma_start3A_724 = arith.constant 5 : i32
      %dma_start3A_725 = arith.constant 0 : i32
      %dma_start3A_726 = tpu.memref_slice %arg9[%dma_start3A_720, %dma_start3A_724, %dma_start3A_725] : memref<4x16x10000xf32, #tpu.memory_space<vmem>> -> memref<1x1x10000xf32, #tpu.memory_space<vmem>>
      %dma_start3A_727 = tpu.memref_squeeze %dma_start3A_726 : memref<1x1x10000xf32, #tpu.memory_space<vmem>> -> memref<1x10000xf32, #tpu.memory_space<vmem>>
      %dma_start3A_728 = arith.constant 0 : i32
      %dma_start3A_729 = tpu.memref_slice %arg4[%get3A_719, %dma_start3A_728] : memref<10000x10000xf32, #tpu.memory_space<any>> -> memref<1x10000xf32, #tpu.memory_space<any>>
      tpu.enqueue_dma source(%dma_start3A_729 : memref<1x10000xf32, #tpu.memory_space<any>>) target(%dma_start3A_727 : memref<1x10000xf32, #tpu.memory_space<vmem>>) target_semaphore(%dma_start3A_723 : memref<!tpu.dma_semaphore, #tpu.memory_space<semaphore_mem>>)
      %get3A_730 = arith.constant 22 : index
      %get3A_731 = memref.load %arg1[%get3A_730] : memref<3200xi32, #tpu.memory_space<smem>>
      %dma_start3A_732 = arith.constant 1 : i32
      %dma_start3A_733 = arith.constant 1 : i32
      %dma_start3A_734 = tpu.memref_slice %arg10[%dma_start3A_733] : memref<4x!tpu.dma_semaphore, #tpu.memory_space<semaphore_mem>> -> memref<1x!tpu.dma_semaphore, #tpu.memory_space<semaphore_mem>>
      %dma_start3A_735 = tpu.memref_squeeze %dma_start3A_734 : memref<1x!tpu.dma_semaphore, #tpu.memory_space<semaphore_mem>> -> memref<!tpu.dma_semaphore, #tpu.memory_space<semaphore_mem>>
      %dma_start3A_736 = arith.constant 6 : i32
      %dma_start3A_737 = arith.constant 0 : i32
      %dma_start3A_738 = tpu.memref_slice %arg9[%dma_start3A_732, %dma_start3A_736, %dma_start3A_737] : memref<4x16x10000xf32, #tpu.memory_space<vmem>> -> memref<1x1x10000xf32, #tpu.memory_space<vmem>>
      %dma_start3A_739 = tpu.memref_squeeze %dma_start3A_738 : memref<1x1x10000xf32, #tpu.memory_space<vmem>> -> memref<1x10000xf32, #tpu.memory_space<vmem>>
      %dma_start3A_740 = arith.constant 0 : i32
      %dma_start3A_741 = tpu.memref_slice %arg4[%get3A_731, %dma_start3A_740] : memref<10000x10000xf32, #tpu.memory_space<any>> -> memref<1x10000xf32, #tpu.memory_space<any>>
      tpu.enqueue_dma source(%dma_start3A_741 : memref<1x10000xf32, #tpu.memory_space<any>>) target(%dma_start3A_739 : memref<1x10000xf32, #tpu.memory_space<vmem>>) target_semaphore(%dma_start3A_735 : memref<!tpu.dma_semaphore, #tpu.memory_space<semaphore_mem>>)
      %get3A_742 = arith.constant 23 : index
      %get3A_743 = memref.load %arg1[%get3A_742] : memref<3200xi32, #tpu.memory_space<smem>>
      %dma_start3A_744 = arith.constant 1 : i32
      %dma_start3A_745 = arith.constant 1 : i32
      %dma_start3A_746 = tpu.memref_slice %arg10[%dma_start3A_745] : memref<4x!tpu.dma_semaphore, #tpu.memory_space<semaphore_mem>> -> memref<1x!tpu.dma_semaphore, #tpu.memory_space<semaphore_mem>>
      %dma_start3A_747 = tpu.memref_squeeze %dma_start3A_746 : memref<1x!tpu.dma_semaphore, #tpu.memory_space<semaphore_mem>> -> memref<!tpu.dma_semaphore, #tpu.memory_space<semaphore_mem>>
      %dma_start3A_748 = arith.constant 7 : i32
      %dma_start3A_749 = arith.constant 0 : i32
      %dma_start3A_750 = tpu.memref_slice %arg9[%dma_start3A_744, %dma_start3A_748, %dma_start3A_749] : memref<4x16x10000xf32, #tpu.memory_space<vmem>> -> memref<1x1x10000xf32, #tpu.memory_space<vmem>>
      %dma_start3A_751 = tpu.memref_squeeze %dma_start3A_750 : memref<1x1x10000xf32, #tpu.memory_space<vmem>> -> memref<1x10000xf32, #tpu.memory_space<vmem>>
      %dma_start3A_752 = arith.constant 0 : i32
      %dma_start3A_753 = tpu.memref_slice %arg4[%get3A_743, %dma_start3A_752] : memref<10000x10000xf32, #tpu.memory_space<any>> -> memref<1x10000xf32, #tpu.memory_space<any>>
      tpu.enqueue_dma source(%dma_start3A_753 : memref<1x10000xf32, #tpu.memory_space<any>>) target(%dma_start3A_751 : memref<1x10000xf32, #tpu.memory_space<vmem>>) target_semaphore(%dma_start3A_747 : memref<!tpu.dma_semaphore, #tpu.memory_space<semaphore_mem>>)
      %get3A_754 = arith.constant 24 : index
      %get3A_755 = memref.load %arg1[%get3A_754] : memref<3200xi32, #tpu.memory_space<smem>>
      %dma_start3A_756 = arith.constant 1 : i32
      %dma_start3A_757 = arith.constant 1 : i32
      %dma_start3A_758 = tpu.memref_slice %arg10[%dma_start3A_757] : memref<4x!tpu.dma_semaphore, #tpu.memory_space<semaphore_mem>> -> memref<1x!tpu.dma_semaphore, #tpu.memory_space<semaphore_mem>>
      %dma_start3A_759 = tpu.memref_squeeze %dma_start3A_758 : memref<1x!tpu.dma_semaphore, #tpu.memory_space<semaphore_mem>> -> memref<!tpu.dma_semaphore, #tpu.memory_space<semaphore_mem>>
      %dma_start3A_760 = arith.constant 8 : i32
      %dma_start3A_761 = arith.constant 0 : i32
      %dma_start3A_762 = tpu.memref_slice %arg9[%dma_start3A_756, %dma_start3A_760, %dma_start3A_761] : memref<4x16x10000xf32, #tpu.memory_space<vmem>> -> memref<1x1x10000xf32, #tpu.memory_space<vmem>>
      %dma_start3A_763 = tpu.memref_squeeze %dma_start3A_762 : memref<1x1x10000xf32, #tpu.memory_space<vmem>> -> memref<1x10000xf32, #tpu.memory_space<vmem>>
      %dma_start3A_764 = arith.constant 0 : i32
      %dma_start3A_765 = tpu.memref_slice %arg4[%get3A_755, %dma_start3A_764] : memref<10000x10000xf32, #tpu.memory_space<any>> -> memref<1x10000xf32, #tpu.memory_space<any>>
      tpu.enqueue_dma source(%dma_start3A_765 : memref<1x10000xf32, #tpu.memory_space<any>>) target(%dma_start3A_763 : memref<1x10000xf32, #tpu.memory_space<vmem>>) target_semaphore(%dma_start3A_759 : memref<!tpu.dma_semaphore, #tpu.memory_space<semaphore_mem>>)
      %get3A_766 = arith.constant 25 : index
      %get3A_767 = memref.load %arg1[%get3A_766] : memref<3200xi32, #tpu.memory_space<smem>>
      %dma_start3A_768 = arith.constant 1 : i32
      %dma_start3A_769 = arith.constant 1 : i32
      %dma_start3A_770 = tpu.memref_slice %arg10[%dma_start3A_769] : memref<4x!tpu.dma_semaphore, #tpu.memory_space<semaphore_mem>> -> memref<1x!tpu.dma_semaphore, #tpu.memory_space<semaphore_mem>>
      %dma_start3A_771 = tpu.memref_squeeze %dma_start3A_770 : memref<1x!tpu.dma_semaphore, #tpu.memory_space<semaphore_mem>> -> memref<!tpu.dma_semaphore, #tpu.memory_space<semaphore_mem>>
      %dma_start3A_772 = arith.constant 9 : i32
      %dma_start3A_773 = arith.constant 0 : i32
      %dma_start3A_774 = tpu.memref_slice %arg9[%dma_start3A_768, %dma_start3A_772, %dma_start3A_773] : memref<4x16x10000xf32, #tpu.memory_space<vmem>> -> memref<1x1x10000xf32, #tpu.memory_space<vmem>>
      %dma_start3A_775 = tpu.memref_squeeze %dma_start3A_774 : memref<1x1x10000xf32, #tpu.memory_space<vmem>> -> memref<1x10000xf32, #tpu.memory_space<vmem>>
      %dma_start3A_776 = arith.constant 0 : i32
      %dma_start3A_777 = tpu.memref_slice %arg4[%get3A_767, %dma_start3A_776] : memref<10000x10000xf32, #tpu.memory_space<any>> -> memref<1x10000xf32, #tpu.memory_space<any>>
      tpu.enqueue_dma source(%dma_start3A_777 : memref<1x10000xf32, #tpu.memory_space<any>>) target(%dma_start3A_775 : memref<1x10000xf32, #tpu.memory_space<vmem>>) target_semaphore(%dma_start3A_771 : memref<!tpu.dma_semaphore, #tpu.memory_space<semaphore_mem>>)
      %get3A_778 = arith.constant 26 : index
      %get3A_779 = memref.load %arg1[%get3A_778] : memref<3200xi32, #tpu.memory_space<smem>>
      %dma_start3A_780 = arith.constant 1 : i32
      %dma_start3A_781 = arith.constant 1 : i32
      %dma_start3A_782 = tpu.memref_slice %arg10[%dma_start3A_781] : memref<4x!tpu.dma_semaphore, #tpu.memory_space<semaphore_mem>> -> memref<1x!tpu.dma_semaphore, #tpu.memory_space<semaphore_mem>>
      %dma_start3A_783 = tpu.memref_squeeze %dma_start3A_782 : memref<1x!tpu.dma_semaphore, #tpu.memory_space<semaphore_mem>> -> memref<!tpu.dma_semaphore, #tpu.memory_space<semaphore_mem>>
      %dma_start3A_784 = arith.constant 10 : i32
      %dma_start3A_785 = arith.constant 0 : i32
      %dma_start3A_786 = tpu.memref_slice %arg9[%dma_start3A_780, %dma_start3A_784, %dma_start3A_785] : memref<4x16x10000xf32, #tpu.memory_space<vmem>> -> memref<1x1x10000xf32, #tpu.memory_space<vmem>>
      %dma_start3A_787 = tpu.memref_squeeze %dma_start3A_786 : memref<1x1x10000xf32, #tpu.memory_space<vmem>> -> memref<1x10000xf32, #tpu.memory_space<vmem>>
      %dma_start3A_788 = arith.constant 0 : i32
      %dma_start3A_789 = tpu.memref_slice %arg4[%get3A_779, %dma_start3A_788] : memref<10000x10000xf32, #tpu.memory_space<any>> -> memref<1x10000xf32, #tpu.memory_space<any>>
      tpu.enqueue_dma source(%dma_start3A_789 : memref<1x10000xf32, #tpu.memory_space<any>>) target(%dma_start3A_787 : memref<1x10000xf32, #tpu.memory_space<vmem>>) target_semaphore(%dma_start3A_783 : memref<!tpu.dma_semaphore, #tpu.memory_space<semaphore_mem>>)
      %get3A_790 = arith.constant 27 : index
      %get3A_791 = memref.load %arg1[%get3A_790] : memref<3200xi32, #tpu.memory_space<smem>>
      %dma_start3A_792 = arith.constant 1 : i32
      %dma_start3A_793 = arith.constant 1 : i32
      %dma_start3A_794 = tpu.memref_slice %arg10[%dma_start3A_793] : memref<4x!tpu.dma_semaphore, #tpu.memory_space<semaphore_mem>> -> memref<1x!tpu.dma_semaphore, #tpu.memory_space<semaphore_mem>>
      %dma_start3A_795 = tpu.memref_squeeze %dma_start3A_794 : memref<1x!tpu.dma_semaphore, #tpu.memory_space<semaphore_mem>> -> memref<!tpu.dma_semaphore, #tpu.memory_space<semaphore_mem>>
      %dma_start3A_796 = arith.constant 11 : i32
      %dma_start3A_797 = arith.constant 0 : i32
      %dma_start3A_798 = tpu.memref_slice %arg9[%dma_start3A_792, %dma_start3A_796, %dma_start3A_797] : memref<4x16x10000xf32, #tpu.memory_space<vmem>> -> memref<1x1x10000xf32, #tpu.memory_space<vmem>>
      %dma_start3A_799 = tpu.memref_squeeze %dma_start3A_798 : memref<1x1x10000xf32, #tpu.memory_space<vmem>> -> memref<1x10000xf32, #tpu.memory_space<vmem>>
      %dma_start3A_800 = arith.constant 0 : i32
      %dma_start3A_801 = tpu.memref_slice %arg4[%get3A_791, %dma_start3A_800] : memref<10000x10000xf32, #tpu.memory_space<any>> -> memref<1x10000xf32, #tpu.memory_space<any>>
      tpu.enqueue_dma source(%dma_start3A_801 : memref<1x10000xf32, #tpu.memory_space<any>>) target(%dma_start3A_799 : memref<1x10000xf32, #tpu.memory_space<vmem>>) target_semaphore(%dma_start3A_795 : memref<!tpu.dma_semaphore, #tpu.memory_space<semaphore_mem>>)
      %get3A_802 = arith.constant 28 : index
      %get3A_803 = memref.load %arg1[%get3A_802] : memref<3200xi32, #tpu.memory_space<smem>>
      %dma_start3A_804 = arith.constant 1 : i32
      %dma_start3A_805 = arith.constant 1 : i32
      %dma_start3A_806 = tpu.memref_slice %arg10[%dma_start3A_805] : memref<4x!tpu.dma_semaphore, #tpu.memory_space<semaphore_mem>> -> memref<1x!tpu.dma_semaphore, #tpu.memory_space<semaphore_mem>>
      %dma_start3A_807 = tpu.memref_squeeze %dma_start3A_806 : memref<1x!tpu.dma_semaphore, #tpu.memory_space<semaphore_mem>> -> memref<!tpu.dma_semaphore, #tpu.memory_space<semaphore_mem>>
      %dma_start3A_808 = arith.constant 12 : i32
      %dma_start3A_809 = arith.constant 0 : i32
      %dma_start3A_810 = tpu.memref_slice %arg9[%dma_start3A_804, %dma_start3A_808, %dma_start3A_809] : memref<4x16x10000xf32, #tpu.memory_space<vmem>> -> memref<1x1x10000xf32, #tpu.memory_space<vmem>>
      %dma_start3A_811 = tpu.memref_squeeze %dma_start3A_810 : memref<1x1x10000xf32, #tpu.memory_space<vmem>> -> memref<1x10000xf32, #tpu.memory_space<vmem>>
      %dma_start3A_812 = arith.constant 0 : i32
      %dma_start3A_813 = tpu.memref_slice %arg4[%get3A_803, %dma_start3A_812] : memref<10000x10000xf32, #tpu.memory_space<any>> -> memref<1x10000xf32, #tpu.memory_space<any>>
      tpu.enqueue_dma source(%dma_start3A_813 : memref<1x10000xf32, #tpu.memory_space<any>>) target(%dma_start3A_811 : memref<1x10000xf32, #tpu.memory_space<vmem>>) target_semaphore(%dma_start3A_807 : memref<!tpu.dma_semaphore, #tpu.memory_space<semaphore_mem>>)
      %get3A_814 = arith.constant 29 : index
      %get3A_815 = memref.load %arg1[%get3A_814] : memref<3200xi32, #tpu.memory_space<smem>>
      %dma_start3A_816 = arith.constant 1 : i32
      %dma_start3A_817 = arith.constant 1 : i32
      %dma_start3A_818 = tpu.memref_slice %arg10[%dma_start3A_817] : memref<4x!tpu.dma_semaphore, #tpu.memory_space<semaphore_mem>> -> memref<1x!tpu.dma_semaphore, #tpu.memory_space<semaphore_mem>>
      %dma_start3A_819 = tpu.memref_squeeze %dma_start3A_818 : memref<1x!tpu.dma_semaphore, #tpu.memory_space<semaphore_mem>> -> memref<!tpu.dma_semaphore, #tpu.memory_space<semaphore_mem>>
      %dma_start3A_820 = arith.constant 13 : i32
      %dma_start3A_821 = arith.constant 0 : i32
      %dma_start3A_822 = tpu.memref_slice %arg9[%dma_start3A_816, %dma_start3A_820, %dma_start3A_821] : memref<4x16x10000xf32, #tpu.memory_space<vmem>> -> memref<1x1x10000xf32, #tpu.memory_space<vmem>>
      %dma_start3A_823 = tpu.memref_squeeze %dma_start3A_822 : memref<1x1x10000xf32, #tpu.memory_space<vmem>> -> memref<1x10000xf32, #tpu.memory_space<vmem>>
      %dma_start3A_824 = arith.constant 0 : i32
      %dma_start3A_825 = tpu.memref_slice %arg4[%get3A_815, %dma_start3A_824] : memref<10000x10000xf32, #tpu.memory_space<any>> -> memref<1x10000xf32, #tpu.memory_space<any>>
      tpu.enqueue_dma source(%dma_start3A_825 : memref<1x10000xf32, #tpu.memory_space<any>>) target(%dma_start3A_823 : memref<1x10000xf32, #tpu.memory_space<vmem>>) target_semaphore(%dma_start3A_819 : memref<!tpu.dma_semaphore, #tpu.memory_space<semaphore_mem>>)
      %get3A_826 = arith.constant 30 : index
      %get3A_827 = memref.load %arg1[%get3A_826] : memref<3200xi32, #tpu.memory_space<smem>>
      %dma_start3A_828 = arith.constant 1 : i32
      %dma_start3A_829 = arith.constant 1 : i32
      %dma_start3A_830 = tpu.memref_slice %arg10[%dma_start3A_829] : memref<4x!tpu.dma_semaphore, #tpu.memory_space<semaphore_mem>> -> memref<1x!tpu.dma_semaphore, #tpu.memory_space<semaphore_mem>>
      %dma_start3A_831 = tpu.memref_squeeze %dma_start3A_830 : memref<1x!tpu.dma_semaphore, #tpu.memory_space<semaphore_mem>> -> memref<!tpu.dma_semaphore, #tpu.memory_space<semaphore_mem>>
      %dma_start3A_832 = arith.constant 14 : i32
      %dma_start3A_833 = arith.constant 0 : i32
      %dma_start3A_834 = tpu.memref_slice %arg9[%dma_start3A_828, %dma_start3A_832, %dma_start3A_833] : memref<4x16x10000xf32, #tpu.memory_space<vmem>> -> memref<1x1x10000xf32, #tpu.memory_space<vmem>>
      %dma_start3A_835 = tpu.memref_squeeze %dma_start3A_834 : memref<1x1x10000xf32, #tpu.memory_space<vmem>> -> memref<1x10000xf32, #tpu.memory_space<vmem>>
      %dma_start3A_836 = arith.constant 0 : i32
      %dma_start3A_837 = tpu.memref_slice %arg4[%get3A_827, %dma_start3A_836] : memref<10000x10000xf32, #tpu.memory_space<any>> -> memref<1x10000xf32, #tpu.memory_space<any>>
      tpu.enqueue_dma source(%dma_start3A_837 : memref<1x10000xf32, #tpu.memory_space<any>>) target(%dma_start3A_835 : memref<1x10000xf32, #tpu.memory_space<vmem>>) target_semaphore(%dma_start3A_831 : memref<!tpu.dma_semaphore, #tpu.memory_space<semaphore_mem>>)
      %get3A_838 = arith.constant 31 : index
      %get3A_839 = memref.load %arg1[%get3A_838] : memref<3200xi32, #tpu.memory_space<smem>>
      %dma_start3A_840 = arith.constant 1 : i32
      %dma_start3A_841 = arith.constant 1 : i32
      %dma_start3A_842 = tpu.memref_slice %arg10[%dma_start3A_841] : memref<4x!tpu.dma_semaphore, #tpu.memory_space<semaphore_mem>> -> memref<1x!tpu.dma_semaphore, #tpu.memory_space<semaphore_mem>>
      %dma_start3A_843 = tpu.memref_squeeze %dma_start3A_842 : memref<1x!tpu.dma_semaphore, #tpu.memory_space<semaphore_mem>> -> memref<!tpu.dma_semaphore, #tpu.memory_space<semaphore_mem>>
      %dma_start3A_844 = arith.constant 15 : i32
      %dma_start3A_845 = arith.constant 0 : i32
      %dma_start3A_846 = tpu.memref_slice %arg9[%dma_start3A_840, %dma_start3A_844, %dma_start3A_845] : memref<4x16x10000xf32, #tpu.memory_space<vmem>> -> memref<1x1x10000xf32, #tpu.memory_space<vmem>>
      %dma_start3A_847 = tpu.memref_squeeze %dma_start3A_846 : memref<1x1x10000xf32, #tpu.memory_space<vmem>> -> memref<1x10000xf32, #tpu.memory_space<vmem>>
      %dma_start3A_848 = arith.constant 0 : i32
      %dma_start3A_849 = tpu.memref_slice %arg4[%get3A_839, %dma_start3A_848] : memref<10000x10000xf32, #tpu.memory_space<any>> -> memref<1x10000xf32, #tpu.memory_space<any>>
      tpu.enqueue_dma source(%dma_start3A_849 : memref<1x10000xf32, #tpu.memory_space<any>>) target(%dma_start3A_847 : memref<1x10000xf32, #tpu.memory_space<vmem>>) target_semaphore(%dma_start3A_843 : memref<!tpu.dma_semaphore, #tpu.memory_space<semaphore_mem>>)
      %get3A_850 = arith.constant 32 : index
      %get3A_851 = memref.load %arg1[%get3A_850] : memref<3200xi32, #tpu.memory_space<smem>>
      %dma_start3A_852 = arith.constant 2 : i32
      %dma_start3A_853 = arith.constant 2 : i32
      %dma_start3A_854 = tpu.memref_slice %arg10[%dma_start3A_853] : memref<4x!tpu.dma_semaphore, #tpu.memory_space<semaphore_mem>> -> memref<1x!tpu.dma_semaphore, #tpu.memory_space<semaphore_mem>>
      %dma_start3A_855 = tpu.memref_squeeze %dma_start3A_854 : memref<1x!tpu.dma_semaphore, #tpu.memory_space<semaphore_mem>> -> memref<!tpu.dma_semaphore, #tpu.memory_space<semaphore_mem>>
      %dma_start3A_856 = arith.constant 0 : i32
      %dma_start3A_857 = arith.constant 0 : i32
      %dma_start3A_858 = tpu.memref_slice %arg9[%dma_start3A_852, %dma_start3A_856, %dma_start3A_857] : memref<4x16x10000xf32, #tpu.memory_space<vmem>> -> memref<1x1x10000xf32, #tpu.memory_space<vmem>>
      %dma_start3A_859 = tpu.memref_squeeze %dma_start3A_858 : memref<1x1x10000xf32, #tpu.memory_space<vmem>> -> memref<1x10000xf32, #tpu.memory_space<vmem>>
      %dma_start3A_860 = arith.constant 0 : i32
      %dma_start3A_861 = tpu.memref_slice %arg4[%get3A_851, %dma_start3A_860] : memref<10000x10000xf32, #tpu.memory_space<any>> -> memref<1x10000xf32, #tpu.memory_space<any>>
      tpu.enqueue_dma source(%dma_start3A_861 : memref<1x10000xf32, #tpu.memory_space<any>>) target(%dma_start3A_859 : memref<1x10000xf32, #tpu.memory_space<vmem>>) target_semaphore(%dma_start3A_855 : memref<!tpu.dma_semaphore, #tpu.memory_space<semaphore_mem>>)
      %get3A_862 = arith.constant 33 : index
      %get3A_863 = memref.load %arg1[%get3A_862] : memref<3200xi32, #tpu.memory_space<smem>>
      %dma_start3A_864 = arith.constant 2 : i32
      %dma_start3A_865 = arith.constant 2 : i32
      %dma_start3A_866 = tpu.memref_slice %arg10[%dma_start3A_865] : memref<4x!tpu.dma_semaphore, #tpu.memory_space<semaphore_mem>> -> memref<1x!tpu.dma_semaphore, #tpu.memory_space<semaphore_mem>>
      %dma_start3A_867 = tpu.memref_squeeze %dma_start3A_866 : memref<1x!tpu.dma_semaphore, #tpu.memory_space<semaphore_mem>> -> memref<!tpu.dma_semaphore, #tpu.memory_space<semaphore_mem>>
      %dma_start3A_868 = arith.constant 1 : i32
      %dma_start3A_869 = arith.constant 0 : i32
      %dma_start3A_870 = tpu.memref_slice %arg9[%dma_start3A_864, %dma_start3A_868, %dma_start3A_869] : memref<4x16x10000xf32, #tpu.memory_space<vmem>> -> memref<1x1x10000xf32, #tpu.memory_space<vmem>>
      %dma_start3A_871 = tpu.memref_squeeze %dma_start3A_870 : memref<1x1x10000xf32, #tpu.memory_space<vmem>> -> memref<1x10000xf32, #tpu.memory_space<vmem>>
      %dma_start3A_872 = arith.constant 0 : i32
      %dma_start3A_873 = tpu.memref_slice %arg4[%get3A_863, %dma_start3A_872] : memref<10000x10000xf32, #tpu.memory_space<any>> -> memref<1x10000xf32, #tpu.memory_space<any>>
      tpu.enqueue_dma source(%dma_start3A_873 : memref<1x10000xf32, #tpu.memory_space<any>>) target(%dma_start3A_871 : memref<1x10000xf32, #tpu.memory_space<vmem>>) target_semaphore(%dma_start3A_867 : memref<!tpu.dma_semaphore, #tpu.memory_space<semaphore_mem>>)
      %get3A_874 = arith.constant 34 : index
      %get3A_875 = memref.load %arg1[%get3A_874] : memref<3200xi32, #tpu.memory_space<smem>>
      %dma_start3A_876 = arith.constant 2 : i32
      %dma_start3A_877 = arith.constant 2 : i32
      %dma_start3A_878 = tpu.memref_slice %arg10[%dma_start3A_877] : memref<4x!tpu.dma_semaphore, #tpu.memory_space<semaphore_mem>> -> memref<1x!tpu.dma_semaphore, #tpu.memory_space<semaphore_mem>>
      %dma_start3A_879 = tpu.memref_squeeze %dma_start3A_878 : memref<1x!tpu.dma_semaphore, #tpu.memory_space<semaphore_mem>> -> memref<!tpu.dma_semaphore, #tpu.memory_space<semaphore_mem>>
      %dma_start3A_880 = arith.constant 2 : i32
      %dma_start3A_881 = arith.constant 0 : i32
      %dma_start3A_882 = tpu.memref_slice %arg9[%dma_start3A_876, %dma_start3A_880, %dma_start3A_881] : memref<4x16x10000xf32, #tpu.memory_space<vmem>> -> memref<1x1x10000xf32, #tpu.memory_space<vmem>>
      %dma_start3A_883 = tpu.memref_squeeze %dma_start3A_882 : memref<1x1x10000xf32, #tpu.memory_space<vmem>> -> memref<1x10000xf32, #tpu.memory_space<vmem>>
      %dma_start3A_884 = arith.constant 0 : i32
      %dma_start3A_885 = tpu.memref_slice %arg4[%get3A_875, %dma_start3A_884] : memref<10000x10000xf32, #tpu.memory_space<any>> -> memref<1x10000xf32, #tpu.memory_space<any>>
      tpu.enqueue_dma source(%dma_start3A_885 : memref<1x10000xf32, #tpu.memory_space<any>>) target(%dma_start3A_883 : memref<1x10000xf32, #tpu.memory_space<vmem>>) target_semaphore(%dma_start3A_879 : memref<!tpu.dma_semaphore, #tpu.memory_space<semaphore_mem>>)
      %get3A_886 = arith.constant 35 : index
      %get3A_887 = memref.load %arg1[%get3A_886] : memref<3200xi32, #tpu.memory_space<smem>>
      %dma_start3A_888 = arith.constant 2 : i32
      %dma_start3A_889 = arith.constant 2 : i32
      %dma_start3A_890 = tpu.memref_slice %arg10[%dma_start3A_889] : memref<4x!tpu.dma_semaphore, #tpu.memory_space<semaphore_mem>> -> memref<1x!tpu.dma_semaphore, #tpu.memory_space<semaphore_mem>>
      %dma_start3A_891 = tpu.memref_squeeze %dma_start3A_890 : memref<1x!tpu.dma_semaphore, #tpu.memory_space<semaphore_mem>> -> memref<!tpu.dma_semaphore, #tpu.memory_space<semaphore_mem>>
      %dma_start3A_892 = arith.constant 3 : i32
      %dma_start3A_893 = arith.constant 0 : i32
      %dma_start3A_894 = tpu.memref_slice %arg9[%dma_start3A_888, %dma_start3A_892, %dma_start3A_893] : memref<4x16x10000xf32, #tpu.memory_space<vmem>> -> memref<1x1x10000xf32, #tpu.memory_space<vmem>>
      %dma_start3A_895 = tpu.memref_squeeze %dma_start3A_894 : memref<1x1x10000xf32, #tpu.memory_space<vmem>> -> memref<1x10000xf32, #tpu.memory_space<vmem>>
      %dma_start3A_896 = arith.constant 0 : i32
      %dma_start3A_897 = tpu.memref_slice %arg4[%get3A_887, %dma_start3A_896] : memref<10000x10000xf32, #tpu.memory_space<any>> -> memref<1x10000xf32, #tpu.memory_space<any>>
      tpu.enqueue_dma source(%dma_start3A_897 : memref<1x10000xf32, #tpu.memory_space<any>>) target(%dma_start3A_895 : memref<1x10000xf32, #tpu.memory_space<vmem>>) target_semaphore(%dma_start3A_891 : memref<!tpu.dma_semaphore, #tpu.memory_space<semaphore_mem>>)
      %get3A_898 = arith.constant 36 : index
      %get3A_899 = memref.load %arg1[%get3A_898] : memref<3200xi32, #tpu.memory_space<smem>>
      %dma_start3A_900 = arith.constant 2 : i32
      %dma_start3A_901 = arith.constant 2 : i32
      %dma_start3A_902 = tpu.memref_slice %arg10[%dma_start3A_901] : memref<4x!tpu.dma_semaphore, #tpu.memory_space<semaphore_mem>> -> memref<1x!tpu.dma_semaphore, #tpu.memory_space<semaphore_mem>>
      %dma_start3A_903 = tpu.memref_squeeze %dma_start3A_902 : memref<1x!tpu.dma_semaphore, #tpu.memory_space<semaphore_mem>> -> memref<!tpu.dma_semaphore, #tpu.memory_space<semaphore_mem>>
      %dma_start3A_904 = arith.constant 4 : i32
      %dma_start3A_905 = arith.constant 0 : i32
      %dma_start3A_906 = tpu.memref_slice %arg9[%dma_start3A_900, %dma_start3A_904, %dma_start3A_905] : memref<4x16x10000xf32, #tpu.memory_space<vmem>> -> memref<1x1x10000xf32, #tpu.memory_space<vmem>>
      %dma_start3A_907 = tpu.memref_squeeze %dma_start3A_906 : memref<1x1x10000xf32, #tpu.memory_space<vmem>> -> memref<1x10000xf32, #tpu.memory_space<vmem>>
      %dma_start3A_908 = arith.constant 0 : i32
      %dma_start3A_909 = tpu.memref_slice %arg4[%get3A_899, %dma_start3A_908] : memref<10000x10000xf32, #tpu.memory_space<any>> -> memref<1x10000xf32, #tpu.memory_space<any>>
      tpu.enqueue_dma source(%dma_start3A_909 : memref<1x10000xf32, #tpu.memory_space<any>>) target(%dma_start3A_907 : memref<1x10000xf32, #tpu.memory_space<vmem>>) target_semaphore(%dma_start3A_903 : memref<!tpu.dma_semaphore, #tpu.memory_space<semaphore_mem>>)
      %get3A_910 = arith.constant 37 : index
      %get3A_911 = memref.load %arg1[%get3A_910] : memref<3200xi32, #tpu.memory_space<smem>>
      %dma_start3A_912 = arith.constant 2 : i32
      %dma_start3A_913 = arith.constant 2 : i32
      %dma_start3A_914 = tpu.memref_slice %arg10[%dma_start3A_913] : memref<4x!tpu.dma_semaphore, #tpu.memory_space<semaphore_mem>> -> memref<1x!tpu.dma_semaphore, #tpu.memory_space<semaphore_mem>>
      %dma_start3A_915 = tpu.memref_squeeze %dma_start3A_914 : memref<1x!tpu.dma_semaphore, #tpu.memory_space<semaphore_mem>> -> memref<!tpu.dma_semaphore, #tpu.memory_space<semaphore_mem>>
      %dma_start3A_916 = arith.constant 5 : i32
      %dma_start3A_917 = arith.constant 0 : i32
      %dma_start3A_918 = tpu.memref_slice %arg9[%dma_start3A_912, %dma_start3A_916, %dma_start3A_917] : memref<4x16x10000xf32, #tpu.memory_space<vmem>> -> memref<1x1x10000xf32, #tpu.memory_space<vmem>>
      %dma_start3A_919 = tpu.memref_squeeze %dma_start3A_918 : memref<1x1x10000xf32, #tpu.memory_space<vmem>> -> memref<1x10000xf32, #tpu.memory_space<vmem>>
      %dma_start3A_920 = arith.constant 0 : i32
      %dma_start3A_921 = tpu.memref_slice %arg4[%get3A_911, %dma_start3A_920] : memref<10000x10000xf32, #tpu.memory_space<any>> -> memref<1x10000xf32, #tpu.memory_space<any>>
      tpu.enqueue_dma source(%dma_start3A_921 : memref<1x10000xf32, #tpu.memory_space<any>>) target(%dma_start3A_919 : memref<1x10000xf32, #tpu.memory_space<vmem>>) target_semaphore(%dma_start3A_915 : memref<!tpu.dma_semaphore, #tpu.memory_space<semaphore_mem>>)
      %get3A_922 = arith.constant 38 : index
      %get3A_923 = memref.load %arg1[%get3A_922] : memref<3200xi32, #tpu.memory_space<smem>>
      %dma_start3A_924 = arith.constant 2 : i32
      %dma_start3A_925 = arith.constant 2 : i32
      %dma_start3A_926 = tpu.memref_slice %arg10[%dma_start3A_925] : memref<4x!tpu.dma_semaphore, #tpu.memory_space<semaphore_mem>> -> memref<1x!tpu.dma_semaphore, #tpu.memory_space<semaphore_mem>>
      %dma_start3A_927 = tpu.memref_squeeze %dma_start3A_926 : memref<1x!tpu.dma_semaphore, #tpu.memory_space<semaphore_mem>> -> memref<!tpu.dma_semaphore, #tpu.memory_space<semaphore_mem>>
      %dma_start3A_928 = arith.constant 6 : i32
      %dma_start3A_929 = arith.constant 0 : i32
      %dma_start3A_930 = tpu.memref_slice %arg9[%dma_start3A_924, %dma_start3A_928, %dma_start3A_929] : memref<4x16x10000xf32, #tpu.memory_space<vmem>> -> memref<1x1x10000xf32, #tpu.memory_space<vmem>>
      %dma_start3A_931 = tpu.memref_squeeze %dma_start3A_930 : memref<1x1x10000xf32, #tpu.memory_space<vmem>> -> memref<1x10000xf32, #tpu.memory_space<vmem>>
      %dma_start3A_932 = arith.constant 0 : i32
      %dma_start3A_933 = tpu.memref_slice %arg4[%get3A_923, %dma_start3A_932] : memref<10000x10000xf32, #tpu.memory_space<any>> -> memref<1x10000xf32, #tpu.memory_space<any>>
      tpu.enqueue_dma source(%dma_start3A_933 : memref<1x10000xf32, #tpu.memory_space<any>>) target(%dma_start3A_931 : memref<1x10000xf32, #tpu.memory_space<vmem>>) target_semaphore(%dma_start3A_927 : memref<!tpu.dma_semaphore, #tpu.memory_space<semaphore_mem>>)
      %get3A_934 = arith.constant 39 : index
      %get3A_935 = memref.load %arg1[%get3A_934] : memref<3200xi32, #tpu.memory_space<smem>>
      %dma_start3A_936 = arith.constant 2 : i32
      %dma_start3A_937 = arith.constant 2 : i32
      %dma_start3A_938 = tpu.memref_slice %arg10[%dma_start3A_937] : memref<4x!tpu.dma_semaphore, #tpu.memory_space<semaphore_mem>> -> memref<1x!tpu.dma_semaphore, #tpu.memory_space<semaphore_mem>>
      %dma_start3A_939 = tpu.memref_squeeze %dma_start3A_938 : memref<1x!tpu.dma_semaphore, #tpu.memory_space<semaphore_mem>> -> memref<!tpu.dma_semaphore, #tpu.memory_space<semaphore_mem>>
      %dma_start3A_940 = arith.constant 7 : i32
      %dma_start3A_941 = arith.constant 0 : i32
      %dma_start3A_942 = tpu.memref_slice %arg9[%dma_start3A_936, %dma_start3A_940, %dma_start3A_941] : memref<4x16x10000xf32, #tpu.memory_space<vmem>> -> memref<1x1x10000xf32, #tpu.memory_space<vmem>>
      %dma_start3A_943 = tpu.memref_squeeze %dma_start3A_942 : memref<1x1x10000xf32, #tpu.memory_space<vmem>> -> memref<1x10000xf32, #tpu.memory_space<vmem>>
      %dma_start3A_944 = arith.constant 0 : i32
      %dma_start3A_945 = tpu.memref_slice %arg4[%get3A_935, %dma_start3A_944] : memref<10000x10000xf32, #tpu.memory_space<any>> -> memref<1x10000xf32, #tpu.memory_space<any>>
      tpu.enqueue_dma source(%dma_start3A_945 : memref<1x10000xf32, #tpu.memory_space<any>>) target(%dma_start3A_943 : memref<1x10000xf32, #tpu.memory_space<vmem>>) target_semaphore(%dma_start3A_939 : memref<!tpu.dma_semaphore, #tpu.memory_space<semaphore_mem>>)
      %get3A_946 = arith.constant 40 : index
      %get3A_947 = memref.load %arg1[%get3A_946] : memref<3200xi32, #tpu.memory_space<smem>>
      %dma_start3A_948 = arith.constant 2 : i32
      %dma_start3A_949 = arith.constant 2 : i32
      %dma_start3A_950 = tpu.memref_slice %arg10[%dma_start3A_949] : memref<4x!tpu.dma_semaphore, #tpu.memory_space<semaphore_mem>> -> memref<1x!tpu.dma_semaphore, #tpu.memory_space<semaphore_mem>>
      %dma_start3A_951 = tpu.memref_squeeze %dma_start3A_950 : memref<1x!tpu.dma_semaphore, #tpu.memory_space<semaphore_mem>> -> memref<!tpu.dma_semaphore, #tpu.memory_space<semaphore_mem>>
      %dma_start3A_952 = arith.constant 8 : i32
      %dma_start3A_953 = arith.constant 0 : i32
      %dma_start3A_954 = tpu.memref_slice %arg9[%dma_start3A_948, %dma_start3A_952, %dma_start3A_953] : memref<4x16x10000xf32, #tpu.memory_space<vmem>> -> memref<1x1x10000xf32, #tpu.memory_space<vmem>>
      %dma_start3A_955 = tpu.memref_squeeze %dma_start3A_954 : memref<1x1x10000xf32, #tpu.memory_space<vmem>> -> memref<1x10000xf32, #tpu.memory_space<vmem>>
      %dma_start3A_956 = arith.constant 0 : i32
      %dma_start3A_957 = tpu.memref_slice %arg4[%get3A_947, %dma_start3A_956] : memref<10000x10000xf32, #tpu.memory_space<any>> -> memref<1x10000xf32, #tpu.memory_space<any>>
      tpu.enqueue_dma source(%dma_start3A_957 : memref<1x10000xf32, #tpu.memory_space<any>>) target(%dma_start3A_955 : memref<1x10000xf32, #tpu.memory_space<vmem>>) target_semaphore(%dma_start3A_951 : memref<!tpu.dma_semaphore, #tpu.memory_space<semaphore_mem>>)
      %get3A_958 = arith.constant 41 : index
      %get3A_959 = memref.load %arg1[%get3A_958] : memref<3200xi32, #tpu.memory_space<smem>>
      %dma_start3A_960 = arith.constant 2 : i32
      %dma_start3A_961 = arith.constant 2 : i32
      %dma_start3A_962 = tpu.memref_slice %arg10[%dma_start3A_961] : memref<4x!tpu.dma_semaphore, #tpu.memory_space<semaphore_mem>> -> memref<1x!tpu.dma_semaphore, #tpu.memory_space<semaphore_mem>>
      %dma_start3A_963 = tpu.memref_squeeze %dma_start3A_962 : memref<1x!tpu.dma_semaphore, #tpu.memory_space<semaphore_mem>> -> memref<!tpu.dma_semaphore, #tpu.memory_space<semaphore_mem>>
      %dma_start3A_964 = arith.constant 9 : i32
      %dma_start3A_965 = arith.constant 0 : i32
      %dma_start3A_966 = tpu.memref_slice %arg9[%dma_start3A_960, %dma_start3A_964, %dma_start3A_965] : memref<4x16x10000xf32, #tpu.memory_space<vmem>> -> memref<1x1x10000xf32, #tpu.memory_space<vmem>>
      %dma_start3A_967 = tpu.memref_squeeze %dma_start3A_966 : memref<1x1x10000xf32, #tpu.memory_space<vmem>> -> memref<1x10000xf32, #tpu.memory_space<vmem>>
      %dma_start3A_968 = arith.constant 0 : i32
      %dma_start3A_969 = tpu.memref_slice %arg4[%get3A_959, %dma_start3A_968] : memref<10000x10000xf32, #tpu.memory_space<any>> -> memref<1x10000xf32, #tpu.memory_space<any>>
      tpu.enqueue_dma source(%dma_start3A_969 : memref<1x10000xf32, #tpu.memory_space<any>>) target(%dma_start3A_967 : memref<1x10000xf32, #tpu.memory_space<vmem>>) target_semaphore(%dma_start3A_963 : memref<!tpu.dma_semaphore, #tpu.memory_space<semaphore_mem>>)
      %get3A_970 = arith.constant 42 : index
      %get3A_971 = memref.load %arg1[%get3A_970] : memref<3200xi32, #tpu.memory_space<smem>>
      %dma_start3A_972 = arith.constant 2 : i32
      %dma_start3A_973 = arith.constant 2 : i32
      %dma_start3A_974 = tpu.memref_slice %arg10[%dma_start3A_973] : memref<4x!tpu.dma_semaphore, #tpu.memory_space<semaphore_mem>> -> memref<1x!tpu.dma_semaphore, #tpu.memory_space<semaphore_mem>>
      %dma_start3A_975 = tpu.memref_squeeze %dma_start3A_974 : memref<1x!tpu.dma_semaphore, #tpu.memory_space<semaphore_mem>> -> memref<!tpu.dma_semaphore, #tpu.memory_space<semaphore_mem>>
      %dma_start3A_976 = arith.constant 10 : i32
      %dma_start3A_977 = arith.constant 0 : i32
      %dma_start3A_978 = tpu.memref_slice %arg9[%dma_start3A_972, %dma_start3A_976, %dma_start3A_977] : memref<4x16x10000xf32, #tpu.memory_space<vmem>> -> memref<1x1x10000xf32, #tpu.memory_space<vmem>>
      %dma_start3A_979 = tpu.memref_squeeze %dma_start3A_978 : memref<1x1x10000xf32, #tpu.memory_space<vmem>> -> memref<1x10000xf32, #tpu.memory_space<vmem>>
      %dma_start3A_980 = arith.constant 0 : i32
      %dma_start3A_981 = tpu.memref_slice %arg4[%get3A_971, %dma_start3A_980] : memref<10000x10000xf32, #tpu.memory_space<any>> -> memref<1x10000xf32, #tpu.memory_space<any>>
      tpu.enqueue_dma source(%dma_start3A_981 : memref<1x10000xf32, #tpu.memory_space<any>>) target(%dma_start3A_979 : memref<1x10000xf32, #tpu.memory_space<vmem>>) target_semaphore(%dma_start3A_975 : memref<!tpu.dma_semaphore, #tpu.memory_space<semaphore_mem>>)
      %get3A_982 = arith.constant 43 : index
      %get3A_983 = memref.load %arg1[%get3A_982] : memref<3200xi32, #tpu.memory_space<smem>>
      %dma_start3A_984 = arith.constant 2 : i32
      %dma_start3A_985 = arith.constant 2 : i32
      %dma_start3A_986 = tpu.memref_slice %arg10[%dma_start3A_985] : memref<4x!tpu.dma_semaphore, #tpu.memory_space<semaphore_mem>> -> memref<1x!tpu.dma_semaphore, #tpu.memory_space<semaphore_mem>>
      %dma_start3A_987 = tpu.memref_squeeze %dma_start3A_986 : memref<1x!tpu.dma_semaphore, #tpu.memory_space<semaphore_mem>> -> memref<!tpu.dma_semaphore, #tpu.memory_space<semaphore_mem>>
      %dma_start3A_988 = arith.constant 11 : i32
      %dma_start3A_989 = arith.constant 0 : i32
      %dma_start3A_990 = tpu.memref_slice %arg9[%dma_start3A_984, %dma_start3A_988, %dma_start3A_989] : memref<4x16x10000xf32, #tpu.memory_space<vmem>> -> memref<1x1x10000xf32, #tpu.memory_space<vmem>>
      %dma_start3A_991 = tpu.memref_squeeze %dma_start3A_990 : memref<1x1x10000xf32, #tpu.memory_space<vmem>> -> memref<1x10000xf32, #tpu.memory_space<vmem>>
      %dma_start3A_992 = arith.constant 0 : i32
      %dma_start3A_993 = tpu.memref_slice %arg4[%get3A_983, %dma_start3A_992] : memref<10000x10000xf32, #tpu.memory_space<any>> -> memref<1x10000xf32, #tpu.memory_space<any>>
      tpu.enqueue_dma source(%dma_start3A_993 : memref<1x10000xf32, #tpu.memory_space<any>>) target(%dma_start3A_991 : memref<1x10000xf32, #tpu.memory_space<vmem>>) target_semaphore(%dma_start3A_987 : memref<!tpu.dma_semaphore, #tpu.memory_space<semaphore_mem>>)
      %get3A_994 = arith.constant 44 : index
      %get3A_995 = memref.load %arg1[%get3A_994] : memref<3200xi32, #tpu.memory_space<smem>>
      %dma_start3A_996 = arith.constant 2 : i32
      %dma_start3A_997 = arith.constant 2 : i32
      %dma_start3A_998 = tpu.memref_slice %arg10[%dma_start3A_997] : memref<4x!tpu.dma_semaphore, #tpu.memory_space<semaphore_mem>> -> memref<1x!tpu.dma_semaphore, #tpu.memory_space<semaphore_mem>>
      %dma_start3A_999 = tpu.memref_squeeze %dma_start3A_998 : memref<1x!tpu.dma_semaphore, #tpu.memory_space<semaphore_mem>> -> memref<!tpu.dma_semaphore, #tpu.memory_space<semaphore_mem>>
      %dma_start3A_1000 = arith.constant 12 : i32
      %dma_start3A_1001 = arith.constant 0 : i32
      %dma_start3A_1002 = tpu.memref_slice %arg9[%dma_start3A_996, %dma_start3A_1000, %dma_start3A_1001] : memref<4x16x10000xf32, #tpu.memory_space<vmem>> -> memref<1x1x10000xf32, #tpu.memory_space<vmem>>
      %dma_start3A_1003 = tpu.memref_squeeze %dma_start3A_1002 : memref<1x1x10000xf32, #tpu.memory_space<vmem>> -> memref<1x10000xf32, #tpu.memory_space<vmem>>
      %dma_start3A_1004 = arith.constant 0 : i32
      %dma_start3A_1005 = tpu.memref_slice %arg4[%get3A_995, %dma_start3A_1004] : memref<10000x10000xf32, #tpu.memory_space<any>> -> memref<1x10000xf32, #tpu.memory_space<any>>
      tpu.enqueue_dma source(%dma_start3A_1005 : memref<1x10000xf32, #tpu.memory_space<any>>) target(%dma_start3A_1003 : memref<1x10000xf32, #tpu.memory_space<vmem>>) target_semaphore(%dma_start3A_999 : memref<!tpu.dma_semaphore, #tpu.memory_space<semaphore_mem>>)
      %get3A_1006 = arith.constant 45 : index
      %get3A_1007 = memref.load %arg1[%get3A_1006] : memref<3200xi32, #tpu.memory_space<smem>>
      %dma_start3A_1008 = arith.constant 2 : i32
      %dma_start3A_1009 = arith.constant 2 : i32
      %dma_start3A_1010 = tpu.memref_slice %arg10[%dma_start3A_1009] : memref<4x!tpu.dma_semaphore, #tpu.memory_space<semaphore_mem>> -> memref<1x!tpu.dma_semaphore, #tpu.memory_space<semaphore_mem>>
      %dma_start3A_1011 = tpu.memref_squeeze %dma_start3A_1010 : memref<1x!tpu.dma_semaphore, #tpu.memory_space<semaphore_mem>> -> memref<!tpu.dma_semaphore, #tpu.memory_space<semaphore_mem>>
      %dma_start3A_1012 = arith.constant 13 : i32
      %dma_start3A_1013 = arith.constant 0 : i32
      %dma_start3A_1014 = tpu.memref_slice %arg9[%dma_start3A_1008, %dma_start3A_1012, %dma_start3A_1013] : memref<4x16x10000xf32, #tpu.memory_space<vmem>> -> memref<1x1x10000xf32, #tpu.memory_space<vmem>>
      %dma_start3A_1015 = tpu.memref_squeeze %dma_start3A_1014 : memref<1x1x10000xf32, #tpu.memory_space<vmem>> -> memref<1x10000xf32, #tpu.memory_space<vmem>>
      %dma_start3A_1016 = arith.constant 0 : i32
      %dma_start3A_1017 = tpu.memref_slice %arg4[%get3A_1007, %dma_start3A_1016] : memref<10000x10000xf32, #tpu.memory_space<any>> -> memref<1x10000xf32, #tpu.memory_space<any>>
      tpu.enqueue_dma source(%dma_start3A_1017 : memref<1x10000xf32, #tpu.memory_space<any>>) target(%dma_start3A_1015 : memref<1x10000xf32, #tpu.memory_space<vmem>>) target_semaphore(%dma_start3A_1011 : memref<!tpu.dma_semaphore, #tpu.memory_space<semaphore_mem>>)
      %get3A_1018 = arith.constant 46 : index
      %get3A_1019 = memref.load %arg1[%get3A_1018] : memref<3200xi32, #tpu.memory_space<smem>>
      %dma_start3A_1020 = arith.constant 2 : i32
      %dma_start3A_1021 = arith.constant 2 : i32
      %dma_start3A_1022 = tpu.memref_slice %arg10[%dma_start3A_1021] : memref<4x!tpu.dma_semaphore, #tpu.memory_space<semaphore_mem>> -> memref<1x!tpu.dma_semaphore, #tpu.memory_space<semaphore_mem>>
      %dma_start3A_1023 = tpu.memref_squeeze %dma_start3A_1022 : memref<1x!tpu.dma_semaphore, #tpu.memory_space<semaphore_mem>> -> memref<!tpu.dma_semaphore, #tpu.memory_space<semaphore_mem>>
      %dma_start3A_1024 = arith.constant 14 : i32
      %dma_start3A_1025 = arith.constant 0 : i32
      %dma_start3A_1026 = tpu.memref_slice %arg9[%dma_start3A_1020, %dma_start3A_1024, %dma_start3A_1025] : memref<4x16x10000xf32, #tpu.memory_space<vmem>> -> memref<1x1x10000xf32, #tpu.memory_space<vmem>>
      %dma_start3A_1027 = tpu.memref_squeeze %dma_start3A_1026 : memref<1x1x10000xf32, #tpu.memory_space<vmem>> -> memref<1x10000xf32, #tpu.memory_space<vmem>>
      %dma_start3A_1028 = arith.constant 0 : i32
      %dma_start3A_1029 = tpu.memref_slice %arg4[%get3A_1019, %dma_start3A_1028] : memref<10000x10000xf32, #tpu.memory_space<any>> -> memref<1x10000xf32, #tpu.memory_space<any>>
      tpu.enqueue_dma source(%dma_start3A_1029 : memref<1x10000xf32, #tpu.memory_space<any>>) target(%dma_start3A_1027 : memref<1x10000xf32, #tpu.memory_space<vmem>>) target_semaphore(%dma_start3A_1023 : memref<!tpu.dma_semaphore, #tpu.memory_space<semaphore_mem>>)
      %get3A_1030 = arith.constant 47 : index
      %get3A_1031 = memref.load %arg1[%get3A_1030] : memref<3200xi32, #tpu.memory_space<smem>>
      %dma_start3A_1032 = arith.constant 2 : i32
      %dma_start3A_1033 = arith.constant 2 : i32
      %dma_start3A_1034 = tpu.memref_slice %arg10[%dma_start3A_1033] : memref<4x!tpu.dma_semaphore, #tpu.memory_space<semaphore_mem>> -> memref<1x!tpu.dma_semaphore, #tpu.memory_space<semaphore_mem>>
      %dma_start3A_1035 = tpu.memref_squeeze %dma_start3A_1034 : memref<1x!tpu.dma_semaphore, #tpu.memory_space<semaphore_mem>> -> memref<!tpu.dma_semaphore, #tpu.memory_space<semaphore_mem>>
      %dma_start3A_1036 = arith.constant 15 : i32
      %dma_start3A_1037 = arith.constant 0 : i32
      %dma_start3A_1038 = tpu.memref_slice %arg9[%dma_start3A_1032, %dma_start3A_1036, %dma_start3A_1037] : memref<4x16x10000xf32, #tpu.memory_space<vmem>> -> memref<1x1x10000xf32, #tpu.memory_space<vmem>>
      %dma_start3A_1039 = tpu.memref_squeeze %dma_start3A_1038 : memref<1x1x10000xf32, #tpu.memory_space<vmem>> -> memref<1x10000xf32, #tpu.memory_space<vmem>>
      %dma_start3A_1040 = arith.constant 0 : i32
      %dma_start3A_1041 = tpu.memref_slice %arg4[%get3A_1031, %dma_start3A_1040] : memref<10000x10000xf32, #tpu.memory_space<any>> -> memref<1x10000xf32, #tpu.memory_space<any>>
      tpu.enqueue_dma source(%dma_start3A_1041 : memref<1x10000xf32, #tpu.memory_space<any>>) target(%dma_start3A_1039 : memref<1x10000xf32, #tpu.memory_space<vmem>>) target_semaphore(%dma_start3A_1035 : memref<!tpu.dma_semaphore, #tpu.memory_space<semaphore_mem>>)
    } else {
    }
    %add3A = arith.constant 3 : i32
    %add3A_2 = arith.addi %arg0, %add3A : i32
    %lt3A = arith.constant 72 : i32
    %lt3A_3 = arith.cmpi slt, %add3A_2, %lt3A : i32
    %convert_element_type3A_4 = arith.extui %lt3A_3 : i1 to i32
    %cond3A_5 = arith.constant 0 : i32
    %cond3A_6 = arith.cmpi ne, %convert_element_type3A_4, %cond3A_5 : i32
    scf.if %cond3A_6 {
      %add3A_451 = arith.constant 3 : i32
      %add3A_452 = arith.addi %arg0, %add3A_451 : i32
      %add3A_453 = arith.constant 3 : i32
      %add3A_454 = arith.addi %arg0, %add3A_453 : i32
      %jit3A_455 = arith.constant 4 : i32
      %eq3A_456 = arith.constant 0 : i32
      %eq3A_457 = arith.cmpi eq, %jit3A_455, %eq3A_456 : i32
      %jit3A_458 = arith.constant 1 : i32
      %select_n3A_459 = arith.select %eq3A_457, %jit3A_458, %jit3A_455 : i32
      %rem3A_460 = arith.remsi %add3A_454, %select_n3A_459 : i32
      %ne3A_461 = arith.constant 0 : i32
      %ne3A_462 = arith.cmpi ne, %rem3A_460, %ne3A_461 : i32
      %lt3A_463 = arith.constant 0 : i32
      %lt3A_464 = arith.cmpi slt, %rem3A_460, %lt3A_463 : i32
      %lt3A_465 = arith.constant 0 : i32
      %lt3A_466 = arith.cmpi slt, %select_n3A_459, %lt3A_465 : i32
      %ne3A_467 = arith.xori %lt3A_464, %lt3A_466 : i1
      %and3A_468 = arith.andi %ne3A_467, %ne3A_462 : i1
      %add3A_469 = arith.addi %rem3A_460, %select_n3A_459 : i32
      %select_n3A_470 = arith.select %and3A_468, %add3A_469, %rem3A_460 : i32
      %mul3A_471 = arith.constant 16 : i32
      %mul3A_472 = arith.muli %add3A_452, %mul3A_471 : i32
      %add3A_473 = arith.constant 0 : i32
      %add3A_474 = arith.addi %mul3A_472, %add3A_473 : i32
      %get3A_475 = arith.index_cast %add3A_474 : i32 to index
      %get3A_476 = memref.load %arg1[%get3A_475] : memref<3200xi32, #tpu.memory_space<smem>>
      %dma_start3A = tpu.memref_slice %arg10[%select_n3A_470] : memref<4x!tpu.dma_semaphore, #tpu.memory_space<semaphore_mem>> -> memref<1x!tpu.dma_semaphore, #tpu.memory_space<semaphore_mem>>
      %dma_start3A_477 = tpu.memref_squeeze %dma_start3A : memref<1x!tpu.dma_semaphore, #tpu.memory_space<semaphore_mem>> -> memref<!tpu.dma_semaphore, #tpu.memory_space<semaphore_mem>>
      %dma_start3A_478 = arith.constant 0 : i32
      %dma_start3A_479 = arith.constant 0 : i32
      %dma_start3A_480 = tpu.memref_slice %arg9[%select_n3A_470, %dma_start3A_478, %dma_start3A_479] : memref<4x16x10000xf32, #tpu.memory_space<vmem>> -> memref<1x1x10000xf32, #tpu.memory_space<vmem>>
      %dma_start3A_481 = tpu.memref_squeeze %dma_start3A_480 : memref<1x1x10000xf32, #tpu.memory_space<vmem>> -> memref<1x10000xf32, #tpu.memory_space<vmem>>
      %dma_start3A_482 = arith.constant 0 : i32
      %dma_start3A_483 = tpu.memref_slice %arg4[%get3A_476, %dma_start3A_482] : memref<10000x10000xf32, #tpu.memory_space<any>> -> memref<1x10000xf32, #tpu.memory_space<any>>
      tpu.enqueue_dma source(%dma_start3A_483 : memref<1x10000xf32, #tpu.memory_space<any>>) target(%dma_start3A_481 : memref<1x10000xf32, #tpu.memory_space<vmem>>) target_semaphore(%dma_start3A_477 : memref<!tpu.dma_semaphore, #tpu.memory_space<semaphore_mem>>)
      %add3A_484 = arith.constant 1 : i32
      %add3A_485 = arith.addi %mul3A_472, %add3A_484 : i32
      %get3A_486 = arith.index_cast %add3A_485 : i32 to index
      %get3A_487 = memref.load %arg1[%get3A_486] : memref<3200xi32, #tpu.memory_space<smem>>
      %dma_start3A_488 = tpu.memref_slice %arg10[%select_n3A_470] : memref<4x!tpu.dma_semaphore, #tpu.memory_space<semaphore_mem>> -> memref<1x!tpu.dma_semaphore, #tpu.memory_space<semaphore_mem>>
      %dma_start3A_489 = tpu.memref_squeeze %dma_start3A_488 : memref<1x!tpu.dma_semaphore, #tpu.memory_space<semaphore_mem>> -> memref<!tpu.dma_semaphore, #tpu.memory_space<semaphore_mem>>
      %dma_start3A_490 = arith.constant 1 : i32
      %dma_start3A_491 = arith.constant 0 : i32
      %dma_start3A_492 = tpu.memref_slice %arg9[%select_n3A_470, %dma_start3A_490, %dma_start3A_491] : memref<4x16x10000xf32, #tpu.memory_space<vmem>> -> memref<1x1x10000xf32, #tpu.memory_space<vmem>>
      %dma_start3A_493 = tpu.memref_squeeze %dma_start3A_492 : memref<1x1x10000xf32, #tpu.memory_space<vmem>> -> memref<1x10000xf32, #tpu.memory_space<vmem>>
      %dma_start3A_494 = arith.constant 0 : i32
      %dma_start3A_495 = tpu.memref_slice %arg4[%get3A_487, %dma_start3A_494] : memref<10000x10000xf32, #tpu.memory_space<any>> -> memref<1x10000xf32, #tpu.memory_space<any>>
      tpu.enqueue_dma source(%dma_start3A_495 : memref<1x10000xf32, #tpu.memory_space<any>>) target(%dma_start3A_493 : memref<1x10000xf32, #tpu.memory_space<vmem>>) target_semaphore(%dma_start3A_489 : memref<!tpu.dma_semaphore, #tpu.memory_space<semaphore_mem>>)
      %add3A_496 = arith.constant 2 : i32
      %add3A_497 = arith.addi %mul3A_472, %add3A_496 : i32
      %get3A_498 = arith.index_cast %add3A_497 : i32 to index
      %get3A_499 = memref.load %arg1[%get3A_498] : memref<3200xi32, #tpu.memory_space<smem>>
      %dma_start3A_500 = tpu.memref_slice %arg10[%select_n3A_470] : memref<4x!tpu.dma_semaphore, #tpu.memory_space<semaphore_mem>> -> memref<1x!tpu.dma_semaphore, #tpu.memory_space<semaphore_mem>>
      %dma_start3A_501 = tpu.memref_squeeze %dma_start3A_500 : memref<1x!tpu.dma_semaphore, #tpu.memory_space<semaphore_mem>> -> memref<!tpu.dma_semaphore, #tpu.memory_space<semaphore_mem>>
      %dma_start3A_502 = arith.constant 2 : i32
      %dma_start3A_503 = arith.constant 0 : i32
      %dma_start3A_504 = tpu.memref_slice %arg9[%select_n3A_470, %dma_start3A_502, %dma_start3A_503] : memref<4x16x10000xf32, #tpu.memory_space<vmem>> -> memref<1x1x10000xf32, #tpu.memory_space<vmem>>
      %dma_start3A_505 = tpu.memref_squeeze %dma_start3A_504 : memref<1x1x10000xf32, #tpu.memory_space<vmem>> -> memref<1x10000xf32, #tpu.memory_space<vmem>>
      %dma_start3A_506 = arith.constant 0 : i32
      %dma_start3A_507 = tpu.memref_slice %arg4[%get3A_499, %dma_start3A_506] : memref<10000x10000xf32, #tpu.memory_space<any>> -> memref<1x10000xf32, #tpu.memory_space<any>>
      tpu.enqueue_dma source(%dma_start3A_507 : memref<1x10000xf32, #tpu.memory_space<any>>) target(%dma_start3A_505 : memref<1x10000xf32, #tpu.memory_space<vmem>>) target_semaphore(%dma_start3A_501 : memref<!tpu.dma_semaphore, #tpu.memory_space<semaphore_mem>>)
      %add3A_508 = arith.constant 3 : i32
      %add3A_509 = arith.addi %mul3A_472, %add3A_508 : i32
      %get3A_510 = arith.index_cast %add3A_509 : i32 to index
      %get3A_511 = memref.load %arg1[%get3A_510] : memref<3200xi32, #tpu.memory_space<smem>>
      %dma_start3A_512 = tpu.memref_slice %arg10[%select_n3A_470] : memref<4x!tpu.dma_semaphore, #tpu.memory_space<semaphore_mem>> -> memref<1x!tpu.dma_semaphore, #tpu.memory_space<semaphore_mem>>
      %dma_start3A_513 = tpu.memref_squeeze %dma_start3A_512 : memref<1x!tpu.dma_semaphore, #tpu.memory_space<semaphore_mem>> -> memref<!tpu.dma_semaphore, #tpu.memory_space<semaphore_mem>>
      %dma_start3A_514 = arith.constant 3 : i32
      %dma_start3A_515 = arith.constant 0 : i32
      %dma_start3A_516 = tpu.memref_slice %arg9[%select_n3A_470, %dma_start3A_514, %dma_start3A_515] : memref<4x16x10000xf32, #tpu.memory_space<vmem>> -> memref<1x1x10000xf32, #tpu.memory_space<vmem>>
      %dma_start3A_517 = tpu.memref_squeeze %dma_start3A_516 : memref<1x1x10000xf32, #tpu.memory_space<vmem>> -> memref<1x10000xf32, #tpu.memory_space<vmem>>
      %dma_start3A_518 = arith.constant 0 : i32
      %dma_start3A_519 = tpu.memref_slice %arg4[%get3A_511, %dma_start3A_518] : memref<10000x10000xf32, #tpu.memory_space<any>> -> memref<1x10000xf32, #tpu.memory_space<any>>
      tpu.enqueue_dma source(%dma_start3A_519 : memref<1x10000xf32, #tpu.memory_space<any>>) target(%dma_start3A_517 : memref<1x10000xf32, #tpu.memory_space<vmem>>) target_semaphore(%dma_start3A_513 : memref<!tpu.dma_semaphore, #tpu.memory_space<semaphore_mem>>)
      %add3A_520 = arith.constant 4 : i32
      %add3A_521 = arith.addi %mul3A_472, %add3A_520 : i32
      %get3A_522 = arith.index_cast %add3A_521 : i32 to index
      %get3A_523 = memref.load %arg1[%get3A_522] : memref<3200xi32, #tpu.memory_space<smem>>
      %dma_start3A_524 = tpu.memref_slice %arg10[%select_n3A_470] : memref<4x!tpu.dma_semaphore, #tpu.memory_space<semaphore_mem>> -> memref<1x!tpu.dma_semaphore, #tpu.memory_space<semaphore_mem>>
      %dma_start3A_525 = tpu.memref_squeeze %dma_start3A_524 : memref<1x!tpu.dma_semaphore, #tpu.memory_space<semaphore_mem>> -> memref<!tpu.dma_semaphore, #tpu.memory_space<semaphore_mem>>
      %dma_start3A_526 = arith.constant 4 : i32
      %dma_start3A_527 = arith.constant 0 : i32
      %dma_start3A_528 = tpu.memref_slice %arg9[%select_n3A_470, %dma_start3A_526, %dma_start3A_527] : memref<4x16x10000xf32, #tpu.memory_space<vmem>> -> memref<1x1x10000xf32, #tpu.memory_space<vmem>>
      %dma_start3A_529 = tpu.memref_squeeze %dma_start3A_528 : memref<1x1x10000xf32, #tpu.memory_space<vmem>> -> memref<1x10000xf32, #tpu.memory_space<vmem>>
      %dma_start3A_530 = arith.constant 0 : i32
      %dma_start3A_531 = tpu.memref_slice %arg4[%get3A_523, %dma_start3A_530] : memref<10000x10000xf32, #tpu.memory_space<any>> -> memref<1x10000xf32, #tpu.memory_space<any>>
      tpu.enqueue_dma source(%dma_start3A_531 : memref<1x10000xf32, #tpu.memory_space<any>>) target(%dma_start3A_529 : memref<1x10000xf32, #tpu.memory_space<vmem>>) target_semaphore(%dma_start3A_525 : memref<!tpu.dma_semaphore, #tpu.memory_space<semaphore_mem>>)
      %add3A_532 = arith.constant 5 : i32
      %add3A_533 = arith.addi %mul3A_472, %add3A_532 : i32
      %get3A_534 = arith.index_cast %add3A_533 : i32 to index
      %get3A_535 = memref.load %arg1[%get3A_534] : memref<3200xi32, #tpu.memory_space<smem>>
      %dma_start3A_536 = tpu.memref_slice %arg10[%select_n3A_470] : memref<4x!tpu.dma_semaphore, #tpu.memory_space<semaphore_mem>> -> memref<1x!tpu.dma_semaphore, #tpu.memory_space<semaphore_mem>>
      %dma_start3A_537 = tpu.memref_squeeze %dma_start3A_536 : memref<1x!tpu.dma_semaphore, #tpu.memory_space<semaphore_mem>> -> memref<!tpu.dma_semaphore, #tpu.memory_space<semaphore_mem>>
      %dma_start3A_538 = arith.constant 5 : i32
      %dma_start3A_539 = arith.constant 0 : i32
      %dma_start3A_540 = tpu.memref_slice %arg9[%select_n3A_470, %dma_start3A_538, %dma_start3A_539] : memref<4x16x10000xf32, #tpu.memory_space<vmem>> -> memref<1x1x10000xf32, #tpu.memory_space<vmem>>
      %dma_start3A_541 = tpu.memref_squeeze %dma_start3A_540 : memref<1x1x10000xf32, #tpu.memory_space<vmem>> -> memref<1x10000xf32, #tpu.memory_space<vmem>>
      %dma_start3A_542 = arith.constant 0 : i32
      %dma_start3A_543 = tpu.memref_slice %arg4[%get3A_535, %dma_start3A_542] : memref<10000x10000xf32, #tpu.memory_space<any>> -> memref<1x10000xf32, #tpu.memory_space<any>>
      tpu.enqueue_dma source(%dma_start3A_543 : memref<1x10000xf32, #tpu.memory_space<any>>) target(%dma_start3A_541 : memref<1x10000xf32, #tpu.memory_space<vmem>>) target_semaphore(%dma_start3A_537 : memref<!tpu.dma_semaphore, #tpu.memory_space<semaphore_mem>>)
      %add3A_544 = arith.constant 6 : i32
      %add3A_545 = arith.addi %mul3A_472, %add3A_544 : i32
      %get3A_546 = arith.index_cast %add3A_545 : i32 to index
      %get3A_547 = memref.load %arg1[%get3A_546] : memref<3200xi32, #tpu.memory_space<smem>>
      %dma_start3A_548 = tpu.memref_slice %arg10[%select_n3A_470] : memref<4x!tpu.dma_semaphore, #tpu.memory_space<semaphore_mem>> -> memref<1x!tpu.dma_semaphore, #tpu.memory_space<semaphore_mem>>
      %dma_start3A_549 = tpu.memref_squeeze %dma_start3A_548 : memref<1x!tpu.dma_semaphore, #tpu.memory_space<semaphore_mem>> -> memref<!tpu.dma_semaphore, #tpu.memory_space<semaphore_mem>>
      %dma_start3A_550 = arith.constant 6 : i32
      %dma_start3A_551 = arith.constant 0 : i32
      %dma_start3A_552 = tpu.memref_slice %arg9[%select_n3A_470, %dma_start3A_550, %dma_start3A_551] : memref<4x16x10000xf32, #tpu.memory_space<vmem>> -> memref<1x1x10000xf32, #tpu.memory_space<vmem>>
      %dma_start3A_553 = tpu.memref_squeeze %dma_start3A_552 : memref<1x1x10000xf32, #tpu.memory_space<vmem>> -> memref<1x10000xf32, #tpu.memory_space<vmem>>
      %dma_start3A_554 = arith.constant 0 : i32
      %dma_start3A_555 = tpu.memref_slice %arg4[%get3A_547, %dma_start3A_554] : memref<10000x10000xf32, #tpu.memory_space<any>> -> memref<1x10000xf32, #tpu.memory_space<any>>
      tpu.enqueue_dma source(%dma_start3A_555 : memref<1x10000xf32, #tpu.memory_space<any>>) target(%dma_start3A_553 : memref<1x10000xf32, #tpu.memory_space<vmem>>) target_semaphore(%dma_start3A_549 : memref<!tpu.dma_semaphore, #tpu.memory_space<semaphore_mem>>)
      %add3A_556 = arith.constant 7 : i32
      %add3A_557 = arith.addi %mul3A_472, %add3A_556 : i32
      %get3A_558 = arith.index_cast %add3A_557 : i32 to index
      %get3A_559 = memref.load %arg1[%get3A_558] : memref<3200xi32, #tpu.memory_space<smem>>
      %dma_start3A_560 = tpu.memref_slice %arg10[%select_n3A_470] : memref<4x!tpu.dma_semaphore, #tpu.memory_space<semaphore_mem>> -> memref<1x!tpu.dma_semaphore, #tpu.memory_space<semaphore_mem>>
      %dma_start3A_561 = tpu.memref_squeeze %dma_start3A_560 : memref<1x!tpu.dma_semaphore, #tpu.memory_space<semaphore_mem>> -> memref<!tpu.dma_semaphore, #tpu.memory_space<semaphore_mem>>
      %dma_start3A_562 = arith.constant 7 : i32
      %dma_start3A_563 = arith.constant 0 : i32
      %dma_start3A_564 = tpu.memref_slice %arg9[%select_n3A_470, %dma_start3A_562, %dma_start3A_563] : memref<4x16x10000xf32, #tpu.memory_space<vmem>> -> memref<1x1x10000xf32, #tpu.memory_space<vmem>>
      %dma_start3A_565 = tpu.memref_squeeze %dma_start3A_564 : memref<1x1x10000xf32, #tpu.memory_space<vmem>> -> memref<1x10000xf32, #tpu.memory_space<vmem>>
      %dma_start3A_566 = arith.constant 0 : i32
      %dma_start3A_567 = tpu.memref_slice %arg4[%get3A_559, %dma_start3A_566] : memref<10000x10000xf32, #tpu.memory_space<any>> -> memref<1x10000xf32, #tpu.memory_space<any>>
      tpu.enqueue_dma source(%dma_start3A_567 : memref<1x10000xf32, #tpu.memory_space<any>>) target(%dma_start3A_565 : memref<1x10000xf32, #tpu.memory_space<vmem>>) target_semaphore(%dma_start3A_561 : memref<!tpu.dma_semaphore, #tpu.memory_space<semaphore_mem>>)
      %add3A_568 = arith.constant 8 : i32
      %add3A_569 = arith.addi %mul3A_472, %add3A_568 : i32
      %get3A_570 = arith.index_cast %add3A_569 : i32 to index
      %get3A_571 = memref.load %arg1[%get3A_570] : memref<3200xi32, #tpu.memory_space<smem>>
      %dma_start3A_572 = tpu.memref_slice %arg10[%select_n3A_470] : memref<4x!tpu.dma_semaphore, #tpu.memory_space<semaphore_mem>> -> memref<1x!tpu.dma_semaphore, #tpu.memory_space<semaphore_mem>>
      %dma_start3A_573 = tpu.memref_squeeze %dma_start3A_572 : memref<1x!tpu.dma_semaphore, #tpu.memory_space<semaphore_mem>> -> memref<!tpu.dma_semaphore, #tpu.memory_space<semaphore_mem>>
      %dma_start3A_574 = arith.constant 8 : i32
      %dma_start3A_575 = arith.constant 0 : i32
      %dma_start3A_576 = tpu.memref_slice %arg9[%select_n3A_470, %dma_start3A_574, %dma_start3A_575] : memref<4x16x10000xf32, #tpu.memory_space<vmem>> -> memref<1x1x10000xf32, #tpu.memory_space<vmem>>
      %dma_start3A_577 = tpu.memref_squeeze %dma_start3A_576 : memref<1x1x10000xf32, #tpu.memory_space<vmem>> -> memref<1x10000xf32, #tpu.memory_space<vmem>>
      %dma_start3A_578 = arith.constant 0 : i32
      %dma_start3A_579 = tpu.memref_slice %arg4[%get3A_571, %dma_start3A_578] : memref<10000x10000xf32, #tpu.memory_space<any>> -> memref<1x10000xf32, #tpu.memory_space<any>>
      tpu.enqueue_dma source(%dma_start3A_579 : memref<1x10000xf32, #tpu.memory_space<any>>) target(%dma_start3A_577 : memref<1x10000xf32, #tpu.memory_space<vmem>>) target_semaphore(%dma_start3A_573 : memref<!tpu.dma_semaphore, #tpu.memory_space<semaphore_mem>>)
      %add3A_580 = arith.constant 9 : i32
      %add3A_581 = arith.addi %mul3A_472, %add3A_580 : i32
      %get3A_582 = arith.index_cast %add3A_581 : i32 to index
      %get3A_583 = memref.load %arg1[%get3A_582] : memref<3200xi32, #tpu.memory_space<smem>>
      %dma_start3A_584 = tpu.memref_slice %arg10[%select_n3A_470] : memref<4x!tpu.dma_semaphore, #tpu.memory_space<semaphore_mem>> -> memref<1x!tpu.dma_semaphore, #tpu.memory_space<semaphore_mem>>
      %dma_start3A_585 = tpu.memref_squeeze %dma_start3A_584 : memref<1x!tpu.dma_semaphore, #tpu.memory_space<semaphore_mem>> -> memref<!tpu.dma_semaphore, #tpu.memory_space<semaphore_mem>>
      %dma_start3A_586 = arith.constant 9 : i32
      %dma_start3A_587 = arith.constant 0 : i32
      %dma_start3A_588 = tpu.memref_slice %arg9[%select_n3A_470, %dma_start3A_586, %dma_start3A_587] : memref<4x16x10000xf32, #tpu.memory_space<vmem>> -> memref<1x1x10000xf32, #tpu.memory_space<vmem>>
      %dma_start3A_589 = tpu.memref_squeeze %dma_start3A_588 : memref<1x1x10000xf32, #tpu.memory_space<vmem>> -> memref<1x10000xf32, #tpu.memory_space<vmem>>
      %dma_start3A_590 = arith.constant 0 : i32
      %dma_start3A_591 = tpu.memref_slice %arg4[%get3A_583, %dma_start3A_590] : memref<10000x10000xf32, #tpu.memory_space<any>> -> memref<1x10000xf32, #tpu.memory_space<any>>
      tpu.enqueue_dma source(%dma_start3A_591 : memref<1x10000xf32, #tpu.memory_space<any>>) target(%dma_start3A_589 : memref<1x10000xf32, #tpu.memory_space<vmem>>) target_semaphore(%dma_start3A_585 : memref<!tpu.dma_semaphore, #tpu.memory_space<semaphore_mem>>)
      %add3A_592 = arith.constant 10 : i32
      %add3A_593 = arith.addi %mul3A_472, %add3A_592 : i32
      %get3A_594 = arith.index_cast %add3A_593 : i32 to index
      %get3A_595 = memref.load %arg1[%get3A_594] : memref<3200xi32, #tpu.memory_space<smem>>
      %dma_start3A_596 = tpu.memref_slice %arg10[%select_n3A_470] : memref<4x!tpu.dma_semaphore, #tpu.memory_space<semaphore_mem>> -> memref<1x!tpu.dma_semaphore, #tpu.memory_space<semaphore_mem>>
      %dma_start3A_597 = tpu.memref_squeeze %dma_start3A_596 : memref<1x!tpu.dma_semaphore, #tpu.memory_space<semaphore_mem>> -> memref<!tpu.dma_semaphore, #tpu.memory_space<semaphore_mem>>
      %dma_start3A_598 = arith.constant 10 : i32
      %dma_start3A_599 = arith.constant 0 : i32
      %dma_start3A_600 = tpu.memref_slice %arg9[%select_n3A_470, %dma_start3A_598, %dma_start3A_599] : memref<4x16x10000xf32, #tpu.memory_space<vmem>> -> memref<1x1x10000xf32, #tpu.memory_space<vmem>>
      %dma_start3A_601 = tpu.memref_squeeze %dma_start3A_600 : memref<1x1x10000xf32, #tpu.memory_space<vmem>> -> memref<1x10000xf32, #tpu.memory_space<vmem>>
      %dma_start3A_602 = arith.constant 0 : i32
      %dma_start3A_603 = tpu.memref_slice %arg4[%get3A_595, %dma_start3A_602] : memref<10000x10000xf32, #tpu.memory_space<any>> -> memref<1x10000xf32, #tpu.memory_space<any>>
      tpu.enqueue_dma source(%dma_start3A_603 : memref<1x10000xf32, #tpu.memory_space<any>>) target(%dma_start3A_601 : memref<1x10000xf32, #tpu.memory_space<vmem>>) target_semaphore(%dma_start3A_597 : memref<!tpu.dma_semaphore, #tpu.memory_space<semaphore_mem>>)
      %add3A_604 = arith.constant 11 : i32
      %add3A_605 = arith.addi %mul3A_472, %add3A_604 : i32
      %get3A_606 = arith.index_cast %add3A_605 : i32 to index
      %get3A_607 = memref.load %arg1[%get3A_606] : memref<3200xi32, #tpu.memory_space<smem>>
      %dma_start3A_608 = tpu.memref_slice %arg10[%select_n3A_470] : memref<4x!tpu.dma_semaphore, #tpu.memory_space<semaphore_mem>> -> memref<1x!tpu.dma_semaphore, #tpu.memory_space<semaphore_mem>>
      %dma_start3A_609 = tpu.memref_squeeze %dma_start3A_608 : memref<1x!tpu.dma_semaphore, #tpu.memory_space<semaphore_mem>> -> memref<!tpu.dma_semaphore, #tpu.memory_space<semaphore_mem>>
      %dma_start3A_610 = arith.constant 11 : i32
      %dma_start3A_611 = arith.constant 0 : i32
      %dma_start3A_612 = tpu.memref_slice %arg9[%select_n3A_470, %dma_start3A_610, %dma_start3A_611] : memref<4x16x10000xf32, #tpu.memory_space<vmem>> -> memref<1x1x10000xf32, #tpu.memory_space<vmem>>
      %dma_start3A_613 = tpu.memref_squeeze %dma_start3A_612 : memref<1x1x10000xf32, #tpu.memory_space<vmem>> -> memref<1x10000xf32, #tpu.memory_space<vmem>>
      %dma_start3A_614 = arith.constant 0 : i32
      %dma_start3A_615 = tpu.memref_slice %arg4[%get3A_607, %dma_start3A_614] : memref<10000x10000xf32, #tpu.memory_space<any>> -> memref<1x10000xf32, #tpu.memory_space<any>>
      tpu.enqueue_dma source(%dma_start3A_615 : memref<1x10000xf32, #tpu.memory_space<any>>) target(%dma_start3A_613 : memref<1x10000xf32, #tpu.memory_space<vmem>>) target_semaphore(%dma_start3A_609 : memref<!tpu.dma_semaphore, #tpu.memory_space<semaphore_mem>>)
      %add3A_616 = arith.constant 12 : i32
      %add3A_617 = arith.addi %mul3A_472, %add3A_616 : i32
      %get3A_618 = arith.index_cast %add3A_617 : i32 to index
      %get3A_619 = memref.load %arg1[%get3A_618] : memref<3200xi32, #tpu.memory_space<smem>>
      %dma_start3A_620 = tpu.memref_slice %arg10[%select_n3A_470] : memref<4x!tpu.dma_semaphore, #tpu.memory_space<semaphore_mem>> -> memref<1x!tpu.dma_semaphore, #tpu.memory_space<semaphore_mem>>
      %dma_start3A_621 = tpu.memref_squeeze %dma_start3A_620 : memref<1x!tpu.dma_semaphore, #tpu.memory_space<semaphore_mem>> -> memref<!tpu.dma_semaphore, #tpu.memory_space<semaphore_mem>>
      %dma_start3A_622 = arith.constant 12 : i32
      %dma_start3A_623 = arith.constant 0 : i32
      %dma_start3A_624 = tpu.memref_slice %arg9[%select_n3A_470, %dma_start3A_622, %dma_start3A_623] : memref<4x16x10000xf32, #tpu.memory_space<vmem>> -> memref<1x1x10000xf32, #tpu.memory_space<vmem>>
      %dma_start3A_625 = tpu.memref_squeeze %dma_start3A_624 : memref<1x1x10000xf32, #tpu.memory_space<vmem>> -> memref<1x10000xf32, #tpu.memory_space<vmem>>
      %dma_start3A_626 = arith.constant 0 : i32
      %dma_start3A_627 = tpu.memref_slice %arg4[%get3A_619, %dma_start3A_626] : memref<10000x10000xf32, #tpu.memory_space<any>> -> memref<1x10000xf32, #tpu.memory_space<any>>
      tpu.enqueue_dma source(%dma_start3A_627 : memref<1x10000xf32, #tpu.memory_space<any>>) target(%dma_start3A_625 : memref<1x10000xf32, #tpu.memory_space<vmem>>) target_semaphore(%dma_start3A_621 : memref<!tpu.dma_semaphore, #tpu.memory_space<semaphore_mem>>)
      %add3A_628 = arith.constant 13 : i32
      %add3A_629 = arith.addi %mul3A_472, %add3A_628 : i32
      %get3A_630 = arith.index_cast %add3A_629 : i32 to index
      %get3A_631 = memref.load %arg1[%get3A_630] : memref<3200xi32, #tpu.memory_space<smem>>
      %dma_start3A_632 = tpu.memref_slice %arg10[%select_n3A_470] : memref<4x!tpu.dma_semaphore, #tpu.memory_space<semaphore_mem>> -> memref<1x!tpu.dma_semaphore, #tpu.memory_space<semaphore_mem>>
      %dma_start3A_633 = tpu.memref_squeeze %dma_start3A_632 : memref<1x!tpu.dma_semaphore, #tpu.memory_space<semaphore_mem>> -> memref<!tpu.dma_semaphore, #tpu.memory_space<semaphore_mem>>
      %dma_start3A_634 = arith.constant 13 : i32
      %dma_start3A_635 = arith.constant 0 : i32
      %dma_start3A_636 = tpu.memref_slice %arg9[%select_n3A_470, %dma_start3A_634, %dma_start3A_635] : memref<4x16x10000xf32, #tpu.memory_space<vmem>> -> memref<1x1x10000xf32, #tpu.memory_space<vmem>>
      %dma_start3A_637 = tpu.memref_squeeze %dma_start3A_636 : memref<1x1x10000xf32, #tpu.memory_space<vmem>> -> memref<1x10000xf32, #tpu.memory_space<vmem>>
      %dma_start3A_638 = arith.constant 0 : i32
      %dma_start3A_639 = tpu.memref_slice %arg4[%get3A_631, %dma_start3A_638] : memref<10000x10000xf32, #tpu.memory_space<any>> -> memref<1x10000xf32, #tpu.memory_space<any>>
      tpu.enqueue_dma source(%dma_start3A_639 : memref<1x10000xf32, #tpu.memory_space<any>>) target(%dma_start3A_637 : memref<1x10000xf32, #tpu.memory_space<vmem>>) target_semaphore(%dma_start3A_633 : memref<!tpu.dma_semaphore, #tpu.memory_space<semaphore_mem>>)
      %add3A_640 = arith.constant 14 : i32
      %add3A_641 = arith.addi %mul3A_472, %add3A_640 : i32
      %get3A_642 = arith.index_cast %add3A_641 : i32 to index
      %get3A_643 = memref.load %arg1[%get3A_642] : memref<3200xi32, #tpu.memory_space<smem>>
      %dma_start3A_644 = tpu.memref_slice %arg10[%select_n3A_470] : memref<4x!tpu.dma_semaphore, #tpu.memory_space<semaphore_mem>> -> memref<1x!tpu.dma_semaphore, #tpu.memory_space<semaphore_mem>>
      %dma_start3A_645 = tpu.memref_squeeze %dma_start3A_644 : memref<1x!tpu.dma_semaphore, #tpu.memory_space<semaphore_mem>> -> memref<!tpu.dma_semaphore, #tpu.memory_space<semaphore_mem>>
      %dma_start3A_646 = arith.constant 14 : i32
      %dma_start3A_647 = arith.constant 0 : i32
      %dma_start3A_648 = tpu.memref_slice %arg9[%select_n3A_470, %dma_start3A_646, %dma_start3A_647] : memref<4x16x10000xf32, #tpu.memory_space<vmem>> -> memref<1x1x10000xf32, #tpu.memory_space<vmem>>
      %dma_start3A_649 = tpu.memref_squeeze %dma_start3A_648 : memref<1x1x10000xf32, #tpu.memory_space<vmem>> -> memref<1x10000xf32, #tpu.memory_space<vmem>>
      %dma_start3A_650 = arith.constant 0 : i32
      %dma_start3A_651 = tpu.memref_slice %arg4[%get3A_643, %dma_start3A_650] : memref<10000x10000xf32, #tpu.memory_space<any>> -> memref<1x10000xf32, #tpu.memory_space<any>>
      tpu.enqueue_dma source(%dma_start3A_651 : memref<1x10000xf32, #tpu.memory_space<any>>) target(%dma_start3A_649 : memref<1x10000xf32, #tpu.memory_space<vmem>>) target_semaphore(%dma_start3A_645 : memref<!tpu.dma_semaphore, #tpu.memory_space<semaphore_mem>>)
      %add3A_652 = arith.constant 15 : i32
      %add3A_653 = arith.addi %mul3A_472, %add3A_652 : i32
      %get3A_654 = arith.index_cast %add3A_653 : i32 to index
      %get3A_655 = memref.load %arg1[%get3A_654] : memref<3200xi32, #tpu.memory_space<smem>>
      %dma_start3A_656 = tpu.memref_slice %arg10[%select_n3A_470] : memref<4x!tpu.dma_semaphore, #tpu.memory_space<semaphore_mem>> -> memref<1x!tpu.dma_semaphore, #tpu.memory_space<semaphore_mem>>
      %dma_start3A_657 = tpu.memref_squeeze %dma_start3A_656 : memref<1x!tpu.dma_semaphore, #tpu.memory_space<semaphore_mem>> -> memref<!tpu.dma_semaphore, #tpu.memory_space<semaphore_mem>>
      %dma_start3A_658 = arith.constant 15 : i32
      %dma_start3A_659 = arith.constant 0 : i32
      %dma_start3A_660 = tpu.memref_slice %arg9[%select_n3A_470, %dma_start3A_658, %dma_start3A_659] : memref<4x16x10000xf32, #tpu.memory_space<vmem>> -> memref<1x1x10000xf32, #tpu.memory_space<vmem>>
      %dma_start3A_661 = tpu.memref_squeeze %dma_start3A_660 : memref<1x1x10000xf32, #tpu.memory_space<vmem>> -> memref<1x10000xf32, #tpu.memory_space<vmem>>
      %dma_start3A_662 = arith.constant 0 : i32
      %dma_start3A_663 = tpu.memref_slice %arg4[%get3A_655, %dma_start3A_662] : memref<10000x10000xf32, #tpu.memory_space<any>> -> memref<1x10000xf32, #tpu.memory_space<any>>
      tpu.enqueue_dma source(%dma_start3A_663 : memref<1x10000xf32, #tpu.memory_space<any>>) target(%dma_start3A_661 : memref<1x10000xf32, #tpu.memory_space<vmem>>) target_semaphore(%dma_start3A_657 : memref<!tpu.dma_semaphore, #tpu.memory_space<semaphore_mem>>)
    } else {
    }
    %jit3A = arith.constant 4 : i32
    %eq3A_7 = arith.constant 0 : i32
    %eq3A_8 = arith.cmpi eq, %jit3A, %eq3A_7 : i32
    %jit3A_9 = arith.constant 1 : i32
    %select_n3A = arith.select %eq3A_8, %jit3A_9, %jit3A : i32
    %rem3A = arith.remsi %arg0, %select_n3A : i32
    %ne3A = arith.constant 0 : i32
    %ne3A_10 = arith.cmpi ne, %rem3A, %ne3A : i32
    %lt3A_11 = arith.constant 0 : i32
    %lt3A_12 = arith.cmpi slt, %rem3A, %lt3A_11 : i32
    %lt3A_13 = arith.constant 0 : i32
    %lt3A_14 = arith.cmpi slt, %select_n3A, %lt3A_13 : i32
    %ne3A_15 = arith.xori %lt3A_12, %lt3A_14 : i1
    %and3A = arith.andi %ne3A_15, %ne3A_10 : i1
    %add3A_16 = arith.addi %rem3A, %select_n3A : i32
    %select_n3A_17 = arith.select %and3A, %add3A_16, %rem3A : i32
    %mul3A = arith.constant 16 : i32
    %mul3A_18 = arith.muli %arg0, %mul3A : i32
    %add3A_19 = arith.constant 0 : i32
    %add3A_20 = arith.addi %mul3A_18, %add3A_19 : i32
    %get3A = arith.index_cast %add3A_20 : i32 to index
    %get3A_21 = memref.load %arg1[%get3A] : memref<3200xi32, #tpu.memory_space<smem>>
    %dma_wait3A = tpu.memref_slice %arg10[%select_n3A_17] : memref<4x!tpu.dma_semaphore, #tpu.memory_space<semaphore_mem>> -> memref<1x!tpu.dma_semaphore, #tpu.memory_space<semaphore_mem>>
    %dma_wait3A_22 = tpu.memref_squeeze %dma_wait3A : memref<1x!tpu.dma_semaphore, #tpu.memory_space<semaphore_mem>> -> memref<!tpu.dma_semaphore, #tpu.memory_space<semaphore_mem>>
    %dma_wait3A_23 = arith.constant 0 : i32
    %dma_wait3A_24 = arith.constant 0 : i32
    %dma_wait3A_25 = tpu.memref_slice %arg9[%select_n3A_17, %dma_wait3A_23, %dma_wait3A_24] : memref<4x16x10000xf32, #tpu.memory_space<vmem>> -> memref<1x1x10000xf32, #tpu.memory_space<vmem>>
    %dma_wait3A_26 = tpu.memref_squeeze %dma_wait3A_25 : memref<1x1x10000xf32, #tpu.memory_space<vmem>> -> memref<1x10000xf32, #tpu.memory_space<vmem>>
    %dma_wait3A_27 = arith.constant 0 : i32
    %dma_wait3A_28 = tpu.memref_slice %arg4[%get3A_21, %dma_wait3A_27] : memref<10000x10000xf32, #tpu.memory_space<any>> -> memref<1x10000xf32, #tpu.memory_space<any>>
    tpu.wait_dma2 semaphore(%dma_wait3A_22 : memref<!tpu.dma_semaphore, #tpu.memory_space<semaphore_mem>>) src(%dma_wait3A_28 : memref<1x10000xf32, #tpu.memory_space<any>>) dst(%dma_wait3A_26 : memref<1x10000xf32, #tpu.memory_space<vmem>>)
    %add3A_29 = arith.constant 1 : i32
    %add3A_30 = arith.addi %mul3A_18, %add3A_29 : i32
    %get3A_31 = arith.index_cast %add3A_30 : i32 to index
    %get3A_32 = memref.load %arg1[%get3A_31] : memref<3200xi32, #tpu.memory_space<smem>>
    %dma_wait3A_33 = tpu.memref_slice %arg10[%select_n3A_17] : memref<4x!tpu.dma_semaphore, #tpu.memory_space<semaphore_mem>> -> memref<1x!tpu.dma_semaphore, #tpu.memory_space<semaphore_mem>>
    %dma_wait3A_34 = tpu.memref_squeeze %dma_wait3A_33 : memref<1x!tpu.dma_semaphore, #tpu.memory_space<semaphore_mem>> -> memref<!tpu.dma_semaphore, #tpu.memory_space<semaphore_mem>>
    %dma_wait3A_35 = arith.constant 1 : i32
    %dma_wait3A_36 = arith.constant 0 : i32
    %dma_wait3A_37 = tpu.memref_slice %arg9[%select_n3A_17, %dma_wait3A_35, %dma_wait3A_36] : memref<4x16x10000xf32, #tpu.memory_space<vmem>> -> memref<1x1x10000xf32, #tpu.memory_space<vmem>>
    %dma_wait3A_38 = tpu.memref_squeeze %dma_wait3A_37 : memref<1x1x10000xf32, #tpu.memory_space<vmem>> -> memref<1x10000xf32, #tpu.memory_space<vmem>>
    %dma_wait3A_39 = arith.constant 0 : i32
    %dma_wait3A_40 = tpu.memref_slice %arg4[%get3A_32, %dma_wait3A_39] : memref<10000x10000xf32, #tpu.memory_space<any>> -> memref<1x10000xf32, #tpu.memory_space<any>>
    tpu.wait_dma2 semaphore(%dma_wait3A_34 : memref<!tpu.dma_semaphore, #tpu.memory_space<semaphore_mem>>) src(%dma_wait3A_40 : memref<1x10000xf32, #tpu.memory_space<any>>) dst(%dma_wait3A_38 : memref<1x10000xf32, #tpu.memory_space<vmem>>)
    %add3A_41 = arith.constant 2 : i32
    %add3A_42 = arith.addi %mul3A_18, %add3A_41 : i32
    %get3A_43 = arith.index_cast %add3A_42 : i32 to index
    %get3A_44 = memref.load %arg1[%get3A_43] : memref<3200xi32, #tpu.memory_space<smem>>
    %dma_wait3A_45 = tpu.memref_slice %arg10[%select_n3A_17] : memref<4x!tpu.dma_semaphore, #tpu.memory_space<semaphore_mem>> -> memref<1x!tpu.dma_semaphore, #tpu.memory_space<semaphore_mem>>
    %dma_wait3A_46 = tpu.memref_squeeze %dma_wait3A_45 : memref<1x!tpu.dma_semaphore, #tpu.memory_space<semaphore_mem>> -> memref<!tpu.dma_semaphore, #tpu.memory_space<semaphore_mem>>
    %dma_wait3A_47 = arith.constant 2 : i32
    %dma_wait3A_48 = arith.constant 0 : i32
    %dma_wait3A_49 = tpu.memref_slice %arg9[%select_n3A_17, %dma_wait3A_47, %dma_wait3A_48] : memref<4x16x10000xf32, #tpu.memory_space<vmem>> -> memref<1x1x10000xf32, #tpu.memory_space<vmem>>
    %dma_wait3A_50 = tpu.memref_squeeze %dma_wait3A_49 : memref<1x1x10000xf32, #tpu.memory_space<vmem>> -> memref<1x10000xf32, #tpu.memory_space<vmem>>
    %dma_wait3A_51 = arith.constant 0 : i32
    %dma_wait3A_52 = tpu.memref_slice %arg4[%get3A_44, %dma_wait3A_51] : memref<10000x10000xf32, #tpu.memory_space<any>> -> memref<1x10000xf32, #tpu.memory_space<any>>
    tpu.wait_dma2 semaphore(%dma_wait3A_46 : memref<!tpu.dma_semaphore, #tpu.memory_space<semaphore_mem>>) src(%dma_wait3A_52 : memref<1x10000xf32, #tpu.memory_space<any>>) dst(%dma_wait3A_50 : memref<1x10000xf32, #tpu.memory_space<vmem>>)
    %add3A_53 = arith.constant 3 : i32
    %add3A_54 = arith.addi %mul3A_18, %add3A_53 : i32
    %get3A_55 = arith.index_cast %add3A_54 : i32 to index
    %get3A_56 = memref.load %arg1[%get3A_55] : memref<3200xi32, #tpu.memory_space<smem>>
    %dma_wait3A_57 = tpu.memref_slice %arg10[%select_n3A_17] : memref<4x!tpu.dma_semaphore, #tpu.memory_space<semaphore_mem>> -> memref<1x!tpu.dma_semaphore, #tpu.memory_space<semaphore_mem>>
    %dma_wait3A_58 = tpu.memref_squeeze %dma_wait3A_57 : memref<1x!tpu.dma_semaphore, #tpu.memory_space<semaphore_mem>> -> memref<!tpu.dma_semaphore, #tpu.memory_space<semaphore_mem>>
    %dma_wait3A_59 = arith.constant 3 : i32
    %dma_wait3A_60 = arith.constant 0 : i32
    %dma_wait3A_61 = tpu.memref_slice %arg9[%select_n3A_17, %dma_wait3A_59, %dma_wait3A_60] : memref<4x16x10000xf32, #tpu.memory_space<vmem>> -> memref<1x1x10000xf32, #tpu.memory_space<vmem>>
    %dma_wait3A_62 = tpu.memref_squeeze %dma_wait3A_61 : memref<1x1x10000xf32, #tpu.memory_space<vmem>> -> memref<1x10000xf32, #tpu.memory_space<vmem>>
    %dma_wait3A_63 = arith.constant 0 : i32
    %dma_wait3A_64 = tpu.memref_slice %arg4[%get3A_56, %dma_wait3A_63] : memref<10000x10000xf32, #tpu.memory_space<any>> -> memref<1x10000xf32, #tpu.memory_space<any>>
    tpu.wait_dma2 semaphore(%dma_wait3A_58 : memref<!tpu.dma_semaphore, #tpu.memory_space<semaphore_mem>>) src(%dma_wait3A_64 : memref<1x10000xf32, #tpu.memory_space<any>>) dst(%dma_wait3A_62 : memref<1x10000xf32, #tpu.memory_space<vmem>>)
    %add3A_65 = arith.constant 4 : i32
    %add3A_66 = arith.addi %mul3A_18, %add3A_65 : i32
    %get3A_67 = arith.index_cast %add3A_66 : i32 to index
    %get3A_68 = memref.load %arg1[%get3A_67] : memref<3200xi32, #tpu.memory_space<smem>>
    %dma_wait3A_69 = tpu.memref_slice %arg10[%select_n3A_17] : memref<4x!tpu.dma_semaphore, #tpu.memory_space<semaphore_mem>> -> memref<1x!tpu.dma_semaphore, #tpu.memory_space<semaphore_mem>>
    %dma_wait3A_70 = tpu.memref_squeeze %dma_wait3A_69 : memref<1x!tpu.dma_semaphore, #tpu.memory_space<semaphore_mem>> -> memref<!tpu.dma_semaphore, #tpu.memory_space<semaphore_mem>>
    %dma_wait3A_71 = arith.constant 4 : i32
    %dma_wait3A_72 = arith.constant 0 : i32
    %dma_wait3A_73 = tpu.memref_slice %arg9[%select_n3A_17, %dma_wait3A_71, %dma_wait3A_72] : memref<4x16x10000xf32, #tpu.memory_space<vmem>> -> memref<1x1x10000xf32, #tpu.memory_space<vmem>>
    %dma_wait3A_74 = tpu.memref_squeeze %dma_wait3A_73 : memref<1x1x10000xf32, #tpu.memory_space<vmem>> -> memref<1x10000xf32, #tpu.memory_space<vmem>>
    %dma_wait3A_75 = arith.constant 0 : i32
    %dma_wait3A_76 = tpu.memref_slice %arg4[%get3A_68, %dma_wait3A_75] : memref<10000x10000xf32, #tpu.memory_space<any>> -> memref<1x10000xf32, #tpu.memory_space<any>>
    tpu.wait_dma2 semaphore(%dma_wait3A_70 : memref<!tpu.dma_semaphore, #tpu.memory_space<semaphore_mem>>) src(%dma_wait3A_76 : memref<1x10000xf32, #tpu.memory_space<any>>) dst(%dma_wait3A_74 : memref<1x10000xf32, #tpu.memory_space<vmem>>)
    %add3A_77 = arith.constant 5 : i32
    %add3A_78 = arith.addi %mul3A_18, %add3A_77 : i32
    %get3A_79 = arith.index_cast %add3A_78 : i32 to index
    %get3A_80 = memref.load %arg1[%get3A_79] : memref<3200xi32, #tpu.memory_space<smem>>
    %dma_wait3A_81 = tpu.memref_slice %arg10[%select_n3A_17] : memref<4x!tpu.dma_semaphore, #tpu.memory_space<semaphore_mem>> -> memref<1x!tpu.dma_semaphore, #tpu.memory_space<semaphore_mem>>
    %dma_wait3A_82 = tpu.memref_squeeze %dma_wait3A_81 : memref<1x!tpu.dma_semaphore, #tpu.memory_space<semaphore_mem>> -> memref<!tpu.dma_semaphore, #tpu.memory_space<semaphore_mem>>
    %dma_wait3A_83 = arith.constant 5 : i32
    %dma_wait3A_84 = arith.constant 0 : i32
    %dma_wait3A_85 = tpu.memref_slice %arg9[%select_n3A_17, %dma_wait3A_83, %dma_wait3A_84] : memref<4x16x10000xf32, #tpu.memory_space<vmem>> -> memref<1x1x10000xf32, #tpu.memory_space<vmem>>
    %dma_wait3A_86 = tpu.memref_squeeze %dma_wait3A_85 : memref<1x1x10000xf32, #tpu.memory_space<vmem>> -> memref<1x10000xf32, #tpu.memory_space<vmem>>
    %dma_wait3A_87 = arith.constant 0 : i32
    %dma_wait3A_88 = tpu.memref_slice %arg4[%get3A_80, %dma_wait3A_87] : memref<10000x10000xf32, #tpu.memory_space<any>> -> memref<1x10000xf32, #tpu.memory_space<any>>
    tpu.wait_dma2 semaphore(%dma_wait3A_82 : memref<!tpu.dma_semaphore, #tpu.memory_space<semaphore_mem>>) src(%dma_wait3A_88 : memref<1x10000xf32, #tpu.memory_space<any>>) dst(%dma_wait3A_86 : memref<1x10000xf32, #tpu.memory_space<vmem>>)
    %add3A_89 = arith.constant 6 : i32
    %add3A_90 = arith.addi %mul3A_18, %add3A_89 : i32
    %get3A_91 = arith.index_cast %add3A_90 : i32 to index
    %get3A_92 = memref.load %arg1[%get3A_91] : memref<3200xi32, #tpu.memory_space<smem>>
    %dma_wait3A_93 = tpu.memref_slice %arg10[%select_n3A_17] : memref<4x!tpu.dma_semaphore, #tpu.memory_space<semaphore_mem>> -> memref<1x!tpu.dma_semaphore, #tpu.memory_space<semaphore_mem>>
    %dma_wait3A_94 = tpu.memref_squeeze %dma_wait3A_93 : memref<1x!tpu.dma_semaphore, #tpu.memory_space<semaphore_mem>> -> memref<!tpu.dma_semaphore, #tpu.memory_space<semaphore_mem>>
    %dma_wait3A_95 = arith.constant 6 : i32
    %dma_wait3A_96 = arith.constant 0 : i32
    %dma_wait3A_97 = tpu.memref_slice %arg9[%select_n3A_17, %dma_wait3A_95, %dma_wait3A_96] : memref<4x16x10000xf32, #tpu.memory_space<vmem>> -> memref<1x1x10000xf32, #tpu.memory_space<vmem>>
    %dma_wait3A_98 = tpu.memref_squeeze %dma_wait3A_97 : memref<1x1x10000xf32, #tpu.memory_space<vmem>> -> memref<1x10000xf32, #tpu.memory_space<vmem>>
    %dma_wait3A_99 = arith.constant 0 : i32
    %dma_wait3A_100 = tpu.memref_slice %arg4[%get3A_92, %dma_wait3A_99] : memref<10000x10000xf32, #tpu.memory_space<any>> -> memref<1x10000xf32, #tpu.memory_space<any>>
    tpu.wait_dma2 semaphore(%dma_wait3A_94 : memref<!tpu.dma_semaphore, #tpu.memory_space<semaphore_mem>>) src(%dma_wait3A_100 : memref<1x10000xf32, #tpu.memory_space<any>>) dst(%dma_wait3A_98 : memref<1x10000xf32, #tpu.memory_space<vmem>>)
    %add3A_101 = arith.constant 7 : i32
    %add3A_102 = arith.addi %mul3A_18, %add3A_101 : i32
    %get3A_103 = arith.index_cast %add3A_102 : i32 to index
    %get3A_104 = memref.load %arg1[%get3A_103] : memref<3200xi32, #tpu.memory_space<smem>>
    %dma_wait3A_105 = tpu.memref_slice %arg10[%select_n3A_17] : memref<4x!tpu.dma_semaphore, #tpu.memory_space<semaphore_mem>> -> memref<1x!tpu.dma_semaphore, #tpu.memory_space<semaphore_mem>>
    %dma_wait3A_106 = tpu.memref_squeeze %dma_wait3A_105 : memref<1x!tpu.dma_semaphore, #tpu.memory_space<semaphore_mem>> -> memref<!tpu.dma_semaphore, #tpu.memory_space<semaphore_mem>>
    %dma_wait3A_107 = arith.constant 7 : i32
    %dma_wait3A_108 = arith.constant 0 : i32
    %dma_wait3A_109 = tpu.memref_slice %arg9[%select_n3A_17, %dma_wait3A_107, %dma_wait3A_108] : memref<4x16x10000xf32, #tpu.memory_space<vmem>> -> memref<1x1x10000xf32, #tpu.memory_space<vmem>>
    %dma_wait3A_110 = tpu.memref_squeeze %dma_wait3A_109 : memref<1x1x10000xf32, #tpu.memory_space<vmem>> -> memref<1x10000xf32, #tpu.memory_space<vmem>>
    %dma_wait3A_111 = arith.constant 0 : i32
    %dma_wait3A_112 = tpu.memref_slice %arg4[%get3A_104, %dma_wait3A_111] : memref<10000x10000xf32, #tpu.memory_space<any>> -> memref<1x10000xf32, #tpu.memory_space<any>>
    tpu.wait_dma2 semaphore(%dma_wait3A_106 : memref<!tpu.dma_semaphore, #tpu.memory_space<semaphore_mem>>) src(%dma_wait3A_112 : memref<1x10000xf32, #tpu.memory_space<any>>) dst(%dma_wait3A_110 : memref<1x10000xf32, #tpu.memory_space<vmem>>)
    %add3A_113 = arith.constant 8 : i32
    %add3A_114 = arith.addi %mul3A_18, %add3A_113 : i32
    %get3A_115 = arith.index_cast %add3A_114 : i32 to index
    %get3A_116 = memref.load %arg1[%get3A_115] : memref<3200xi32, #tpu.memory_space<smem>>
    %dma_wait3A_117 = tpu.memref_slice %arg10[%select_n3A_17] : memref<4x!tpu.dma_semaphore, #tpu.memory_space<semaphore_mem>> -> memref<1x!tpu.dma_semaphore, #tpu.memory_space<semaphore_mem>>
    %dma_wait3A_118 = tpu.memref_squeeze %dma_wait3A_117 : memref<1x!tpu.dma_semaphore, #tpu.memory_space<semaphore_mem>> -> memref<!tpu.dma_semaphore, #tpu.memory_space<semaphore_mem>>
    %dma_wait3A_119 = arith.constant 8 : i32
    %dma_wait3A_120 = arith.constant 0 : i32
    %dma_wait3A_121 = tpu.memref_slice %arg9[%select_n3A_17, %dma_wait3A_119, %dma_wait3A_120] : memref<4x16x10000xf32, #tpu.memory_space<vmem>> -> memref<1x1x10000xf32, #tpu.memory_space<vmem>>
    %dma_wait3A_122 = tpu.memref_squeeze %dma_wait3A_121 : memref<1x1x10000xf32, #tpu.memory_space<vmem>> -> memref<1x10000xf32, #tpu.memory_space<vmem>>
    %dma_wait3A_123 = arith.constant 0 : i32
    %dma_wait3A_124 = tpu.memref_slice %arg4[%get3A_116, %dma_wait3A_123] : memref<10000x10000xf32, #tpu.memory_space<any>> -> memref<1x10000xf32, #tpu.memory_space<any>>
    tpu.wait_dma2 semaphore(%dma_wait3A_118 : memref<!tpu.dma_semaphore, #tpu.memory_space<semaphore_mem>>) src(%dma_wait3A_124 : memref<1x10000xf32, #tpu.memory_space<any>>) dst(%dma_wait3A_122 : memref<1x10000xf32, #tpu.memory_space<vmem>>)
    %add3A_125 = arith.constant 9 : i32
    %add3A_126 = arith.addi %mul3A_18, %add3A_125 : i32
    %get3A_127 = arith.index_cast %add3A_126 : i32 to index
    %get3A_128 = memref.load %arg1[%get3A_127] : memref<3200xi32, #tpu.memory_space<smem>>
    %dma_wait3A_129 = tpu.memref_slice %arg10[%select_n3A_17] : memref<4x!tpu.dma_semaphore, #tpu.memory_space<semaphore_mem>> -> memref<1x!tpu.dma_semaphore, #tpu.memory_space<semaphore_mem>>
    %dma_wait3A_130 = tpu.memref_squeeze %dma_wait3A_129 : memref<1x!tpu.dma_semaphore, #tpu.memory_space<semaphore_mem>> -> memref<!tpu.dma_semaphore, #tpu.memory_space<semaphore_mem>>
    %dma_wait3A_131 = arith.constant 9 : i32
    %dma_wait3A_132 = arith.constant 0 : i32
    %dma_wait3A_133 = tpu.memref_slice %arg9[%select_n3A_17, %dma_wait3A_131, %dma_wait3A_132] : memref<4x16x10000xf32, #tpu.memory_space<vmem>> -> memref<1x1x10000xf32, #tpu.memory_space<vmem>>
    %dma_wait3A_134 = tpu.memref_squeeze %dma_wait3A_133 : memref<1x1x10000xf32, #tpu.memory_space<vmem>> -> memref<1x10000xf32, #tpu.memory_space<vmem>>
    %dma_wait3A_135 = arith.constant 0 : i32
    %dma_wait3A_136 = tpu.memref_slice %arg4[%get3A_128, %dma_wait3A_135] : memref<10000x10000xf32, #tpu.memory_space<any>> -> memref<1x10000xf32, #tpu.memory_space<any>>
    tpu.wait_dma2 semaphore(%dma_wait3A_130 : memref<!tpu.dma_semaphore, #tpu.memory_space<semaphore_mem>>) src(%dma_wait3A_136 : memref<1x10000xf32, #tpu.memory_space<any>>) dst(%dma_wait3A_134 : memref<1x10000xf32, #tpu.memory_space<vmem>>)
    %add3A_137 = arith.constant 10 : i32
    %add3A_138 = arith.addi %mul3A_18, %add3A_137 : i32
    %get3A_139 = arith.index_cast %add3A_138 : i32 to index
    %get3A_140 = memref.load %arg1[%get3A_139] : memref<3200xi32, #tpu.memory_space<smem>>
    %dma_wait3A_141 = tpu.memref_slice %arg10[%select_n3A_17] : memref<4x!tpu.dma_semaphore, #tpu.memory_space<semaphore_mem>> -> memref<1x!tpu.dma_semaphore, #tpu.memory_space<semaphore_mem>>
    %dma_wait3A_142 = tpu.memref_squeeze %dma_wait3A_141 : memref<1x!tpu.dma_semaphore, #tpu.memory_space<semaphore_mem>> -> memref<!tpu.dma_semaphore, #tpu.memory_space<semaphore_mem>>
    %dma_wait3A_143 = arith.constant 10 : i32
    %dma_wait3A_144 = arith.constant 0 : i32
    %dma_wait3A_145 = tpu.memref_slice %arg9[%select_n3A_17, %dma_wait3A_143, %dma_wait3A_144] : memref<4x16x10000xf32, #tpu.memory_space<vmem>> -> memref<1x1x10000xf32, #tpu.memory_space<vmem>>
    %dma_wait3A_146 = tpu.memref_squeeze %dma_wait3A_145 : memref<1x1x10000xf32, #tpu.memory_space<vmem>> -> memref<1x10000xf32, #tpu.memory_space<vmem>>
    %dma_wait3A_147 = arith.constant 0 : i32
    %dma_wait3A_148 = tpu.memref_slice %arg4[%get3A_140, %dma_wait3A_147] : memref<10000x10000xf32, #tpu.memory_space<any>> -> memref<1x10000xf32, #tpu.memory_space<any>>
    tpu.wait_dma2 semaphore(%dma_wait3A_142 : memref<!tpu.dma_semaphore, #tpu.memory_space<semaphore_mem>>) src(%dma_wait3A_148 : memref<1x10000xf32, #tpu.memory_space<any>>) dst(%dma_wait3A_146 : memref<1x10000xf32, #tpu.memory_space<vmem>>)
    %add3A_149 = arith.constant 11 : i32
    %add3A_150 = arith.addi %mul3A_18, %add3A_149 : i32
    %get3A_151 = arith.index_cast %add3A_150 : i32 to index
    %get3A_152 = memref.load %arg1[%get3A_151] : memref<3200xi32, #tpu.memory_space<smem>>
    %dma_wait3A_153 = tpu.memref_slice %arg10[%select_n3A_17] : memref<4x!tpu.dma_semaphore, #tpu.memory_space<semaphore_mem>> -> memref<1x!tpu.dma_semaphore, #tpu.memory_space<semaphore_mem>>
    %dma_wait3A_154 = tpu.memref_squeeze %dma_wait3A_153 : memref<1x!tpu.dma_semaphore, #tpu.memory_space<semaphore_mem>> -> memref<!tpu.dma_semaphore, #tpu.memory_space<semaphore_mem>>
    %dma_wait3A_155 = arith.constant 11 : i32
    %dma_wait3A_156 = arith.constant 0 : i32
    %dma_wait3A_157 = tpu.memref_slice %arg9[%select_n3A_17, %dma_wait3A_155, %dma_wait3A_156] : memref<4x16x10000xf32, #tpu.memory_space<vmem>> -> memref<1x1x10000xf32, #tpu.memory_space<vmem>>
    %dma_wait3A_158 = tpu.memref_squeeze %dma_wait3A_157 : memref<1x1x10000xf32, #tpu.memory_space<vmem>> -> memref<1x10000xf32, #tpu.memory_space<vmem>>
    %dma_wait3A_159 = arith.constant 0 : i32
    %dma_wait3A_160 = tpu.memref_slice %arg4[%get3A_152, %dma_wait3A_159] : memref<10000x10000xf32, #tpu.memory_space<any>> -> memref<1x10000xf32, #tpu.memory_space<any>>
    tpu.wait_dma2 semaphore(%dma_wait3A_154 : memref<!tpu.dma_semaphore, #tpu.memory_space<semaphore_mem>>) src(%dma_wait3A_160 : memref<1x10000xf32, #tpu.memory_space<any>>) dst(%dma_wait3A_158 : memref<1x10000xf32, #tpu.memory_space<vmem>>)
    %add3A_161 = arith.constant 12 : i32
    %add3A_162 = arith.addi %mul3A_18, %add3A_161 : i32
    %get3A_163 = arith.index_cast %add3A_162 : i32 to index
    %get3A_164 = memref.load %arg1[%get3A_163] : memref<3200xi32, #tpu.memory_space<smem>>
    %dma_wait3A_165 = tpu.memref_slice %arg10[%select_n3A_17] : memref<4x!tpu.dma_semaphore, #tpu.memory_space<semaphore_mem>> -> memref<1x!tpu.dma_semaphore, #tpu.memory_space<semaphore_mem>>
    %dma_wait3A_166 = tpu.memref_squeeze %dma_wait3A_165 : memref<1x!tpu.dma_semaphore, #tpu.memory_space<semaphore_mem>> -> memref<!tpu.dma_semaphore, #tpu.memory_space<semaphore_mem>>
    %dma_wait3A_167 = arith.constant 12 : i32
    %dma_wait3A_168 = arith.constant 0 : i32
    %dma_wait3A_169 = tpu.memref_slice %arg9[%select_n3A_17, %dma_wait3A_167, %dma_wait3A_168] : memref<4x16x10000xf32, #tpu.memory_space<vmem>> -> memref<1x1x10000xf32, #tpu.memory_space<vmem>>
    %dma_wait3A_170 = tpu.memref_squeeze %dma_wait3A_169 : memref<1x1x10000xf32, #tpu.memory_space<vmem>> -> memref<1x10000xf32, #tpu.memory_space<vmem>>
    %dma_wait3A_171 = arith.constant 0 : i32
    %dma_wait3A_172 = tpu.memref_slice %arg4[%get3A_164, %dma_wait3A_171] : memref<10000x10000xf32, #tpu.memory_space<any>> -> memref<1x10000xf32, #tpu.memory_space<any>>
    tpu.wait_dma2 semaphore(%dma_wait3A_166 : memref<!tpu.dma_semaphore, #tpu.memory_space<semaphore_mem>>) src(%dma_wait3A_172 : memref<1x10000xf32, #tpu.memory_space<any>>) dst(%dma_wait3A_170 : memref<1x10000xf32, #tpu.memory_space<vmem>>)
    %add3A_173 = arith.constant 13 : i32
    %add3A_174 = arith.addi %mul3A_18, %add3A_173 : i32
    %get3A_175 = arith.index_cast %add3A_174 : i32 to index
    %get3A_176 = memref.load %arg1[%get3A_175] : memref<3200xi32, #tpu.memory_space<smem>>
    %dma_wait3A_177 = tpu.memref_slice %arg10[%select_n3A_17] : memref<4x!tpu.dma_semaphore, #tpu.memory_space<semaphore_mem>> -> memref<1x!tpu.dma_semaphore, #tpu.memory_space<semaphore_mem>>
    %dma_wait3A_178 = tpu.memref_squeeze %dma_wait3A_177 : memref<1x!tpu.dma_semaphore, #tpu.memory_space<semaphore_mem>> -> memref<!tpu.dma_semaphore, #tpu.memory_space<semaphore_mem>>
    %dma_wait3A_179 = arith.constant 13 : i32
    %dma_wait3A_180 = arith.constant 0 : i32
    %dma_wait3A_181 = tpu.memref_slice %arg9[%select_n3A_17, %dma_wait3A_179, %dma_wait3A_180] : memref<4x16x10000xf32, #tpu.memory_space<vmem>> -> memref<1x1x10000xf32, #tpu.memory_space<vmem>>
    %dma_wait3A_182 = tpu.memref_squeeze %dma_wait3A_181 : memref<1x1x10000xf32, #tpu.memory_space<vmem>> -> memref<1x10000xf32, #tpu.memory_space<vmem>>
    %dma_wait3A_183 = arith.constant 0 : i32
    %dma_wait3A_184 = tpu.memref_slice %arg4[%get3A_176, %dma_wait3A_183] : memref<10000x10000xf32, #tpu.memory_space<any>> -> memref<1x10000xf32, #tpu.memory_space<any>>
    tpu.wait_dma2 semaphore(%dma_wait3A_178 : memref<!tpu.dma_semaphore, #tpu.memory_space<semaphore_mem>>) src(%dma_wait3A_184 : memref<1x10000xf32, #tpu.memory_space<any>>) dst(%dma_wait3A_182 : memref<1x10000xf32, #tpu.memory_space<vmem>>)
    %add3A_185 = arith.constant 14 : i32
    %add3A_186 = arith.addi %mul3A_18, %add3A_185 : i32
    %get3A_187 = arith.index_cast %add3A_186 : i32 to index
    %get3A_188 = memref.load %arg1[%get3A_187] : memref<3200xi32, #tpu.memory_space<smem>>
    %dma_wait3A_189 = tpu.memref_slice %arg10[%select_n3A_17] : memref<4x!tpu.dma_semaphore, #tpu.memory_space<semaphore_mem>> -> memref<1x!tpu.dma_semaphore, #tpu.memory_space<semaphore_mem>>
    %dma_wait3A_190 = tpu.memref_squeeze %dma_wait3A_189 : memref<1x!tpu.dma_semaphore, #tpu.memory_space<semaphore_mem>> -> memref<!tpu.dma_semaphore, #tpu.memory_space<semaphore_mem>>
    %dma_wait3A_191 = arith.constant 14 : i32
    %dma_wait3A_192 = arith.constant 0 : i32
    %dma_wait3A_193 = tpu.memref_slice %arg9[%select_n3A_17, %dma_wait3A_191, %dma_wait3A_192] : memref<4x16x10000xf32, #tpu.memory_space<vmem>> -> memref<1x1x10000xf32, #tpu.memory_space<vmem>>
    %dma_wait3A_194 = tpu.memref_squeeze %dma_wait3A_193 : memref<1x1x10000xf32, #tpu.memory_space<vmem>> -> memref<1x10000xf32, #tpu.memory_space<vmem>>
    %dma_wait3A_195 = arith.constant 0 : i32
    %dma_wait3A_196 = tpu.memref_slice %arg4[%get3A_188, %dma_wait3A_195] : memref<10000x10000xf32, #tpu.memory_space<any>> -> memref<1x10000xf32, #tpu.memory_space<any>>
    tpu.wait_dma2 semaphore(%dma_wait3A_190 : memref<!tpu.dma_semaphore, #tpu.memory_space<semaphore_mem>>) src(%dma_wait3A_196 : memref<1x10000xf32, #tpu.memory_space<any>>) dst(%dma_wait3A_194 : memref<1x10000xf32, #tpu.memory_space<vmem>>)
    %add3A_197 = arith.constant 15 : i32
    %add3A_198 = arith.addi %mul3A_18, %add3A_197 : i32
    %get3A_199 = arith.index_cast %add3A_198 : i32 to index
    %get3A_200 = memref.load %arg1[%get3A_199] : memref<3200xi32, #tpu.memory_space<smem>>
    %dma_wait3A_201 = tpu.memref_slice %arg10[%select_n3A_17] : memref<4x!tpu.dma_semaphore, #tpu.memory_space<semaphore_mem>> -> memref<1x!tpu.dma_semaphore, #tpu.memory_space<semaphore_mem>>
    %dma_wait3A_202 = tpu.memref_squeeze %dma_wait3A_201 : memref<1x!tpu.dma_semaphore, #tpu.memory_space<semaphore_mem>> -> memref<!tpu.dma_semaphore, #tpu.memory_space<semaphore_mem>>
    %dma_wait3A_203 = arith.constant 15 : i32
    %dma_wait3A_204 = arith.constant 0 : i32
    %dma_wait3A_205 = tpu.memref_slice %arg9[%select_n3A_17, %dma_wait3A_203, %dma_wait3A_204] : memref<4x16x10000xf32, #tpu.memory_space<vmem>> -> memref<1x1x10000xf32, #tpu.memory_space<vmem>>
    %dma_wait3A_206 = tpu.memref_squeeze %dma_wait3A_205 : memref<1x1x10000xf32, #tpu.memory_space<vmem>> -> memref<1x10000xf32, #tpu.memory_space<vmem>>
    %dma_wait3A_207 = arith.constant 0 : i32
    %dma_wait3A_208 = tpu.memref_slice %arg4[%get3A_200, %dma_wait3A_207] : memref<10000x10000xf32, #tpu.memory_space<any>> -> memref<1x10000xf32, #tpu.memory_space<any>>
    tpu.wait_dma2 semaphore(%dma_wait3A_202 : memref<!tpu.dma_semaphore, #tpu.memory_space<semaphore_mem>>) src(%dma_wait3A_208 : memref<1x10000xf32, #tpu.memory_space<any>>) dst(%dma_wait3A_206 : memref<1x10000xf32, #tpu.memory_space<vmem>>)
    %get3A_209 = arith.index_cast %select_n3A_17 : i32 to index
    %get3A_210 = arith.constant 0 : index
    %get3A_211 = arith.constant 0 : index
    %get3A_212 = vector.load %arg9[%get3A_209, %get3A_210, %get3A_211] : memref<4x16x10000xf32, #tpu.memory_space<vmem>>, vector<1x16x10000xf32>
    %get3A_213 = vector.shape_cast %get3A_212 : vector<1x16x10000xf32> to vector<16x10000xf32>
    %mul3A_214 = arith.constant 14.4269505 : f32
    %mul3A_215 = vector.broadcast %mul3A_214 : f32 to vector<16x10000xf32>
    %mul3A_216 = arith.mulf %get3A_213, %mul3A_215 : vector<16x10000xf32>
    %sub3A = arith.constant 14.4269505 : f32
    %sub3A_217 = vector.broadcast %sub3A : f32 to vector<16x10000xf32>
    %sub3A_218 = arith.subf %mul3A_216, %sub3A_217 : vector<16x10000xf32>
    %exp23A = math.exp2 %sub3A_218 : vector<16x10000xf32>
    %get3A_219 = arith.constant 0 : index
    %get3A_220 = arith.constant 0 : index
    %get3A_221 = arith.constant 0 : index
    %get3A_222 = vector.load %arg3[%get3A_219, %get3A_220, %get3A_221] : memref<1x16x10000xf32, #tpu.memory_space<vmem>>, vector<1x16x10000xf32>
    %get3A_223 = vector.shape_cast %get3A_222 : vector<1x16x10000xf32> to vector<16x10000xf32>
    %mul3A_224 = arith.constant 16 : i32
    %mul3A_225 = arith.muli %arg0, %mul3A_224 : i32
    %add3A_226 = arith.constant 0 : i32
    %add3A_227 = arith.addi %mul3A_225, %add3A_226 : i32
    %get3A_228 = arith.index_cast %add3A_227 : i32 to index
    %get3A_229 = memref.load %arg2[%get3A_228] : memref<3200xf32, #tpu.memory_space<smem>>
    %add3A_230 = arith.constant 1 : i32
    %add3A_231 = arith.addi %mul3A_225, %add3A_230 : i32
    %get3A_232 = arith.index_cast %add3A_231 : i32 to index
    %get3A_233 = memref.load %arg2[%get3A_232] : memref<3200xf32, #tpu.memory_space<smem>>
    %add3A_234 = arith.constant 2 : i32
    %add3A_235 = arith.addi %mul3A_225, %add3A_234 : i32
    %get3A_236 = arith.index_cast %add3A_235 : i32 to index
    %get3A_237 = memref.load %arg2[%get3A_236] : memref<3200xf32, #tpu.memory_space<smem>>
    %add3A_238 = arith.constant 3 : i32
    %add3A_239 = arith.addi %mul3A_225, %add3A_238 : i32
    %get3A_240 = arith.index_cast %add3A_239 : i32 to index
    %get3A_241 = memref.load %arg2[%get3A_240] : memref<3200xf32, #tpu.memory_space<smem>>
    %add3A_242 = arith.constant 4 : i32
    %add3A_243 = arith.addi %mul3A_225, %add3A_242 : i32
    %get3A_244 = arith.index_cast %add3A_243 : i32 to index
    %get3A_245 = memref.load %arg2[%get3A_244] : memref<3200xf32, #tpu.memory_space<smem>>
    %add3A_246 = arith.constant 5 : i32
    %add3A_247 = arith.addi %mul3A_225, %add3A_246 : i32
    %get3A_248 = arith.index_cast %add3A_247 : i32 to index
    %get3A_249 = memref.load %arg2[%get3A_248] : memref<3200xf32, #tpu.memory_space<smem>>
    %add3A_250 = arith.constant 6 : i32
    %add3A_251 = arith.addi %mul3A_225, %add3A_250 : i32
    %get3A_252 = arith.index_cast %add3A_251 : i32 to index
    %get3A_253 = memref.load %arg2[%get3A_252] : memref<3200xf32, #tpu.memory_space<smem>>
    %add3A_254 = arith.constant 7 : i32
    %add3A_255 = arith.addi %mul3A_225, %add3A_254 : i32
    %get3A_256 = arith.index_cast %add3A_255 : i32 to index
    %get3A_257 = memref.load %arg2[%get3A_256] : memref<3200xf32, #tpu.memory_space<smem>>
    %add3A_258 = arith.constant 8 : i32
    %add3A_259 = arith.addi %mul3A_225, %add3A_258 : i32
    %get3A_260 = arith.index_cast %add3A_259 : i32 to index
    %get3A_261 = memref.load %arg2[%get3A_260] : memref<3200xf32, #tpu.memory_space<smem>>
    %add3A_262 = arith.constant 9 : i32
    %add3A_263 = arith.addi %mul3A_225, %add3A_262 : i32
    %get3A_264 = arith.index_cast %add3A_263 : i32 to index
    %get3A_265 = memref.load %arg2[%get3A_264] : memref<3200xf32, #tpu.memory_space<smem>>
    %add3A_266 = arith.constant 10 : i32
    %add3A_267 = arith.addi %mul3A_225, %add3A_266 : i32
    %get3A_268 = arith.index_cast %add3A_267 : i32 to index
    %get3A_269 = memref.load %arg2[%get3A_268] : memref<3200xf32, #tpu.memory_space<smem>>
    %add3A_270 = arith.constant 11 : i32
    %add3A_271 = arith.addi %mul3A_225, %add3A_270 : i32
    %get3A_272 = arith.index_cast %add3A_271 : i32 to index
    %get3A_273 = memref.load %arg2[%get3A_272] : memref<3200xf32, #tpu.memory_space<smem>>
    %add3A_274 = arith.constant 12 : i32
    %add3A_275 = arith.addi %mul3A_225, %add3A_274 : i32
    %get3A_276 = arith.index_cast %add3A_275 : i32 to index
    %get3A_277 = memref.load %arg2[%get3A_276] : memref<3200xf32, #tpu.memory_space<smem>>
    %add3A_278 = arith.constant 13 : i32
    %add3A_279 = arith.addi %mul3A_225, %add3A_278 : i32
    %get3A_280 = arith.index_cast %add3A_279 : i32 to index
    %get3A_281 = memref.load %arg2[%get3A_280] : memref<3200xf32, #tpu.memory_space<smem>>
    %add3A_282 = arith.constant 14 : i32
    %add3A_283 = arith.addi %mul3A_225, %add3A_282 : i32
    %get3A_284 = arith.index_cast %add3A_283 : i32 to index
    %get3A_285 = memref.load %arg2[%get3A_284] : memref<3200xf32, #tpu.memory_space<smem>>
    %add3A_286 = arith.constant 15 : i32
    %add3A_287 = arith.addi %mul3A_225, %add3A_286 : i32
    %get3A_288 = arith.index_cast %add3A_287 : i32 to index
    %get3A_289 = memref.load %arg2[%get3A_288] : memref<3200xf32, #tpu.memory_space<smem>>
    %stack3A = vector.broadcast %get3A_229 : f32 to vector<1xf32>
    %stack3A_290 = vector.broadcast %get3A_233 : f32 to vector<1xf32>
    %stack3A_291 = vector.broadcast %get3A_237 : f32 to vector<1xf32>
    %stack3A_292 = vector.broadcast %get3A_241 : f32 to vector<1xf32>
    %stack3A_293 = vector.broadcast %get3A_245 : f32 to vector<1xf32>
    %stack3A_294 = vector.broadcast %get3A_249 : f32 to vector<1xf32>
    %stack3A_295 = vector.broadcast %get3A_253 : f32 to vector<1xf32>
    %stack3A_296 = vector.broadcast %get3A_257 : f32 to vector<1xf32>
    %stack3A_297 = vector.broadcast %get3A_261 : f32 to vector<1xf32>
    %stack3A_298 = vector.broadcast %get3A_265 : f32 to vector<1xf32>
    %stack3A_299 = vector.broadcast %get3A_269 : f32 to vector<1xf32>
    %stack3A_300 = vector.broadcast %get3A_273 : f32 to vector<1xf32>
    %stack3A_301 = vector.broadcast %get3A_277 : f32 to vector<1xf32>
    %stack3A_302 = vector.broadcast %get3A_281 : f32 to vector<1xf32>
    %stack3A_303 = vector.broadcast %get3A_285 : f32 to vector<1xf32>
    %stack3A_304 = vector.broadcast %get3A_289 : f32 to vector<1xf32>
    %stack3A_305 = tpu.concatenate %stack3A, %stack3A_290, %stack3A_291, %stack3A_292, %stack3A_293, %stack3A_294, %stack3A_295, %stack3A_296, %stack3A_297, %stack3A_298, %stack3A_299, %stack3A_300, %stack3A_301, %stack3A_302, %stack3A_303, %stack3A_304 in 0 : vector<1xf32>, vector<1xf32>, vector<1xf32>, vector<1xf32>, vector<1xf32>, vector<1xf32>, vector<1xf32>, vector<1xf32>, vector<1xf32>, vector<1xf32>, vector<1xf32>, vector<1xf32>, vector<1xf32>, vector<1xf32>, vector<1xf32>, vector<1xf32> -> vector<16xf32>
    %reshape3A = vector.shape_cast %stack3A_305 : vector<16xf32> to vector<16x1xf32>
    %add3A_306 = arith.constant 0 : i32
    %add3A_307 = arith.addi %mul3A_225, %add3A_306 : i32
    %get3A_308 = arith.index_cast %add3A_307 : i32 to index
    %get3A_309 = memref.load %arg1[%get3A_308] : memref<3200xi32, #tpu.memory_space<smem>>
    %add3A_310 = arith.constant 1 : i32
    %add3A_311 = arith.addi %mul3A_225, %add3A_310 : i32
    %get3A_312 = arith.index_cast %add3A_311 : i32 to index
    %get3A_313 = memref.load %arg1[%get3A_312] : memref<3200xi32, #tpu.memory_space<smem>>
    %add3A_314 = arith.constant 2 : i32
    %add3A_315 = arith.addi %mul3A_225, %add3A_314 : i32
    %get3A_316 = arith.index_cast %add3A_315 : i32 to index
    %get3A_317 = memref.load %arg1[%get3A_316] : memref<3200xi32, #tpu.memory_space<smem>>
    %add3A_318 = arith.constant 3 : i32
    %add3A_319 = arith.addi %mul3A_225, %add3A_318 : i32
    %get3A_320 = arith.index_cast %add3A_319 : i32 to index
    %get3A_321 = memref.load %arg1[%get3A_320] : memref<3200xi32, #tpu.memory_space<smem>>
    %add3A_322 = arith.constant 4 : i32
    %add3A_323 = arith.addi %mul3A_225, %add3A_322 : i32
    %get3A_324 = arith.index_cast %add3A_323 : i32 to index
    %get3A_325 = memref.load %arg1[%get3A_324] : memref<3200xi32, #tpu.memory_space<smem>>
    %add3A_326 = arith.constant 5 : i32
    %add3A_327 = arith.addi %mul3A_225, %add3A_326 : i32
    %get3A_328 = arith.index_cast %add3A_327 : i32 to index
    %get3A_329 = memref.load %arg1[%get3A_328] : memref<3200xi32, #tpu.memory_space<smem>>
    %add3A_330 = arith.constant 6 : i32
    %add3A_331 = arith.addi %mul3A_225, %add3A_330 : i32
    %get3A_332 = arith.index_cast %add3A_331 : i32 to index
    %get3A_333 = memref.load %arg1[%get3A_332] : memref<3200xi32, #tpu.memory_space<smem>>
    %add3A_334 = arith.constant 7 : i32
    %add3A_335 = arith.addi %mul3A_225, %add3A_334 : i32
    %get3A_336 = arith.index_cast %add3A_335 : i32 to index
    %get3A_337 = memref.load %arg1[%get3A_336] : memref<3200xi32, #tpu.memory_space<smem>>
    %add3A_338 = arith.constant 8 : i32
    %add3A_339 = arith.addi %mul3A_225, %add3A_338 : i32
    %get3A_340 = arith.index_cast %add3A_339 : i32 to index
    %get3A_341 = memref.load %arg1[%get3A_340] : memref<3200xi32, #tpu.memory_space<smem>>
    %add3A_342 = arith.constant 9 : i32
    %add3A_343 = arith.addi %mul3A_225, %add3A_342 : i32
    %get3A_344 = arith.index_cast %add3A_343 : i32 to index
    %get3A_345 = memref.load %arg1[%get3A_344] : memref<3200xi32, #tpu.memory_space<smem>>
    %add3A_346 = arith.constant 10 : i32
    %add3A_347 = arith.addi %mul3A_225, %add3A_346 : i32
    %get3A_348 = arith.index_cast %add3A_347 : i32 to index
    %get3A_349 = memref.load %arg1[%get3A_348] : memref<3200xi32, #tpu.memory_space<smem>>
    %add3A_350 = arith.constant 11 : i32
    %add3A_351 = arith.addi %mul3A_225, %add3A_350 : i32
    %get3A_352 = arith.index_cast %add3A_351 : i32 to index
    %get3A_353 = memref.load %arg1[%get3A_352] : memref<3200xi32, #tpu.memory_space<smem>>
    %add3A_354 = arith.constant 12 : i32
    %add3A_355 = arith.addi %mul3A_225, %add3A_354 : i32
    %get3A_356 = arith.index_cast %add3A_355 : i32 to index
    %get3A_357 = memref.load %arg1[%get3A_356] : memref<3200xi32, #tpu.memory_space<smem>>
    %add3A_358 = arith.constant 13 : i32
    %add3A_359 = arith.addi %mul3A_225, %add3A_358 : i32
    %get3A_360 = arith.index_cast %add3A_359 : i32 to index
    %get3A_361 = memref.load %arg1[%get3A_360] : memref<3200xi32, #tpu.memory_space<smem>>
    %add3A_362 = arith.constant 14 : i32
    %add3A_363 = arith.addi %mul3A_225, %add3A_362 : i32
    %get3A_364 = arith.index_cast %add3A_363 : i32 to index
    %get3A_365 = memref.load %arg1[%get3A_364] : memref<3200xi32, #tpu.memory_space<smem>>
    %add3A_366 = arith.constant 15 : i32
    %add3A_367 = arith.addi %mul3A_225, %add3A_366 : i32
    %get3A_368 = arith.index_cast %add3A_367 : i32 to index
    %get3A_369 = memref.load %arg1[%get3A_368] : memref<3200xi32, #tpu.memory_space<smem>>
    %stack3A_370 = vector.broadcast %get3A_309 : i32 to vector<1xi32>
    %stack3A_371 = vector.broadcast %get3A_313 : i32 to vector<1xi32>
    %stack3A_372 = vector.broadcast %get3A_317 : i32 to vector<1xi32>
    %stack3A_373 = vector.broadcast %get3A_321 : i32 to vector<1xi32>
    %stack3A_374 = vector.broadcast %get3A_325 : i32 to vector<1xi32>
    %stack3A_375 = vector.broadcast %get3A_329 : i32 to vector<1xi32>
    %stack3A_376 = vector.broadcast %get3A_333 : i32 to vector<1xi32>
    %stack3A_377 = vector.broadcast %get3A_337 : i32 to vector<1xi32>
    %stack3A_378 = vector.broadcast %get3A_341 : i32 to vector<1xi32>
    %stack3A_379 = vector.broadcast %get3A_345 : i32 to vector<1xi32>
    %stack3A_380 = vector.broadcast %get3A_349 : i32 to vector<1xi32>
    %stack3A_381 = vector.broadcast %get3A_353 : i32 to vector<1xi32>
    %stack3A_382 = vector.broadcast %get3A_357 : i32 to vector<1xi32>
    %stack3A_383 = vector.broadcast %get3A_361 : i32 to vector<1xi32>
    %stack3A_384 = vector.broadcast %get3A_365 : i32 to vector<1xi32>
    %stack3A_385 = vector.broadcast %get3A_369 : i32 to vector<1xi32>
    %stack3A_386 = tpu.concatenate %stack3A_370, %stack3A_371, %stack3A_372, %stack3A_373, %stack3A_374, %stack3A_375, %stack3A_376, %stack3A_377, %stack3A_378, %stack3A_379, %stack3A_380, %stack3A_381, %stack3A_382, %stack3A_383, %stack3A_384, %stack3A_385 in 0 : vector<1xi32>, vector<1xi32>, vector<1xi32>, vector<1xi32>, vector<1xi32>, vector<1xi32>, vector<1xi32>, vector<1xi32>, vector<1xi32>, vector<1xi32>, vector<1xi32>, vector<1xi32>, vector<1xi32>, vector<1xi32>, vector<1xi32>, vector<1xi32> -> vector<16xi32>
    %reshape3A_387 = vector.shape_cast %stack3A_386 : vector<16xi32> to vector<16x1xi32>
    %mul3A_388 = arith.mulf %get3A_223, %exp23A : vector<16x10000xf32>
    %reduce_sum3A = arith.constant dense<0.000000e+00> : vector<16xf32>
    %reduce_sum3A_389 = vector.multi_reduction <add>, %mul3A_388, %reduce_sum3A [1] : vector<16x10000xf32> to vector<16xf32>
    %broadcast_in_dim3A = vector.shape_cast %reduce_sum3A_389 : vector<16xf32> to vector<16x1xf32>
    %reduce_sum3A_390 = arith.constant dense<0.000000e+00> : vector<16xf32>
    %reduce_sum3A_391 = vector.multi_reduction <add>, %exp23A, %reduce_sum3A_390 [1] : vector<16x10000xf32> to vector<16xf32>
    %broadcast_in_dim3A_392 = vector.shape_cast %reduce_sum3A_391 : vector<16xf32> to vector<16x1xf32>
    %iota3A = tpu.iota {dimensions = array<i32: 1>} : vector<16x10000xi32>
    %eq3A_393 = vector.broadcast %reshape3A_387 : vector<16x1xi32> to vector<16x10000xi32>
    %eq3A_394 = arith.cmpi eq, %iota3A, %eq3A_393 : vector<16x10000xi32>
    %jit3A_395 = arith.constant 0.000000e+00 : f32
    %broadcast_in_dim3A_396 = vector.broadcast %jit3A_395 : f32 to vector<16x10000xf32>
    %select_n3A_397 = arith.select %eq3A_394, %get3A_223, %broadcast_in_dim3A_396 : vector<16x10000xi1>, vector<16x10000xf32>
    %reduce_sum3A_398 = arith.constant dense<0.000000e+00> : vector<16xf32>
    %reduce_sum3A_399 = vector.multi_reduction <add>, %select_n3A_397, %reduce_sum3A_398 [1] : vector<16x10000xf32> to vector<16xf32>
    %broadcast_in_dim3A_400 = vector.shape_cast %reduce_sum3A_399 : vector<16xf32> to vector<16x1xf32>
    %get3A_401 = arith.constant 0 : index
    %get3A_402 = arith.constant 0 : index
    %get3A_403 = memref.load %arg5[%get3A_401, %get3A_402] : memref<1x1xf32, #tpu.memory_space<smem>>
    %mul3A_404 = arith.mulf %broadcast_in_dim3A, %reshape3A : vector<16x1xf32>
    %reduce_sum3A_405 = vector.shape_cast %mul3A_404 : vector<16x1xf32> to vector<1x16x1xf32>
    %reduce_sum3A_406 = arith.constant dense<0.000000e+00> : vector<1xf32>
    %reduce_sum3A_407 = vector.multi_reduction <add>, %reduce_sum3A_405, %reduce_sum3A_406 [1, 2] : vector<1x16x1xf32> to vector<1xf32>
    %reduce_sum3A_408 = vector.shape_cast %reduce_sum3A_407 : vector<1xf32> to vector<1x1x1xf32>
    %reduce_sum3A_409 = vector.extract %reduce_sum3A_408[0, 0, 0] : f32 from vector<1x1x1xf32>
    %add3A_410 = arith.addf %get3A_403, %reduce_sum3A_409 : f32
    %swap3A = arith.constant 0 : index
    %swap3A_411 = arith.constant 0 : index
    %swap3A_412 = memref.load %arg5[%swap3A, %swap3A_411] : memref<1x1xf32, #tpu.memory_space<smem>>
    memref.store %add3A_410, %arg5[%swap3A, %swap3A_411] : memref<1x1xf32, #tpu.memory_space<smem>>
    %get3A_413 = arith.constant 0 : index
    %get3A_414 = arith.constant 0 : index
    %get3A_415 = memref.load %arg6[%get3A_413, %get3A_414] : memref<1x1xf32, #tpu.memory_space<smem>>
    %mul3A_416 = arith.mulf %broadcast_in_dim3A_392, %reshape3A : vector<16x1xf32>
    %reduce_sum3A_417 = vector.shape_cast %mul3A_416 : vector<16x1xf32> to vector<1x16x1xf32>
    %reduce_sum3A_418 = arith.constant dense<0.000000e+00> : vector<1xf32>
    %reduce_sum3A_419 = vector.multi_reduction <add>, %reduce_sum3A_417, %reduce_sum3A_418 [1, 2] : vector<1x16x1xf32> to vector<1xf32>
    %reduce_sum3A_420 = vector.shape_cast %reduce_sum3A_419 : vector<1xf32> to vector<1x1x1xf32>
    %reduce_sum3A_421 = vector.extract %reduce_sum3A_420[0, 0, 0] : f32 from vector<1x1x1xf32>
    %add3A_422 = arith.addf %get3A_415, %reduce_sum3A_421 : f32
    %swap3A_423 = arith.constant 0 : index
    %swap3A_424 = arith.constant 0 : index
    %swap3A_425 = memref.load %arg6[%swap3A_423, %swap3A_424] : memref<1x1xf32, #tpu.memory_space<smem>>
    memref.store %add3A_422, %arg6[%swap3A_423, %swap3A_424] : memref<1x1xf32, #tpu.memory_space<smem>>
    %get3A_426 = arith.constant 0 : index
    %get3A_427 = arith.constant 0 : index
    %get3A_428 = memref.load %arg7[%get3A_426, %get3A_427] : memref<1x1xf32, #tpu.memory_space<smem>>
    %mul3A_429 = arith.mulf %broadcast_in_dim3A_400, %reshape3A : vector<16x1xf32>
    %reduce_sum3A_430 = vector.shape_cast %mul3A_429 : vector<16x1xf32> to vector<1x16x1xf32>
    %reduce_sum3A_431 = arith.constant dense<0.000000e+00> : vector<1xf32>
    %reduce_sum3A_432 = vector.multi_reduction <add>, %reduce_sum3A_430, %reduce_sum3A_431 [1, 2] : vector<1x16x1xf32> to vector<1xf32>
    %reduce_sum3A_433 = vector.shape_cast %reduce_sum3A_432 : vector<1xf32> to vector<1x1x1xf32>
    %reduce_sum3A_434 = vector.extract %reduce_sum3A_433[0, 0, 0] : f32 from vector<1x1x1xf32>
    %add3A_435 = arith.addf %get3A_428, %reduce_sum3A_434 : f32
    %swap3A_436 = arith.constant 0 : index
    %swap3A_437 = arith.constant 0 : index
    %swap3A_438 = memref.load %arg7[%swap3A_436, %swap3A_437] : memref<1x1xf32, #tpu.memory_space<smem>>
    memref.store %add3A_435, %arg7[%swap3A_436, %swap3A_437] : memref<1x1xf32, #tpu.memory_space<smem>>
    %get3A_439 = arith.constant 0 : index
    %get3A_440 = arith.constant 0 : index
    %get3A_441 = memref.load %arg8[%get3A_439, %get3A_440] : memref<1x1xf32, #tpu.memory_space<smem>>
    %reduce_sum3A_442 = vector.shape_cast %reshape3A : vector<16x1xf32> to vector<1x16x1xf32>
    %reduce_sum3A_443 = arith.constant dense<0.000000e+00> : vector<1xf32>
    %reduce_sum3A_444 = vector.multi_reduction <add>, %reduce_sum3A_442, %reduce_sum3A_443 [1, 2] : vector<1x16x1xf32> to vector<1xf32>
    %reduce_sum3A_445 = vector.shape_cast %reduce_sum3A_444 : vector<1xf32> to vector<1x1x1xf32>
    %reduce_sum3A_446 = vector.extract %reduce_sum3A_445[0, 0, 0] : f32 from vector<1x1x1xf32>
    %add3A_447 = arith.addf %get3A_441, %reduce_sum3A_446 : f32
    %swap3A_448 = arith.constant 0 : index
    %swap3A_449 = arith.constant 0 : index
    %swap3A_450 = memref.load %arg8[%swap3A_448, %swap3A_449] : memref<1x1xf32, #tpu.memory_space<smem>>
    memref.store %add3A_447, %arg8[%swap3A_448, %swap3A_449] : memref<1x1xf32, #tpu.memory_space<smem>>
    return
  }
  func.func @transform_0(%arg0: i32, %arg1: memref<3200xi32, #tpu.memory_space<smem>>, %arg2: memref<3200xf32, #tpu.memory_space<smem>>) -> (i32, i32, i32) {
    %jit3A = arith.constant 4 : i32
    %div3A = arith.divsi %arg0, %jit3A : i32
    %sign3A = arith.constant 0 : i32
    %sign3A_0 = arith.cmpi sgt, %arg0, %sign3A : i32
    %sign3A_1 = arith.extui %sign3A_0 : i1 to i32
    %sign3A_2 = arith.constant 0 : i32
    %sign3A_3 = arith.cmpi slt, %arg0, %sign3A_2 : i32
    %sign3A_4 = arith.extui %sign3A_3 : i1 to i32
    %sign3A_5 = arith.subi %sign3A_1, %sign3A_4 : i32
    %sign3A_6 = arith.constant 0 : i32
    %sign3A_7 = arith.cmpi sgt, %jit3A, %sign3A_6 : i32
    %sign3A_8 = arith.extui %sign3A_7 : i1 to i32
    %sign3A_9 = arith.constant 0 : i32
    %sign3A_10 = arith.cmpi slt, %jit3A, %sign3A_9 : i32
    %sign3A_11 = arith.extui %sign3A_10 : i1 to i32
    %sign3A_12 = arith.subi %sign3A_8, %sign3A_11 : i32
    %ne3A = arith.cmpi ne, %sign3A_5, %sign3A_12 : i32
    %rem3A = arith.remsi %arg0, %jit3A : i32
    %ne3A_13 = arith.constant 0 : i32
    %ne3A_14 = arith.cmpi ne, %rem3A, %ne3A_13 : i32
    %and3A = arith.andi %ne3A, %ne3A_14 : i1
    %sub3A = arith.constant 1 : i32
    %sub3A_15 = arith.subi %div3A, %sub3A : i32
    %select_n3A = arith.select %and3A, %sub3A_15, %div3A : i32
    %jit3A_16 = arith.constant 4 : i32
    %eq3A = arith.constant 0 : i32
    %eq3A_17 = arith.cmpi eq, %jit3A_16, %eq3A : i32
    %jit3A_18 = arith.constant 1 : i32
    %select_n3A_19 = arith.select %eq3A_17, %jit3A_18, %jit3A_16 : i32
    %rem3A_20 = arith.remsi %arg0, %select_n3A_19 : i32
    %ne3A_21 = arith.constant 0 : i32
    %ne3A_22 = arith.cmpi ne, %rem3A_20, %ne3A_21 : i32
    %lt3A = arith.constant 0 : i32
    %lt3A_23 = arith.cmpi slt, %rem3A_20, %lt3A : i32
    %lt3A_24 = arith.constant 0 : i32
    %lt3A_25 = arith.cmpi slt, %select_n3A_19, %lt3A_24 : i32
    %ne3A_26 = arith.xori %lt3A_23, %lt3A_25 : i1
    %and3A_27 = arith.andi %ne3A_26, %ne3A_22 : i1
    %add3A = arith.addi %rem3A_20, %select_n3A_19 : i32
    %select_n3A_28 = arith.select %and3A_27, %add3A, %rem3A_20 : i32
    %c0_i32 = arith.constant 0 : i32
    %c0_i32_29 = arith.constant 0 : i32
    return %select_n3A, %select_n3A_28, %c0_i32 : i32, i32, i32
  }
  func.func @transform_2(%arg0: i32, %arg1: memref<3200xi32, #tpu.memory_space<smem>>, %arg2: memref<3200xf32, #tpu.memory_space<smem>>) -> (i32, i32) {
    %c0_i32 = arith.constant 0 : i32
    %c0_i32_0 = arith.constant 0 : i32
    %c0_i32_1 = arith.constant 0 : i32
    return %c0_i32, %c0_i32_0 : i32, i32
  }
  func.func @transform_3(%arg0: i32, %arg1: memref<3200xi32, #tpu.memory_space<smem>>, %arg2: memref<3200xf32, #tpu.memory_space<smem>>) -> (i32, i32) {
    %c0_i32 = arith.constant 0 : i32
    %c0_i32_0 = arith.constant 0 : i32
    %c0_i32_1 = arith.constant 0 : i32
    return %c0_i32, %c0_i32_0 : i32, i32
  }
  func.func @transform_4(%arg0: i32, %arg1: memref<3200xi32, #tpu.memory_space<smem>>, %arg2: memref<3200xf32, #tpu.memory_space<smem>>) -> (i32, i32) {
    %c0_i32 = arith.constant 0 : i32
    %c0_i32_0 = arith.constant 0 : i32
    %c0_i32_1 = arith.constant 0 : i32
    return %c0_i32, %c0_i32_0 : i32, i32
  }
  func.func @transform_5(%arg0: i32, %arg1: memref<3200xi32, #tpu.memory_space<smem>>, %arg2: memref<3200xf32, #tpu.memory_space<smem>>) -> (i32, i32) {
    %c0_i32 = arith.constant 0 : i32
    %c0_i32_0 = arith.constant 0 : i32
    %c0_i32_1 = arith.constant 0 : i32
    return %c0_i32, %c0_i32_0 : i32, i32
  }
}

</mosaic_0001>

<sc_bundles>
// kernel: kernel.5.cloned.1.call-start
scs
__scs_entry_jumppad:
0x0: {  	(pc) =	sbr.rel $0x88, $3  }
0x1: {  	(tag) =	ssettag $0x0;
	lr =	simm.s32 $0x1  }
0x2: {  	[smem:$0x3F9D] =	sst lr;
	_ =	strace $0xD0000000  }
0x3: {  	_ = 	snop  }
0x4: {  	_ = 	snop  }
0x5: {  	_ = 	snop  }
0x6: {  	_ = 	snop  }
0x7: {  	_ = 	snop  }
__scs_overlays_trampoline_lowered:
0x8: {  	[smem:$0x3FAC] =	sst s0  }
0x9: {  	[smem:$0x3FAD] =	sst s1  }
0xa: {  	[smem:$0x3FAE] =	sst s2  }
0xb: {  	[smem:$0x3FAF] =	sst s3  }
0xc: {  	[smem:$0x3FB0] =	sst s4  }
0xd: {  	[smem:$0x3FB1] =	sst s5  }
0xe: {  	[smem:$0x3FB2] =	sst s6  }
0xf: {  	[smem:$0x3FB3] =	sst s7  }
0x10: {  	[smem:$0x3FB4] =	sst s8  }
0x11: {  	[smem:$0x3FB5] =	sst s9;
	s0 =	simm.s32 @!p0 $0x0  }
0x12: {  	s1 =	sld [smem:$0x3F9B];
	s0 =	simm.s32 @p0 $0x1  }
0x13: {  	[smem:$0x3FB6] =	sst s0;
	s0 =	simm.s32 @!p1 $0x0  }
0x14: {  	s2 =	sld [smem:$0x3F9A];
	s0 =	simm.s32 @p1 $0x1  }
0x15: {  	[smem:$0x3FB7] =	sst s0;
	s0 =	simm.s32 @!p2 $0x0  }
0x16: {  	s3 =	sld [smem:$0x3FDB];
	s0 =	simm.s32 @p2 $0x1  }
0x17: {  	s4 =	simm.s32 $0x1BF5;
	[smem:$0x3FB9] =	sst s0  }
0x18: {  	s0 =	sld [smem:$0x3F9C];
	_ =	swait.ge [sflag:s4], $0x0  }
0x19: {  	s7 =	sld [smem:$0x3F9D]  }
0x1a: {  	s8 =	sadd.s32 $0xFFFFE003, lr  }
0x1b: {  	s9 =	sadd.s32 $0xFFFFFEF7, lr;
	s5 =	simm.s32 $0xFFFFFFFF;
	p2 =	slt.u32 s8, $0xFFFFF086  }
0x1c: {  	p1 =	slt.u32 s9, $0xF7A;
	s5 =	simm.s32 @!p2 $0x0  }
0x1d: {  	s5 =	simm.s32 @p1 $0x1;
	p0 =	seq.s32 s7, s2  }
0x1e: {  	s7 =	smul.u32 @!p0 $0xF7A, s2;
	p2 =	seq.s32 @!p0 s5, $0x0  }
0x1f: {  	s9 =	smul.u32 $0xF7A, s1;
	s8 =	simm.s32 @!p0 $0x1BF5;
	p2 =	por !p2, p0  }
0x20: {  	[sflag:s8] =	ssyncset.s32 @!p0 $0xFFFFF086;
	s6 =	sadd.s32 @!p0 s3, s7;
	s7 =	simm.s32 @!p0 $0x108  }
0x21: {  	s3 =	sadd.s32 s3, s9;
	s6 =	sadd.s32 @!p0 $0x88, s6;
	s7 =	simm.s32 @p2 $0x1082  }
0x22: {  	[simem:s7], [sflag:s8] =	dma.local @!p0 [hbm:s6], $0xF7A  }
0x23: {  	s9 =	sor.u32 $0xD0000000, s2;
	s6 =	simm.s32 $0x108;
	_ =	swait.ge @!p0 [sflag:s8], $0x0  }
0x24: {  	s3 =	sadd.s32 $0x88, s3;
	s6 =	simm.s32 @!p1 $0x1082;
	[sflag:s4] =	ssyncset.s32 $0xFFFFF086  }
0x25: {  	[simem:s6], [sflag:s4] =	dma.local [hbm:s3], $0xF7A  }
0x26: {  	[smem:$0x3F9D] =	sst s1;
	(tag) =	ssettag s2;
	_ =	strace s9  }
0x27: {  	s1 =	sld [smem:$0x3FAD]  }
0x28: {  	s2 =	sld [smem:$0x3FAE]  }
0x29: {  	s4 =	sld [smem:$0x3FB0]  }
0x2a: {  	p0 =	seq.s32 s5, $0x0;
	s5 =	sld [smem:$0x3FB1]  }
0x2b: {  	s6 =	sld [smem:$0x3FB2]  }
0x2c: {  	s7 =	sld [smem:$0x3FB3]  }
0x2d: {  	s3 =	simm.s32 $0x108;
	s8 =	sld [smem:$0x3FB4]  }
0x2e: {  	s3 =	simm.s32 @!p0 $0x1082;
	s9 =	sld [smem:$0x3FB5]  }
0x2f: {  	lr =	sadd.s32 s0, s3;
	s0 =	sld [smem:$0x3FAC]  }
0x30: {  	s3 =	sld [smem:$0x3FAF]  }
0x31: {  	[smem:$0x3FB8] =	sst s10  }
0x32: {  	s10 =	sld [smem:$0x3FB6];
	_ =	sdelay $0x3  }
0x33: {  	p0 =	seq.s32 s10, $0x1;
	s10 =	sld [smem:$0x3FB8];
	_ =	sdelay $0x3  }
0x34: {  	[smem:$0x3FB8] =	sst s10  }
0x35: {  	s10 =	sld [smem:$0x3FB7];
	_ =	sdelay $0x3  }
0x36: {  	p1 =	seq.s32 s10, $0x1;
	s10 =	sld [smem:$0x3FB8];
	_ =	sdelay $0x3  }
0x37: {  	[smem:$0x3FB8] =	sst s10  }
0x38: {  	s10 =	sld [smem:$0x3FB9]  }
0x39: {  	_ = 	snop;
	(pc) =	sbr.ind lr, $3  }
0x3a: {  	_ = 	snop  }
0x3b: {  	_ = 	snop  }
0x3c: {  	p2 =	seq.s32 s10, $0x1;
	s10 =	sld [smem:$0x3FB8]  }
0x3d: {  	_ =	shalt  }
0x3e: {  	_ =	shalt  }
0x3f: {  	_ =	shalt  }
0x40: {  	_ =	shalt  }
0x41: {  	_ =	shalt  }
0x42: {  	_ =	shalt  }
0x43: {  	_ =	shalt  }
0x44: {  	_ =	shalt  }
0x45: {  	_ =	shalt  }
0x46: {  	_ =	shalt  }
0x47: {  	_ =	shalt  }
0x48: {  	_ =	shalt  }
0x49: {  	_ =	shalt  }
0x4a: {  	_ =	shalt  }
0x4b: {  	_ =	shalt  }
0x4c: {  	_ =	shalt  }
0x4d: {  	_ =	shalt  }
0x4e: {  	_ =	shalt  }
0x4f: {  	_ =	shalt  }
0x50: {  	_ =	shalt  }
0x51: {  	_ =	shalt  }
0x52: {  	_ =	shalt  }
0x53: {  	_ =	shalt  }
0x54: {  	_ =	shalt  }
0x55: {  	_ =	shalt  }
0x56: {  	_ =	shalt  }
0x57: {  	_ =	shalt  }
0x58: {  	_ =	shalt  }
0x59: {  	_ =	shalt  }
0x5a: {  	_ =	shalt  }
0x5b: {  	_ =	shalt  }
0x5c: {  	_ =	shalt  }
0x5d: {  	_ =	shalt  }
0x5e: {  	_ =	shalt  }
0x5f: {  	_ =	shalt  }
0x60: {  	_ =	shalt  }
0x61: {  	_ =	shalt  }
0x62: {  	_ =	shalt  }
0x63: {  	_ =	shalt  }
0x64: {  	_ =	shalt  }
0x65: {  	_ =	shalt  }
0x66: {  	_ =	shalt  }
0x67: {  	_ =	shalt  }
0x68: {  	_ =	shalt  }
0x69: {  	_ =	shalt  }
0x6a: {  	_ =	shalt  }
0x6b: {  	_ =	shalt  }
0x6c: {  	_ =	shalt  }
0x6d: {  	_ =	shalt  }
0x6e: {  	_ =	shalt  }
0x6f: {  	_ =	shalt  }
0x70: {  	_ =	shalt  }
0x71: {  	_ =	shalt  }
0x72: {  	_ =	shalt  }
0x73: {  	_ =	shalt  }
0x74: {  	_ =	shalt  }
0x75: {  	_ =	shalt  }
0x76: {  	_ =	shalt  }
0x77: {  	_ =	shalt  }
0x78: {  	_ =	shalt  }
0x79: {  	_ =	shalt  }
0x7a: {  	_ =	shalt  }
0x7b: {  	_ =	shalt  }
0x7c: {  	_ =	shalt  }
0x7d: {  	_ =	shalt  }
0x7e: {  	_ =	shalt  }
0x7f: {  	_ =	shalt  }
0x80: {  	_ =	shalt  }
0x81: {  	_ =	shalt  }
0x82: {  	_ =	shalt  }
0x83: {  	_ =	shalt  }
0x84: {  	_ =	shalt  }
0x85: {  	_ =	shalt  }
0x86: {  	_ =	shalt  }
0x87: {  	_ =	shalt  }
.Lfunc_end0:
.L_simem_size_0:
called_computation_lowered:
.L_overlay_start_0:
0x88: {  	s2 =	sld [smem:$0x3FD9]  }
0x89: {  	s3 =	sld [smem:$0x3FFE];
	_ =	sdelay $0x1  }
0x8a: {  	s1 =	srdreg.scid  }
0x8b: {  	s0 =	sand.u32 $0x1, s1  }
0x8c: {  	s17 =	sshll.u32 s0, $0xA;
	s2 =	sadd.s32 s3, s2  }
0x8d: {  	s2 =	sadd.s32 s2, s17  }
0x8e: {  	[smem:$0x3FC4] =	sst s2  }
0x8f: {  	_ = 	snop  }
0x90: {  	s2 =	sld [smem:$0x3FC9]  }
0x91: {  	s18 =	sld [smem:$0x3FC6];
	(tm) =	ssettm $0x1  }
0x92: {  	s4 =	sld [smem:$0x3FFB];
	_ =	sdelay $0x3  }
0x93: {  	_ =	strace s4  }
0x94: {  	s4 =	sld [smem:$0x3FFC];
	_ =	sdelay $0x3  }
0x95: {  	_ =	strace s4  }
0x96: {  	s4 =	sld [smem:$0x3FFD];
	_ =	sdelay $0x3  }
0x97: {  	_ =	strace s4  }
0x98: {  	_ =	strace $0x8FFFFFFF  }
0x99: {  	s19 =	sld [smem:$0x3FDB];
	_ =	sdelay $0x1  }
0x9a: {  	s5 =	simm.s32 $_scs_section_size  }
0x9b: {  	s6 =	simm.s32 $_size__tile_overlayer_lowered;
	s7 =	simm.s32 $_tile_overlayer_lowered  }
0x9c: {  	s22 =	simm.s32 $0x1BFF;
	s21 =	sshll.u32 s7, $0x1;
	s4 =	sadd.s32 s5, s19  }
0x9d: {  	s8 =	simm.s32 $0x0;
	s20 =	sshll.u32 s6, $0x1;
	s6 =	sadd.s32 s21, s4  }
0x9e: {  	[timem:s8], [sflag:s22] =	dma.local [hbm:s6], s20  }
0x9f: {  	_ =	swait.ge [sflag:s22], s20  }
0xa0: {  	s5 =	ssub.s32 $0x0, s20;
	[sflag:s22] =	ssyncset.done $0x0  }
0xa1: {  	[sflag:s22] =	ssyncadd.s32 s5;
	_ =	sdelay $0x1  }
0xa2: {  	s23 =	simm.s32 $0x1B8B  }
0xa3: {  	_ =	swait.ge [sflag:s23], $0x1  }
0xa4: {  	[sflag:s23] =	ssyncset.done $0x0  }
0xa5: {  	s25 =	simm.s32 $0x1B8E;
	s24 =	sld [smem:$0x3FFE];
	[sflag:s23] =	ssyncadd.s32 $0xFFFFFFFF  }
0xa6: {  	s26 =	simm.s32 $execute0_lowered;
	[smem:$0x3FD2] =	sst s25  }
0xa7: {  	s6 =	sshll.u32 s26, $0x1;
	_ =	strace $0x80000046;
	[dreg:$0x1] =	wrdreg $0xFFFFFFFF  }
0xa8: {  	s28 =	simm.s32 $_size_execute0_lowered;
	s4 =	sadd.s32 s4, s6;
	[dreg:$0x0] =	wrdreg $0x0  }
0xa9: {  	s6 =	sshll.u32 s28, $0x1;
	[dreg:$0x2] =	wrdreg s4  }
0xaa: {  	[dreg:$0x3] =	wrdreg s6  }
0xab: {  	[dreg:$0x4] =	wrdreg $0xC0  }
0xac: {  	_ =	task [dreg:s8], $0x5FFFF  }
0xad: {  	[dreg:$0x1] =	wrdreg $0xFFFFFFFF  }
0xae: {  	[dreg:$0x0] =	wrdreg $0x60  }
0xaf: {  	[dreg:$0x2] =	wrdreg s2  }
0xb0: {  	[dreg:$0x3] =	wrdreg s24  }
0xb1: {  	[dreg:$0x4] =	wrdreg s18  }
0xb2: {  	[dreg:$0x5] =	wrdreg $0x9  }
0xb3: {  	_ =	task.clear_ibuf [dreg:s8], $0x6FFFF;
	_ =	strace $0x90000046  }
0xb4: {  	s29 =	simm.s32 $0x9;
	_ =	strace $0x80000048  }
0xb5: {  	_ =	swait.ge [sflag:s29], $0x1  }
0xb6: {  	[sflag:s29] =	ssyncadd.s32 $0xFFFFFFFF  }
0xb7: {  	_ =	strace $0x90000048  }
0xb8: {  	_ =	sfence  }
0xb9: {  	s30 =	sld [smem:$0x0];
	_ =	sdelay $0x2  }
0xba: {  	s31 =	sshll.u32 s1, $0xD;
	s1 =	sshrl.u32 s1, $0x2  }
0xbb: {  	s3 =	sand.u32 $0x4000, s31;
	s1 =	sadd.s32 s1, s30  }
0xbc: {  	s0 =	sor.u32 s3, s0;
	s1 =	sshll.u32 s1, $0x11  }
0xbd: {  	s0 =	sor.u32 s1, s0  }
0xbe: {  	s0 =	sadd.s32 $0x8F2B, s0  }
0xbf: {  	[sflag:s0] =	ssyncadd.remote.s32 $0x1  }
0xc0: {  	_ =	sfence.sel $0xFFFF  }
0xc1: {  	[dreg:$0x0] =	wrdreg $0xFFFFFFFF;
	(pc) =	sbr.abs _section_cstart, $3  }
0xc2: {  	[dreg:$0x1] =	wrdreg $0xFFFFFFFF  }
0xc3: {  	_ =	task.clear_ibuf [dreg:s8], $0x2FFFF;
	_ =	strace $0x9FFFFFFF  }
0xc4: {  	(tm) =	ssettm $0x7FFFFFFF  }
0xc5: {  	_ =	shalt  }
tec
execute0_lowered:
.L_overlay_start_1:
0x0: {  	(tag) =	ssettag $0x1  }
0x1: {  	s1 =	rddreg [dreg:$0x0]  }
0x2: {  	s0 =	srdreg.scid;
	s3 =	stileid.u32  }
0x3: {  	s2 =	rddreg [dreg:$0x1];
	s23 =	simm.s32 $0x200;
	s24 =	simm.s32 $0x100  }
0x4: {  	s28 =	simm.s32 $0x5180;
	s30 =	simm.s32 $0x1;
	s29 =	simm.s32 $0x100  }
0x5: {  	s0 =	sand.u32 $0x1, s0;
	s4 =	sshll.u32 s3, $0x1;
	s3 =	rddreg [dreg:$0x2]  }
0x6: {  	s6 =	sor.u32 s0, s4;
	s4 =	simm.s32 $0x0;
	s0 =	ssub.s32 $0x2, s0  }
0x7: {  	s11 =	sadd.s32 $0x400, s3;
	s12 =	sadd.s32 $0x800, s3;
	s13 =	sadd.s32 $0xC00, s3  }
0x8: {  	s14 =	sadd.s32 $0x1000, s3;
	s15 =	sadd.s32 $0x1400, s3;
	s16 =	sadd.s32 $0x1800, s3  }
0x9: {  	s17 =	sadd.s32 $0x1C00, s3;
	s18 =	sadd.s32 $0x2000, s3;
	s19 =	sadd.s32 $0x2400, s3  }
0xa: {  	s5 =	sshll.u32 s6, $0x6;
	[smem:$0x7FF] =	sst s4;
	s10 =	sshll.u32 s6, $0x4  }
0xb: {  	s26 =	sshrl.u32 s0, $0x1;
	s5 =	sadd.s32 $0x480, s5;
	_ =	strace $0x80000047  }
0xc: {  	s0 =	ssub.s32 s0, s26;
	s26 =	simm.s32 $0x280;
	s7 =	sshrl.u32 s5, $0x3  }
0xd: {  	s8 =	sadd.s32 s5, s2;
	s25 =	sshrl.u32 s5, $0x6;
	s0 =	smax.u32 s0, $0x1  }
0xe: {  	s9 =	sadd.s32 s7, s2;
	s6 =	smul.u32 $0x9E000, s25;
	s7 =	sadd.s32 $0x1E00, s2  }
0xf: {  	v0 =	vlaneseq.u32;
	s2 =	sadd.s32 s10, s2;
	s8 =	sadd.s32 $0xE00, s8;
	[dreg:$0x8] =	wrdreg s0  }
0x10: {  	v1 =	vshrl.u32 v0, $0x1;
	s25 =	simm.s32 $0x400;
	[dreg:$0x4] =	wrdreg s8;
	s9 =	sadd.s32 $0x1C00, s9  }
0x11: {  	v0 =	vand.u32 $0x1, v0;
	v63 =	vmul.u32 $0x8, v1;
	s2 =	sadd.s32 $0x29000, s2;
	s31 =	sshrl.u32 s6, $0x3;
	[dreg:$0x5] =	wrdreg s9  }
0x12: {  	[tilespmem:$0x1FFE0] =	vst v0;
	[dreg:$0x7] =	wrdreg s2;
	s2 =	simm.s32 $0x2;
	s8 =	sadd.s32 s1, s31  }
0x13: {  	vm0 =	vmmov $0xffff;
	vm1 =	vmmov $0xfff;
	vm2 =	vmmov $0x1;
	[tilespmem:$0x1FFF0] =	vst v63;
	s9 =	simm.s32 $0x0;
	[dreg:$0x6] =	wrdreg s8;
	s8 =	simm.s32 $0x3  }
.LBB2_1:
0x14: {  	[dreg:$0x9] =	wrdreg s9  }
0x15: {  	s0 =	rddreg [dreg:$0x4]  }
0x16: {  	[tilespmem:s4], [sflag:$0x3] =	stream.linear.gather [hbm4b:s0+s4], $0x200, $0x38;
	[tilespmem:$0x13F00] =	vst v63  }
0x17: {  	_ =	swait.ge [sflag:s8], $0x200  }
0x18: {  	[sflag:s8] =	ssyncset.done $0x0  }
0x19: {  	s22 =	rddreg [dreg:$0x5];
	[sflag:s8] =	ssyncadd.s32 $0xFFFFFE00  }
0x1a: {  	[tilespmem:s23], [sflag:$0x3] =	stream.linear.gather [hbm4b:s22+s4], $0x40, $0x38;
	[tilespmem:$0x13F00] =	vst v63  }
0x1b: {  	_ =	swait.ge [sflag:s8], $0x40  }
0x1c: {  	[sflag:s8] =	ssyncset.done $0x0  }
0x1d: {  	[sflag:s8] =	ssyncadd.s32 $0xFFFFFFC0;
	s8 =	rddreg [dreg:$0x6]  }
0x1e: {  	[tilespmem:s26], [sflag:$0x1] =	stream.strided.gather [hbm4b:s8+s24], $0x4F00, s25, s24, $0x38;
	[tilespmem:$0x13F00] =	vst v63  }
0x1f: {  	v0 =	vld.msk [tilespmem:$0x0], $0x3;
	_ =	sdelay $0x4  }
0x20: {  	v1 =	vshrl.u32 v0, $0x3  }
0x21: {  	v1 =	vmul.u32 $0x278, v1  }
0x22: {  	v0 =	vand.u32 $0x7, v0  }
0x23: {  	v0 =	vor.u32 v0, v1;
	v1 =	vld [tilespmem:$0x1FFE0];
	_ =	sdelay $0x4  }
0x24: {  	v0 =	vperm.xlane v0, v1;
	v1 =	vld [tilespmem:$0x1FFF0];
	_ =	sdelay $0x4  }
0x25: {  	v0 =	vadd.s32 v1, v0;
	_ =	sdelay $0x3  }
0x26: {  	s9 =	simm.s32 $0xA080  }
0x27: {  	[tilespmem:s9], [sflag:$0x1] =	stream.indirect_vreg.gather [hbm4b:s3+s4], $0x80, v0, vm0, $0xb8;
	[tilespmem:$0x13F00] =	vst v63  }
0x28: {  	s10 =	simm.s32 $0xA880  }
0x29: {  	[tilespmem:s10], [sflag:$0x1] =	stream.indirect_vreg.gather [hbm4b:s11+s4], $0x80, v0, vm0, $0xb8;
	[tilespmem:$0x13F00] =	vst v63  }
0x2a: {  	s20 =	simm.s32 $0xB080  }
0x2b: {  	[tilespmem:s20], [sflag:$0x1] =	stream.indirect_vreg.gather [hbm4b:s12+s4], $0x80, v0, vm0, $0xb8;
	[tilespmem:$0x13F00] =	vst v63  }
0x2c: {  	s21 =	simm.s32 $0xB880  }
0x2d: {  	[tilespmem:s21], [sflag:$0x1] =	stream.indirect_vreg.gather [hbm4b:s13+s4], $0x80, v0, vm0, $0xb8;
	[tilespmem:$0x13F00] =	vst v63  }
0x2e: {  	s22 =	simm.s32 $0xC080  }
0x2f: {  	[tilespmem:s22], [sflag:$0x1] =	stream.indirect_vreg.gather [hbm4b:s14+s4], $0x80, v0, vm0, $0xb8;
	[tilespmem:$0x13F00] =	vst v63  }
0x30: {  	s8 =	simm.s32 $0xC880  }
0x31: {  	[tilespmem:s8], [sflag:$0x1] =	stream.indirect_vreg.gather [hbm4b:s15+s4], $0x80, v0, vm0, $0xb8;
	[tilespmem:$0x13F00] =	vst v63  }
0x32: {  	s9 =	simm.s32 $0xD080  }
0x33: {  	[tilespmem:s9], [sflag:$0x1] =	stream.indirect_vreg.gather [hbm4b:s16+s4], $0x80, v0, vm0, $0xb8;
	[tilespmem:$0x13F00] =	vst v63  }
0x34: {  	s10 =	simm.s32 $0xD880  }
0x35: {  	[tilespmem:s10], [sflag:$0x1] =	stream.indirect_vreg.gather [hbm4b:s17+s4], $0x80, v0, vm0, $0xb8;
	[tilespmem:$0x13F00] =	vst v63  }
0x36: {  	s20 =	simm.s32 $0xE080  }
0x37: {  	[tilespmem:s20], [sflag:$0x1] =	stream.indirect_vreg.gather [hbm4b:s18+s4], $0x80, v0, vm0, $0xb8;
	[tilespmem:$0x13F00] =	vst v63  }
0x38: {  	s21 =	simm.s32 $0xE880  }
0x39: {  	[tilespmem:s21], [sflag:$0x1] =	stream.indirect_vreg.gather [hbm4b:s19+s4], $0x80, v0, vm1, $0xb8;
	[tilespmem:$0x13F00] =	vst v63  }
0x3a: {  	v2 =	vimm.f32 $0.0e+00;
	s31 =	simm.s32 $0x0;
	s22 =	simm.s32 $0x13C80  }
0x3b: {  	v3 =	vimm.f32 $0.0e+00;
	v7 =	vimm.f32 $0.0e+00;
	v0 =	vimm.f32 $0.0e+00;
	[tilespmem:s22], [sflag:$0x1] =	stream.indirect.gather [hbm4b:s7+s2], $0x80, s4, s2, $0xb8;
	[tilespmem:$0x13F00] =	vst v63  }
.LBB2_2:
0x3c: {  	s0 =	sshrl.u32 s31, $0x1  }
0x3d: {  	s8 =	sshllo.u32 s31, $0x1;
	s0 =	smul.u32 $0x13C00, s0  }
0x3e: {  	s9 =	sshll.u32 s8, $0x8  }
0x3f: {  	s9 =	sand.u32 $0x300, s9;
	s0 =	sadd.s32 s6, s0  }
0x40: {  	s0 =	sor.u32 s0, s9  }
0x41: {  	s0 =	sshrl.u32 s0, $0x3  }
0x42: {  	s0 =	sadd.s32 s1, s0  }
0x43: {  	[tilespmem:s28], [sflag:$0x2] =	stream.strided.gather [hbm4b:s0+s24], $0x4F00, s25, s24, $0x38;
	[tilespmem:$0x13F00] =	vst v63  }
0x44: {  	s0 =	sshll.u32 s8, $0x4  }
0x45: {  	[tilespmem:$0x1FFD0] =	vst v0;
	v0 =	vld.msk [tilespmem:s0+$0x0], $0x3;
	_ =	sdelay $0x4  }
0x46: {  	v1 =	vshrl.u32 v0, $0x3  }
0x47: {  	v1 =	vmul.u32 $0x278, v1  }
0x48: {  	v0 =	vand.u32 $0x7, v0  }
0x49: {  	v0 =	vor.u32 v0, v1;
	v1 =	vld [tilespmem:$0x1FFE0];
	_ =	sdelay $0x4  }
0x4a: {  	v0 =	vperm.xlane v0, v1;
	v1 =	vld [tilespmem:$0x1FFF0];
	_ =	sdelay $0x4  }
0x4b: {  	v0 =	vadd.s32 v1, v0;
	_ =	sdelay $0x3  }
0x4c: {  	s10 =	simm.s32 $0xEE80;
	s9 =	simm.s32 $0x0  }
0x4d: {  	[tilespmem:s10], [sflag:$0x2] =	stream.indirect_vreg.gather [hbm4b:s3+s9], $0x80, v0, vm0, $0xb8;
	[tilespmem:$0x13F00] =	vst v63  }
0x4e: {  	s20 =	simm.s32 $0xF680  }
0x4f: {  	[tilespmem:s20], [sflag:$0x2] =	stream.indirect_vreg.gather [hbm4b:s11+s9], $0x80, v0, vm0, $0xb8;
	[tilespmem:$0x13F00] =	vst v63  }
0x50: {  	s21 =	simm.s32 $0xFE80  }
0x51: {  	[tilespmem:s21], [sflag:$0x2] =	stream.indirect_vreg.gather [hbm4b:s12+s9], $0x80, v0, vm0, $0xb8;
	[tilespmem:$0x13F00] =	vst v63  }
0x52: {  	s22 =	simm.s32 $0x10680  }
0x53: {  	[tilespmem:s22], [sflag:$0x2] =	stream.indirect_vreg.gather [hbm4b:s13+s9], $0x80, v0, vm0, $0xb8;
	[tilespmem:$0x13F00] =	vst v63  }
0x54: {  	s20 =	simm.s32 $0x10E80  }
0x55: {  	[tilespmem:s20], [sflag:$0x2] =	stream.indirect_vreg.gather [hbm4b:s14+s9], $0x80, v0, vm0, $0xb8;
	[tilespmem:$0x13F00] =	vst v63  }
0x56: {  	s21 =	simm.s32 $0x11680  }
0x57: {  	[tilespmem:s21], [sflag:$0x2] =	stream.indirect_vreg.gather [hbm4b:s15+s9], $0x80, v0, vm0, $0xb8;
	[tilespmem:$0x13F00] =	vst v63  }
0x58: {  	s22 =	simm.s32 $0x11E80  }
0x59: {  	[tilespmem:s22], [sflag:$0x2] =	stream.indirect_vreg.gather [hbm4b:s16+s9], $0x80, v0, vm0, $0xb8;
	[tilespmem:$0x13F00] =	vst v63  }
0x5a: {  	s20 =	simm.s32 $0x12680  }
0x5b: {  	[tilespmem:s20], [sflag:$0x2] =	stream.indirect_vreg.gather [hbm4b:s17+s9], $0x80, v0, vm0, $0xb8;
	[tilespmem:$0x13F00] =	vst v63  }
0x5c: {  	[tilespmem:$0x1FFA0] =	vst v7;
	s21 =	simm.s32 $0x12E80  }
0x5d: {  	[tilespmem:s21], [sflag:$0x2] =	stream.indirect_vreg.gather [hbm4b:s18+s9], $0x80, v0, vm0, $0xb8;
	[tilespmem:$0x13F00] =	vst v63  }
0x5e: {  	[tilespmem:$0x1FFB0] =	vst v3;
	s22 =	simm.s32 $0x13680  }
0x5f: {  	[tilespmem:s22], [sflag:$0x2] =	stream.indirect_vreg.gather [hbm4b:s19+s9], $0x80, v0, vm1, $0xb8;
	[tilespmem:$0x13F00] =	vst v63  }
0x60: {  	[tilespmem:$0x1FFC0] =	vst v2;
	s20 =	simm.s32 $0x13D80  }
0x61: {  	[tilespmem:s20], [sflag:$0x2] =	stream.indirect.gather [hbm4b:s7+s2], $0x80, s0, s2, $0xb8;
	[tilespmem:$0x13F00] =	vst v63  }
0x62: {  	_ =	swait.ge [sflag:s30], $0x4F00  }
0x63: {  	[sflag:s30] =	ssyncset.done $0x0  }
0x64: {  	[sflag:s30] =	ssyncadd.s32 $0xFFFFB100  }
0x65: {  	_ =	swait.ge [sflag:s30], $0x4E00  }
0x66: {  	[sflag:s30] =	ssyncset.done $0x0  }
0x67: {  	[sflag:s30] =	ssyncadd.s32 $0xFFFFB200  }
0x68: {  	_ =	swait.ge [sflag:s30], $0x100  }
0x69: {  	[sflag:s30] =	ssyncset.done $0x0  }
0x6a: {  	s21 =	simm.s32 $0x0;
	[sflag:s30] =	ssyncadd.s32 $0xFFFFFF00  }
0x6b: {  	v0 =	vld [tilespmem:s21+$0xA0F0]  }
0x6c: {  	v1 =	vld [tilespmem:s21+$0xA080]  }
0x6d: {  	v2 =	vld [tilespmem:s21+$0xA090]  }
0x6e: {  	v3 =	vld [tilespmem:s21+$0xA0A0]  }
0x6f: {  	v4 =	vld [tilespmem:s21+$0xA0B0]  }
0x70: {  	v5 =	vld [tilespmem:s21+$0xA0C0];
	v0 =	vmul.f32 $1.000000000e+01, v0  }
0x71: {  	v6 =	vld [tilespmem:s21+$0xA0D0];
	v1 =	vmul.f32 $1.000000000e+01, v1  }
0x72: {  	v7 =	vld [tilespmem:s21+$0xA0E0];
	v0 =	vmul.f32 $1.442695020e+00, v0  }
0x73: {  	v17 =	vld [tilespmem:s21+$0x290];
	v3 =	vmul.f32 $1.000000000e+01, v3;
	v1 =	vmul.f32 $1.442695020e+00, v1  }
0x74: {  	s22 =	simm.s32 $0x100;
	v12 =	vld [tilespmem:s21+$0x2A0];
	(erf) = vpow2.f32 v0;
	v0 =	vmul.f32 $1.000000000e+01, v2  }
0x75: {  	v4 =	vmul.f32 $1.000000000e+01, v4;
	(erf) = vpow2.f32 v1;
	v1 =	vld [tilespmem:s22+$0xA0F0]  }
0x76: {  	v13 =	vld [tilespmem:s21+$0x2B0];
	v5 =	vmul.f32 $1.000000000e+01, v5;
	v0 =	vmul.f32 $1.442695020e+00, v0  }
0x77: {  	v8 =	vld [tilespmem:s21+$0x2F0];
	v6 =	vmul.f32 $1.000000000e+01, v6;
	v7 =	vmul.f32 $1.000000000e+01, v7  }
0x78: {  	v3 =	vmul.f32 $1.442695020e+00, v3;
	(erf) = vpow2.f32 v0;
	v0 =	vld [tilespmem:s22+$0xA080]  }
0x79: {  	v9 =	vld [tilespmem:s22+$0xA0D0];
	v4 =	vmul.f32 $1.442695020e+00, v4;
	v5 =	vmul.f32 $1.442695020e+00, v5  }
0x7a: {  	(erf) = vpow2.f32 v3;
	v3 =	vld [tilespmem:s22+$0xA090];
	v1 =	vmul.f32 $1.000000000e+01, v1  }
0x7b: {  	v6 =	vmul.f32 $1.442695020e+00, v6;
	(erf) = vpow2.f32 v4;
	v4 =	vld [tilespmem:s22+$0xA0A0]  }
0x7c: {  	v10 =	vld [tilespmem:s22+$0xA0E0];
	v7 =	vmul.f32 $1.442695020e+00, v7;
	v1 =	vmul.f32 $1.442695020e+00, v1  }
0x7d: {  	v23 =	vld [tilespmem:s21+$0x2C0];
	v28 =	vpop (erf);
	(erf) = vpow2.f32 v5;
	v0 =	vmul.f32 $1.000000000e+01, v0  }
0x7e: {  	v5 =	vmul.f32 v28, v8;
	v8 =	vld [tilespmem:s22+$0xA0B0];
	(erf) = vpow2.f32 v6  }
0x7f: {  	v6 =	vld [tilespmem:s22+$0xA0C0];
	v3 =	vmul.f32 $1.000000000e+01, v3;
	(erf) = vpow2.f32 v7  }
0x80: {  	v11 =	vimm.f32 $0.0e+00;
	v2 =	vld [tilespmem:s21+$0x280];
	v0 =	vmul.f32 $1.442695020e+00, v0;
	v4 =	vmul.f32 $1.000000000e+01, v4  }
0x81: {  	v29 =	vimm.f32 $0.0e+00;
	v21 =	vld [tilespmem:s21+$0x2D0];
	(erf) = vpow2.f32 v1;
	v1 =	vmul.f32 $1.442695020e+00, v3  }
0x82: {  	v24 =	vld [tilespmem:s21+$0x2E0];
	v20 =	vadd.f32 v5, v11;
	v38 =	vmul.f32 $1.442695020e+00, v4;
	v4 =	vmul.f32 $1.000000000e+01, v9  }
0x83: {  	v25 =	vld [tilespmem:s22+$0x290];
	v5 =	vpop (erf);
	(erf) = vpow2.f32 v0;
	v0 =	vimm.f32 $0.0e+00;
	v8 =	vmul.f32 $1.000000000e+01, v8  }
0x84: {  	v26 =	vld [tilespmem:s22+$0x2A0];
	v34 =	vpop (erf);
	v14 =	vadd.f32 v5, v11;
	v3 =	vmul.f32 $1.000000000e+01, v6;
	v6 =	vmul.f32 $1.000000000e+01, v10  }
0x85: {  	v22 =	vld [tilespmem:s22+$0x2B0];
	v36 =	vmul.f32 $1.442695020e+00, v4;
	v42 =	vmul.f32 v5, v2;
	v5 =	vimm.f32 $0.0e+00;
	v35 =	vpop (erf)  }
0x86: {  	v18 =	vld [tilespmem:s22+$0x2C0];
	v4 =	vimm.f32 $0.0e+00;
	v2 =	vimm.f32 $0.0e+00;
	v15 =	vadd.f32 v34, v11;
	v33 =	vpop (erf)  }
0x87: {  	v19 =	vld [tilespmem:s22+$0x2D0];
	v16 =	vadd.f32 v35, v11;
	v39 =	vmul.f32 $1.442695020e+00, v8;
	v40 =	vmul.f32 $1.442695020e+00, v3;
	v30 =	vpop (erf)  }
0x88: {  	v41 =	vld [tilespmem:s22+$0x2F0];
	v37 =	vmul.f32 $1.442695020e+00, v6;
	v6 =	vimm.f32 $0.0e+00;
	v3 =	vimm.f32 $0.0e+00;
	v31 =	vpop (erf)  }
0x89: {  	v27 =	vld [tilespmem:s22+$0x2E0];
	v8 =	vadd.f32 v33, v11;
	(erf) = vpow2.f32 v1;
	v9 =	vadd.f32 v30, v11;
	v32 =	vpop (erf)  }
0x8a: {  	s10 =	simm.s32 $0xC00;
	s9 =	sshll.u32 s31, $0x1;
	s21 =	simm.s32 $0x200;
	v7 =	vld [tilespmem:s22+$0x280];
	v1 =	vimm.f32 $0.0e+00;
	v10 =	vadd.f32 v31, v11;
	v11 =	vadd.f32 v32, v11  }
.LBB2_3:
0x8b: {  	p0 =	sne.s32 s10, $0x13400;
	v43 =	vld [tilespmem:s21+$0xA0F0];
	(erf) = vpow2.f32 v38;
	v34 =	vmul.f32 v34, v17;
	v6 =	vadd.f32 v28, v6;
	v17 =	vmovc v25  }
0x8c: {  	v35 =	vmul.f32 v35, v12;
	v12 =	vmovc v26;
	v25 =	vld [tilespmem:s21+$0xA080];
	(erf) = vpow2.f32 v39;
	v5 =	vadd.f32 v42, v5  }
0x8d: {  	v33 =	vmul.f32 v33, v13;
	v26 =	vld [tilespmem:s21+$0xA090];
	(erf) = vpow2.f32 v40;
	v28 =	vpop (erf);
	v29 =	vadd.f32 v34, v29  }
0x8e: {  	v13 =	vmovc v22;
	v4 =	vadd.f32 v35, v4;
	v34 =	vld [tilespmem:s21+$0xA0A0];
	v38 =	vmul.f32 v28, v41;
	(erf) = vpow2.f32 v36  }
0x8f: {  	v30 =	vmul.f32 v30, v23;
	v23 =	vmovc v18;
	v3 =	vadd.f32 v33, v3;
	v22 =	vld [tilespmem:s21+$0xA0B0];
	(erf) = vpow2.f32 v37  }
0x90: {  	v31 =	vmul.f32 v31, v21;
	v21 =	vmovc v19;
	v18 =	vld [tilespmem:s21+$0xA0C0];
	v33 =	vmul.f32 $1.000000000e+01, v43;
	v20 =	vadd.f32 v38, v20  }
0x91: {  	v2 =	vadd.f32 v30, v2;
	v19 =	vmul.f32 $1.000000000e+01, v25;
	v36 =	vld [tilespmem:s21+$0xA0D0];
	v25 =	vmul.f32 v32, v24;
	v24 =	vmovc v27  }
0x92: {  	v1 =	vadd.f32 v31, v1;
	v26 =	vmul.f32 $1.000000000e+01, v26;
	v27 =	vld [tilespmem:s21+$0xA0E0];
	v30 =	vmul.f32 $1.442695020e+00, v33;
	v42 =	vpop (erf)  }
0x93: {  	v43 =	vld [tilespmem:s21+$0x280];
	v44 =	vmul.f32 $1.442695020e+00, v19;
	v19 =	vmul.f32 $1.000000000e+01, v34;
	v34 =	vpop (erf);
	v0 =	vadd.f32 v25, v0  }
0x94: {  	v14 =	vadd.f32 v42, v14;
	v25 =	vld [tilespmem:s21+$0x290];
	v37 =	vmul.f32 $1.000000000e+01, v22;
	(erf) = vpow2.f32 v30;
	v35 =	vpop (erf)  }
0x95: {  	v45 =	vmul.f32 $1.442695020e+00, v26;
	v15 =	vadd.f32 v34, v15;
	v26 =	vld [tilespmem:s21+$0x2A0];
	v41 =	vmul.f32 $1.000000000e+01, v18;
	v33 =	vpop (erf)  }
.Ltmp0:
0x96: {  	v38 =	vmul.f32 $1.442695020e+00, v19;
	v16 =	vadd.f32 v35, v16;
	v22 =	vld [tilespmem:s21+$0x2B0];
	v36 =	vmul.f32 $1.000000000e+01, v36;
	v30 =	vpop (erf);
	(pc) =	sbr.rel @p0 .LBB2_3-.Ltmp0, $4  }
0x97: {  	v39 =	vmul.f32 $1.442695020e+00, v37;
	v8 =	vadd.f32 v33, v8;
	v18 =	vld [tilespmem:s21+$0x2C0];
	v27 =	vmul.f32 $1.000000000e+01, v27;
	v31 =	vpop (erf)  }
0x98: {  	v40 =	vmul.f32 $1.442695020e+00, v41;
	v9 =	vadd.f32 v30, v9;
	v19 =	vld [tilespmem:s21+$0x2D0];
	v36 =	vmul.f32 $1.442695020e+00, v36;
	v32 =	vpop (erf)  }
0x99: {  	v10 =	vadd.f32 v31, v10;
	v37 =	vmul.f32 $1.442695020e+00, v27;
	v41 =	vld [tilespmem:s21+$0x2F0];
	(erf) = vpow2.f32 v44  }
0x9a: {  	v42 =	vmul.f32 v42, v7;
	v7 =	vmovc v43;
	v11 =	vadd.f32 v32, v11;
	v27 =	vld [tilespmem:s21+$0x2E0];
	s21 =	sshra.s32 s10, $0x2;
	s10 =	sadd.s32 $0x400, s10;
	(erf) = vpow2.f32 v45  }
0x9b: {  	(erf) = vpow2.f32 v38;
	v50 =	vld [tilespmem:s21+$0xA0F0]  }
0x9c: {  	v17 =	vmul.f32 v34, v17;
	v6 =	vadd.f32 v28, v6;
	v28 =	vld [tilespmem:s21+$0xA080];
	v12 =	vmul.f32 v35, v12  }
0x9d: {  	v52 =	vld [tilespmem:s21+$0xA090];
	v13 =	vmul.f32 v33, v13;
	v23 =	vmul.f32 v30, v23  }
0x9e: {  	s10 =	sshll.u32 s31, $0x5;
	v21 =	vmul.f32 v31, v21;
	v31 =	vld [tilespmem:s21+$0xA0D0];
	(erf) = vpow2.f32 v39  }
0x9f: {  	v24 =	vmul.f32 v32, v24;
	v57 =	vld [tilespmem:s21+$0xA0E0];
	v51 =	vmov s10;
	(erf) = vpow2.f32 v40  }
0xa0: {  	v53 =	vpop (erf);
	v54 =	vbroadcast v51, $0x0;
	v29 =	vadd.f32 v17, v29;
	v17 =	vld [tilespmem:s21+$0xA0A0];
	(erf) = vpow2.f32 v36  }
0xa1: {  	v4 =	vadd.f32 v12, v4;
	v12 =	vld [tilespmem:s21+$0xA0B0];
	v55 =	vmul.f32 v53, v41;
	(erf) = vpow2.f32 v37  }
0xa2: {  	v3 =	vadd.f32 v13, v3;
	v13 =	vld [tilespmem:s21+$0xA0C0];
	v30 =	vmul.f32 $1.000000000e+01, v50;
	v28 =	vmul.f32 $1.000000000e+01, v28  }
0xa3: {  	v56 =	vmul.f32 $1.000000000e+01, v52;
	v31 =	vmul.f32 $1.000000000e+01, v31  }
0xa4: {  	v44 =	vimm.f32 $0.0e+00;
	v32 =	vmul.f32 $1.000000000e+01, v57;
	v30 =	vmul.f32 $1.442695020e+00, v30  }
0xa5: {  	v60 =	vld [tilespmem:s21+$0x280];
	v5 =	vadd.f32 v42, v5;
	v58 =	vmul.f32 $1.442695020e+00, v28;
	v17 =	vmul.f32 $1.000000000e+01, v17  }
0xa6: {  	s20 =	simm.s32 $0x0;
	v49 =	vld [tilespmem:s21+$0x2A0];
	v2 =	vadd.f32 v23, v2;
	v59 =	vpop (erf);
	v12 =	vmul.f32 $1.000000000e+01, v12;
	v23 =	vmul.f32 $1.442695020e+00, v56  }
0xa7: {  	v0 =	vadd.f32 v24, v0;
	v13 =	vmul.f32 $1.000000000e+01, v13;
	v28 =	vld.idx.msk [tilespmem:v54+s20+$0x0], $0xffff;
	v24 =	vpop (erf);
	v33 =	vmul.f32 v59, v7  }
0xa8: {  	v61 =	vld [tilespmem:s21+$0x2C0];
	v1 =	vadd.f32 v21, v1;
	s20 =	sshll.u32 s31, $0x2;
	(erf) = vpow2.f32 v30;
	v48 =	vpop (erf);
	v17 =	vmul.f32 $1.442695020e+00, v17  }
0xa9: {  	v45 =	vld [tilespmem:s21+$0x2F0];
	v12 =	vmul.f32 $1.442695020e+00, v12;
	v51 =	vadd.f32 v48, v16;
	v16 =	vmov s20  }
0xaa: {  	v43 =	vld [tilespmem:s21+$0x2E0];
	v6 =	vadd.f32 v53, v6;
	(erf) = vpow2.f32 v58;
	v16 =	vbroadcast v16, $0x0  }
0xab: {  	s22 =	simm.s32 $0x0;
	v20 =	vadd.f32 v55, v20;
	v7 =	vld [tilespmem:$0x5080];
	v13 =	vmul.f32 $1.442695020e+00, v13;
	(erf) = vpow2.f32 v23  }
0xac: {  	v42 =	vld [tilespmem:s22+$0x350];
	v62 =	vshll.u32 v28, $0x1;
	v63 =	vand.u32 $0x7F, v28;
	v28 =	vpop (erf);
	(erf) = vpow2.f32 v17  }
0xad: {  	v53 =	vld [tilespmem:s22+$0xA100];
	v15 =	vadd.f32 v24, v15;
	v21 =	vand.u32 $0xFFFFFF00, v62;
	v46 =	vpop (erf);
	(erf) = vpow2.f32 v12  }
0xae: {  	v24 =	vmul.f32 v24, v25;
	v21 =	vor.u32 v63, v21;
	v12 =	vpop (erf);
	(erf) = vpow2.f32 v13;
	v13 =	vld [tilespmem:$0x13CF0]  }
0xaf: {  	v50 =	vld [tilespmem:s21+$0x2B0];
	v31 =	vmul.f32 $1.442695020e+00, v31;
	v14 =	vadd.f32 v59, v14;
	v5 =	vadd.f32 v33, v5  }
0xb0: {  	v32 =	vmul.f32 $1.442695020e+00, v32;
	v47 =	vadd.f32 v24, v29;
	[tilespmem:$0x1FE90] =	vst v7;
	v22 =	vmul.f32 v28, v22;
	v7 =	vld.idx.msk [tilespmem:v16+s23+$0x0], $0xffff  }
0xb1: {  	v8 =	vadd.f32 v28, v8;
	v9 =	vadd.f32 v46, v9;
	v16 =	vmul.f32 v48, v26;
	v26 =	vld [tilespmem:s22+$0xA170]  }
0xb2: {  	v30 =	vld [tilespmem:s21+$0x290];
	v10 =	vadd.f32 v12, v10;
	v3 =	vadd.f32 v22, v3;
	v12 =	vmul.f32 v12, v19  }
0xb3: {  	v23 =	vmul.f32 $1.000000000e+01, v53;
	v4 =	vadd.f32 v16, v4;
	v16 =	vmul.f32 v46, v18;
	[tilespmem:$0x1FE80] =	vst v13;
	v13 =	vpop (erf);
	v17 =	vld.idx.msk [tilespmem:v21+s26+$0x0], $0xffff  }
0xb4: {  	v55 =	vld [tilespmem:s22+$0xA110];
	v1 =	vadd.f32 v12, v1;
	(erf) = vpow2.f32 v31;
	v11 =	vadd.f32 v13, v11;
	v25 =	vpop (erf)  }
0xb5: {  	(erf) = vpow2.f32 v32;
	v2 =	vadd.f32 v16, v2;
	v13 =	vmul.f32 v13, v27;
	v27 =	vld [tilespmem:s22+$0xA120];
	v52 =	vpop (erf)  }
0xb6: {  	v39 =	vld [tilespmem:s29+$0x300];
	v24 =	vmul.f32 v25, v45;
	v26 =	vmul.f32 $1.000000000e+01, v26;
	v6 =	vadd.f32 v25, v6;
	v54 =	vpop (erf)  }
0xb7: {  	v58 =	vld [tilespmem:s22+$0xA140];
	v0 =	vadd.f32 v13, v0;
	v56 =	vpop (erf);
	v28 =	vmul.f32 v54, v30;
	v15 =	vadd.f32 v54, v15  }
0xb8: {  	v30 =	vld [tilespmem:s22+$0xA130];
	v26 =	vmul.f32 $1.442695020e+00, v26;
	[tilespmem:$0x1FEA0] =	vst v17;
	v17 =	vadd.f32 v24, v20;
	v24 =	vmul.f32 v52, v60;
	v12 =	vpop (erf)  }
0xb9: {  	v14 =	vadd.f32 v52, v14;
	[tilespmem:$0x1FF30] =	vst v6;
	v31 =	vmul.f32 v56, v49;
	v60 =	vld [tilespmem:s22+$0xA160];
	v57 =	vmul.f32 v12, v50  }
0xba: {  	v41 =	vld [tilespmem:s21+$0x2D0];
	v13 =	vpop (erf);
	[tilespmem:$0x1FED0] =	vst v15;
	v15 =	vmul.f32 $1.000000000e+01, v55;
	v62 =	vmul.f32 $1.000000000e+01, v27;
	v8 =	vadd.f32 v12, v8  }
0xbb: {  	v40 =	vld [tilespmem:s22+$0x340];
	[tilespmem:$0x1FEC0] =	vst v14;
	(erf) = vpow2.f32 v26;
	v14 =	vmul.f32 v13, v61;
	v9 =	vadd.f32 v13, v9  }
0xbc: {  	v59 =	vld [tilespmem:s22+$0xA150];
	v61 =	vmul.f32 $1.442695020e+00, v23;
	v13 =	vmul.f32 $1.000000000e+01, v58;
	v4 =	vadd.f32 v31, v4;
	[tilespmem:$0x1FEF0] =	vst v8  }
0xbd: {  	v33 =	vld [tilespmem:s22+$0x330];
	v3 =	vadd.f32 v57, v3;
	v8 =	vmul.f32 $1.000000000e+01, v30;
	v12 =	vpop (erf);
	[tilespmem:$0x1FF00] =	vst v9;
	v9 =	vmul.f32 $1.442695020e+00, v15  }
0xbe: {  	v29 =	vld [tilespmem:s22+$0x310];
	(erf) = vpow2.f32 v61;
	[tilespmem:$0x1FF50] =	vst v4;
	v15 =	vpop (erf);
	v10 =	vadd.f32 v12, v10;
	v6 =	vmul.f32 $1.000000000e+01, v60  }
0xbf: {  	[tilespmem:$0x1FF60] =	vst v3;
	v3 =	vmul.f32 v12, v41;
	v11 =	vadd.f32 v15, v11;
	(erf) = vpow2.f32 v9;
	v9 =	vld [tilespmem:s29+$0xA170]  }
0xc0: {  	v5 =	vadd.f32 v24, v5;
	[tilespmem:$0x1FF10] =	vst v10;
	v10 =	vmul.f32 $1.442695020e+00, v62;
	v4 =	vmul.f32 $1.442695020e+00, v6;
	v6 =	vld [tilespmem:s29+$0xA130]  }
0xc1: {  	v63 =	vmul.f32 $1.000000000e+01, v59;
	v2 =	vadd.f32 v14, v2;
	v8 =	vmul.f32 $1.442695020e+00, v8;
	[tilespmem:$0x1FF20] =	vst v11;
	v11 =	vld [tilespmem:s22+$0x370]  }
0xc2: {  	[tilespmem:$0x1FF40] =	vst v5;
	v5 =	vmul.f32 $1.442695020e+00, v13;
	v1 =	vadd.f32 v3, v1;
	(erf) = vpow2.f32 v10;
	v10 =	vld [tilespmem:s29+$0xA100]  }
0xc3: {  	v53 =	vimm.f32 $0.0e+00;
	[tilespmem:$0x1FF70] =	vst v2;
	v2 =	vmul.f32 v15, v43;
	(erf) = vpow2.f32 v8;
	v8 =	vld [tilespmem:s29+$0xA110]  }
0xc4: {  	v59 =	vimm.f32 $0.0e+00;
	v54 =	vimm.f32 $0.0e+00;
	v13 =	vmul.f32 $1.442695020e+00, v63;
	[tilespmem:$0x1FF80] =	vst v1;
	v1 =	vld [tilespmem:s29+$0xA140]  }
0xc5: {  	v49 =	vld [tilespmem:s22+$0x300];
	v0 =	vadd.f32 v2, v0;
	(erf) = vpow2.f32 v5;
	v3 =	vmul.f32 $1.000000000e+01, v9  }
0xc6: {  	v16 =	vadd.f32 v56, v51;
	v45 =	vpop (erf);
	v5 =	vld [tilespmem:s29+$0xA120];
	(erf) = vpow2.f32 v13;
	v6 =	vmul.f32 $1.000000000e+01, v6  }
0xc7: {  	v48 =	vld [tilespmem:s29+$0x330];
	v56 =	vimm.f32 $0.0e+00;
	[tilespmem:$0x1FF90] =	vst v0;
	(erf) = vpow2.f32 v4;
	v0 =	vmul.f32 v45, v11  }
0xc8: {  	v46 =	vld [tilespmem:s29+$0x340];
	v26 =	vadd.f32 v28, v47;
	v3 =	vmul.f32 $1.442695020e+00, v3;
	v2 =	vmul.f32 $1.000000000e+01, v8  }
0xc9: {  	v55 =	vimm.f32 $0.0e+00;
	v9 =	vld [tilespmem:s29+$0xA150];
	v11 =	vpop (erf);
	v4 =	vmul.f32 $1.000000000e+01, v10;
	v1 =	vmul.f32 $1.000000000e+01, v1  }
0xca: {  	v58 =	vimm.f32 $0.0e+00;
	v10 =	vld [tilespmem:s29+$0xA160];
	v13 =	vmul.f32 $1.442695020e+00, v6;
	v15 =	vmul.f32 v11, v49  }
0xcb: {  	v52 =	vld [tilespmem:s29+$0x310];
	v41 =	vadd.f32 v0, v44;
	v5 =	vmul.f32 $1.000000000e+01, v5;
	v0 =	vpop (erf);
	(erf) = vpow2.f32 v3  }
0xcc: {  	v50 =	vld [tilespmem:s29+$0x320];
	v57 =	vimm.f32 $0.0e+00;
	v4 =	vmul.f32 $1.442695020e+00, v4;
	v3 =	vmul.f32 $1.442695020e+00, v2;
	v2 =	vpop (erf)  }
0xcd: {  	v47 =	vld [tilespmem:s29+$0x350];
	v38 =	vadd.f32 v11, v44;
	v6 =	vmul.f32 $1.442695020e+00, v1;
	v51 =	vmul.f32 $1.442695020e+00, v5;
	v8 =	vpop (erf)  }
0xce: {  	v30 =	vld [tilespmem:s22+$0x320];
	v37 =	vadd.f32 v0, v44;
	v5 =	vmul.f32 $1.000000000e+01, v9;
	(erf) = vpow2.f32 v4;
	v62 =	vpop (erf)  }
0xcf: {  	v14 =	vld [tilespmem:s29+$0x370];
	v9 =	vmul.f32 $1.000000000e+01, v10;
	(erf) = vpow2.f32 v3;
	v36 =	vadd.f32 v2, v44;
	v60 =	vpop (erf)  }
0xd0: {  	[tilespmem:$0x1FEB0] =	vst v17;
	v43 =	vld [tilespmem:s22+$0x360];
	v12 =	vmul.f32 $1.442695020e+00, v5;
	v35 =	vadd.f32 v8, v44;
	v31 =	vadd.f32 v62, v44;
	v61 =	vpop (erf)  }
0xd1: {  	s21 =	simm.s32 $0x200;
	[tilespmem:$0x1FEE0] =	vst v16;
	s22 =	simm.s32 $0xC00;
	v49 =	vld [tilespmem:s29+$0x360];
	v5 =	vmul.f32 $1.442695020e+00, v9;
	v32 =	vadd.f32 v60, v44;
	v28 =	vadd.f32 v61, v44  }
.LBB2_5:
0xd2: {  	p0 =	sne.s32 s22, $0x13400;
	v1 =	vld [tilespmem:s21+$0xA170];
	(erf) = vpow2.f32 v51;
	v0 =	vmul.f32 v0, v29;
	v44 =	vadd.f32 v45, v44;
	v29 =	vmovc v52  }
0xd3: {  	v2 =	vmul.f32 v2, v30;
	v30 =	vmovc v50;
	v3 =	vld [tilespmem:s21+$0xA100];
	(erf) = vpow2.f32 v13;
	v59 =	vadd.f32 v15, v59  }
0xd4: {  	v4 =	vld [tilespmem:s21+$0xA110];
	(erf) = vpow2.f32 v6;
	v45 =	vpop (erf);
	v58 =	vadd.f32 v0, v58;
	v0 =	vmul.f32 v8, v33  }
0xd5: {  	v57 =	vadd.f32 v2, v57;
	v33 =	vmovc v48;
	v6 =	vld [tilespmem:s21+$0xA120];
	v8 =	vmul.f32 v45, v14;
	(erf) = vpow2.f32 v12  }
0xd6: {  	v2 =	vld [tilespmem:s21+$0xA130];
	(erf) = vpow2.f32 v5;
	v55 =	vadd.f32 v0, v55;
	v0 =	vmul.f32 v62, v40;
	v40 =	vmovc v46  }
0xd7: {  	v5 =	vld [tilespmem:s21+$0xA140];
	v1 =	vmul.f32 $1.000000000e+01, v1;
	v41 =	vadd.f32 v8, v41;
	v8 =	vmul.f32 v60, v42;
	v42 =	vmovc v47  }
0xd8: {  	v10 =	vmul.f32 v61, v43;
	v43 =	vmovc v49;
	v3 =	vmul.f32 $1.000000000e+01, v3;
	v9 =	vld [tilespmem:s21+$0xA150];
	v56 =	vadd.f32 v0, v56  }
0xd9: {  	v4 =	vmul.f32 $1.000000000e+01, v4;
	v11 =	vld [tilespmem:s21+$0xA160];
	v1 =	vmul.f32 $1.442695020e+00, v1;
	v15 =	vpop (erf);
	v54 =	vadd.f32 v8, v54  }
0xda: {  	v53 =	vadd.f32 v10, v53;
	v27 =	vld [tilespmem:s21+$0x300];
	v3 =	vmul.f32 $1.442695020e+00, v3;
	v6 =	vmul.f32 $1.000000000e+01, v6;
	v0 =	vpop (erf)  }
0xdb: {  	v38 =	vadd.f32 v15, v38;
	v52 =	vld [tilespmem:s21+$0x310];
	v10 =	vmul.f32 $1.000000000e+01, v2;
	(erf) = vpow2.f32 v1;
	v2 =	vpop (erf)  }
0xdc: {  	v1 =	vmul.f32 $1.442695020e+00, v4;
	v37 =	vadd.f32 v0, v37;
	v50 =	vld [tilespmem:s21+$0x320];
	v4 =	vmul.f32 $1.000000000e+01, v5;
	v8 =	vpop (erf)  }
.Ltmp1:
0xdd: {  	v51 =	vmul.f32 $1.442695020e+00, v6;
	v36 =	vadd.f32 v2, v36;
	v48 =	vld [tilespmem:s21+$0x330];
	v5 =	vmul.f32 $1.000000000e+01, v9;
	v62 =	vpop (erf);
	(pc) =	sbr.rel @p0 .LBB2_5-.Ltmp1, $4  }
0xde: {  	v13 =	vmul.f32 $1.442695020e+00, v10;
	v35 =	vadd.f32 v8, v35;
	v46 =	vld [tilespmem:s21+$0x340];
	v9 =	vmul.f32 $1.000000000e+01, v11;
	v60 =	vpop (erf)  }
0xdf: {  	v6 =	vmul.f32 $1.442695020e+00, v4;
	v31 =	vadd.f32 v62, v31;
	v47 =	vld [tilespmem:s21+$0x350];
	v12 =	vmul.f32 $1.442695020e+00, v5;
	v61 =	vpop (erf)  }
0xe0: {  	v32 =	vadd.f32 v60, v32;
	v5 =	vmul.f32 $1.442695020e+00, v9;
	v14 =	vld [tilespmem:s21+$0x370];
	(erf) = vpow2.f32 v3  }
0xe1: {  	v15 =	vmul.f32 v15, v39;
	v39 =	vmovc v27;
	v28 =	vadd.f32 v61, v28;
	v49 =	vld [tilespmem:s21+$0x360];
	s21 =	sshra.s32 s22, $0x2;
	s22 =	sadd.s32 $0x400, s22;
	(erf) = vpow2.f32 v1  }
0xe2: {  	s10 =	sor.u32 $0x1, s10  }
0xe3: {  	v1 =	vmov s10  }
0xe4: {  	v1 =	vand.u32 $0xFFFFFFE1, v1  }
0xe5: {  	v1 =	vbroadcast v1, $0x0  }
0xe6: {  	v16 =	vld [tilespmem:s21+$0xA170]  }
0xe7: {  	v17 =	vld [tilespmem:s21+$0xA100]  }
0xe8: {  	v18 =	vld [tilespmem:s21+$0xA110]  }
0xe9: {  	v19 =	vld [tilespmem:s21+$0xA120]  }
0xea: {  	v20 =	vld [tilespmem:s21+$0xA130]  }
0xeb: {  	v1 =	vld.idx.msk [tilespmem:v1+s4+$0x0], $0xffff  }
0xec: {  	s20 =	sor.u32 $0x1, s20;
	v21 =	vld [tilespmem:s21+$0xA140]  }
0xed: {  	v22 =	vld [tilespmem:s21+$0xA150];
	v3 =	vmov s20  }
0xee: {  	v23 =	vld [tilespmem:s21+$0xA160];
	v3 =	vand.u32 $0xFFFFFFFD, v3  }
0xef: {  	p0 =	seq.s32 s31, $0xF;
	v11 =	vld [tilespmem:s21+$0x300];
	v3 =	vbroadcast v3, $0x0  }
0xf0: {  	v10 =	vld [tilespmem:s21+$0x330];
	s9 =	sadd.s32 @!p0 $0x2, s9;
	v4 =	vshll.u32 v1, $0x1  }
0xf1: {  	v9 =	vld [tilespmem:s21+$0x340];
	s10 =	sshll.u32 @!p0 s9, $0x1;
	s20 =	sshrl.u32 @!p0 s9, $0x2;
	v1 =	vand.u32 $0x7F, v1;
	v4 =	vand.u32 $0xFFFFFF00, v4  }
0xf2: {  	v24 =	vld [tilespmem:s21+$0x370];
	s10 =	sadd.s32 @!p0 s5, s10;
	s20 =	sand.u32 @!p0 $0x7, s20;
	v1 =	vor.u32 v4, v1  }
0xf3: {  	v63 =	vld [tilespmem:s21+$0x360];
	s10 =	sshrl.u32 @!p0 s10, $0x6;
	s20 =	smul.u32 @!p0 $0x13C00, s20;
	v1 =	vor.u32 $0x80, v1  }
0xf4: {  	v25 =	vld [tilespmem:$0x13D70];
	s10 =	smul.u32 @!p0 $0x9E000, s10  }
0xf5: {  	s22 =	sshll.u32 @!p0 s9, $0x8;
	v27 =	vld.idx.msk [tilespmem:v3+s23+$0x0], $0xffff  }
0xf6: {  	s10 =	sadd.s32 @!p0 s20, s10;
	s20 =	sand.u32 @!p0 $0x200, s22;
	v3 =	vld [tilespmem:s21+$0x320]  }
0xf7: {  	s9 =	sshll.u32 @!p0 s9, $0x4;
	s10 =	sor.u32 @!p0 s20, s10;
	v4 =	vld [tilespmem:s21+$0x310]  }
0xf8: {  	s9 =	sand.u32 @!p0 $0x3FFFFFF0, s9;
	s22 =	simm.s32 @!p0 $0x280;
	s10 =	sshrl.u32 @!p0 s10, $0x3;
	v34 =	vld.idx.msk [tilespmem:v1+s26+$0x0], $0xffff  }
0xf9: {  	(erf) = vpow2.f32 v51;
	s20 =	simm.s32 @!p0 $0x100;
	s10 =	sadd.s32 @!p0 s1, s10;
	v1 =	vld [tilespmem:s21+$0x350];
	s21 =	simm.s32 @!p0 $0x400  }
0xfa: {  	v51 =	vld [tilespmem:$0x5100];
	(erf) = vpow2.f32 v13;
	[tilespmem:s22], [sflag:$0x1] =	stream.strided.gather @!p0 [hbm4b:s10+s20], $0x4F00, s21, s20, $0x38  }
0xfb: {  	v0 =	vmul.f32 v0, v29;
	(erf) = vpow2.f32 v6;
	v6 =	vadd.f32 v15, v59;
	v15 =	vld.msk @!p0 [tilespmem:s9+$0x0], $0x3  }
0xfc: {  	v2 =	vmul.f32 v2, v30;
	v16 =	vmul.f32 $1.000000000e+01, v16  }
0xfd: {  	v8 =	vmul.f32 v8, v33;
	v17 =	vmul.f32 $1.000000000e+01, v17  }
0xfe: {  	(erf) = vpow2.f32 v12;
	v16 =	vmul.f32 $1.442695020e+00, v16  }
0xff: {  	(erf) = vpow2.f32 v5;
	v17 =	vmul.f32 $1.442695020e+00, v17  }
0x100: {  	(erf) = vpow2.f32 v16;
	v16 =	vmul.f32 $1.000000000e+01, v18;
	v18 =	vshrl.u32 @!p0 v15, $0x3  }
0x101: {  	v13 =	vadd.f32 v45, v44;
	v12 =	vpop (erf);
	(erf) = vpow2.f32 v17;
	v17 =	vmul.u32 @!p0 $0x278, v18  }
0x102: {  	v16 =	vmul.f32 $1.442695020e+00, v16;
	v15 =	vand.u32 @!p0 $0x7, v15;
	v18 =	vlaneseq.u32 @!p0  }
0x103: {  	v15 =	vor.u32 @!p0 v15, v17;
	v17 =	vmul.f32 $1.000000000e+01, v19;
	v19 =	vand.u32 @!p0 $0x1, v18  }
0x104: {  	v0 =	vadd.f32 v0, v58;
	v8 =	vadd.f32 v8, v55;
	v14 =	vmul.f32 v12, v14  }
0x105: {  	(erf) = vpow2.f32 v16;
	v16 =	vshrl.u32 @!p0 v18, $0x1;
	v17 =	vmul.f32 $1.442695020e+00, v17  }
0x106: {  	v18 =	vmul.f32 $1.000000000e+01, v20;
	v16 =	vmul.u32 @!p0 $0x8, v16;
	v15 =	vperm.xlane @!p0 v15, v19;
	v19 =	vpop (erf)  }
0x107: {  	v21 =	vmul.f32 $1.000000000e+01, v21;
	v20 =	vadd.f32 v19, v38;
	v19 =	vmul.f32 v19, v39  }
0x108: {  	v23 =	vmul.f32 $1.000000000e+01, v23;
	v15 =	vadd.s32 @!p0 v16, v15;
	v16 =	vmul.f32 $1.442695020e+00, v18  }
0x109: {  	v12 =	vadd.f32 v12, v13;
	v21 =	vmul.f32 $1.442695020e+00, v21;
	(erf) = vpow2.f32 v17;
	v17 =	vpop (erf)  }
0x10a: {  	(erf) = vpow2.f32 v16;
	v18 =	vadd.f32 v17, v37;
	v17 =	vmul.f32 v17, v52;
	v13 =	vpop (erf)  }
0x10b: {  	v6 =	vadd.f32 v19, v6;
	v16 =	vadd.f32 v13, v36;
	v13 =	vmul.f32 v13, v50;
	v19 =	vpop (erf)  }
0x10c: {  	(erf) = vpow2.f32 v21;
	v21 =	vadd.f32 v19, v35;
	v19 =	vmul.f32 v19, v48  }
0x10d: {  	v2 =	vadd.f32 v2, v57;
	v22 =	vmul.f32 $1.000000000e+01, v22  }
0x10e: {  	v0 =	vadd.f32 v17, v0;
	v17 =	vpop (erf);
	v8 =	vadd.f32 v19, v8;
	v19 =	vmul.f32 $1.442695020e+00, v23  }
0x10f: {  	v22 =	vmul.f32 $1.442695020e+00, v22;
	v2 =	vadd.f32 v13, v2;
	v13 =	vpop (erf)  }
0x110: {  	v30 =	vmul.f32 v61, v43;
	v61 =	vpop (erf)  }
0x111: {  	v5 =	vmul.f32 v62, v40;
	(erf) = vpow2.f32 v22;
	v62 =	vpop (erf)  }
0x112: {  	(erf) = vpow2.f32 v19;
	v19 =	vpop (erf)  }
0x113: {  	v29 =	vmul.f32 v60, v42;
	v11 =	vmul.f32 v19, v11;
	_ =	sdelay $0x1  }
0x114: {  	v29 =	vadd.f32 v29, v54  }
0x115: {  	v30 =	vadd.f32 v30, v53;
	v20 =	vadd.f32 v19, v20;
	v19 =	vpop (erf)  }
0x116: {  	vm3 =	vmmov @!p0 $0xffff;
	v14 =	vadd.f32 v14, v41;
	v6 =	vadd.f32 v11, v6;
	v11 =	vpop (erf)  }
0x117: {  	v5 =	vadd.f32 v5, v56;
	v31 =	vadd.f32 v17, v31;
	v3 =	vmul.f32 v11, v3  }
0x118: {  	v17 =	vmul.f32 v17, v46;
	v32 =	vadd.f32 v13, v32;
	v23 =	vmul.f32 v62, v24  }
0x119: {  	v13 =	vmul.f32 v13, v47;
	v4 =	vmul.f32 v19, v4;
	v16 =	vadd.f32 v11, v16;
	v11 =	vpop (erf)  }
0x11a: {  	s10 =	simm.s32 @!p0 $0x0;
	s20 =	simm.s32 @!p0 $0xA080;
	v5 =	vadd.f32 v17, v5;
	v14 =	vadd.f32 v23, v14;
	v23 =	vld [tilespmem:$0x1FE80];
	v10 =	vmul.f32 v11, v10  }
0x11b: {  	[tilespmem:s20], [sflag:$0x1] =	stream.indirect_vreg.gather @!p0 [hbm4b:s3+s10], $0x80, v15, vm3, $0xb8;
	v24 =	vmul.f32 v61, v49;
	v0 =	vadd.f32 v4, v0;
	v2 =	vadd.f32 v3, v2;
	v3 =	vpop (erf);
	[tilespmem:$0x13F00] =	vst v63  }
0x11c: {  	s20 =	simm.s32 @!p0 $0xA880;
	v4 =	vadd.f32 v10, v8;
	v8 =	vadd.f32 v3, v31;
	v3 =	vmul.f32 v3, v9;
	v9 =	vpop (erf)  }
0x11d: {  	[tilespmem:s20], [sflag:$0x1] =	stream.indirect_vreg.gather @!p0 [hbm4b:s11+s10], $0x80, v15, vm3, $0xb8;
	v13 =	vadd.f32 v13, v29;
	v10 =	vadd.f32 v9, v32;
	v1 =	vmul.f32 v9, v1;
	v9 =	vpop (erf);
	[tilespmem:$0x13F00] =	vst v63  }
0x11e: {  	s20 =	simm.s32 @!p0 $0xB080;
	v17 =	vadd.f32 v24, v30;
	v3 =	vadd.f32 v3, v5;
	v5 =	vmul.f32 v9, v63  }
0x11f: {  	[tilespmem:s20], [sflag:$0x1] =	stream.indirect_vreg.gather @!p0 [hbm4b:s12+s10], $0x80, v15, vm3, $0xb8;
	v23 =	vmul.f32 $1.000000000e+01, v23;
	v1 =	vadd.f32 v1, v13;
	v13 =	vld [tilespmem:$0x1FEC0]  }
0x120: {  	s20 =	simm.s32 @!p0 $0xB880;
	v5 =	vadd.f32 v5, v17;
	v17 =	vld [tilespmem:$0x1FED0]  }
0x121: {  	v22 =	vadd.f32 v61, v28;
	[tilespmem:s20], [sflag:$0x1] =	stream.indirect_vreg.gather @!p0 [hbm4b:s13+s10], $0x80, v15, vm3, $0xb8;
	v18 =	vadd.f32 v19, v18;
	v19 =	vmul.f32 $1.442695020e+00, v23;
	[tilespmem:$0x13F00] =	vst v63  }
0x122: {  	s20 =	simm.s32 @!p0 $0xC080;
	v24 =	vmul.f32 $1.000000000e+01, v25  }
0x123: {  	[tilespmem:s20], [sflag:$0x1] =	stream.indirect_vreg.gather @!p0 [hbm4b:s14+s10], $0x80, v15, vm3, $0xb8;
	(erf) = vpow2.f32 v19;
	v19 =	vadd.f32 v11, v21;
	v11 =	vadd.f32 v9, v22;
	v9 =	vld [tilespmem:$0x1FF40]  }
0x124: {  	s20 =	simm.s32 @!p0 $0xC880;
	v23 =	vmul.f32 $1.442695020e+00, v24  }
0x125: {  	[tilespmem:s20], [sflag:$0x1] =	stream.indirect_vreg.gather @!p0 [hbm4b:s15+s10], $0x80, v15, vm3, $0xb8;
	v13 =	vadd.f32 v17, v13;
	v17 =	vld [tilespmem:$0x1FF50]  }
0x126: {  	s20 =	simm.s32 @!p0 $0xD080;
	(erf) = vpow2.f32 v23  }
0x127: {  	[tilespmem:s20], [sflag:$0x1] =	stream.indirect_vreg.gather @!p0 [hbm4b:s16+s10], $0x80, v15, vm3, $0xb8;
	[tilespmem:$0x13F00] =	vst v63  }
0x128: {  	s20 =	simm.s32 @!p0 $0xD880;
	v9 =	vadd.f32 v26, v9  }
0x129: {  	v0 =	vadd.f32 v0, v6;
	v6 =	vld [tilespmem:$0x1FEE0];
	[tilespmem:s20], [sflag:$0x1] =	stream.indirect_vreg.gather @!p0 [hbm4b:s17+s10], $0x80, v15, vm3, $0xb8  }
0x12a: {  	s20 =	simm.s32 @!p0 $0xE080;
	v9 =	vadd.f32 v17, v9;
	v17 =	vld [tilespmem:$0x1FF60]  }
0x12b: {  	[tilespmem:s20], [sflag:$0x1] =	stream.indirect_vreg.gather @!p0 [hbm4b:s18+s10], $0x80, v15, vm3, $0xb8;
	[tilespmem:$0x13F00] =	vst v63  }
0x12c: {  	vm3 =	vmmov @!p0 $0xfff;
	s20 =	simm.s32 @!p0 $0xE880  }
0x12d: {  	[tilespmem:s20], [sflag:$0x1] =	stream.indirect_vreg.gather @!p0 [hbm4b:s19+s10], $0x80, v15, vm3, $0xb8;
	[tilespmem:$0x13F00] =	vst v63  }
0x12e: {  	s10 =	simm.s32 @!p0 $0x2;
	s20 =	simm.s32 @!p0 $0x13C80;
	v6 =	vadd.f32 v6, v13;
	v13 =	vpop (erf)  }
0x12f: {  	v0 =	vadd.f32 v2, v0;
	[tilespmem:s20], [sflag:$0x1] =	stream.indirect.gather @!p0 [hbm4b:s7+s10], $0x80, s9, s10, $0xb8;
	v2 =	vpop (erf);
	v9 =	vadd.f32 v17, v9;
	v17 =	vld [tilespmem:$0x1FEF0]  }
0x130: {  	_ =	swait.ge [sflag:s2], $0x4F00  }
0x131: {  	v0 =	vadd.f32 v4, v0;
	v4 =	vld [tilespmem:$0x1FF00]  }
0x132: {  	v15 =	vadd.f32 v18, v20;
	_ =	sdelay $0x1  }
0x133: {  	v15 =	vadd.f32 v16, v15;
	[sflag:s2] =	ssyncset.done $0x0;
	v6 =	vadd.f32 v17, v6  }
0x134: {  	v16 =	vld [tilespmem:$0x1FF70];
	[sflag:s2] =	ssyncadd.s32 $0xFFFFB100  }
0x135: {  	v4 =	vadd.f32 v4, v6;
	v6 =	vadd.f32 v19, v15;
	v15 =	vld [tilespmem:$0x1FF80];
	_ =	swait.ge [sflag:s2], $0x4E00  }
0x136: {  	v0 =	vadd.f32 v3, v0;
	v3 =	vld [tilespmem:$0x1FF10];
	_ =	sdelay $0x1  }
0x137: {  	v0 =	vadd.f32 v1, v0;
	v1 =	vld [tilespmem:$0x1FF20];
	_ =	sdelay $0x1  }
0x138: {  	[sflag:s2] =	ssyncset.done $0x0  }
0x139: {  	[sflag:s2] =	ssyncadd.s32 $0xFFFFB200;
	v3 =	vadd.f32 v3, v4;
	v4 =	vadd.f32 v8, v6;
	v6 =	vld [tilespmem:$0x1FF90]  }
0x13a: {  	v9 =	vadd.f32 v16, v9;
	_ =	swait.ge [sflag:s2], $0x100  }
0x13b: {  	v1 =	vadd.f32 v1, v3;
	v3 =	vadd.f32 v10, v4;
	v4 =	vld [tilespmem:$0x1FEB0]  }
0x13c: {  	v9 =	vadd.f32 v15, v9;
	_ =	sdelay $0x1  }
0x13d: {  	v6 =	vadd.f32 v6, v9;
	_ =	sdelay $0x1  }
0x13e: {  	v4 =	vadd.f32 v4, v6;
	v6 =	vld [tilespmem:$0x1FE90];
	_ =	sdelay $0x3  }
0x13f: {  	v0 =	vadd.f32 v5, v0;
	[sflag:s2] =	ssyncset.done $0x0;
	v5 =	vld [tilespmem:$0x1FF30]  }
0x140: {  	s21 =	simm.s32 $0x0;
	[sflag:s2] =	ssyncadd.s32 $0xFFFFFF00;
	v6 =	vmul.f32 v13, v6  }
0x141: {  	v9 =	vld [tilespmem:s21+$0xEE80]  }
0x142: {  	v4 =	vadd.f32 v6, v4;
	v6 =	vld [tilespmem:s21+$0xEEF0]  }
0x143: {  	v10 =	vld [tilespmem:s21+$0xEE90]  }
0x144: {  	v0 =	vadd.f32 v14, v0;
	v14 =	vld [tilespmem:s21+$0xEED0];
	v1 =	vadd.f32 v5, v1  }
0x145: {  	v12 =	vadd.f32 v62, v12;
	v15 =	vld [tilespmem:s21+$0xEEE0]  }
0x146: {  	v8 =	vmul.f32 $4.539993100e-05, v7;
	v30 =	vld [tilespmem:s21+$0x5180];
	v5 =	vmul.f32 v2, v51;
	v1 =	vadd.f32 v13, v1  }
0x147: {  	v18 =	vld [tilespmem:s21+$0x51F0];
	v3 =	vadd.f32 v11, v3;
	v9 =	vmul.f32 $1.000000000e+01, v9;
	v6 =	vmul.f32 $1.000000000e+01, v6  }
0x148: {  	v1 =	vmul.f32 v1, v8;
	v4 =	vmul.f32 v4, v8;
	v8 =	vld [tilespmem:$0x1FEA0]  }
0x149: {  	v3 =	vadd.f32 v12, v3;
	v16 =	vmul.f32 $1.442695020e+00, v9;
	v9 =	vld [tilespmem:$0x1FFA0];
	v6 =	vmul.f32 $1.442695020e+00, v6  }
0x14a: {  	v21 =	vld [tilespmem:s21+$0x51D0];
	v0 =	vadd.f32 v5, v0  }
0x14b: {  	v5 =	vmul.f32 $4.539993100e-05, v27;
	v2 =	vadd.f32 v2, v3;
	v3 =	vld [tilespmem:s21+$0xEEA0];
	(erf) = vpow2.f32 v6  }
0x14c: {  	v10 =	vmul.f32 $1.000000000e+01, v10;
	(erf) = vpow2.f32 v16;
	v16 =	vld [tilespmem:$0x1FFC0]  }
0x14d: {  	v15 =	vmul.f32 $1.000000000e+01, v15;
	v11 =	vmul.f32 v8, v7;
	v8 =	vld [tilespmem:s21+$0xEEB0]  }
0x14e: {  	v0 =	vmul.f32 v0, v5;
	v2 =	vmul.f32 v2, v5;
	v5 =	vld [tilespmem:s21+$0xEEC0];
	v4 =	vadd.f32 v4, v9  }
0x14f: {  	s22 =	simm.s32 $0x100;
	v6 =	vmul.f32 $1.442695020e+00, v10;
	v10 =	vmul.f32 $1.000000000e+01, v14;
	v14 =	vld [tilespmem:$0x1FFB0]  }
0x150: {  	v3 =	vmul.f32 $1.000000000e+01, v3;
	v0 =	vadd.f32 v0, v4;
	v4 =	vld [tilespmem:s22+$0xEEB0];
	v11 =	vnsel vm2, $0x0, v11  }
0x151: {  	v12 =	vmul.f32 v34, v27;
	v15 =	vmul.f32 $1.442695020e+00, v15;
	v11 =	vadd.f32 v11, v16;
	v16 =	vld [tilespmem:$0x1FFD0]  }
0x152: {  	v22 =	vld [tilespmem:s21+$0x51E0];
	v3 =	vmul.f32 $1.442695020e+00, v3;
	v17 =	vmul.f32 $1.000000000e+01, v8  }
0x153: {  	v5 =	vmul.f32 $1.000000000e+01, v5;
	[tilespmem:$0x1FE40] =	vst v0;
	v0 =	vnsel vm2, $0x0, v12;
	(erf) = vpow2.f32 v6;
	v6 =	vld [tilespmem:s22+$0xEEF0]  }
0x154: {  	(erf) = vpow2.f32 v3;
	v3 =	vld [tilespmem:s22+$0xEE80];
	v1 =	vadd.f32 v1, v14;
	v14 =	vmul.f32 $1.442695020e+00, v17  }
0x155: {  	v25 =	vld [tilespmem:s22+$0x5190];
	v5 =	vmul.f32 $1.442695020e+00, v5;
	v7 =	vnsel vm2, $0x0, v7;
	v0 =	vadd.f32 v0, v11  }
0x156: {  	v4 =	vmul.f32 $1.000000000e+01, v4;
	(erf) = vpow2.f32 v14;
	v14 =	vld [tilespmem:s22+$0xEE90];
	v7 =	vadd.f32 v7, v16  }
0x157: {  	v1 =	vadd.f32 v2, v1;
	(erf) = vpow2.f32 v5;
	v5 =	vld [tilespmem:s22+$0xEEA0];
	[tilespmem:$0x1FE60] =	vst v0;
	v0 =	vnsel vm2, $0x0, v27  }
0x158: {  	v10 =	vmul.f32 $1.442695020e+00, v10;
	v43 =	vmul.f32 $1.442695020e+00, v4;
	v11 =	vld [tilespmem:s22+$0xEEE0];
	v0 =	vadd.f32 v0, v7  }
0x159: {  	v2 =	vmul.f32 $1.000000000e+01, v6;
	v3 =	vmul.f32 $1.000000000e+01, v3;
	[tilespmem:$0x1FE50] =	vst v1;
	v29 =	vpop (erf);
	v1 =	vld [tilespmem:s22+$0xEEC0]  }
0x15a: {  	(erf) = vpow2.f32 v10;
	v10 =	vld [tilespmem:s22+$0xEED0];
	[tilespmem:$0x1FE70] =	vst v0;
	v0 =	vmul.f32 v29, v18  }
0x15b: {  	v33 =	vimm.f32 $0.0e+00;
	v26 =	vld [tilespmem:s22+$0x51A0];
	v2 =	vmul.f32 $1.442695020e+00, v2;
	(erf) = vpow2.f32 v15  }
0x15c: {  	v28 =	vimm.f32 $0.0e+00;
	v23 =	vld [tilespmem:s22+$0x51B0];
	v3 =	vmul.f32 $1.442695020e+00, v3;
	v5 =	vmul.f32 $1.000000000e+01, v5  }
0x15d: {  	v31 =	vimm.f32 $0.0e+00;
	v19 =	vld [tilespmem:s22+$0x51C0];
	v7 =	vmul.f32 $1.000000000e+01, v14;
	v4 =	vmul.f32 $1.000000000e+01, v11  }
0x15e: {  	v20 =	vld [tilespmem:s22+$0x51D0];
	v1 =	vmul.f32 $1.000000000e+01, v1;
	v42 =	vmul.f32 $1.442695020e+00, v5;
	v24 =	vadd.f32 v0, v28;
	v0 =	vpop (erf)  }
0x15f: {  	v32 =	vimm.f32 $0.0e+00;
	v13 =	vld [tilespmem:s21+$0x5190];
	v5 =	vmul.f32 $1.000000000e+01, v10;
	v39 =	vpop (erf);
	(erf) = vpow2.f32 v2  }
0x160: {  	v9 =	vld [tilespmem:s21+$0x51B0];
	v41 =	vmul.f32 $1.442695020e+00, v4;
	v44 =	vmul.f32 $1.442695020e+00, v1;
	v1 =	vimm.f32 $0.0e+00;
	v38 =	vpop (erf)  }
0x161: {  	v8 =	vld [tilespmem:s21+$0x51A0];
	v40 =	vmul.f32 $1.442695020e+00, v5;
	v16 =	vadd.f32 v0, v28;
	v2 =	vmul.f32 $1.442695020e+00, v7;
	v37 =	vpop (erf)  }
0x162: {  	v17 =	vld [tilespmem:s21+$0x51C0];
	v4 =	vmul.f32 v0, v30;
	v30 =	vimm.f32 $0.0e+00;
	v0 =	vimm.f32 $0.0e+00;
	v34 =	vpop (erf)  }
0x163: {  	v27 =	vld [tilespmem:s22+$0x51E0];
	v18 =	vadd.f32 v39, v28;
	(erf) = vpow2.f32 v3;
	v15 =	vadd.f32 v38, v28;
	v35 =	vpop (erf)  }
0x164: {  	v3 =	vld [tilespmem:s22+$0x51F0];
	(erf) = vpow2.f32 v2;
	v10 =	vadd.f32 v37, v28;
	v11 =	vadd.f32 v34, v28;
	v36 =	vpop (erf)  }
0x165: {  	s8 =	sshll.u32 s8, $0x1;
	s9 =	simm.s32 $0x200;
	s10 =	simm.s32 $0xC00;
	v7 =	vld [tilespmem:s22+$0x5180];
	v2 =	vimm.f32 $0.0e+00;
	v12 =	vadd.f32 v35, v28;
	v14 =	vadd.f32 v36, v28  }
.LBB2_7:
0x166: {  	p0 =	sne.s32 s10, $0x13400;
	v5 =	vld [tilespmem:s9+$0xEEF0];
	(erf) = vpow2.f32 v42;
	v39 =	vmul.f32 v39, v13;
	v28 =	vadd.f32 v29, v28;
	v13 =	vmovc v25  }
0x167: {  	v25 =	vld [tilespmem:s9+$0xEE80];
	(erf) = vpow2.f32 v43;
	v33 =	vadd.f32 v4, v33;
	v4 =	vmul.f32 v38, v8;
	v8 =	vmovc v26  }
0x168: {  	v37 =	vmul.f32 v37, v9;
	v26 =	vld [tilespmem:s9+$0xEE90];
	(erf) = vpow2.f32 v44;
	v29 =	vpop (erf);
	v32 =	vadd.f32 v39, v32  }
0x169: {  	v9 =	vmovc v23;
	v38 =	vld [tilespmem:s9+$0xEEA0];
	v3 =	vmul.f32 v29, v3;
	(erf) = vpow2.f32 v40;
	v31 =	vadd.f32 v4, v31  }
0x16a: {  	v23 =	vmul.f32 v34, v17;
	v17 =	vmovc v19;
	v30 =	vadd.f32 v37, v30;
	v4 =	vld [tilespmem:s9+$0xEEB0];
	(erf) = vpow2.f32 v41  }
0x16b: {  	v19 =	vld [tilespmem:s9+$0xEEC0];
	v5 =	vmul.f32 $1.000000000e+01, v5;
	v24 =	vadd.f32 v3, v24;
	v3 =	vmul.f32 v35, v21;
	v21 =	vmovc v20  }
0x16c: {  	v2 =	vadd.f32 v23, v2;
	v23 =	vmul.f32 v36, v22;
	v22 =	vmovc v27;
	v20 =	vmul.f32 $1.000000000e+01, v25;
	v34 =	vld [tilespmem:s9+$0xEED0]  }
0x16d: {  	v26 =	vmul.f32 $1.000000000e+01, v26;
	v27 =	vld [tilespmem:s9+$0xEEE0];
	v5 =	vmul.f32 $1.442695020e+00, v5;
	v45 =	vpop (erf);
	v1 =	vadd.f32 v3, v1  }
0x16e: {  	v0 =	vadd.f32 v23, v0;
	v46 =	vld [tilespmem:s9+$0x5180];
	v47 =	vmul.f32 $1.442695020e+00, v20;
	v3 =	vmul.f32 $1.000000000e+01, v38;
	v39 =	vpop (erf)  }
0x16f: {  	v16 =	vadd.f32 v45, v16;
	v25 =	vld [tilespmem:s9+$0x5190];
	v4 =	vmul.f32 $1.000000000e+01, v4;
	(erf) = vpow2.f32 v5;
	v38 =	vpop (erf)  }
0x170: {  	v5 =	vmul.f32 $1.442695020e+00, v26;
	v18 =	vadd.f32 v39, v18;
	v26 =	vld [tilespmem:s9+$0x51A0];
	v20 =	vmul.f32 $1.000000000e+01, v19;
	v37 =	vpop (erf)  }
.Ltmp2:
0x171: {  	v42 =	vmul.f32 $1.442695020e+00, v3;
	v15 =	vadd.f32 v38, v15;
	v23 =	vld [tilespmem:s9+$0x51B0];
	v3 =	vmul.f32 $1.000000000e+01, v34;
	v34 =	vpop (erf);
	(pc) =	sbr.rel @p0 .LBB2_7-.Ltmp2, $4  }
0x172: {  	v43 =	vmul.f32 $1.442695020e+00, v4;
	v10 =	vadd.f32 v37, v10;
	v19 =	vld [tilespmem:s9+$0x51C0];
	v4 =	vmul.f32 $1.000000000e+01, v27;
	v35 =	vpop (erf)  }
0x173: {  	v44 =	vmul.f32 $1.442695020e+00, v20;
	v11 =	vadd.f32 v34, v11;
	v20 =	vld [tilespmem:s9+$0x51D0];
	v40 =	vmul.f32 $1.442695020e+00, v3;
	v36 =	vpop (erf)  }
0x174: {  	v12 =	vadd.f32 v35, v12;
	v41 =	vmul.f32 $1.442695020e+00, v4;
	v3 =	vld [tilespmem:s9+$0x51F0];
	(erf) = vpow2.f32 v47  }
0x175: {  	v4 =	vmul.f32 v45, v7;
	v14 =	vadd.f32 v36, v14;
	v7 =	vmovc v46;
	v27 =	vld [tilespmem:s9+$0x51E0];
	s9 =	sshra.s32 s10, $0x2;
	s10 =	sadd.s32 $0x400, s10;
	(erf) = vpow2.f32 v5  }
0x176: {  	v5 =	vmul.f32 v39, v13;
	v13 =	vadd.f32 v29, v28;
	v28 =	vld [tilespmem:s9+$0xEEF0]  }
0x177: {  	(erf) = vpow2.f32 v42;
	v29 =	vmov s0;
	v50 =	vld [tilespmem:s9+$0xEE80];
	v8 =	vmul.f32 v38, v8  }
0x178: {  	v51 =	vld [tilespmem:s9+$0xEE90];
	v9 =	vmul.f32 v37, v9;
	v21 =	vmul.f32 v35, v21;
	v29 =	vand.u32 $0xFFFFFFF0, v29  }
0x179: {  	v53 =	vld [tilespmem:s9+$0xEEA0];
	(erf) = vpow2.f32 v43;
	v4 =	vadd.f32 v4, v33;
	v29 =	vbroadcast v29, $0x0  }
0x17a: {  	v54 =	vld [tilespmem:s9+$0xEED0];
	(erf) = vpow2.f32 v44;
	v5 =	vadd.f32 v5, v32;
	v31 =	vadd.f32 v8, v31  }
0x17b: {  	v52 =	vpop (erf);
	v30 =	vadd.f32 v9, v30;
	v9 =	vmul.f32 v34, v17;
	(erf) = vpow2.f32 v40  }
0x17c: {  	v8 =	vld [tilespmem:s9+$0xEEB0];
	v1 =	vadd.f32 v21, v1;
	v3 =	vmul.f32 v52, v3;
	(erf) = vpow2.f32 v41  }
0x17d: {  	v17 =	vld [tilespmem:s9+$0xEEC0];
	v2 =	vadd.f32 v9, v2;
	v9 =	vmul.f32 v36, v22;
	v28 =	vmul.f32 $1.000000000e+01, v28  }
0x17e: {  	s10 =	simm.s32 $0x0;
	v3 =	vadd.f32 v3, v24;
	v24 =	vmul.f32 $1.000000000e+01, v50;
	v22 =	vmul.f32 $1.000000000e+01, v51  }
0x17f: {  	v32 =	vmul.f32 $1.000000000e+01, v53;
	v33 =	vmul.f32 $1.000000000e+01, v54;
	v0 =	vadd.f32 v9, v0;
	v21 =	vpop (erf);
	v9 =	vld.idx.msk [tilespmem:v29+s10+$0x0], $0xffff  }
0x180: {  	v55 =	vld [tilespmem:s9+$0xEEE0];
	v28 =	vmul.f32 $1.442695020e+00, v28;
	v24 =	vmul.f32 $1.442695020e+00, v24;
	v56 =	vpop (erf)  }
0x181: {  	v58 =	vld [tilespmem:s9+$0x51A0];
	v59 =	vmov s8;
	s22 =	simm.s32 $0x0;
	v8 =	vmul.f32 $1.000000000e+01, v8;
	v22 =	vmul.f32 $1.442695020e+00, v22;
	v57 =	vpop (erf)  }
0x182: {  	v54 =	vld [tilespmem:s22+$0xEF40];
	v17 =	vmul.f32 $1.000000000e+01, v17;
	v61 =	vadd.f32 v57, v15;
	v15 =	vand.u32 $0xFFFFFFFE, v59  }
0x183: {  	v60 =	vld [tilespmem:s9+$0x51B0];
	(erf) = vpow2.f32 v28;
	v15 =	vbroadcast v15, $0x0  }
0x184: {  	v62 =	vld [tilespmem:s9+$0x51C0];
	v32 =	vmul.f32 $1.442695020e+00, v32;
	(erf) = vpow2.f32 v24;
	v24 =	vshll.u32 v9, $0x1  }
0x185: {  	v42 =	vld [tilespmem:s9+$0x51D0];
	(erf) = vpow2.f32 v22;
	v9 =	vand.u32 $0x7F, v9;
	v22 =	vand.u32 $0xFFFFFF00, v24  }
0x186: {  	v6 =	vld [tilespmem:$0x9F80];
	v8 =	vmul.f32 $1.442695020e+00, v8;
	v17 =	vmul.f32 $1.442695020e+00, v17;
	v22 =	vor.u32 v9, v22  }
0x187: {  	v63 =	vld [tilespmem:s9+$0x51F0];
	v41 =	vimm.f32 $0.0e+00;
	v59 =	vmul.f32 $1.000000000e+01, v54;
	v24 =	vpop (erf);
	(erf) = vpow2.f32 v32  }
0x188: {  	v29 =	vld [tilespmem:s9+$0x5180];
	v16 =	vadd.f32 v21, v16;
	v9 =	vmul.f32 $1.000000000e+01, v55;
	v48 =	vpop (erf);
	(erf) = vpow2.f32 v8  }
0x189: {  	v49 =	vadd.f32 v24, v10;
	v10 =	vmul.f32 $1.442695020e+00, v33;
	v8 =	vmul.f32 v21, v7;
	v7 =	vld.idx.msk [tilespmem:v15+s23+$0x0], $0xffff;
	v45 =	vpop (erf)  }
0x18a: {  	v18 =	vadd.f32 v56, v18;
	v15 =	vmul.f32 v24, v23;
	v24 =	vld [tilespmem:s22+$0xEF00];
	(erf) = vpow2.f32 v17;
	v17 =	vpop (erf)  }
0x18b: {  	[tilespmem:$0x1FE10] =	vst v6;
	v46 =	vmul.f32 $1.442695020e+00, v9;
	v21 =	vadd.f32 v17, v14;
	v14 =	vmul.f32 v56, v25;
	v6 =	vld.idx.msk [tilespmem:v22+s28+$0x0], $0xffff  }
0x18c: {  	v51 =	vadd.f32 v48, v11;
	v25 =	vadd.f32 v52, v13;
	v13 =	vmul.f32 v57, v26;
	v22 =	vld [tilespmem:s22+$0xEF70]  }
0x18d: {  	v43 =	vld [tilespmem:s22+$0x5250];
	v12 =	vadd.f32 v45, v12;
	(erf) = vpow2.f32 v10;
	v26 =	vpop (erf);
	v5 =	vadd.f32 v14, v5  }
0x18e: {  	v28 =	vld [tilespmem:s9+$0x5190];
	v14 =	vmul.f32 v26, v63;
	v23 =	vadd.f32 v13, v31;
	v13 =	vmul.f32 v48, v19;
	v19 =	vpop (erf)  }
0x18f: {  	v30 =	vadd.f32 v15, v30;
	v15 =	vadd.f32 v19, v16;
	v16 =	vmul.f32 $1.000000000e+01, v24;
	v24 =	vld [tilespmem:s22+$0xEF50]  }
0x190: {  	v38 =	vld [tilespmem:s22+$0x5260];
	(erf) = vpow2.f32 v46;
	v29 =	vmul.f32 v19, v29;
	v3 =	vadd.f32 v14, v3  }
0x191: {  	v2 =	vadd.f32 v13, v2;
	v13 =	vmul.f32 v17, v27;
	v27 =	vld [tilespmem:s22+$0xEF20];
	v22 =	vmul.f32 $1.000000000e+01, v22  }
0x192: {  	s20 =	simm.s32 $0x100;
	v4 =	vadd.f32 v8, v4;
	v56 =	vmul.f32 $1.442695020e+00, v16;
	[tilespmem:$0x1FE30] =	vst v3;
	v3 =	vmul.f32 v45, v20;
	v14 =	vpop (erf);
	v20 =	vld [tilespmem:s22+$0xEF10]  }
0x193: {  	v37 =	vld [tilespmem:s20+$0x5200];
	v17 =	vpop (erf);
	v31 =	vmul.f32 v14, v28;
	v19 =	vadd.f32 v14, v18;
	v22 =	vmul.f32 $1.442695020e+00, v22  }
0x194: {  	v40 =	vld [tilespmem:s22+$0x5240];
	v52 =	vmul.f32 v17, v58;
	v18 =	vadd.f32 v17, v61;
	v61 =	vmul.f32 $1.000000000e+01, v24  }
0x195: {  	v28 =	vld [tilespmem:s22+$0xEF30];
	v24 =	vadd.f32 v29, v4;
	v4 =	vmul.f32 $1.442695020e+00, v59;
	(erf) = vpow2.f32 v22  }
0x196: {  	v50 =	vld [tilespmem:s9+$0x51E0];
	v1 =	vadd.f32 v3, v1;
	v57 =	vmul.f32 $1.000000000e+01, v27;
	v3 =	vpop (erf);
	(erf) = vpow2.f32 v56  }
0x197: {  	v32 =	vld [tilespmem:s22+$0x5230];
	v0 =	vadd.f32 v13, v0;
	v13 =	vpop (erf);
	v53 =	vmul.f32 v3, v60;
	v14 =	vmul.f32 $1.000000000e+01, v20  }
0x198: {  	v63 =	vld [tilespmem:s20+$0xEF70];
	v16 =	vadd.f32 v3, v49;
	v39 =	vmul.f32 $1.442695020e+00, v57;
	v55 =	vmul.f32 v13, v62;
	v22 =	vpop (erf)  }
0x199: {  	v20 =	vld [tilespmem:s22+$0xEF60];
	v17 =	vadd.f32 v13, v51;
	v58 =	vmul.f32 $1.442695020e+00, v14;
	v14 =	vadd.f32 v22, v12  }
0x19a: {  	v11 =	vld [tilespmem:$0x13DF0];
	v3 =	vmul.f32 $1.000000000e+01, v28;
	v12 =	vadd.f32 v26, v25;
	v26 =	vadd.f32 v31, v5  }
0x19b: {  	v29 =	vld [tilespmem:s20+$0xEF00];
	v5 =	vmul.f32 $1.442695020e+00, v61;
	v25 =	vadd.f32 v52, v23;
	v22 =	vmul.f32 v22, v42  }
0x19c: {  	v62 =	vld [tilespmem:s22+$0x5270];
	v23 =	vadd.f32 v53, v30;
	v3 =	vmul.f32 $1.442695020e+00, v3;
	(erf) = vpow2.f32 v58  }
0x19d: {  	v60 =	vpop (erf);
	v30 =	vmul.f32 $1.000000000e+01, v63;
	v22 =	vadd.f32 v22, v1;
	v1 =	vld [tilespmem:s20+$0xEF40];
	(erf) = vpow2.f32 v39  }
0x19e: {  	v13 =	vadd.f32 v60, v21;
	v20 =	vmul.f32 $1.000000000e+01, v20;
	(erf) = vpow2.f32 v3;
	v3 =	vld [tilespmem:s20+$0xEF10]  }
0x19f: {  	v21 =	vadd.f32 v55, v2;
	v2 =	vmul.f32 v60, v50;
	(erf) = vpow2.f32 v4;
	v4 =	vld [tilespmem:s20+$0xEF20]  }
0x1a0: {  	v49 =	vimm.f32 $0.0e+00;
	v20 =	vmul.f32 $1.442695020e+00, v20;
	(erf) = vpow2.f32 v5;
	v5 =	vld [tilespmem:s20+$0xEF30]  }
0x1a1: {  	v46 =	vld [tilespmem:s22+$0x5200];
	v51 =	vimm.f32 $0.0e+00;
	v29 =	vmul.f32 $1.000000000e+01, v29;
	v30 =	vmul.f32 $1.442695020e+00, v30;
	v42 =	vpop (erf)  }
0x1a2: {  	(erf) = vpow2.f32 v20;
	v20 =	vadd.f32 v2, v0;
	v0 =	vmul.f32 v42, v62;
	v2 =	vld [tilespmem:s20+$0xEF50]  }
0x1a3: {  	v48 =	vld [tilespmem:s20+$0x5220];
	v53 =	vimm.f32 $0.0e+00;
	v44 =	vmul.f32 $1.442695020e+00, v29;
	v1 =	vmul.f32 $1.000000000e+01, v1  }
0x1a4: {  	v31 =	vld [tilespmem:s20+$0xEF60];
	v47 =	vpop (erf);
	v3 =	vmul.f32 $1.000000000e+01, v3;
	v39 =	vadd.f32 v0, v41;
	v0 =	vmul.f32 $1.000000000e+01, v4  }
0x1a5: {  	v45 =	vld [tilespmem:s20+$0x5250];
	v52 =	vimm.f32 $0.0e+00;
	v4 =	vmul.f32 $1.000000000e+01, v5;
	v56 =	vpop (erf);
	(erf) = vpow2.f32 v30  }
0x1a6: {  	v27 =	vld [tilespmem:s22+$0x5210];
	v35 =	vadd.f32 v47, v41;
	v5 =	vmul.f32 $1.442695020e+00, v3;
	v3 =	vmul.f32 $1.442695020e+00, v1  }
0x1a7: {  	v28 =	vld [tilespmem:s22+$0x5220];
	v1 =	vimm.f32 $0.0e+00;
	v57 =	vpop (erf);
	v61 =	vmul.f32 $1.442695020e+00, v0;
	v2 =	vmul.f32 $1.000000000e+01, v2  }
0x1a8: {  	v50 =	vld [tilespmem:s20+$0x5210];
	v36 =	vadd.f32 v56, v41;
	(erf) = vpow2.f32 v44;
	v59 =	vpop (erf);
	v63 =	vmul.f32 $1.442695020e+00, v4  }
0x1a9: {  	v0 =	vld [tilespmem:s20+$0x5230];
	v34 =	vadd.f32 v57, v41;
	v4 =	vmul.f32 $1.000000000e+01, v31;
	(erf) = vpow2.f32 v5;
	v55 =	vpop (erf)  }
0x1aa: {  	v44 =	vld [tilespmem:s20+$0x5240];
	v5 =	vmul.f32 v47, v46;
	v47 =	vimm.f32 $0.0e+00;
	v46 =	vimm.f32 $0.0e+00;
	v58 =	vpop (erf)  }
0x1ab: {  	v33 =	vadd.f32 v59, v41;
	v29 =	vadd.f32 v55, v41;
	v62 =	vmul.f32 $1.442695020e+00, v4;
	v4 =	vld [tilespmem:s20+$0x5270];
	v54 =	vpop (erf)  }
0x1ac: {  	s10 =	simm.s32 $0xC00;
	s9 =	simm.s32 $0x200;
	[tilespmem:$0x1FE20] =	vst v6;
	v60 =	vmul.f32 $1.442695020e+00, v2;
	v2 =	vld [tilespmem:s20+$0x5260];
	v30 =	vadd.f32 v58, v41;
	v31 =	vadd.f32 v54, v41  }
.LBB2_9:
0x1ad: {  	p0 =	sne.s32 s10, $0x13400;
	v6 =	vld [tilespmem:s9+$0xEF70];
	(erf) = vpow2.f32 v61;
	v56 =	vmul.f32 v56, v27;
	v41 =	vadd.f32 v42, v41;
	v27 =	vmovc v50  }
0x1ae: {  	v50 =	vld [tilespmem:s9+$0xEF00];
	(erf) = vpow2.f32 v63;
	v53 =	vadd.f32 v5, v53;
	v5 =	vmul.f32 v57, v28;
	v28 =	vmovc v48  }
0x1af: {  	v48 =	vld [tilespmem:s9+$0xEF10];
	(erf) = vpow2.f32 v3;
	v42 =	vpop (erf);
	v52 =	vadd.f32 v56, v52;
	v3 =	vmul.f32 v59, v32  }
0x1b0: {  	v32 =	vmovc v0;
	v56 =	vld [tilespmem:s9+$0xEF20];
	v4 =	vmul.f32 v42, v4;
	(erf) = vpow2.f32 v60;
	v51 =	vadd.f32 v5, v51  }
0x1b1: {  	v0 =	vld [tilespmem:s9+$0xEF30];
	(erf) = vpow2.f32 v62;
	v49 =	vadd.f32 v3, v49;
	v3 =	vmul.f32 v55, v40;
	v40 =	vmovc v44  }
0x1b2: {  	v5 =	vld [tilespmem:s9+$0xEF40];
	v6 =	vmul.f32 $1.000000000e+01, v6;
	v39 =	vadd.f32 v4, v39;
	v4 =	vmul.f32 v58, v43;
	v43 =	vmovc v45  }
0x1b3: {  	v44 =	vmul.f32 $1.000000000e+01, v50;
	v45 =	vld [tilespmem:s9+$0xEF50];
	v47 =	vadd.f32 v3, v47;
	v3 =	vmul.f32 v54, v38;
	v38 =	vmovc v2  }
0x1b4: {  	v2 =	vmul.f32 $1.000000000e+01, v48;
	v54 =	vld [tilespmem:s9+$0xEF60];
	v6 =	vmul.f32 $1.442695020e+00, v6;
	v8 =	vpop (erf);
	v46 =	vadd.f32 v4, v46  }
0x1b5: {  	v9 =	vld [tilespmem:s9+$0x5200];
	v10 =	vmul.f32 $1.442695020e+00, v44;
	v4 =	vmul.f32 $1.000000000e+01, v56;
	v56 =	vpop (erf);
	v1 =	vadd.f32 v3, v1  }
0x1b6: {  	v35 =	vadd.f32 v8, v35;
	v50 =	vld [tilespmem:s9+$0x5210];
	v3 =	vmul.f32 $1.000000000e+01, v0;
	(erf) = vpow2.f32 v6;
	v57 =	vpop (erf)  }
0x1b7: {  	v6 =	vmul.f32 $1.442695020e+00, v2;
	v36 =	vadd.f32 v56, v36;
	v48 =	vld [tilespmem:s9+$0x5220];
	v2 =	vmul.f32 $1.000000000e+01, v5;
	v59 =	vpop (erf)  }
.Ltmp3:
0x1b8: {  	v61 =	vmul.f32 $1.442695020e+00, v4;
	v34 =	vadd.f32 v57, v34;
	v0 =	vld [tilespmem:s9+$0x5230];
	v4 =	vmul.f32 $1.000000000e+01, v45;
	v55 =	vpop (erf);
	(pc) =	sbr.rel @p0 .LBB2_9-.Ltmp3, $4  }
0x1b9: {  	v63 =	vmul.f32 $1.442695020e+00, v3;
	v33 =	vadd.f32 v59, v33;
	v44 =	vld [tilespmem:s9+$0x5240];
	v5 =	vmul.f32 $1.000000000e+01, v54;
	v58 =	vpop (erf)  }
0x1ba: {  	v3 =	vmul.f32 $1.442695020e+00, v2;
	v29 =	vadd.f32 v55, v29;
	v45 =	vld [tilespmem:s9+$0x5250];
	v60 =	vmul.f32 $1.442695020e+00, v4;
	v54 =	vpop (erf)  }
0x1bb: {  	v30 =	vadd.f32 v58, v30;
	v62 =	vmul.f32 $1.442695020e+00, v5;
	v4 =	vld [tilespmem:s9+$0x5270];
	(erf) = vpow2.f32 v10  }
0x1bc: {  	v5 =	vmul.f32 v8, v37;
	v31 =	vadd.f32 v54, v31;
	v37 =	vmovc v9;
	v2 =	vld [tilespmem:s9+$0x5260];
	s9 =	sshra.s32 s10, $0x2;
	s10 =	sadd.s32 $0x400, s10;
	(erf) = vpow2.f32 v6  }
0x1bd: {  	(erf) = vpow2.f32 v61;
	v6 =	vld [tilespmem:s9+$0xEF70];
	v8 =	vmul.f32 v56, v27  }
0x1be: {  	v9 =	vld [tilespmem:s9+$0xEF00];
	v10 =	vmul.f32 v57, v28;
	v27 =	vmul.f32 v59, v32  }
0x1bf: {  	v61 =	vld [tilespmem:s9+$0xEF20];
	v56 =	vmul.f32 v58, v43;
	v38 =	vmul.f32 v54, v38  }
0x1c0: {  	v58 =	vld [tilespmem:s9+$0xEF30];
	v11 =	vmul.f32 $1.000000000e+01, v11;
	(erf) = vpow2.f32 v63  }
0x1c1: {  	v15 =	vadd.f32 v19, v15;
	v63 =	vmul.f32 v55, v40;
	(erf) = vpow2.f32 v3;
	v3 =	vld [tilespmem:s9+$0xEF10]  }
0x1c2: {  	v55 =	vadd.f32 v42, v41;
	v5 =	vadd.f32 v5, v53;
	v57 =	vpop (erf);
	(erf) = vpow2.f32 v60  }
0x1c3: {  	v8 =	vadd.f32 v8, v52;
	v4 =	vmul.f32 v57, v4;
	(erf) = vpow2.f32 v62  }
0x1c4: {  	v10 =	vadd.f32 v10, v51;
	v6 =	vmul.f32 $1.000000000e+01, v6;
	v9 =	vmul.f32 $1.000000000e+01, v9  }
0x1c5: {  	v27 =	vadd.f32 v27, v49;
	v28 =	vmul.f32 $1.000000000e+01, v61;
	v62 =	vmul.f32 $1.000000000e+01, v58  }
0x1c6: {  	v1 =	vadd.f32 v38, v1;
	v60 =	vld [tilespmem:s9+$0xEF60];
	v3 =	vmul.f32 $1.000000000e+01, v3;
	v6 =	vmul.f32 $1.442695020e+00, v6  }
0x1c7: {  	v59 =	vld [tilespmem:s9+$0xEF40];
	v32 =	vadd.f32 v63, v47;
	v9 =	vmul.f32 $1.442695020e+00, v9;
	v28 =	vmul.f32 $1.442695020e+00, v28  }
0x1c8: {  	v40 =	vadd.f32 v57, v55;
	v61 =	vpop (erf);
	v47 =	vmul.f32 $1.442695020e+00, v62;
	(erf) = vpow2.f32 v6;
	v6 =	vld [tilespmem:s9+$0xEF50]  }
0x1c9: {  	v4 =	vadd.f32 v4, v39;
	v63 =	vpop (erf);
	v37 =	vmul.f32 v61, v37;
	v3 =	vmul.f32 $1.442695020e+00, v3  }
0x1ca: {  	v49 =	vmul.f32 v63, v50;
	v36 =	vadd.f32 v63, v36;
	v50 =	vpop (erf);
	(erf) = vpow2.f32 v9  }
0x1cb: {  	v9 =	vmul.f32 $1.000000000e+01, v60;
	v34 =	vadd.f32 v50, v34;
	v38 =	vmul.f32 v50, v48  }
0x1cc: {  	v51 =	vpop (erf);
	(erf) = vpow2.f32 v3;
	v3 =	vadd.f32 v56, v46;
	v46 =	vmul.f32 $1.000000000e+01, v59  }
0x1cd: {  	v5 =	vadd.f32 v37, v5;
	v0 =	vmul.f32 v51, v0;
	v6 =	vmul.f32 $1.000000000e+01, v6  }
0x1ce: {  	v48 =	vadd.f32 v26, v24;
	(erf) = vpow2.f32 v28;
	v41 =	vmul.f32 $1.442695020e+00, v46  }
0x1cf: {  	v33 =	vadd.f32 v51, v33;
	(erf) = vpow2.f32 v47;
	v6 =	vmul.f32 $1.442695020e+00, v6  }
0x1d0: {  	v52 =	vld [tilespmem:s9+$0x5270];
	v53 =	vpop (erf);
	v8 =	vadd.f32 v49, v8;
	v28 =	vadd.f32 v61, v35;
	v9 =	vmul.f32 $1.442695020e+00, v9  }
0x1d1: {  	s0 =	sor.u32 $0x1, s0;
	v56 =	vld [tilespmem:s9+$0x5200];
	v54 =	vpop (erf);
	v10 =	vadd.f32 v38, v10;
	v29 =	vadd.f32 v53, v29;
	(erf) = vpow2.f32 v41  }
0x1d2: {  	v58 =	vmul.f32 v53, v44;
	v44 =	vmov s0;
	v37 =	vmul.f32 v54, v45;
	v47 =	vld [tilespmem:$0x13E70]  }
0x1d3: {  	v57 =	vld [tilespmem:s9+$0x5210];
	v0 =	vadd.f32 v0, v27;
	v30 =	vadd.f32 v54, v30;
	(erf) = vpow2.f32 v6;
	v6 =	vpop (erf)  }
0x1d4: {  	v59 =	vld [tilespmem:s9+$0x5220];
	v3 =	vadd.f32 v37, v3;
	(erf) = vpow2.f32 v9;
	v55 =	vpop (erf);
	v2 =	vmul.f32 v6, v2  }
0x1d5: {  	v60 =	vld [tilespmem:s9+$0x5230];
	v31 =	vadd.f32 v6, v31;
	v6 =	vadd.f32 v58, v32;
	v35 =	vmul.f32 v55, v52;
	v61 =	vpop (erf)  }
0x1d6: {  	v63 =	vadd.f32 v55, v40;
	v1 =	vadd.f32 v2, v1;
	v2 =	vld [tilespmem:s9+$0x5240];
	v9 =	vmul.f32 v61, v56;
	v62 =	vpop (erf)  }
0x1d7: {  	v52 =	vmul.f32 $1.000000000e+01, v47;
	v28 =	vadd.f32 v61, v28;
	v4 =	vadd.f32 v35, v4;
	v40 =	vpop (erf)  }
0x1d8: {  	v43 =	vld [tilespmem:s9+$0x5250];
	v36 =	vadd.f32 v62, v36;
	v27 =	vmul.f32 v62, v57;
	v5 =	vadd.f32 v9, v5;
	v42 =	vpop (erf)  }
0x1d9: {  	v45 =	vld [tilespmem:s9+$0x5260];
	v34 =	vadd.f32 v40, v34;
	v37 =	vmul.f32 v40, v59;
	v33 =	vadd.f32 v42, v33  }
0x1da: {  	v8 =	vadd.f32 v27, v8;
	v9 =	vmul.f32 v42, v60;
	v46 =	vpop (erf);
	v27 =	vand.u32 $0xFFFFFFF1, v44  }
0x1db: {  	v54 =	vadd.f32 v36, v28;
	v10 =	vadd.f32 v37, v10;
	v2 =	vmul.f32 v46, v2  }
0x1dc: {  	v29 =	vadd.f32 v46, v29;
	v27 =	vbroadcast v27, $0x0;
	v49 =	vpop (erf);
	v0 =	vadd.f32 v9, v0  }
0x1dd: {  	v50 =	vadd.f32 v49, v30;
	v24 =	vmul.f32 v49, v43;
	v2 =	vadd.f32 v2, v6;
	v6 =	vpop (erf)  }
0x1de: {  	v9 =	vadd.f32 v25, v48;
	v51 =	vadd.f32 v6, v31;
	v6 =	vmul.f32 v6, v45  }
0x1df: {  	v11 =	vmul.f32 $1.442695020e+00, v11;
	v5 =	vadd.f32 v8, v5;
	v3 =	vadd.f32 v24, v3  }
0x1e0: {  	v8 =	vmul.f32 $1.442695020e+00, v52;
	v1 =	vadd.f32 v6, v1;
	v6 =	vadd.f32 v18, v15  }
0x1e1: {  	(erf) = vpow2.f32 v11;
	v9 =	vadd.f32 v23, v9;
	v5 =	vadd.f32 v10, v5  }
0x1e2: {  	(erf) = vpow2.f32 v8;
	v8 =	vadd.f32 v34, v54;
	v6 =	vadd.f32 v16, v6  }
0x1e3: {  	s22 =	sor.u32 $0x1, s8;
	v9 =	vadd.f32 v21, v9;
	v0 =	vadd.f32 v0, v5;
	v53 =	vld.idx.msk [tilespmem:v27+s4+$0x0], $0xffff  }
0x1e4: {  	v5 =	vmov s22;
	v8 =	vadd.f32 v33, v8;
	v6 =	vadd.f32 v17, v6  }
0x1e5: {  	v9 =	vadd.f32 v22, v9;
	v0 =	vadd.f32 v2, v0  }
0x1e6: {  	v58 =	vld [tilespmem:$0x1FE10];
	v8 =	vadd.f32 v29, v8;
	v6 =	vadd.f32 v14, v6  }
0x1e7: {  	v56 =	vld [tilespmem:$0xA000];
	v9 =	vadd.f32 v20, v9;
	v0 =	vadd.f32 v3, v0  }
0x1e8: {  	v57 =	vld [tilespmem:$0x1FE30];
	v8 =	vadd.f32 v50, v8;
	v55 =	vshll.u32 v53, $0x1;
	v6 =	vadd.f32 v13, v6  }
0x1e9: {  	v5 =	vld.idx.msk [tilespmem:v5+s23+$0x0], $0xffff;
	v11 =	vand.u32 $0x7F, v53;
	v0 =	vadd.f32 v1, v0;
	v10 =	vand.u32 $0xFFFFFF00, v55  }
0x1ea: {  	v3 =	vpop (erf);
	v8 =	vadd.f32 v51, v8;
	v2 =	vor.u32 v10, v11;
	v6 =	vadd.f32 v12, v6  }
0x1eb: {  	v60 =	vpop (erf);
	v11 =	vmul.f32 v3, v58;
	v0 =	vadd.f32 v4, v0;
	v2 =	vor.u32 $0x80, v2  }
0x1ec: {  	v4 =	vmul.f32 v60, v56;
	v3 =	vadd.f32 v3, v6;
	v6 =	vadd.f32 v63, v8;
	v8 =	vld [tilespmem:$0x1FE20]  }
0x1ed: {  	v61 =	vld [tilespmem:$0x1FE40];
	v59 =	vmul.f32 $4.539993100e-05, v7  }
0x1ee: {  	v62 =	vld [tilespmem:$0x1FE50];
	v9 =	vadd.f32 v57, v9;
	v0 =	vadd.f32 v4, v0;
	v4 =	vmul.f32 $4.539993100e-05, v5  }
0x1ef: {  	v63 =	vld [tilespmem:$0x1FE60];
	v6 =	vadd.f32 v60, v6  }
0x1f0: {  	v1 =	vadd.f32 v11, v9;
	v0 =	vmul.f32 v0, v4;
	v2 =	vld.idx.msk [tilespmem:v2+s28+$0x0], $0xffff;
	v3 =	vmul.f32 v3, v59  }
0x1f1: {  	v4 =	vmul.f32 v6, v4;
	v6 =	vnsel vm2, $0x0, v7;
	v8 =	vmul.f32 v8, v7;
	v7 =	vld [tilespmem:$0x1FE70]  }
0x1f2: {  	s31 =	sadd.s32 $0x1, s31;
	v1 =	vmul.f32 v1, v59  }
0x1f3: {  	p0 =	sne.s32 s31, $0x10;
	v3 =	vadd.f32 v3, v62  }
.Ltmp4:
0x1f4: {  	v1 =	vadd.f32 v1, v61;
	(pc) =	sbr.rel @p0 .LBB2_2-.Ltmp4, $4  }
0x1f5: {  	v2 =	vmul.f32 v2, v5;
	v3 =	vadd.f32 v4, v3;
	v8 =	vnsel vm2, $0x0, v8  }
0x1f6: {  	v8 =	vadd.f32 v8, v63;
	v6 =	vadd.f32 v6, v7  }
0x1f7: {  	v7 =	vadd.f32 v0, v1;
	v0 =	vnsel vm2, $0x0, v2;
	v1 =	vnsel vm2, $0x0, v5  }
0x1f8: {  	v2 =	vadd.f32 v0, v8;
	v0 =	vadd.f32 v1, v6  }
0x1f9: {  	[tilespmem:$0x13E80] =	vst v7  }
0x1fa: {  	[tilespmem:$0x13E90] =	vst v3  }
0x1fb: {  	[tilespmem:$0x13EA0] =	vst v2  }
0x1fc: {  	s0 =	rddreg [dreg:$0x7];
	s8 =	simm.s32 $0x13E80;
	[tilespmem:$0x13EB0] =	vst v0  }
0x1fd: {  	[hbm4b:s0+s4] =	stream.linear.scatter [tilespmem:s8], [sflag:$0x3], $0x80, $0x38;
	[tilespmem:$0x13F00] =	vst v63  }
0x1fe: {  	s8 =	simm.s32 $0x3  }
0x1ff: {  	_ =	swait.ge [sflag:s8], $0x80  }
0x200: {  	s9 =	rddreg [dreg:$0x9]  }
0x201: {  	s31 =	rddreg [dreg:$0x8];
	s9 =	sadd.s32 $0x1, s9  }
0x202: {  	p0 =	sne.s32 s9, s31  }
.Ltmp5:
0x203: {  	_ = 	snop;
	(pc) =	sbr.rel @p0 .LBB2_1-.Ltmp5, $3  }
0x204: {  	_ =	sdelay $0x1  }
0x205: {  	[sflag:s8] =	ssyncset.done $0x0  }
0x206: {  	[sflag:s8] =	ssyncadd.s32 $0xFFFFFF80  }
0x207: {  	_ =	sfence.sel $0x180000  }
0x208: {  	[bflag:$0x0] =	sbarrier.arrive $0xFFFF  }
0x209: {  	_ =	strace $0x90000047  }
0x20a: {  	s0 =	stileid.u32;
	[bflag:$0x2] =	sbarrier.arrive $0xFFFF  }
0x20b: {  	p0 =	sne.s32 s0, $0x0;
	s0 =	rddreg [dreg:$0x3]  }
0x20c: {  	s0 =	sadd.s32 @!p0 $0x100000, s0  }
0x20d: {  	[sflag:s0] =	ssyncadd.tile.s32 @!p0 $0x1;
	_ =	shalt  }
.Lfunc_end2:
_tile_overlayer_lowered:
.L_overlay_start_2:
0x20e: {  	(tag) =	ssettag $0x2  }
0x20f: {  	s0 =	rddreg [dreg:$0x0];
	s2 =	stileid.u32  }
0x210: {  	s1 =	rddreg [dreg:$0x1];
	p0 =	sne.s32 s2, $0x0  }
0x211: {  	s3 =	rddreg [dreg:$0x2];
	[bflag:$0x3] =	sbarrier.arrive $0xFFFF;
	s2 =	simm.s32 @!p0 $0x1C03  }
0x212: {  	[timem:s3], [sflag:s2] =	dma.local @!p0 [hbm:s0], s1  }
0x213: {  	s0 =	simm.s32 @!p0 $0x3  }
0x214: {  	_ =	swait.ge @!p0 [sflag:s0], s1  }
0x215: {  	s1 =	ssub.s32 @!p0 $0x0, s1;
	[sflag:s0] =	ssyncset.done @!p0 $0x0  }
0x216: {  	[sflag:s0] =	ssyncadd.s32 @!p0 s1  }
0x217: {  	[bflag:$0x3] =	sbarrier.arrive $0xFFFF  }
0x218: {  	_ =	shalt  }

</sc_bundles>
